<compile_context>
chip_gen: v7x
topology: tpu7x:2x2x1
jax: 0.10.2.dev20260603
libtpu: 0.0.44.dev20260713+nightly
codegen_flags: <defaults>
</compile_context>

<pallas_src>
import jax
import jax.numpy as jnp
from jax import lax
from jax.experimental import pallas as pl
from jax.experimental.pallas import tpu as pltpu
from jax.experimental.pallas import tpu_sc as plsc

N = 10000
E = 320000
D = 128
K = 64
B = 4
NPER = N // B
NC, NS = 2, 16
NW = NC * NS
CH = 128
EPAD = 327680
EB_TILE = EPAD // NW
EB_CHUNKS = EB_TILE // CH
ED_TILE = EPAD // NS
ED_CHUNKS = ED_TILE // CH
NTR = 10112
TRASH = 10000



def _project_body(h_ref, w_ref, o_ref):
    mm = jnp.dot(h_ref[...], w_ref[...], preferred_element_type=jnp.float32)
    blk = mm.shape[0]
    o_ref[...] = jnp.concatenate(
        [mm, jnp.ones((blk, 1), jnp.float32),
         jnp.zeros((blk, 127 - K), jnp.float32)], axis=1)


def _project(h, w):
    blk = 1000
    return pl.pallas_call(
        _project_body,
        grid=(N // blk,),
        in_specs=[
            pl.BlockSpec((blk, D), lambda i: (i, 0)),
            pl.BlockSpec((D, K), lambda i: (0, 0)),
        ],
        out_specs=pl.BlockSpec((blk, 128), lambda i: (i, 0)),
        out_shape=jax.ShapeDtypeStruct((N, 128), jnp.float32),
    )(h, w)



def _edge_sweep(n_chunks, base, edges_hbm, eidx, isem,
                issue_gather, wait_gather, issue_scatter, wait_scatter,
                compute=None):
    T = n_chunks // 4

    def idx_load(chunk, u):
        pltpu.async_copy(
            edges_hbm.at[:, pl.ds(base + chunk * CH, CH)], eidx[u], isem[u])

    def wait_idx(u):
        pltpu.make_async_copy(
            edges_hbm.at[:, pl.ds(0, CH)], eidx[u], isem[u]).wait()

    idx_load(0, 0)
    idx_load(1, 1)
    wait_idx(0)
    if compute is not None:
        compute(0, 0)
    issue_gather(0, 0)

    def step(t, carry):
        for u in range(4):
            r, r1, u1, u2 = u % 2, (u + 1) % 2, (u + 1) % 4, (u + 2) % 4
            wait_gather(r)
            issue_scatter(u, r)
            if u < 3:
                wait_idx(u1)
                if u == 0:
                    @pl.when(t >= 1)
                    def _():
                        wait_scatter(r1)
                else:
                    wait_scatter(r1)
                if compute is not None:
                    compute(u1, r1)
                issue_gather(u1, r1)
            else:
                @pl.when(t < T - 1)
                def _():
                    wait_idx(u1)
                    wait_scatter(r1)
                    if compute is not None:
                        compute(u1, r1)
                    issue_gather(u1, r1)
            if u < 2:
                idx_load(4 * t + u + 2, u2)
            else:
                @pl.when(t < T - 1)
                def _():
                    idx_load(4 * t + u + 2, u2)
        return carry

    lax.fori_loop(0, T, step, 0)
    wait_scatter(0)
    wait_scatter(1)



def _segsum_body(edges_hbm, p_hbm, z_hbm, agg_out,
                 e0v, e1v, e2v, e3v, rows0, rows1, acc_sh,
                 is0, is1, is2, is3, gs0, gs1, ss0, ss1):
    c = lax.axis_index("c")
    s = lax.axis_index("s")

    zrows = NTR // NS
    pltpu.sync_copy(z_hbm.at[pl.ds(s * zrows, zrows)],
                    acc_sh.at[pl.ds(s * zrows, zrows)])
    plsc.subcore_barrier()

    base = (c * NS + s) * EB_TILE
    eidx = [e0v, e1v, e2v, e3v]
    rows = [rows0, rows1]
    isem = [is0, is1, is2, is3]
    gsem = [gs0, gs1]
    ssem = [ss0, ss1]

    def issue_gather(u, r):
        pltpu.async_copy(p_hbm.at[eidx[u].at[0]], rows[r], gsem[r])

    def wait_gather(r):
        pltpu.make_async_copy(p_hbm.at[eidx[0].at[0]], rows[r],
                              gsem[r]).wait()

    def issue_scatter(u, r):
        pltpu.async_copy(rows[r], acc_sh.at[eidx[u].at[1]], ssem[r],
                         add=True)

    def wait_scatter(r):
        pltpu.make_async_copy(rows[r], acc_sh.at[eidx[0].at[1]],
                              ssem[r]).wait()

    _edge_sweep(EB_CHUNKS, base, edges_hbm, eidx, isem,
                issue_gather, wait_gather, issue_scatter, wait_scatter)

    plsc.subcore_barrier()
    pltpu.sync_copy(acc_sh.at[pl.ds(s * zrows, zrows)],
                    agg_out.at[c, pl.ds(s * zrows, zrows)])


def _segsum(edges, p, z):
    mesh = plsc.VectorSubcoreMesh(core_axis_name="c", subcore_axis_name="s",
                                  num_cores=NC, num_subcores=NS)
    return pl.kernel(
        _segsum_body,
        out_type=jax.ShapeDtypeStruct((NC, NTR, 128), jnp.float32),
        mesh=mesh,
        scratch_types=[
            pltpu.VMEM((2, CH), jnp.int32),
            pltpu.VMEM((2, CH), jnp.int32),
            pltpu.VMEM((2, CH), jnp.int32),
            pltpu.VMEM((2, CH), jnp.int32),
            pltpu.VMEM((CH, 128), jnp.float32),
            pltpu.VMEM((CH, 128), jnp.float32),
            pltpu.VMEM_SHARED((NTR, 128), jnp.float32),
            pltpu.SemaphoreType.DMA,
            pltpu.SemaphoreType.DMA,
            pltpu.SemaphoreType.DMA,
            pltpu.SemaphoreType.DMA,
            pltpu.SemaphoreType.DMA,
            pltpu.SemaphoreType.DMA,
            pltpu.SemaphoreType.DMA,
            pltpu.SemaphoreType.DMA,
        ],
        compiler_params=pltpu.CompilerParams(use_tc_tiling_on_sc=True),
    )(edges, p, z)



def _softmax_body(h_ref, w_ref, agg_ref, s_ref, t_ref, reg_ref):
    i = pl.program_id(0)
    n = pl.num_programs(0)
    blk = h_ref.shape[0]
    q = jnp.dot(h_ref[...], w_ref[...], preferred_element_type=jnp.float32)
    aggs = agg_ref[0, :, 0:K] + agg_ref[1, :, 0:K]
    deg = agg_ref[0, :, K:K + 1] + agg_ref[1, :, K:K + 1]
    logits = q + aggs / jnp.maximum(deg, 1.0)
    m = jnp.max(logits, axis=1, keepdims=True)
    ex = jnp.exp(logits - m)
    sm = ex / jnp.sum(ex, axis=1, keepdims=True)
    s_ref[...] = sm
    t_ref[...] = jnp.concatenate(
        [sm, jnp.zeros((blk, 128), jnp.float32), sm], axis=1)
    part = jnp.sum(sm * sm - sm * jnp.log(sm + 1e-12)).reshape(1, 1)
    prev = jnp.where(i == 0, jnp.zeros((1, 1), jnp.float32), reg_ref[...])
    tot = prev + part
    reg_ref[...] = jnp.where(i == n - 1, tot / N, tot)


def _softmax(h, w_self, agg):
    blk = 1000
    return pl.pallas_call(
        _softmax_body,
        grid=(N // blk,),
        in_specs=[
            pl.BlockSpec((blk, D), lambda i: (i, 0)),
            pl.BlockSpec((D, K), lambda i: (0, 0)),
            pl.BlockSpec((NC, blk, 128), lambda i: (0, i, 0)),
        ],
        out_specs=[
            pl.BlockSpec((blk, K), lambda i: (i, 0)),
            pl.BlockSpec((blk, 4 * K), lambda i: (i, 0)),
            pl.BlockSpec((1, 1), lambda i: (0, 0)),
        ],
        out_shape=[
            jax.ShapeDtypeStruct((N, K), jnp.float32),
            jax.ShapeDtypeStruct((N, 4 * K), jnp.float32),
            jax.ShapeDtypeStruct((1, 1), jnp.float32),
        ],
    )(h, w_self, agg)



def _part_body(edges_hbm, part_out, cnt_out,
               eidx, seg_src, seg_dst, cntv, ptr_sm):
    c = lax.axis_index("c")
    s = lax.axis_index("s")
    w = c * NS + s
    base = w * EB_TILE

    ptr_sm[0] = 0
    ptr_sm[1] = EB_TILE

    def chunk(i, carry):
        pltpu.sync_copy(edges_hbm.at[:, pl.ds(base + i * CH, CH)], eidx)
        for j in range(CH // 16):
            sl = pl.ds(j * 16, 16)
            sv = eidx[0, sl]
            dv = eidx[1, sl]
            mi = jnp.where(sv < N // 2, 1, 0)
            cf = plsc.cumsum(mi)
            cb = plsc.cumsum(1 - mi)
            fp = ptr_sm[0]
            bp = ptr_sm[1]
            pos = jnp.where(mi == 1, fp + cf - 1, bp - cb)
            plsc.store_scatter(seg_src, [pos], sv)
            plsc.store_scatter(seg_dst, [pos], dv)
            nf = jnp.sum(mi)
            ptr_sm[0] = fp + nf
            ptr_sm[1] = bp - (16 - nf)
        return carry

    lax.fori_loop(0, EB_CHUNKS, chunk, 0)

    pltpu.sync_copy(seg_src, part_out.at[0, pl.ds(base, EB_TILE)])
    pltpu.sync_copy(seg_dst, part_out.at[1, pl.ds(base, EB_TILE)])
    cntv[:] = lax.iota(jnp.int32, 16) * 0 + ptr_sm[0]
    pltpu.sync_copy(cntv, cnt_out.at[w])


def _partition(edges):
    mesh = plsc.VectorSubcoreMesh(core_axis_name="c", subcore_axis_name="s",
                                  num_cores=NC, num_subcores=NS)
    return pl.kernel(
        _part_body,
        out_type=(
            jax.ShapeDtypeStruct((2, EPAD), jnp.int32),
            jax.ShapeDtypeStruct((NW, 16), jnp.int32),
        ),
        mesh=mesh,
        scratch_types=[
            pltpu.VMEM((2, CH), jnp.int32),
            pltpu.VMEM((EB_TILE,), jnp.int32),
            pltpu.VMEM((EB_TILE,), jnp.int32),
            pltpu.VMEM((16,), jnp.int32),
            pltpu.SMEM((2,), jnp.int32),
        ],
        compiler_params=pltpu.CompilerParams(use_tc_tiling_on_sc=True,
                                             needs_layout_passes=False),
    )(edges)



def _as_body(edges_hbm, cnt_hbm, t2_hbm, z_hbm, as_out,
             eidx, gidx, lidx, rows, cntv, acc_sh, sem):
    c = lax.axis_index("c")
    s = lax.axis_index("s")

    zrows = NTR // NS
    pltpu.sync_copy(z_hbm.at[pl.ds(s * zrows, zrows)],
                    acc_sh.at[pl.ds(s * zrows, zrows)])
    plsc.subcore_barrier()

    lo = 2 * c * NPER
    mid = lo + NPER
    hi = lo + 2 * NPER

    def do_chunk(e0, carry):
        pltpu.sync_copy(edges_hbm.at[:, pl.ds(e0, CH)], eidx)
        for j in range(CH // 16):
            sl = pl.ds(j * 16, 16)
            sv = eidx[0, sl]
            dv = eidx[1, sl]
            gidx[sl] = 2 * sv + (dv & 1)
            vsrc = (sv >= lo) & (sv < hi)
            valid = vsrc & (dv < N)
            half_off = jnp.where(sv >= mid, N // 2, 0)
            lidx[sl] = jnp.where(valid, half_off + (dv >> 1),
                                 TRASH + (dv & 63))
        pltpu.async_copy(t2_hbm.at[gidx], rows, sem).wait()
        pltpu.sync_copy(rows, acc_sh.at[lidx], add=True)
        return carry

    for q in range(2):
        t = 2 * s + q
        pltpu.sync_copy(cnt_hbm.at[t], cntv)
        cnt = cntv[...][0]
        full = cnt >> 7
        start = jnp.where(c == 0, 0, full)
        nch = jnp.where(c == 0, (cnt + CH - 1) >> 7, EB_CHUNKS - full)
        seg = t * EB_TILE

        def body(i, carry):
            return do_chunk(seg + (start + i) * CH, carry)

        lax.fori_loop(0, nch, body, 0)

    plsc.subcore_barrier()
    pltpu.sync_copy(acc_sh.at[pl.ds(s * zrows, zrows)],
                    as_out.at[c, pl.ds(s * zrows, zrows)])


def _as_scatter(edges, cnts, t2, z):
    mesh = plsc.VectorSubcoreMesh(core_axis_name="c", subcore_axis_name="s",
                                  num_cores=NC, num_subcores=NS)
    return pl.kernel(
        _as_body,
        out_type=jax.ShapeDtypeStruct((NC, NTR, 128), jnp.float32),
        mesh=mesh,
        scratch_types=[
            pltpu.VMEM((2, CH), jnp.int32),
            pltpu.VMEM((CH,), jnp.int32),
            pltpu.VMEM((CH,), jnp.int32),
            pltpu.VMEM((CH, 128), jnp.float32),
            pltpu.VMEM((16,), jnp.int32),
            pltpu.VMEM_SHARED((NTR, 128), jnp.float32),
            pltpu.SemaphoreType.DMA,
        ],
        compiler_params=pltpu.CompilerParams(use_tc_tiling_on_sc=True,
                                             needs_layout_passes=False),
    )(edges, cnts, t2, z)



def _adj_body(s_ref, as_ref, o_ref):
    sg = s_ref[0]
    blocks = []
    for gs in range(B):
        a = as_ref[gs, 0]
        blocks.append(lax.dot_general(
            sg, a, (((0,), (0,)), ((), ())),
            preferred_element_type=jnp.float32))
    o_ref[...] = jnp.concatenate(blocks, axis=1)


def _adj(s_r, as_r):
    return pl.pallas_call(
        _adj_body,
        grid=(B,),
        in_specs=[
            pl.BlockSpec((1, NPER, K), lambda gd: (gd, 0, 0)),
            pl.BlockSpec((B, 1, NPER, K), lambda gd: (0, gd, 0, 0)),
        ],
        out_specs=pl.BlockSpec((K, B * K), lambda gd: (gd, 0)),
        out_shape=jax.ShapeDtypeStruct((B * K, B * K), jnp.float32),
    )(s_r, as_r)



@jax.jit
def kernel(h, edge_index, W_self, W_neigh):
    npad = EPAD - E
    pad = jnp.concatenate(
        [jnp.zeros((1, npad), jnp.int32),
         jnp.full((1, npad), N, jnp.int32)], axis=0)
    edges = jnp.concatenate([edge_index, pad], axis=1)
    z = jnp.zeros((NTR, 128), jnp.float32)

    p128 = _project(h, W_neigh)
    agg = _segsum(edges, p128, z)
    part, cnts = _partition(edges)
    s_mat, t_mat, reg = _softmax(h, W_self, agg)
    t2 = t_mat.reshape(2 * N, 128)
    as4 = _as_scatter(part, cnts, t2, z)
    flat = as4.reshape(NC, 2 * NTR, K)
    s_r = s_mat.reshape(B, NPER, K)
    as_r = flat[:, :2 * N].reshape(NC, 2, B, NPER, K).reshape(B, B, NPER, K)
    adj_new = _adj(s_r, as_r)
    return adj_new, reg[0, 0]

# --- scband reference (transcript-rebuilt; emitter-appended) ---
"""Pipeline reference for scband-align-s-30442728194062 (READ-ONLY COPY).

The authoritative reference and input builder live on the scoring server;
editing this copy changes nothing except your own understanding.
"""

import jax, jax.numpy as jnp
import numpy as np

N = 10000      # total nodes across batched graphs
E = 320000     # total edges
D = 128        # input feature dim
K = 64         # assignment (cluster) dim per graph
B = 4          # number of graphs in the DGL batch (equal-sized splits)
N_PER = N // B


def setup_inputs(seed: int = 0) -> dict:
    key = jax.random.key(seed)
    k1, k2, k3, k4 = jax.random.split(key, 4)
    h = jax.random.normal(k1, (N, D), dtype=jnp.float32)
    edge_index = jax.random.randint(k2, (2, E), 0, N, dtype=jnp.int32)
    # GraphSageLayer parameters (mean aggregator, D -> K projection producing assignment logits)
    W_self = jax.random.normal(k3, (D, K), dtype=jnp.float32) * (1.0 / np.sqrt(D))
    W_neigh = jax.random.normal(k4, (D, K), dtype=jnp.float32) * (1.0 / np.sqrt(D))
    return {"h": h, "edge_index": edge_index, "W_self": W_self, "W_neigh": W_neigh}


def reference(h, edge_index, W_self, W_neigh):
    src = edge_index[0]
    dst = edge_index[1]
    # --- GraphSageLayer (mean aggregation) ---
    deg = jnp.zeros((N,), jnp.float32).at[dst].add(1.0)
    h_neigh = jax.ops.segment_sum(h[src], dst, num_segments=N)
    h_neigh = h_neigh / jnp.clip(deg, 1.0)[:, None]
    logits = h @ W_self + h_neigh @ W_neigh          # [N, K]
    # --- softmax over assignment dim (dim=1), split per graph, block_diag ---
    S = jax.nn.softmax(logits, axis=1)
    S_full = jnp.zeros((N, K * B), jnp.float32)
    for i in range(B):
        S_full = S_full.at[i * N_PER:(i + 1) * N_PER, i * K:(i + 1) * K].set(
            S[i * N_PER:(i + 1) * N_PER])
    # --- adj_new = S^T (A^T S) via scatter-add sparse matmul ---
    AS = jax.ops.segment_sum(S_full[src], dst, num_segments=N)   # sparse.mm(adj, S)
    adj_new = S_full.T @ AS                                      # [K*B, K*B]
    # --- AlignReg: entropy loss + l2 loss on assignment tensor ---
    eps = 1e-12
    ent = -jnp.mean(jnp.sum(S_full * jnp.log(S_full + eps), axis=1))
    l2 = jnp.mean(jnp.sum(S_full * S_full, axis=1))
    reg = ent + l2
    return adj_new, reg

if __name__ == "__main__":
    import jax
    _d = setup_inputs()
    print(jax.jit(kernel)(*tuple(_d.values())))

</pallas_src>

<mosaic_0001>
#map = affine_map<(d0, d1) -> (0, 0)>
module attributes {stable_mosaic.version = 14 : i64} {
  func.func @_part_body(%arg0: i32, %arg1: i32, %arg2: memref<2x327680xi32, #tpu.memory_space<hbm>>, %arg3: memref<2x327680xi32, #tpu.memory_space<hbm>>, %arg4: memref<32x16xi32, #tpu.memory_space<hbm>>, %arg5: memref<2x128xi32, #tpu.memory_space<vmem>>, %arg6: memref<10240xi32, #tpu.memory_space<vmem>>, %arg7: memref<10240xi32, #tpu.memory_space<vmem>>, %arg8: memref<16xi32, #tpu.memory_space<vmem>>, %arg9: memref<2xi32, #tpu.memory_space<smem>>) attributes {dimension_semantics = [#tpu.dimension_semantics<core_parallel>, #tpu.dimension_semantics<subcore_parallel>], iteration_bounds = array<i64: 2, 16>, scalar_prefetch = 0 : i64, scratch_operands = 5 : i64, tpu.core_type = #tpu.core_type<sc_vector_subcore>, window_params = [{transform_indices = #map}, {transform_indices = #map}, {transform_indices = #map}]} {
    %mul3A = arith.constant 16 : i32
    %mul3A_0 = arith.muli %arg0, %mul3A : i32
    %add3A = arith.addi %mul3A_0, %arg1 : i32
    %mul3A_1 = arith.constant 10240 : i32
    %mul3A_2 = arith.muli %add3A, %mul3A_1 : i32
    %swap3A = arith.constant 0 : i32
    %swap3A_3 = arith.constant 0 : i32
    %swap3A_4 = arith.index_cast %swap3A_3 : i32 to index
    %swap3A_5 = memref.load %arg9[%swap3A_4] : memref<2xi32, #tpu.memory_space<smem>>
    memref.store %swap3A, %arg9[%swap3A_4] : memref<2xi32, #tpu.memory_space<smem>>
    %swap3A_6 = arith.constant 10240 : i32
    %swap3A_7 = arith.constant 1 : i32
    %swap3A_8 = arith.index_cast %swap3A_7 : i32 to index
    %swap3A_9 = memref.load %arg9[%swap3A_8] : memref<2xi32, #tpu.memory_space<smem>>
    memref.store %swap3A_6, %arg9[%swap3A_8] : memref<2xi32, #tpu.memory_space<smem>>
    %scan3A = arith.constant 0 : i32
    %scan3A_10 = arith.constant 0 : i32
    %scan3A_11 = arith.constant 80 : i32
    %scan3A_12 = arith.addi %scan3A_10, %scan3A_11 : i32
    %scan3A_13 = arith.constant 1 : i32
    scf.for %scan3A_25 = %scan3A_10 to %scan3A_12 step %scan3A_13  : i32 {
      %mul3A_26 = arith.constant 128 : i32
      %mul3A_27 = arith.muli %scan3A_25, %mul3A_26 : i32
      %add3A_28 = arith.addi %mul3A_2, %mul3A_27 : i32
      "tpu.region"() ({
        %run_scoped3A_469 = tpu.sem_alloc : memref<!tpu.dma_semaphore, #tpu.memory_space<semaphore_mem>>
        %dma_start3A = arith.constant 0 : i32
        %dma_start3A_470 = tpu.memref_slice %arg2[%dma_start3A, %add3A_28] : memref<2x327680xi32, #tpu.memory_space<hbm>> -> memref<2x128xi32, #tpu.memory_space<hbm>>
        %dma_start3A_471 = arith.constant 0 : i32
        %dma_start3A_472 = tpu.memref_slice %arg2[%dma_start3A_471, %add3A_28] : memref<2x327680xi32, #tpu.memory_space<hbm>> -> memref<2x128xi32, #tpu.memory_space<hbm>>
        tpu.enqueue_dma source(%dma_start3A_472 : memref<2x128xi32, #tpu.memory_space<hbm>>) target(%arg5 : memref<2x128xi32, #tpu.memory_space<vmem>>) target_semaphore(%run_scoped3A_469 : memref<!tpu.dma_semaphore, #tpu.memory_space<semaphore_mem>>)
        %dma_wait3A = arith.constant 0 : i32
        %dma_wait3A_473 = tpu.memref_slice %arg2[%dma_wait3A, %add3A_28] : memref<2x327680xi32, #tpu.memory_space<hbm>> -> memref<2x128xi32, #tpu.memory_space<hbm>>
        %dma_wait3A_474 = arith.constant 0 : i32
        %dma_wait3A_475 = tpu.memref_slice %arg2[%dma_wait3A_474, %add3A_28] : memref<2x327680xi32, #tpu.memory_space<hbm>> -> memref<2x128xi32, #tpu.memory_space<hbm>>
        tpu.wait_dma2 semaphore(%run_scoped3A_469 : memref<!tpu.dma_semaphore, #tpu.memory_space<semaphore_mem>>) src(%dma_wait3A_475 : memref<2x128xi32, #tpu.memory_space<hbm>>) dst(%arg5 : memref<2x128xi32, #tpu.memory_space<vmem>>)
        tpu.yield
      }) : () -> ()
      %get3A_29 = arith.constant 0 : i32
      %get3A_30 = arith.index_cast %get3A_29 : i32 to index
      %get3A_31 = arith.constant 0 : index
      %get3A_32 = tpu.vector_load %arg5[%get3A_30, %get3A_31] {strides = array<i32>} : memref<2x128xi32, #tpu.memory_space<vmem>>, vector<16xi32>,
      %get3A_33 = arith.constant 1 : i32
      %get3A_34 = arith.index_cast %get3A_33 : i32 to index
      %get3A_35 = arith.constant 0 : index
      %get3A_36 = tpu.vector_load %arg5[%get3A_34, %get3A_35] {strides = array<i32>} : memref<2x128xi32, #tpu.memory_space<vmem>>, vector<16xi32>,
      %lt3A = arith.constant 5000 : i32
      %lt3A_37 = vector.broadcast %lt3A : i32 to vector<16xi32>
      %lt3A_38 = arith.cmpi slt, %get3A_32, %lt3A_37 : vector<16xi32>
      %jit3A = arith.constant 1 : i32
      %jit3A_39 = arith.constant 0 : i32
      %broadcast_in_dim3A = vector.broadcast %jit3A : i32 to vector<16xi32>
      %broadcast_in_dim3A_40 = vector.broadcast %jit3A_39 : i32 to vector<16xi32>
      %select_n3A = arith.select %lt3A_38, %broadcast_in_dim3A, %broadcast_in_dim3A_40 : vector<16xi1>, vector<16xi32>
      %broadcast_in_dim3A_41 = arith.constant true
      %broadcast_in_dim3A_42 = vector.broadcast %broadcast_in_dim3A_41 : i1 to vector<16xi1>
      %masked_cumsum3A = tpu.scan <sum>, %select_n3A masked %broadcast_in_dim3A_42 : vector<16xi32>, vector<16xi1> -> vector<16xi32>
      %sub3A = arith.constant 1 : i32
      %sub3A_43 = vector.broadcast %sub3A : i32 to vector<16xi32>
      %sub3A_44 = arith.subi %sub3A_43, %select_n3A : vector<16xi32>
      %broadcast_in_dim3A_45 = arith.constant true
      %broadcast_in_dim3A_46 = vector.broadcast %broadcast_in_dim3A_45 : i1 to vector<16xi1>
      %masked_cumsum3A_47 = tpu.scan <sum>, %sub3A_44 masked %broadcast_in_dim3A_46 : vector<16xi32>, vector<16xi1> -> vector<16xi32>
      %get3A_48 = arith.constant 0 : i32
      %get3A_49 = arith.index_cast %get3A_48 : i32 to index
      %get3A_50 = memref.load %arg9[%get3A_49] : memref<2xi32, #tpu.memory_space<smem>>
      %get3A_51 = arith.constant 1 : i32
      %get3A_52 = arith.index_cast %get3A_51 : i32 to index
      %get3A_53 = memref.load %arg9[%get3A_52] : memref<2xi32, #tpu.memory_space<smem>>
      %eq3A = arith.constant 1 : i32
      %eq3A_54 = vector.broadcast %eq3A : i32 to vector<16xi32>
      %eq3A_55 = arith.cmpi eq, %select_n3A, %eq3A_54 : vector<16xi32>
      %add3A_56 = vector.broadcast %get3A_50 : i32 to vector<16xi32>
      %add3A_57 = arith.addi %add3A_56, %masked_cumsum3A : vector<16xi32>
      %sub3A_58 = arith.constant 1 : i32
      %sub3A_59 = vector.broadcast %sub3A_58 : i32 to vector<16xi32>
      %sub3A_60 = arith.subi %add3A_57, %sub3A_59 : vector<16xi32>
      %sub3A_61 = vector.broadcast %get3A_53 : i32 to vector<16xi32>
      %sub3A_62 = arith.subi %sub3A_61, %masked_cumsum3A_47 : vector<16xi32>
      %select_n3A_63 = arith.select %eq3A_55, %sub3A_60, %sub3A_62 : vector<16xi1>, vector<16xi32>
      tpu.vector_store_idx %arg6[%select_n3A_63], %get3A_32 : memref<10240xi32, #tpu.memory_space<vmem>>[vector<16xi32>], vector<16xi32>,
      tpu.vector_store_idx %arg7[%select_n3A_63], %get3A_36 : memref<10240xi32, #tpu.memory_space<vmem>>[vector<16xi32>], vector<16xi32>,
      %reduce_sum3A = arith.constant true
      %reduce_sum3A_64 = vector.broadcast %reduce_sum3A : i1 to vector<16xi1>
      %reduce_sum3A_65 = tpu.scan <sum>, %select_n3A masked %reduce_sum3A_64 : vector<16xi32>, vector<16xi1> -> vector<16xi32>
      %reduce_sum3A_66 = vector.extract %reduce_sum3A_65[15] : i32 from vector<16xi32>
      %add3A_67 = arith.addi %get3A_50, %reduce_sum3A_66 : i32
      %swap3A_68 = arith.constant 0 : i32
      %swap3A_69 = arith.index_cast %swap3A_68 : i32 to index
      %swap3A_70 = memref.load %arg9[%swap3A_69] : memref<2xi32, #tpu.memory_space<smem>>
      memref.store %add3A_67, %arg9[%swap3A_69] : memref<2xi32, #tpu.memory_space<smem>>
      %sub3A_71 = arith.constant 16 : i32
      %sub3A_72 = arith.subi %sub3A_71, %reduce_sum3A_66 : i32
      %sub3A_73 = arith.subi %get3A_53, %sub3A_72 : i32
      %swap3A_74 = arith.constant 1 : i32
      %swap3A_75 = arith.index_cast %swap3A_74 : i32 to index
      %swap3A_76 = memref.load %arg9[%swap3A_75] : memref<2xi32, #tpu.memory_space<smem>>
      memref.store %sub3A_73, %arg9[%swap3A_75] : memref<2xi32, #tpu.memory_space<smem>>
      %get3A_77 = arith.constant 0 : i32
      %get3A_78 = arith.index_cast %get3A_77 : i32 to index
      %get3A_79 = arith.constant 16 : index
      %get3A_80 = tpu.vector_load %arg5[%get3A_78, %get3A_79] {strides = array<i32>} : memref<2x128xi32, #tpu.memory_space<vmem>>, vector<16xi32>,
      %get3A_81 = arith.constant 1 : i32
      %get3A_82 = arith.index_cast %get3A_81 : i32 to index
      %get3A_83 = arith.constant 16 : index
      %get3A_84 = tpu.vector_load %arg5[%get3A_82, %get3A_83] {strides = array<i32>} : memref<2x128xi32, #tpu.memory_space<vmem>>, vector<16xi32>,
      %lt3A_85 = arith.constant 5000 : i32
      %lt3A_86 = vector.broadcast %lt3A_85 : i32 to vector<16xi32>
      %lt3A_87 = arith.cmpi slt, %get3A_80, %lt3A_86 : vector<16xi32>
      %jit3A_88 = arith.constant 1 : i32
      %jit3A_89 = arith.constant 0 : i32
      %broadcast_in_dim3A_90 = vector.broadcast %jit3A_88 : i32 to vector<16xi32>
      %broadcast_in_dim3A_91 = vector.broadcast %jit3A_89 : i32 to vector<16xi32>
      %select_n3A_92 = arith.select %lt3A_87, %broadcast_in_dim3A_90, %broadcast_in_dim3A_91 : vector<16xi1>, vector<16xi32>
      %broadcast_in_dim3A_93 = arith.constant true
      %broadcast_in_dim3A_94 = vector.broadcast %broadcast_in_dim3A_93 : i1 to vector<16xi1>
      %masked_cumsum3A_95 = tpu.scan <sum>, %select_n3A_92 masked %broadcast_in_dim3A_94 : vector<16xi32>, vector<16xi1> -> vector<16xi32>
      %sub3A_96 = arith.constant 1 : i32
      %sub3A_97 = vector.broadcast %sub3A_96 : i32 to vector<16xi32>
      %sub3A_98 = arith.subi %sub3A_97, %select_n3A_92 : vector<16xi32>
      %broadcast_in_dim3A_99 = arith.constant true
      %broadcast_in_dim3A_100 = vector.broadcast %broadcast_in_dim3A_99 : i1 to vector<16xi1>
      %masked_cumsum3A_101 = tpu.scan <sum>, %sub3A_98 masked %broadcast_in_dim3A_100 : vector<16xi32>, vector<16xi1> -> vector<16xi32>
      %get3A_102 = arith.constant 0 : i32
      %get3A_103 = arith.index_cast %get3A_102 : i32 to index
      %get3A_104 = memref.load %arg9[%get3A_103] : memref<2xi32, #tpu.memory_space<smem>>
      %get3A_105 = arith.constant 1 : i32
      %get3A_106 = arith.index_cast %get3A_105 : i32 to index
      %get3A_107 = memref.load %arg9[%get3A_106] : memref<2xi32, #tpu.memory_space<smem>>
      %eq3A_108 = arith.constant 1 : i32
      %eq3A_109 = vector.broadcast %eq3A_108 : i32 to vector<16xi32>
      %eq3A_110 = arith.cmpi eq, %select_n3A_92, %eq3A_109 : vector<16xi32>
      %add3A_111 = vector.broadcast %get3A_104 : i32 to vector<16xi32>
      %add3A_112 = arith.addi %add3A_111, %masked_cumsum3A_95 : vector<16xi32>
      %sub3A_113 = arith.constant 1 : i32
      %sub3A_114 = vector.broadcast %sub3A_113 : i32 to vector<16xi32>
      %sub3A_115 = arith.subi %add3A_112, %sub3A_114 : vector<16xi32>
      %sub3A_116 = vector.broadcast %get3A_107 : i32 to vector<16xi32>
      %sub3A_117 = arith.subi %sub3A_116, %masked_cumsum3A_101 : vector<16xi32>
      %select_n3A_118 = arith.select %eq3A_110, %sub3A_115, %sub3A_117 : vector<16xi1>, vector<16xi32>
      tpu.vector_store_idx %arg6[%select_n3A_118], %get3A_80 : memref<10240xi32, #tpu.memory_space<vmem>>[vector<16xi32>], vector<16xi32>,
      tpu.vector_store_idx %arg7[%select_n3A_118], %get3A_84 : memref<10240xi32, #tpu.memory_space<vmem>>[vector<16xi32>], vector<16xi32>,
      %reduce_sum3A_119 = arith.constant true
      %reduce_sum3A_120 = vector.broadcast %reduce_sum3A_119 : i1 to vector<16xi1>
      %reduce_sum3A_121 = tpu.scan <sum>, %select_n3A_92 masked %reduce_sum3A_120 : vector<16xi32>, vector<16xi1> -> vector<16xi32>
      %reduce_sum3A_122 = vector.extract %reduce_sum3A_121[15] : i32 from vector<16xi32>
      %add3A_123 = arith.addi %get3A_104, %reduce_sum3A_122 : i32
      %swap3A_124 = arith.constant 0 : i32
      %swap3A_125 = arith.index_cast %swap3A_124 : i32 to index
      %swap3A_126 = memref.load %arg9[%swap3A_125] : memref<2xi32, #tpu.memory_space<smem>>
      memref.store %add3A_123, %arg9[%swap3A_125] : memref<2xi32, #tpu.memory_space<smem>>
      %sub3A_127 = arith.constant 16 : i32
      %sub3A_128 = arith.subi %sub3A_127, %reduce_sum3A_122 : i32
      %sub3A_129 = arith.subi %get3A_107, %sub3A_128 : i32
      %swap3A_130 = arith.constant 1 : i32
      %swap3A_131 = arith.index_cast %swap3A_130 : i32 to index
      %swap3A_132 = memref.load %arg9[%swap3A_131] : memref<2xi32, #tpu.memory_space<smem>>
      memref.store %sub3A_129, %arg9[%swap3A_131] : memref<2xi32, #tpu.memory_space<smem>>
      %get3A_133 = arith.constant 0 : i32
      %get3A_134 = arith.index_cast %get3A_133 : i32 to index
      %get3A_135 = arith.constant 32 : index
      %get3A_136 = tpu.vector_load %arg5[%get3A_134, %get3A_135] {strides = array<i32>} : memref<2x128xi32, #tpu.memory_space<vmem>>, vector<16xi32>,
      %get3A_137 = arith.constant 1 : i32
      %get3A_138 = arith.index_cast %get3A_137 : i32 to index
      %get3A_139 = arith.constant 32 : index
      %get3A_140 = tpu.vector_load %arg5[%get3A_138, %get3A_139] {strides = array<i32>} : memref<2x128xi32, #tpu.memory_space<vmem>>, vector<16xi32>,
      %lt3A_141 = arith.constant 5000 : i32
      %lt3A_142 = vector.broadcast %lt3A_141 : i32 to vector<16xi32>
      %lt3A_143 = arith.cmpi slt, %get3A_136, %lt3A_142 : vector<16xi32>
      %jit3A_144 = arith.constant 1 : i32
      %jit3A_145 = arith.constant 0 : i32
      %broadcast_in_dim3A_146 = vector.broadcast %jit3A_144 : i32 to vector<16xi32>
      %broadcast_in_dim3A_147 = vector.broadcast %jit3A_145 : i32 to vector<16xi32>
      %select_n3A_148 = arith.select %lt3A_143, %broadcast_in_dim3A_146, %broadcast_in_dim3A_147 : vector<16xi1>, vector<16xi32>
      %broadcast_in_dim3A_149 = arith.constant true
      %broadcast_in_dim3A_150 = vector.broadcast %broadcast_in_dim3A_149 : i1 to vector<16xi1>
      %masked_cumsum3A_151 = tpu.scan <sum>, %select_n3A_148 masked %broadcast_in_dim3A_150 : vector<16xi32>, vector<16xi1> -> vector<16xi32>
      %sub3A_152 = arith.constant 1 : i32
      %sub3A_153 = vector.broadcast %sub3A_152 : i32 to vector<16xi32>
      %sub3A_154 = arith.subi %sub3A_153, %select_n3A_148 : vector<16xi32>
      %broadcast_in_dim3A_155 = arith.constant true
      %broadcast_in_dim3A_156 = vector.broadcast %broadcast_in_dim3A_155 : i1 to vector<16xi1>
      %masked_cumsum3A_157 = tpu.scan <sum>, %sub3A_154 masked %broadcast_in_dim3A_156 : vector<16xi32>, vector<16xi1> -> vector<16xi32>
      %get3A_158 = arith.constant 0 : i32
      %get3A_159 = arith.index_cast %get3A_158 : i32 to index
      %get3A_160 = memref.load %arg9[%get3A_159] : memref<2xi32, #tpu.memory_space<smem>>
      %get3A_161 = arith.constant 1 : i32
      %get3A_162 = arith.index_cast %get3A_161 : i32 to index
      %get3A_163 = memref.load %arg9[%get3A_162] : memref<2xi32, #tpu.memory_space<smem>>
      %eq3A_164 = arith.constant 1 : i32
      %eq3A_165 = vector.broadcast %eq3A_164 : i32 to vector<16xi32>
      %eq3A_166 = arith.cmpi eq, %select_n3A_148, %eq3A_165 : vector<16xi32>
      %add3A_167 = vector.broadcast %get3A_160 : i32 to vector<16xi32>
      %add3A_168 = arith.addi %add3A_167, %masked_cumsum3A_151 : vector<16xi32>
      %sub3A_169 = arith.constant 1 : i32
      %sub3A_170 = vector.broadcast %sub3A_169 : i32 to vector<16xi32>
      %sub3A_171 = arith.subi %add3A_168, %sub3A_170 : vector<16xi32>
      %sub3A_172 = vector.broadcast %get3A_163 : i32 to vector<16xi32>
      %sub3A_173 = arith.subi %sub3A_172, %masked_cumsum3A_157 : vector<16xi32>
      %select_n3A_174 = arith.select %eq3A_166, %sub3A_171, %sub3A_173 : vector<16xi1>, vector<16xi32>
      tpu.vector_store_idx %arg6[%select_n3A_174], %get3A_136 : memref<10240xi32, #tpu.memory_space<vmem>>[vector<16xi32>], vector<16xi32>,
      tpu.vector_store_idx %arg7[%select_n3A_174], %get3A_140 : memref<10240xi32, #tpu.memory_space<vmem>>[vector<16xi32>], vector<16xi32>,
      %reduce_sum3A_175 = arith.constant true
      %reduce_sum3A_176 = vector.broadcast %reduce_sum3A_175 : i1 to vector<16xi1>
      %reduce_sum3A_177 = tpu.scan <sum>, %select_n3A_148 masked %reduce_sum3A_176 : vector<16xi32>, vector<16xi1> -> vector<16xi32>
      %reduce_sum3A_178 = vector.extract %reduce_sum3A_177[15] : i32 from vector<16xi32>
      %add3A_179 = arith.addi %get3A_160, %reduce_sum3A_178 : i32
      %swap3A_180 = arith.constant 0 : i32
      %swap3A_181 = arith.index_cast %swap3A_180 : i32 to index
      %swap3A_182 = memref.load %arg9[%swap3A_181] : memref<2xi32, #tpu.memory_space<smem>>
      memref.store %add3A_179, %arg9[%swap3A_181] : memref<2xi32, #tpu.memory_space<smem>>
      %sub3A_183 = arith.constant 16 : i32
      %sub3A_184 = arith.subi %sub3A_183, %reduce_sum3A_178 : i32
      %sub3A_185 = arith.subi %get3A_163, %sub3A_184 : i32
      %swap3A_186 = arith.constant 1 : i32
      %swap3A_187 = arith.index_cast %swap3A_186 : i32 to index
      %swap3A_188 = memref.load %arg9[%swap3A_187] : memref<2xi32, #tpu.memory_space<smem>>
      memref.store %sub3A_185, %arg9[%swap3A_187] : memref<2xi32, #tpu.memory_space<smem>>
      %get3A_189 = arith.constant 0 : i32
      %get3A_190 = arith.index_cast %get3A_189 : i32 to index
      %get3A_191 = arith.constant 48 : index
      %get3A_192 = tpu.vector_load %arg5[%get3A_190, %get3A_191] {strides = array<i32>} : memref<2x128xi32, #tpu.memory_space<vmem>>, vector<16xi32>,
      %get3A_193 = arith.constant 1 : i32
      %get3A_194 = arith.index_cast %get3A_193 : i32 to index
      %get3A_195 = arith.constant 48 : index
      %get3A_196 = tpu.vector_load %arg5[%get3A_194, %get3A_195] {strides = array<i32>} : memref<2x128xi32, #tpu.memory_space<vmem>>, vector<16xi32>,
      %lt3A_197 = arith.constant 5000 : i32
      %lt3A_198 = vector.broadcast %lt3A_197 : i32 to vector<16xi32>
      %lt3A_199 = arith.cmpi slt, %get3A_192, %lt3A_198 : vector<16xi32>
      %jit3A_200 = arith.constant 1 : i32
      %jit3A_201 = arith.constant 0 : i32
      %broadcast_in_dim3A_202 = vector.broadcast %jit3A_200 : i32 to vector<16xi32>
      %broadcast_in_dim3A_203 = vector.broadcast %jit3A_201 : i32 to vector<16xi32>
      %select_n3A_204 = arith.select %lt3A_199, %broadcast_in_dim3A_202, %broadcast_in_dim3A_203 : vector<16xi1>, vector<16xi32>
      %broadcast_in_dim3A_205 = arith.constant true
      %broadcast_in_dim3A_206 = vector.broadcast %broadcast_in_dim3A_205 : i1 to vector<16xi1>
      %masked_cumsum3A_207 = tpu.scan <sum>, %select_n3A_204 masked %broadcast_in_dim3A_206 : vector<16xi32>, vector<16xi1> -> vector<16xi32>
      %sub3A_208 = arith.constant 1 : i32
      %sub3A_209 = vector.broadcast %sub3A_208 : i32 to vector<16xi32>
      %sub3A_210 = arith.subi %sub3A_209, %select_n3A_204 : vector<16xi32>
      %broadcast_in_dim3A_211 = arith.constant true
      %broadcast_in_dim3A_212 = vector.broadcast %broadcast_in_dim3A_211 : i1 to vector<16xi1>
      %masked_cumsum3A_213 = tpu.scan <sum>, %sub3A_210 masked %broadcast_in_dim3A_212 : vector<16xi32>, vector<16xi1> -> vector<16xi32>
      %get3A_214 = arith.constant 0 : i32
      %get3A_215 = arith.index_cast %get3A_214 : i32 to index
      %get3A_216 = memref.load %arg9[%get3A_215] : memref<2xi32, #tpu.memory_space<smem>>
      %get3A_217 = arith.constant 1 : i32
      %get3A_218 = arith.index_cast %get3A_217 : i32 to index
      %get3A_219 = memref.load %arg9[%get3A_218] : memref<2xi32, #tpu.memory_space<smem>>
      %eq3A_220 = arith.constant 1 : i32
      %eq3A_221 = vector.broadcast %eq3A_220 : i32 to vector<16xi32>
      %eq3A_222 = arith.cmpi eq, %select_n3A_204, %eq3A_221 : vector<16xi32>
      %add3A_223 = vector.broadcast %get3A_216 : i32 to vector<16xi32>
      %add3A_224 = arith.addi %add3A_223, %masked_cumsum3A_207 : vector<16xi32>
      %sub3A_225 = arith.constant 1 : i32
      %sub3A_226 = vector.broadcast %sub3A_225 : i32 to vector<16xi32>
      %sub3A_227 = arith.subi %add3A_224, %sub3A_226 : vector<16xi32>
      %sub3A_228 = vector.broadcast %get3A_219 : i32 to vector<16xi32>
      %sub3A_229 = arith.subi %sub3A_228, %masked_cumsum3A_213 : vector<16xi32>
      %select_n3A_230 = arith.select %eq3A_222, %sub3A_227, %sub3A_229 : vector<16xi1>, vector<16xi32>
      tpu.vector_store_idx %arg6[%select_n3A_230], %get3A_192 : memref<10240xi32, #tpu.memory_space<vmem>>[vector<16xi32>], vector<16xi32>,
      tpu.vector_store_idx %arg7[%select_n3A_230], %get3A_196 : memref<10240xi32, #tpu.memory_space<vmem>>[vector<16xi32>], vector<16xi32>,
      %reduce_sum3A_231 = arith.constant true
      %reduce_sum3A_232 = vector.broadcast %reduce_sum3A_231 : i1 to vector<16xi1>
      %reduce_sum3A_233 = tpu.scan <sum>, %select_n3A_204 masked %reduce_sum3A_232 : vector<16xi32>, vector<16xi1> -> vector<16xi32>
      %reduce_sum3A_234 = vector.extract %reduce_sum3A_233[15] : i32 from vector<16xi32>
      %add3A_235 = arith.addi %get3A_216, %reduce_sum3A_234 : i32
      %swap3A_236 = arith.constant 0 : i32
      %swap3A_237 = arith.index_cast %swap3A_236 : i32 to index
      %swap3A_238 = memref.load %arg9[%swap3A_237] : memref<2xi32, #tpu.memory_space<smem>>
      memref.store %add3A_235, %arg9[%swap3A_237] : memref<2xi32, #tpu.memory_space<smem>>
      %sub3A_239 = arith.constant 16 : i32
      %sub3A_240 = arith.subi %sub3A_239, %reduce_sum3A_234 : i32
      %sub3A_241 = arith.subi %get3A_219, %sub3A_240 : i32
      %swap3A_242 = arith.constant 1 : i32
      %swap3A_243 = arith.index_cast %swap3A_242 : i32 to index
      %swap3A_244 = memref.load %arg9[%swap3A_243] : memref<2xi32, #tpu.memory_space<smem>>
      memref.store %sub3A_241, %arg9[%swap3A_243] : memref<2xi32, #tpu.memory_space<smem>>
      %get3A_245 = arith.constant 0 : i32
      %get3A_246 = arith.index_cast %get3A_245 : i32 to index
      %get3A_247 = arith.constant 64 : index
      %get3A_248 = tpu.vector_load %arg5[%get3A_246, %get3A_247] {strides = array<i32>} : memref<2x128xi32, #tpu.memory_space<vmem>>, vector<16xi32>,
      %get3A_249 = arith.constant 1 : i32
      %get3A_250 = arith.index_cast %get3A_249 : i32 to index
      %get3A_251 = arith.constant 64 : index
      %get3A_252 = tpu.vector_load %arg5[%get3A_250, %get3A_251] {strides = array<i32>} : memref<2x128xi32, #tpu.memory_space<vmem>>, vector<16xi32>,
      %lt3A_253 = arith.constant 5000 : i32
      %lt3A_254 = vector.broadcast %lt3A_253 : i32 to vector<16xi32>
      %lt3A_255 = arith.cmpi slt, %get3A_248, %lt3A_254 : vector<16xi32>
      %jit3A_256 = arith.constant 1 : i32
      %jit3A_257 = arith.constant 0 : i32
      %broadcast_in_dim3A_258 = vector.broadcast %jit3A_256 : i32 to vector<16xi32>
      %broadcast_in_dim3A_259 = vector.broadcast %jit3A_257 : i32 to vector<16xi32>
      %select_n3A_260 = arith.select %lt3A_255, %broadcast_in_dim3A_258, %broadcast_in_dim3A_259 : vector<16xi1>, vector<16xi32>
      %broadcast_in_dim3A_261 = arith.constant true
      %broadcast_in_dim3A_262 = vector.broadcast %broadcast_in_dim3A_261 : i1 to vector<16xi1>
      %masked_cumsum3A_263 = tpu.scan <sum>, %select_n3A_260 masked %broadcast_in_dim3A_262 : vector<16xi32>, vector<16xi1> -> vector<16xi32>
      %sub3A_264 = arith.constant 1 : i32
      %sub3A_265 = vector.broadcast %sub3A_264 : i32 to vector<16xi32>
      %sub3A_266 = arith.subi %sub3A_265, %select_n3A_260 : vector<16xi32>
      %broadcast_in_dim3A_267 = arith.constant true
      %broadcast_in_dim3A_268 = vector.broadcast %broadcast_in_dim3A_267 : i1 to vector<16xi1>
      %masked_cumsum3A_269 = tpu.scan <sum>, %sub3A_266 masked %broadcast_in_dim3A_268 : vector<16xi32>, vector<16xi1> -> vector<16xi32>
      %get3A_270 = arith.constant 0 : i32
      %get3A_271 = arith.index_cast %get3A_270 : i32 to index
      %get3A_272 = memref.load %arg9[%get3A_271] : memref<2xi32, #tpu.memory_space<smem>>
      %get3A_273 = arith.constant 1 : i32
      %get3A_274 = arith.index_cast %get3A_273 : i32 to index
      %get3A_275 = memref.load %arg9[%get3A_274] : memref<2xi32, #tpu.memory_space<smem>>
      %eq3A_276 = arith.constant 1 : i32
      %eq3A_277 = vector.broadcast %eq3A_276 : i32 to vector<16xi32>
      %eq3A_278 = arith.cmpi eq, %select_n3A_260, %eq3A_277 : vector<16xi32>
      %add3A_279 = vector.broadcast %get3A_272 : i32 to vector<16xi32>
      %add3A_280 = arith.addi %add3A_279, %masked_cumsum3A_263 : vector<16xi32>
      %sub3A_281 = arith.constant 1 : i32
      %sub3A_282 = vector.broadcast %sub3A_281 : i32 to vector<16xi32>
      %sub3A_283 = arith.subi %add3A_280, %sub3A_282 : vector<16xi32>
      %sub3A_284 = vector.broadcast %get3A_275 : i32 to vector<16xi32>
      %sub3A_285 = arith.subi %sub3A_284, %masked_cumsum3A_269 : vector<16xi32>
      %select_n3A_286 = arith.select %eq3A_278, %sub3A_283, %sub3A_285 : vector<16xi1>, vector<16xi32>
      tpu.vector_store_idx %arg6[%select_n3A_286], %get3A_248 : memref<10240xi32, #tpu.memory_space<vmem>>[vector<16xi32>], vector<16xi32>,
      tpu.vector_store_idx %arg7[%select_n3A_286], %get3A_252 : memref<10240xi32, #tpu.memory_space<vmem>>[vector<16xi32>], vector<16xi32>,
      %reduce_sum3A_287 = arith.constant true
      %reduce_sum3A_288 = vector.broadcast %reduce_sum3A_287 : i1 to vector<16xi1>
      %reduce_sum3A_289 = tpu.scan <sum>, %select_n3A_260 masked %reduce_sum3A_288 : vector<16xi32>, vector<16xi1> -> vector<16xi32>
      %reduce_sum3A_290 = vector.extract %reduce_sum3A_289[15] : i32 from vector<16xi32>
      %add3A_291 = arith.addi %get3A_272, %reduce_sum3A_290 : i32
      %swap3A_292 = arith.constant 0 : i32
      %swap3A_293 = arith.index_cast %swap3A_292 : i32 to index
      %swap3A_294 = memref.load %arg9[%swap3A_293] : memref<2xi32, #tpu.memory_space<smem>>
      memref.store %add3A_291, %arg9[%swap3A_293] : memref<2xi32, #tpu.memory_space<smem>>
      %sub3A_295 = arith.constant 16 : i32
      %sub3A_296 = arith.subi %sub3A_295, %reduce_sum3A_290 : i32
      %sub3A_297 = arith.subi %get3A_275, %sub3A_296 : i32
      %swap3A_298 = arith.constant 1 : i32
      %swap3A_299 = arith.index_cast %swap3A_298 : i32 to index
      %swap3A_300 = memref.load %arg9[%swap3A_299] : memref<2xi32, #tpu.memory_space<smem>>
      memref.store %sub3A_297, %arg9[%swap3A_299] : memref<2xi32, #tpu.memory_space<smem>>
      %get3A_301 = arith.constant 0 : i32
      %get3A_302 = arith.index_cast %get3A_301 : i32 to index
      %get3A_303 = arith.constant 80 : index
      %get3A_304 = tpu.vector_load %arg5[%get3A_302, %get3A_303] {strides = array<i32>} : memref<2x128xi32, #tpu.memory_space<vmem>>, vector<16xi32>,
      %get3A_305 = arith.constant 1 : i32
      %get3A_306 = arith.index_cast %get3A_305 : i32 to index
      %get3A_307 = arith.constant 80 : index
      %get3A_308 = tpu.vector_load %arg5[%get3A_306, %get3A_307] {strides = array<i32>} : memref<2x128xi32, #tpu.memory_space<vmem>>, vector<16xi32>,
      %lt3A_309 = arith.constant 5000 : i32
      %lt3A_310 = vector.broadcast %lt3A_309 : i32 to vector<16xi32>
      %lt3A_311 = arith.cmpi slt, %get3A_304, %lt3A_310 : vector<16xi32>
      %jit3A_312 = arith.constant 1 : i32
      %jit3A_313 = arith.constant 0 : i32
      %broadcast_in_dim3A_314 = vector.broadcast %jit3A_312 : i32 to vector<16xi32>
      %broadcast_in_dim3A_315 = vector.broadcast %jit3A_313 : i32 to vector<16xi32>
      %select_n3A_316 = arith.select %lt3A_311, %broadcast_in_dim3A_314, %broadcast_in_dim3A_315 : vector<16xi1>, vector<16xi32>
      %broadcast_in_dim3A_317 = arith.constant true
      %broadcast_in_dim3A_318 = vector.broadcast %broadcast_in_dim3A_317 : i1 to vector<16xi1>
      %masked_cumsum3A_319 = tpu.scan <sum>, %select_n3A_316 masked %broadcast_in_dim3A_318 : vector<16xi32>, vector<16xi1> -> vector<16xi32>
      %sub3A_320 = arith.constant 1 : i32
      %sub3A_321 = vector.broadcast %sub3A_320 : i32 to vector<16xi32>
      %sub3A_322 = arith.subi %sub3A_321, %select_n3A_316 : vector<16xi32>
      %broadcast_in_dim3A_323 = arith.constant true
      %broadcast_in_dim3A_324 = vector.broadcast %broadcast_in_dim3A_323 : i1 to vector<16xi1>
      %masked_cumsum3A_325 = tpu.scan <sum>, %sub3A_322 masked %broadcast_in_dim3A_324 : vector<16xi32>, vector<16xi1> -> vector<16xi32>
      %get3A_326 = arith.constant 0 : i32
      %get3A_327 = arith.index_cast %get3A_326 : i32 to index
      %get3A_328 = memref.load %arg9[%get3A_327] : memref<2xi32, #tpu.memory_space<smem>>
      %get3A_329 = arith.constant 1 : i32
      %get3A_330 = arith.index_cast %get3A_329 : i32 to index
      %get3A_331 = memref.load %arg9[%get3A_330] : memref<2xi32, #tpu.memory_space<smem>>
      %eq3A_332 = arith.constant 1 : i32
      %eq3A_333 = vector.broadcast %eq3A_332 : i32 to vector<16xi32>
      %eq3A_334 = arith.cmpi eq, %select_n3A_316, %eq3A_333 : vector<16xi32>
      %add3A_335 = vector.broadcast %get3A_328 : i32 to vector<16xi32>
      %add3A_336 = arith.addi %add3A_335, %masked_cumsum3A_319 : vector<16xi32>
      %sub3A_337 = arith.constant 1 : i32
      %sub3A_338 = vector.broadcast %sub3A_337 : i32 to vector<16xi32>
      %sub3A_339 = arith.subi %add3A_336, %sub3A_338 : vector<16xi32>
      %sub3A_340 = vector.broadcast %get3A_331 : i32 to vector<16xi32>
      %sub3A_341 = arith.subi %sub3A_340, %masked_cumsum3A_325 : vector<16xi32>
      %select_n3A_342 = arith.select %eq3A_334, %sub3A_339, %sub3A_341 : vector<16xi1>, vector<16xi32>
      tpu.vector_store_idx %arg6[%select_n3A_342], %get3A_304 : memref<10240xi32, #tpu.memory_space<vmem>>[vector<16xi32>], vector<16xi32>,
      tpu.vector_store_idx %arg7[%select_n3A_342], %get3A_308 : memref<10240xi32, #tpu.memory_space<vmem>>[vector<16xi32>], vector<16xi32>,
      %reduce_sum3A_343 = arith.constant true
      %reduce_sum3A_344 = vector.broadcast %reduce_sum3A_343 : i1 to vector<16xi1>
      %reduce_sum3A_345 = tpu.scan <sum>, %select_n3A_316 masked %reduce_sum3A_344 : vector<16xi32>, vector<16xi1> -> vector<16xi32>
      %reduce_sum3A_346 = vector.extract %reduce_sum3A_345[15] : i32 from vector<16xi32>
      %add3A_347 = arith.addi %get3A_328, %reduce_sum3A_346 : i32
      %swap3A_348 = arith.constant 0 : i32
      %swap3A_349 = arith.index_cast %swap3A_348 : i32 to index
      %swap3A_350 = memref.load %arg9[%swap3A_349] : memref<2xi32, #tpu.memory_space<smem>>
      memref.store %add3A_347, %arg9[%swap3A_349] : memref<2xi32, #tpu.memory_space<smem>>
      %sub3A_351 = arith.constant 16 : i32
      %sub3A_352 = arith.subi %sub3A_351, %reduce_sum3A_346 : i32
      %sub3A_353 = arith.subi %get3A_331, %sub3A_352 : i32
      %swap3A_354 = arith.constant 1 : i32
      %swap3A_355 = arith.index_cast %swap3A_354 : i32 to index
      %swap3A_356 = memref.load %arg9[%swap3A_355] : memref<2xi32, #tpu.memory_space<smem>>
      memref.store %sub3A_353, %arg9[%swap3A_355] : memref<2xi32, #tpu.memory_space<smem>>
      %get3A_357 = arith.constant 0 : i32
      %get3A_358 = arith.index_cast %get3A_357 : i32 to index
      %get3A_359 = arith.constant 96 : index
      %get3A_360 = tpu.vector_load %arg5[%get3A_358, %get3A_359] {strides = array<i32>} : memref<2x128xi32, #tpu.memory_space<vmem>>, vector<16xi32>,
      %get3A_361 = arith.constant 1 : i32
      %get3A_362 = arith.index_cast %get3A_361 : i32 to index
      %get3A_363 = arith.constant 96 : index
      %get3A_364 = tpu.vector_load %arg5[%get3A_362, %get3A_363] {strides = array<i32>} : memref<2x128xi32, #tpu.memory_space<vmem>>, vector<16xi32>,
      %lt3A_365 = arith.constant 5000 : i32
      %lt3A_366 = vector.broadcast %lt3A_365 : i32 to vector<16xi32>
      %lt3A_367 = arith.cmpi slt, %get3A_360, %lt3A_366 : vector<16xi32>
      %jit3A_368 = arith.constant 1 : i32
      %jit3A_369 = arith.constant 0 : i32
      %broadcast_in_dim3A_370 = vector.broadcast %jit3A_368 : i32 to vector<16xi32>
      %broadcast_in_dim3A_371 = vector.broadcast %jit3A_369 : i32 to vector<16xi32>
      %select_n3A_372 = arith.select %lt3A_367, %broadcast_in_dim3A_370, %broadcast_in_dim3A_371 : vector<16xi1>, vector<16xi32>
      %broadcast_in_dim3A_373 = arith.constant true
      %broadcast_in_dim3A_374 = vector.broadcast %broadcast_in_dim3A_373 : i1 to vector<16xi1>
      %masked_cumsum3A_375 = tpu.scan <sum>, %select_n3A_372 masked %broadcast_in_dim3A_374 : vector<16xi32>, vector<16xi1> -> vector<16xi32>
      %sub3A_376 = arith.constant 1 : i32
      %sub3A_377 = vector.broadcast %sub3A_376 : i32 to vector<16xi32>
      %sub3A_378 = arith.subi %sub3A_377, %select_n3A_372 : vector<16xi32>
      %broadcast_in_dim3A_379 = arith.constant true
      %broadcast_in_dim3A_380 = vector.broadcast %broadcast_in_dim3A_379 : i1 to vector<16xi1>
      %masked_cumsum3A_381 = tpu.scan <sum>, %sub3A_378 masked %broadcast_in_dim3A_380 : vector<16xi32>, vector<16xi1> -> vector<16xi32>
      %get3A_382 = arith.constant 0 : i32
      %get3A_383 = arith.index_cast %get3A_382 : i32 to index
      %get3A_384 = memref.load %arg9[%get3A_383] : memref<2xi32, #tpu.memory_space<smem>>
      %get3A_385 = arith.constant 1 : i32
      %get3A_386 = arith.index_cast %get3A_385 : i32 to index
      %get3A_387 = memref.load %arg9[%get3A_386] : memref<2xi32, #tpu.memory_space<smem>>
      %eq3A_388 = arith.constant 1 : i32
      %eq3A_389 = vector.broadcast %eq3A_388 : i32 to vector<16xi32>
      %eq3A_390 = arith.cmpi eq, %select_n3A_372, %eq3A_389 : vector<16xi32>
      %add3A_391 = vector.broadcast %get3A_384 : i32 to vector<16xi32>
      %add3A_392 = arith.addi %add3A_391, %masked_cumsum3A_375 : vector<16xi32>
      %sub3A_393 = arith.constant 1 : i32
      %sub3A_394 = vector.broadcast %sub3A_393 : i32 to vector<16xi32>
      %sub3A_395 = arith.subi %add3A_392, %sub3A_394 : vector<16xi32>
      %sub3A_396 = vector.broadcast %get3A_387 : i32 to vector<16xi32>
      %sub3A_397 = arith.subi %sub3A_396, %masked_cumsum3A_381 : vector<16xi32>
      %select_n3A_398 = arith.select %eq3A_390, %sub3A_395, %sub3A_397 : vector<16xi1>, vector<16xi32>
      tpu.vector_store_idx %arg6[%select_n3A_398], %get3A_360 : memref<10240xi32, #tpu.memory_space<vmem>>[vector<16xi32>], vector<16xi32>,
      tpu.vector_store_idx %arg7[%select_n3A_398], %get3A_364 : memref<10240xi32, #tpu.memory_space<vmem>>[vector<16xi32>], vector<16xi32>,
      %reduce_sum3A_399 = arith.constant true
      %reduce_sum3A_400 = vector.broadcast %reduce_sum3A_399 : i1 to vector<16xi1>
      %reduce_sum3A_401 = tpu.scan <sum>, %select_n3A_372 masked %reduce_sum3A_400 : vector<16xi32>, vector<16xi1> -> vector<16xi32>
      %reduce_sum3A_402 = vector.extract %reduce_sum3A_401[15] : i32 from vector<16xi32>
      %add3A_403 = arith.addi %get3A_384, %reduce_sum3A_402 : i32
      %swap3A_404 = arith.constant 0 : i32
      %swap3A_405 = arith.index_cast %swap3A_404 : i32 to index
      %swap3A_406 = memref.load %arg9[%swap3A_405] : memref<2xi32, #tpu.memory_space<smem>>
      memref.store %add3A_403, %arg9[%swap3A_405] : memref<2xi32, #tpu.memory_space<smem>>
      %sub3A_407 = arith.constant 16 : i32
      %sub3A_408 = arith.subi %sub3A_407, %reduce_sum3A_402 : i32
      %sub3A_409 = arith.subi %get3A_387, %sub3A_408 : i32
      %swap3A_410 = arith.constant 1 : i32
      %swap3A_411 = arith.index_cast %swap3A_410 : i32 to index
      %swap3A_412 = memref.load %arg9[%swap3A_411] : memref<2xi32, #tpu.memory_space<smem>>
      memref.store %sub3A_409, %arg9[%swap3A_411] : memref<2xi32, #tpu.memory_space<smem>>
      %get3A_413 = arith.constant 0 : i32
      %get3A_414 = arith.index_cast %get3A_413 : i32 to index
      %get3A_415 = arith.constant 112 : index
      %get3A_416 = tpu.vector_load %arg5[%get3A_414, %get3A_415] {strides = array<i32>} : memref<2x128xi32, #tpu.memory_space<vmem>>, vector<16xi32>,
      %get3A_417 = arith.constant 1 : i32
      %get3A_418 = arith.index_cast %get3A_417 : i32 to index
      %get3A_419 = arith.constant 112 : index
      %get3A_420 = tpu.vector_load %arg5[%get3A_418, %get3A_419] {strides = array<i32>} : memref<2x128xi32, #tpu.memory_space<vmem>>, vector<16xi32>,
      %lt3A_421 = arith.constant 5000 : i32
      %lt3A_422 = vector.broadcast %lt3A_421 : i32 to vector<16xi32>
      %lt3A_423 = arith.cmpi slt, %get3A_416, %lt3A_422 : vector<16xi32>
      %jit3A_424 = arith.constant 1 : i32
      %jit3A_425 = arith.constant 0 : i32
      %broadcast_in_dim3A_426 = vector.broadcast %jit3A_424 : i32 to vector<16xi32>
      %broadcast_in_dim3A_427 = vector.broadcast %jit3A_425 : i32 to vector<16xi32>
      %select_n3A_428 = arith.select %lt3A_423, %broadcast_in_dim3A_426, %broadcast_in_dim3A_427 : vector<16xi1>, vector<16xi32>
      %broadcast_in_dim3A_429 = arith.constant true
      %broadcast_in_dim3A_430 = vector.broadcast %broadcast_in_dim3A_429 : i1 to vector<16xi1>
      %masked_cumsum3A_431 = tpu.scan <sum>, %select_n3A_428 masked %broadcast_in_dim3A_430 : vector<16xi32>, vector<16xi1> -> vector<16xi32>
      %sub3A_432 = arith.constant 1 : i32
      %sub3A_433 = vector.broadcast %sub3A_432 : i32 to vector<16xi32>
      %sub3A_434 = arith.subi %sub3A_433, %select_n3A_428 : vector<16xi32>
      %broadcast_in_dim3A_435 = arith.constant true
      %broadcast_in_dim3A_436 = vector.broadcast %broadcast_in_dim3A_435 : i1 to vector<16xi1>
      %masked_cumsum3A_437 = tpu.scan <sum>, %sub3A_434 masked %broadcast_in_dim3A_436 : vector<16xi32>, vector<16xi1> -> vector<16xi32>
      %get3A_438 = arith.constant 0 : i32
      %get3A_439 = arith.index_cast %get3A_438 : i32 to index
      %get3A_440 = memref.load %arg9[%get3A_439] : memref<2xi32, #tpu.memory_space<smem>>
      %get3A_441 = arith.constant 1 : i32
      %get3A_442 = arith.index_cast %get3A_441 : i32 to index
      %get3A_443 = memref.load %arg9[%get3A_442] : memref<2xi32, #tpu.memory_space<smem>>
      %eq3A_444 = arith.constant 1 : i32
      %eq3A_445 = vector.broadcast %eq3A_444 : i32 to vector<16xi32>
      %eq3A_446 = arith.cmpi eq, %select_n3A_428, %eq3A_445 : vector<16xi32>
      %add3A_447 = vector.broadcast %get3A_440 : i32 to vector<16xi32>
      %add3A_448 = arith.addi %add3A_447, %masked_cumsum3A_431 : vector<16xi32>
      %sub3A_449 = arith.constant 1 : i32
      %sub3A_450 = vector.broadcast %sub3A_449 : i32 to vector<16xi32>
      %sub3A_451 = arith.subi %add3A_448, %sub3A_450 : vector<16xi32>
      %sub3A_452 = vector.broadcast %get3A_443 : i32 to vector<16xi32>
      %sub3A_453 = arith.subi %sub3A_452, %masked_cumsum3A_437 : vector<16xi32>
      %select_n3A_454 = arith.select %eq3A_446, %sub3A_451, %sub3A_453 : vector<16xi1>, vector<16xi32>
      tpu.vector_store_idx %arg6[%select_n3A_454], %get3A_416 : memref<10240xi32, #tpu.memory_space<vmem>>[vector<16xi32>], vector<16xi32>,
      tpu.vector_store_idx %arg7[%select_n3A_454], %get3A_420 : memref<10240xi32, #tpu.memory_space<vmem>>[vector<16xi32>], vector<16xi32>,
      %reduce_sum3A_455 = arith.constant true
      %reduce_sum3A_456 = vector.broadcast %reduce_sum3A_455 : i1 to vector<16xi1>
      %reduce_sum3A_457 = tpu.scan <sum>, %select_n3A_428 masked %reduce_sum3A_456 : vector<16xi32>, vector<16xi1> -> vector<16xi32>
      %reduce_sum3A_458 = vector.extract %reduce_sum3A_457[15] : i32 from vector<16xi32>
      %add3A_459 = arith.addi %get3A_440, %reduce_sum3A_458 : i32
      %swap3A_460 = arith.constant 0 : i32
      %swap3A_461 = arith.index_cast %swap3A_460 : i32 to index
      %swap3A_462 = memref.load %arg9[%swap3A_461] : memref<2xi32, #tpu.memory_space<smem>>
      memref.store %add3A_459, %arg9[%swap3A_461] : memref<2xi32, #tpu.memory_space<smem>>
      %sub3A_463 = arith.constant 16 : i32
      %sub3A_464 = arith.subi %sub3A_463, %reduce_sum3A_458 : i32
      %sub3A_465 = arith.subi %get3A_443, %sub3A_464 : i32
      %swap3A_466 = arith.constant 1 : i32
      %swap3A_467 = arith.index_cast %swap3A_466 : i32 to index
      %swap3A_468 = memref.load %arg9[%swap3A_467] : memref<2xi32, #tpu.memory_space<smem>>
      memref.store %sub3A_465, %arg9[%swap3A_467] : memref<2xi32, #tpu.memory_space<smem>>
    }
    %scan3A_14 = arith.constant 80 : i32
    %run_scoped3A = arith.constant 0 : i32
    "tpu.region"() ({
      %run_scoped3A_25 = tpu.sem_alloc : memref<!tpu.dma_semaphore, #tpu.memory_space<semaphore_mem>>
      %dma_start3A = tpu.memref_slice %arg3[%run_scoped3A, %mul3A_2] : memref<2x327680xi32, #tpu.memory_space<hbm>> -> memref<1x10240xi32, #tpu.memory_space<hbm>>
      %dma_start3A_26 = tpu.memref_squeeze %dma_start3A : memref<1x10240xi32, #tpu.memory_space<hbm>> -> memref<10240xi32, #tpu.memory_space<hbm>>
      %dma_start3A_27 = tpu.memref_slice %arg3[%run_scoped3A, %mul3A_2] : memref<2x327680xi32, #tpu.memory_space<hbm>> -> memref<1x10240xi32, #tpu.memory_space<hbm>>
      %dma_start3A_28 = tpu.memref_squeeze %dma_start3A_27 : memref<1x10240xi32, #tpu.memory_space<hbm>> -> memref<10240xi32, #tpu.memory_space<hbm>>
      tpu.enqueue_dma source(%arg6 : memref<10240xi32, #tpu.memory_space<vmem>>) target(%dma_start3A_28 : memref<10240xi32, #tpu.memory_space<hbm>>) target_semaphore(%run_scoped3A_25 : memref<!tpu.dma_semaphore, #tpu.memory_space<semaphore_mem>>)
      %dma_wait3A = tpu.memref_slice %arg3[%run_scoped3A, %mul3A_2] : memref<2x327680xi32, #tpu.memory_space<hbm>> -> memref<1x10240xi32, #tpu.memory_space<hbm>>
      %dma_wait3A_29 = tpu.memref_squeeze %dma_wait3A : memref<1x10240xi32, #tpu.memory_space<hbm>> -> memref<10240xi32, #tpu.memory_space<hbm>>
      %dma_wait3A_30 = tpu.memref_slice %arg3[%run_scoped3A, %mul3A_2] : memref<2x327680xi32, #tpu.memory_space<hbm>> -> memref<1x10240xi32, #tpu.memory_space<hbm>>
      %dma_wait3A_31 = tpu.memref_squeeze %dma_wait3A_30 : memref<1x10240xi32, #tpu.memory_space<hbm>> -> memref<10240xi32, #tpu.memory_space<hbm>>
      tpu.wait_dma2 semaphore(%run_scoped3A_25 : memref<!tpu.dma_semaphore, #tpu.memory_space<semaphore_mem>>) src(%arg6 : memref<10240xi32, #tpu.memory_space<vmem>>) dst(%dma_wait3A_31 : memref<10240xi32, #tpu.memory_space<hbm>>)
      tpu.yield
    }) : () -> ()
    %run_scoped3A_15 = arith.constant 1 : i32
    "tpu.region"() ({
      %run_scoped3A_25 = tpu.sem_alloc : memref<!tpu.dma_semaphore, #tpu.memory_space<semaphore_mem>>
      %dma_start3A = tpu.memref_slice %arg3[%run_scoped3A_15, %mul3A_2] : memref<2x327680xi32, #tpu.memory_space<hbm>> -> memref<1x10240xi32, #tpu.memory_space<hbm>>
      %dma_start3A_26 = tpu.memref_squeeze %dma_start3A : memref<1x10240xi32, #tpu.memory_space<hbm>> -> memref<10240xi32, #tpu.memory_space<hbm>>
      %dma_start3A_27 = tpu.memref_slice %arg3[%run_scoped3A_15, %mul3A_2] : memref<2x327680xi32, #tpu.memory_space<hbm>> -> memref<1x10240xi32, #tpu.memory_space<hbm>>
      %dma_start3A_28 = tpu.memref_squeeze %dma_start3A_27 : memref<1x10240xi32, #tpu.memory_space<hbm>> -> memref<10240xi32, #tpu.memory_space<hbm>>
      tpu.enqueue_dma source(%arg7 : memref<10240xi32, #tpu.memory_space<vmem>>) target(%dma_start3A_28 : memref<10240xi32, #tpu.memory_space<hbm>>) target_semaphore(%run_scoped3A_25 : memref<!tpu.dma_semaphore, #tpu.memory_space<semaphore_mem>>)
      %dma_wait3A = tpu.memref_slice %arg3[%run_scoped3A_15, %mul3A_2] : memref<2x327680xi32, #tpu.memory_space<hbm>> -> memref<1x10240xi32, #tpu.memory_space<hbm>>
      %dma_wait3A_29 = tpu.memref_squeeze %dma_wait3A : memref<1x10240xi32, #tpu.memory_space<hbm>> -> memref<10240xi32, #tpu.memory_space<hbm>>
      %dma_wait3A_30 = tpu.memref_slice %arg3[%run_scoped3A_15, %mul3A_2] : memref<2x327680xi32, #tpu.memory_space<hbm>> -> memref<1x10240xi32, #tpu.memory_space<hbm>>
      %dma_wait3A_31 = tpu.memref_squeeze %dma_wait3A_30 : memref<1x10240xi32, #tpu.memory_space<hbm>> -> memref<10240xi32, #tpu.memory_space<hbm>>
      tpu.wait_dma2 semaphore(%run_scoped3A_25 : memref<!tpu.dma_semaphore, #tpu.memory_space<semaphore_mem>>) src(%arg7 : memref<10240xi32, #tpu.memory_space<vmem>>) dst(%dma_wait3A_31 : memref<10240xi32, #tpu.memory_space<hbm>>)
      tpu.yield
    }) : () -> ()
    %iota3A = tpu.iota {dimensions = array<i32: 0>} : vector<16xi32>
    %mul3A_16 = arith.constant 0 : i32
    %mul3A_17 = vector.broadcast %mul3A_16 : i32 to vector<16xi32>
    %mul3A_18 = arith.muli %iota3A, %mul3A_17 : vector<16xi32>
    %get3A = arith.constant 0 : i32
    %get3A_19 = arith.index_cast %get3A : i32 to index
    %get3A_20 = memref.load %arg9[%get3A_19] : memref<2xi32, #tpu.memory_space<smem>>
    %add3A_21 = vector.broadcast %get3A_20 : i32 to vector<16xi32>
    %add3A_22 = arith.addi %mul3A_18, %add3A_21 : vector<16xi32>
    %swap3A_23 = arith.constant 0 : index
    %swap3A_24 = tpu.vector_load %arg8[%swap3A_23] {strides = array<i32>} : memref<16xi32, #tpu.memory_space<vmem>>, vector<16xi32>,
    tpu.vector_store %arg8[%swap3A_23], %add3A_22 {strides = array<i32>} : memref<16xi32, #tpu.memory_space<vmem>>, vector<16xi32>,
    "tpu.region"() ({
      %run_scoped3A_25 = tpu.sem_alloc : memref<!tpu.dma_semaphore, #tpu.memory_space<semaphore_mem>>
      %dma_start3A = arith.constant 0 : i32
      %dma_start3A_26 = tpu.memref_slice %arg4[%add3A, %dma_start3A] : memref<32x16xi32, #tpu.memory_space<hbm>> -> memref<1x16xi32, #tpu.memory_space<hbm>>
      %dma_start3A_27 = tpu.memref_squeeze %dma_start3A_26 : memref<1x16xi32, #tpu.memory_space<hbm>> -> memref<16xi32, #tpu.memory_space<hbm>>
      %dma_start3A_28 = arith.constant 0 : i32
      %dma_start3A_29 = tpu.memref_slice %arg4[%add3A, %dma_start3A_28] : memref<32x16xi32, #tpu.memory_space<hbm>> -> memref<1x16xi32, #tpu.memory_space<hbm>>
      %dma_start3A_30 = tpu.memref_squeeze %dma_start3A_29 : memref<1x16xi32, #tpu.memory_space<hbm>> -> memref<16xi32, #tpu.memory_space<hbm>>
      tpu.enqueue_dma source(%arg8 : memref<16xi32, #tpu.memory_space<vmem>>) target(%dma_start3A_30 : memref<16xi32, #tpu.memory_space<hbm>>) target_semaphore(%run_scoped3A_25 : memref<!tpu.dma_semaphore, #tpu.memory_space<semaphore_mem>>)
      %dma_wait3A = arith.constant 0 : i32
      %dma_wait3A_31 = tpu.memref_slice %arg4[%add3A, %dma_wait3A] : memref<32x16xi32, #tpu.memory_space<hbm>> -> memref<1x16xi32, #tpu.memory_space<hbm>>
      %dma_wait3A_32 = tpu.memref_squeeze %dma_wait3A_31 : memref<1x16xi32, #tpu.memory_space<hbm>> -> memref<16xi32, #tpu.memory_space<hbm>>
      %dma_wait3A_33 = arith.constant 0 : i32
      %dma_wait3A_34 = tpu.memref_slice %arg4[%add3A, %dma_wait3A_33] : memref<32x16xi32, #tpu.memory_space<hbm>> -> memref<1x16xi32, #tpu.memory_space<hbm>>
      %dma_wait3A_35 = tpu.memref_squeeze %dma_wait3A_34 : memref<1x16xi32, #tpu.memory_space<hbm>> -> memref<16xi32, #tpu.memory_space<hbm>>
      tpu.wait_dma2 semaphore(%run_scoped3A_25 : memref<!tpu.dma_semaphore, #tpu.memory_space<semaphore_mem>>) src(%arg8 : memref<16xi32, #tpu.memory_space<vmem>>) dst(%dma_wait3A_35 : memref<16xi32, #tpu.memory_space<hbm>>)
      tpu.yield
    }) : () -> ()
    return
  }
}

#map = affine_map<(d0, d1) -> (0, 0)>
#map1 = affine_map<(d0, d1) -> (0, 0, 0)>
module attributes {stable_mosaic.version = 14 : i64} {
  func.func @_segsum_body(%arg0: i32, %arg1: i32, %arg2: memref<2x327680xi32, #tpu.memory_space<hbm>>, %arg3: memref<10000x128xf32, #tpu.memory_space<hbm>>, %arg4: memref<10112x128xf32, #tpu.memory_space<hbm>>, %arg5: memref<2x10112x128xf32, #tpu.memory_space<hbm>>, %arg6: memref<2x128xi32, #tpu.memory_space<vmem>>, %arg7: memref<2x128xi32, #tpu.memory_space<vmem>>, %arg8: memref<2x128xi32, #tpu.memory_space<vmem>>, %arg9: memref<2x128xi32, #tpu.memory_space<vmem>>, %arg10: memref<128x128xf32, #tpu.memory_space<vmem>>, %arg11: memref<128x128xf32, #tpu.memory_space<vmem>>, %arg12: memref<10112x128xf32, #tpu.memory_space<vmem_shared>>, %arg13: memref<!tpu.dma_semaphore, #tpu.memory_space<semaphore_mem>>, %arg14: memref<!tpu.dma_semaphore, #tpu.memory_space<semaphore_mem>>, %arg15: memref<!tpu.dma_semaphore, #tpu.memory_space<semaphore_mem>>, %arg16: memref<!tpu.dma_semaphore, #tpu.memory_space<semaphore_mem>>, %arg17: memref<!tpu.dma_semaphore, #tpu.memory_space<semaphore_mem>>, %arg18: memref<!tpu.dma_semaphore, #tpu.memory_space<semaphore_mem>>, %arg19: memref<!tpu.dma_semaphore, #tpu.memory_space<semaphore_mem>>, %arg20: memref<!tpu.dma_semaphore, #tpu.memory_space<semaphore_mem>>) attributes {dimension_semantics = [#tpu.dimension_semantics<core_parallel>, #tpu.dimension_semantics<subcore_parallel>], iteration_bounds = array<i64: 2, 16>, scalar_prefetch = 0 : i64, scratch_operands = 15 : i64, tpu.core_type = #tpu.core_type<sc_vector_subcore>, window_params = [{transform_indices = #map}, {transform_indices = #map}, {transform_indices = #map}, {transform_indices = #map1}]} {
    %mul3A = arith.constant 632 : i32
    %mul3A_0 = arith.muli %arg1, %mul3A : i32
    %mul3A_1 = arith.constant 632 : i32
    %mul3A_2 = arith.muli %arg1, %mul3A_1 : i32
    "tpu.region"() ({
      %run_scoped3A = tpu.sem_alloc : memref<!tpu.dma_semaphore, #tpu.memory_space<semaphore_mem>>
      %dma_start3A_54 = arith.constant 0 : i32
      %dma_start3A_55 = tpu.memref_slice %arg12[%mul3A_2, %dma_start3A_54] : memref<10112x128xf32, #tpu.memory_space<vmem_shared>> -> memref<632x128xf32, #tpu.memory_space<vmem_shared>>
      %dma_start3A_56 = arith.constant 0 : i32
      %dma_start3A_57 = tpu.memref_slice %arg4[%mul3A_0, %dma_start3A_56] : memref<10112x128xf32, #tpu.memory_space<hbm>> -> memref<632x128xf32, #tpu.memory_space<hbm>>
      tpu.enqueue_dma source(%dma_start3A_57 : memref<632x128xf32, #tpu.memory_space<hbm>>) target(%dma_start3A_55 : memref<632x128xf32, #tpu.memory_space<vmem_shared>>) target_semaphore(%run_scoped3A : memref<!tpu.dma_semaphore, #tpu.memory_space<semaphore_mem>>)
      %dma_wait3A_58 = arith.constant 0 : i32
      %dma_wait3A_59 = tpu.memref_slice %arg12[%mul3A_2, %dma_wait3A_58] : memref<10112x128xf32, #tpu.memory_space<vmem_shared>> -> memref<632x128xf32, #tpu.memory_space<vmem_shared>>
      %dma_wait3A_60 = arith.constant 0 : i32
      %dma_wait3A_61 = tpu.memref_slice %arg4[%mul3A_0, %dma_wait3A_60] : memref<10112x128xf32, #tpu.memory_space<hbm>> -> memref<632x128xf32, #tpu.memory_space<hbm>>
      tpu.wait_dma2 semaphore(%run_scoped3A : memref<!tpu.dma_semaphore, #tpu.memory_space<semaphore_mem>>) src(%dma_wait3A_61 : memref<632x128xf32, #tpu.memory_space<hbm>>) dst(%dma_wait3A_59 : memref<632x128xf32, #tpu.memory_space<vmem_shared>>)
      tpu.yield
    }) : () -> ()
    %barrier3A = arith.constant 0 : index
    tpu.barrier barrier_id(%barrier3A)
    %mul3A_3 = arith.constant 16 : i32
    %mul3A_4 = arith.muli %arg0, %mul3A_3 : i32
    %add3A = arith.addi %mul3A_4, %arg1 : i32
    %mul3A_5 = arith.constant 10240 : i32
    %mul3A_6 = arith.muli %add3A, %mul3A_5 : i32
    %add3A_7 = arith.constant 0 : i32
    %add3A_8 = arith.addi %mul3A_6, %add3A_7 : i32
    %dma_start3A = arith.constant 0 : i32
    %dma_start3A_9 = tpu.memref_slice %arg2[%dma_start3A, %add3A_8] : memref<2x327680xi32, #tpu.memory_space<hbm>> -> memref<2x128xi32, #tpu.memory_space<hbm>>
    %dma_start3A_10 = arith.constant 0 : i32
    %dma_start3A_11 = tpu.memref_slice %arg2[%dma_start3A_10, %add3A_8] : memref<2x327680xi32, #tpu.memory_space<hbm>> -> memref<2x128xi32, #tpu.memory_space<hbm>>
    tpu.enqueue_dma source(%dma_start3A_11 : memref<2x128xi32, #tpu.memory_space<hbm>>) target(%arg6 : memref<2x128xi32, #tpu.memory_space<vmem>>) target_semaphore(%arg13 : memref<!tpu.dma_semaphore, #tpu.memory_space<semaphore_mem>>)
    %add3A_12 = arith.constant 128 : i32
    %add3A_13 = arith.addi %mul3A_6, %add3A_12 : i32
    %dma_start3A_14 = arith.constant 0 : i32
    %dma_start3A_15 = tpu.memref_slice %arg2[%dma_start3A_14, %add3A_13] : memref<2x327680xi32, #tpu.memory_space<hbm>> -> memref<2x128xi32, #tpu.memory_space<hbm>>
    %dma_start3A_16 = arith.constant 0 : i32
    %dma_start3A_17 = tpu.memref_slice %arg2[%dma_start3A_16, %add3A_13] : memref<2x327680xi32, #tpu.memory_space<hbm>> -> memref<2x128xi32, #tpu.memory_space<hbm>>
    tpu.enqueue_dma source(%dma_start3A_17 : memref<2x128xi32, #tpu.memory_space<hbm>>) target(%arg7 : memref<2x128xi32, #tpu.memory_space<vmem>>) target_semaphore(%arg14 : memref<!tpu.dma_semaphore, #tpu.memory_space<semaphore_mem>>)
    %dma_wait3A = arith.constant 0 : i32
    %dma_wait3A_18 = arith.constant 0 : i32
    %dma_wait3A_19 = tpu.memref_slice %arg2[%dma_wait3A, %dma_wait3A_18] : memref<2x327680xi32, #tpu.memory_space<hbm>> -> memref<2x128xi32, #tpu.memory_space<hbm>>
    %dma_wait3A_20 = arith.constant 0 : i32
    %dma_wait3A_21 = arith.constant 0 : i32
    %dma_wait3A_22 = tpu.memref_slice %arg2[%dma_wait3A_20, %dma_wait3A_21] : memref<2x327680xi32, #tpu.memory_space<hbm>> -> memref<2x128xi32, #tpu.memory_space<hbm>>
    tpu.wait_dma2 semaphore(%arg13 : memref<!tpu.dma_semaphore, #tpu.memory_space<semaphore_mem>>) src(%dma_wait3A_22 : memref<2x128xi32, #tpu.memory_space<hbm>>) dst(%arg6 : memref<2x128xi32, #tpu.memory_space<vmem>>)
    %dma_start3A_23 = arith.constant 0 : i32
    %dma_start3A_24 = arith.constant 0 : i32
    %dma_start3A_25 = tpu.memref_slice %arg6[%dma_start3A_23, %dma_start3A_24] : memref<2x128xi32, #tpu.memory_space<vmem>> -> memref<1x128xi32, #tpu.memory_space<vmem>>
    %dma_start3A_26 = tpu.memref_squeeze %dma_start3A_25 : memref<1x128xi32, #tpu.memory_space<vmem>> -> memref<128xi32, #tpu.memory_space<vmem>>
    %dma_start3A_27 = arith.constant 0 : i32
    %dma_start3A_28 = arith.constant 0 : i32
    %dma_start3A_29 = tpu.memref_slice %arg3[%dma_start3A_27, %dma_start3A_28] : memref<10000x128xf32, #tpu.memory_space<hbm>> -> memref<10000x128xf32, #tpu.memory_space<hbm>>
    tpu.enqueue_indirect_dma source(%dma_start3A_29 : memref<10000x128xf32, #tpu.memory_space<hbm>>) target(%arg10 : memref<128x128xf32, #tpu.memory_space<vmem>>) offsets(%dma_start3A_26 : memref<128xi32, #tpu.memory_space<vmem>>) semaphore(%arg17 : memref<!tpu.dma_semaphore, #tpu.memory_space<semaphore_mem>>)
    %scan3A = arith.constant 0 : i32
    %scan3A_30 = arith.constant 0 : i32
    %scan3A_31 = arith.constant 20 : i32
    %scan3A_32 = arith.addi %scan3A_30, %scan3A_31 : i32
    %scan3A_33 = arith.constant 1 : i32
    scf.for %scan3A_54 = %scan3A_30 to %scan3A_32 step %scan3A_33  : i32 {
      %dma_wait3A_55 = arith.constant 0 : i32
      %dma_wait3A_56 = arith.constant 0 : i32
      %dma_wait3A_57 = tpu.memref_slice %arg6[%dma_wait3A_55, %dma_wait3A_56] : memref<2x128xi32, #tpu.memory_space<vmem>> -> memref<1x128xi32, #tpu.memory_space<vmem>>
      %dma_wait3A_58 = tpu.memref_squeeze %dma_wait3A_57 : memref<1x128xi32, #tpu.memory_space<vmem>> -> memref<128xi32, #tpu.memory_space<vmem>>
      %dma_wait3A_59 = arith.constant 0 : i32
      %dma_wait3A_60 = arith.constant 0 : i32
      %dma_wait3A_61 = tpu.memref_slice %arg3[%dma_wait3A_59, %dma_wait3A_60] : memref<10000x128xf32, #tpu.memory_space<hbm>> -> memref<10000x128xf32, #tpu.memory_space<hbm>>
      tpu.wait_indirect_dma semaphore(%arg17 : memref<!tpu.dma_semaphore, #tpu.memory_space<semaphore_mem>>) src(%dma_wait3A_61 : memref<10000x128xf32, #tpu.memory_space<hbm>>) dst(%arg10 : memref<128x128xf32, #tpu.memory_space<vmem>>)
      %dma_start3A_62 = arith.constant 1 : i32
      %dma_start3A_63 = arith.constant 0 : i32
      %dma_start3A_64 = tpu.memref_slice %arg6[%dma_start3A_62, %dma_start3A_63] : memref<2x128xi32, #tpu.memory_space<vmem>> -> memref<1x128xi32, #tpu.memory_space<vmem>>
      %dma_start3A_65 = tpu.memref_squeeze %dma_start3A_64 : memref<1x128xi32, #tpu.memory_space<vmem>> -> memref<128xi32, #tpu.memory_space<vmem>>
      %dma_start3A_66 = arith.constant 0 : i32
      %dma_start3A_67 = arith.constant 0 : i32
      %dma_start3A_68 = tpu.memref_slice %arg12[%dma_start3A_66, %dma_start3A_67] : memref<10112x128xf32, #tpu.memory_space<vmem_shared>> -> memref<10112x128xf32, #tpu.memory_space<vmem_shared>>
      tpu.enqueue_indirect_dma source(%arg10 : memref<128x128xf32, #tpu.memory_space<vmem>>) target(%dma_start3A_68 : memref<10112x128xf32, #tpu.memory_space<vmem_shared>>) offsets(%dma_start3A_65 : memref<128xi32, #tpu.memory_space<vmem>>) semaphore(%arg19 : memref<!tpu.dma_semaphore, #tpu.memory_space<semaphore_mem>>) {add = true}
      %dma_wait3A_69 = arith.constant 0 : i32
      %dma_wait3A_70 = arith.constant 0 : i32
      %dma_wait3A_71 = tpu.memref_slice %arg2[%dma_wait3A_69, %dma_wait3A_70] : memref<2x327680xi32, #tpu.memory_space<hbm>> -> memref<2x128xi32, #tpu.memory_space<hbm>>
      %dma_wait3A_72 = arith.constant 0 : i32
      %dma_wait3A_73 = arith.constant 0 : i32
      %dma_wait3A_74 = tpu.memref_slice %arg2[%dma_wait3A_72, %dma_wait3A_73] : memref<2x327680xi32, #tpu.memory_space<hbm>> -> memref<2x128xi32, #tpu.memory_space<hbm>>
      tpu.wait_dma2 semaphore(%arg14 : memref<!tpu.dma_semaphore, #tpu.memory_space<semaphore_mem>>) src(%dma_wait3A_74 : memref<2x128xi32, #tpu.memory_space<hbm>>) dst(%arg7 : memref<2x128xi32, #tpu.memory_space<vmem>>)
      %ge3A = arith.constant 1 : i32
      %ge3A_75 = arith.cmpi sge, %scan3A_54, %ge3A : i32
      %convert_element_type3A = arith.extui %ge3A_75 : i1 to i32
      %cond3A = arith.constant 0 : i32
      %cond3A_76 = arith.cmpi ne, %convert_element_type3A, %cond3A : i32
      scf.if %cond3A_76 {
        %dma_wait3A_206 = arith.constant 1 : i32
        %dma_wait3A_207 = arith.constant 0 : i32
        %dma_wait3A_208 = tpu.memref_slice %arg6[%dma_wait3A_206, %dma_wait3A_207] : memref<2x128xi32, #tpu.memory_space<vmem>> -> memref<1x128xi32, #tpu.memory_space<vmem>>
        %dma_wait3A_209 = tpu.memref_squeeze %dma_wait3A_208 : memref<1x128xi32, #tpu.memory_space<vmem>> -> memref<128xi32, #tpu.memory_space<vmem>>
        %dma_wait3A_210 = arith.constant 0 : i32
        %dma_wait3A_211 = arith.constant 0 : i32
        %dma_wait3A_212 = tpu.memref_slice %arg12[%dma_wait3A_210, %dma_wait3A_211] : memref<10112x128xf32, #tpu.memory_space<vmem_shared>> -> memref<10112x128xf32, #tpu.memory_space<vmem_shared>>
        tpu.wait_indirect_dma semaphore(%arg20 : memref<!tpu.dma_semaphore, #tpu.memory_space<semaphore_mem>>) src(%arg11 : memref<128x128xf32, #tpu.memory_space<vmem>>) dst(%dma_wait3A_212 : memref<10112x128xf32, #tpu.memory_space<vmem_shared>>)
      } else {
      }
      %dma_start3A_77 = arith.constant 0 : i32
      %dma_start3A_78 = arith.constant 0 : i32
      %dma_start3A_79 = tpu.memref_slice %arg7[%dma_start3A_77, %dma_start3A_78] : memref<2x128xi32, #tpu.memory_space<vmem>> -> memref<1x128xi32, #tpu.memory_space<vmem>>
      %dma_start3A_80 = tpu.memref_squeeze %dma_start3A_79 : memref<1x128xi32, #tpu.memory_space<vmem>> -> memref<128xi32, #tpu.memory_space<vmem>>
      %dma_start3A_81 = arith.constant 0 : i32
      %dma_start3A_82 = arith.constant 0 : i32
      %dma_start3A_83 = tpu.memref_slice %arg3[%dma_start3A_81, %dma_start3A_82] : memref<10000x128xf32, #tpu.memory_space<hbm>> -> memref<10000x128xf32, #tpu.memory_space<hbm>>
      tpu.enqueue_indirect_dma source(%dma_start3A_83 : memref<10000x128xf32, #tpu.memory_space<hbm>>) target(%arg11 : memref<128x128xf32, #tpu.memory_space<vmem>>) offsets(%dma_start3A_80 : memref<128xi32, #tpu.memory_space<vmem>>) semaphore(%arg18 : memref<!tpu.dma_semaphore, #tpu.memory_space<semaphore_mem>>)
      %mul3A_84 = arith.constant 4 : i32
      %mul3A_85 = arith.muli %mul3A_84, %scan3A_54 : i32
      %add3A_86 = arith.constant 0 : i32
      %add3A_87 = arith.addi %mul3A_85, %add3A_86 : i32
      %add3A_88 = arith.constant 2 : i32
      %add3A_89 = arith.addi %add3A_87, %add3A_88 : i32
      %mul3A_90 = arith.constant 128 : i32
      %mul3A_91 = arith.muli %add3A_89, %mul3A_90 : i32
      %add3A_92 = arith.addi %mul3A_6, %mul3A_91 : i32
      %dma_start3A_93 = arith.constant 0 : i32
      %dma_start3A_94 = tpu.memref_slice %arg2[%dma_start3A_93, %add3A_92] : memref<2x327680xi32, #tpu.memory_space<hbm>> -> memref<2x128xi32, #tpu.memory_space<hbm>>
      %dma_start3A_95 = arith.constant 0 : i32
      %dma_start3A_96 = tpu.memref_slice %arg2[%dma_start3A_95, %add3A_92] : memref<2x327680xi32, #tpu.memory_space<hbm>> -> memref<2x128xi32, #tpu.memory_space<hbm>>
      tpu.enqueue_dma source(%dma_start3A_96 : memref<2x128xi32, #tpu.memory_space<hbm>>) target(%arg8 : memref<2x128xi32, #tpu.memory_space<vmem>>) target_semaphore(%arg15 : memref<!tpu.dma_semaphore, #tpu.memory_space<semaphore_mem>>)
      %dma_wait3A_97 = arith.constant 0 : i32
      %dma_wait3A_98 = arith.constant 0 : i32
      %dma_wait3A_99 = tpu.memref_slice %arg6[%dma_wait3A_97, %dma_wait3A_98] : memref<2x128xi32, #tpu.memory_space<vmem>> -> memref<1x128xi32, #tpu.memory_space<vmem>>
      %dma_wait3A_100 = tpu.memref_squeeze %dma_wait3A_99 : memref<1x128xi32, #tpu.memory_space<vmem>> -> memref<128xi32, #tpu.memory_space<vmem>>
      %dma_wait3A_101 = arith.constant 0 : i32
      %dma_wait3A_102 = arith.constant 0 : i32
      %dma_wait3A_103 = tpu.memref_slice %arg3[%dma_wait3A_101, %dma_wait3A_102] : memref<10000x128xf32, #tpu.memory_space<hbm>> -> memref<10000x128xf32, #tpu.memory_space<hbm>>
      tpu.wait_indirect_dma semaphore(%arg18 : memref<!tpu.dma_semaphore, #tpu.memory_space<semaphore_mem>>) src(%dma_wait3A_103 : memref<10000x128xf32, #tpu.memory_space<hbm>>) dst(%arg11 : memref<128x128xf32, #tpu.memory_space<vmem>>)
      %dma_start3A_104 = arith.constant 1 : i32
      %dma_start3A_105 = arith.constant 0 : i32
      %dma_start3A_106 = tpu.memref_slice %arg7[%dma_start3A_104, %dma_start3A_105] : memref<2x128xi32, #tpu.memory_space<vmem>> -> memref<1x128xi32, #tpu.memory_space<vmem>>
      %dma_start3A_107 = tpu.memref_squeeze %dma_start3A_106 : memref<1x128xi32, #tpu.memory_space<vmem>> -> memref<128xi32, #tpu.memory_space<vmem>>
      %dma_start3A_108 = arith.constant 0 : i32
      %dma_start3A_109 = arith.constant 0 : i32
      %dma_start3A_110 = tpu.memref_slice %arg12[%dma_start3A_108, %dma_start3A_109] : memref<10112x128xf32, #tpu.memory_space<vmem_shared>> -> memref<10112x128xf32, #tpu.memory_space<vmem_shared>>
      tpu.enqueue_indirect_dma source(%arg11 : memref<128x128xf32, #tpu.memory_space<vmem>>) target(%dma_start3A_110 : memref<10112x128xf32, #tpu.memory_space<vmem_shared>>) offsets(%dma_start3A_107 : memref<128xi32, #tpu.memory_space<vmem>>) semaphore(%arg20 : memref<!tpu.dma_semaphore, #tpu.memory_space<semaphore_mem>>) {add = true}
      %dma_wait3A_111 = arith.constant 0 : i32
      %dma_wait3A_112 = arith.constant 0 : i32
      %dma_wait3A_113 = tpu.memref_slice %arg2[%dma_wait3A_111, %dma_wait3A_112] : memref<2x327680xi32, #tpu.memory_space<hbm>> -> memref<2x128xi32, #tpu.memory_space<hbm>>
      %dma_wait3A_114 = arith.constant 0 : i32
      %dma_wait3A_115 = arith.constant 0 : i32
      %dma_wait3A_116 = tpu.memref_slice %arg2[%dma_wait3A_114, %dma_wait3A_115] : memref<2x327680xi32, #tpu.memory_space<hbm>> -> memref<2x128xi32, #tpu.memory_space<hbm>>
      tpu.wait_dma2 semaphore(%arg15 : memref<!tpu.dma_semaphore, #tpu.memory_space<semaphore_mem>>) src(%dma_wait3A_116 : memref<2x128xi32, #tpu.memory_space<hbm>>) dst(%arg8 : memref<2x128xi32, #tpu.memory_space<vmem>>)
      %dma_wait3A_117 = arith.constant 1 : i32
      %dma_wait3A_118 = arith.constant 0 : i32
      %dma_wait3A_119 = tpu.memref_slice %arg6[%dma_wait3A_117, %dma_wait3A_118] : memref<2x128xi32, #tpu.memory_space<vmem>> -> memref<1x128xi32, #tpu.memory_space<vmem>>
      %dma_wait3A_120 = tpu.memref_squeeze %dma_wait3A_119 : memref<1x128xi32, #tpu.memory_space<vmem>> -> memref<128xi32, #tpu.memory_space<vmem>>
      %dma_wait3A_121 = arith.constant 0 : i32
      %dma_wait3A_122 = arith.constant 0 : i32
      %dma_wait3A_123 = tpu.memref_slice %arg12[%dma_wait3A_121, %dma_wait3A_122] : memref<10112x128xf32, #tpu.memory_space<vmem_shared>> -> memref<10112x128xf32, #tpu.memory_space<vmem_shared>>
      tpu.wait_indirect_dma semaphore(%arg19 : memref<!tpu.dma_semaphore, #tpu.memory_space<semaphore_mem>>) src(%arg10 : memref<128x128xf32, #tpu.memory_space<vmem>>) dst(%dma_wait3A_123 : memref<10112x128xf32, #tpu.memory_space<vmem_shared>>)
      %dma_start3A_124 = arith.constant 0 : i32
      %dma_start3A_125 = arith.constant 0 : i32
      %dma_start3A_126 = tpu.memref_slice %arg8[%dma_start3A_124, %dma_start3A_125] : memref<2x128xi32, #tpu.memory_space<vmem>> -> memref<1x128xi32, #tpu.memory_space<vmem>>
      %dma_start3A_127 = tpu.memref_squeeze %dma_start3A_126 : memref<1x128xi32, #tpu.memory_space<vmem>> -> memref<128xi32, #tpu.memory_space<vmem>>
      %dma_start3A_128 = arith.constant 0 : i32
      %dma_start3A_129 = arith.constant 0 : i32
      %dma_start3A_130 = tpu.memref_slice %arg3[%dma_start3A_128, %dma_start3A_129] : memref<10000x128xf32, #tpu.memory_space<hbm>> -> memref<10000x128xf32, #tpu.memory_space<hbm>>
      tpu.enqueue_indirect_dma source(%dma_start3A_130 : memref<10000x128xf32, #tpu.memory_space<hbm>>) target(%arg10 : memref<128x128xf32, #tpu.memory_space<vmem>>) offsets(%dma_start3A_127 : memref<128xi32, #tpu.memory_space<vmem>>) semaphore(%arg17 : memref<!tpu.dma_semaphore, #tpu.memory_space<semaphore_mem>>)
      %mul3A_131 = arith.constant 4 : i32
      %mul3A_132 = arith.muli %mul3A_131, %scan3A_54 : i32
      %add3A_133 = arith.constant 1 : i32
      %add3A_134 = arith.addi %mul3A_132, %add3A_133 : i32
      %add3A_135 = arith.constant 2 : i32
      %add3A_136 = arith.addi %add3A_134, %add3A_135 : i32
      %mul3A_137 = arith.constant 128 : i32
      %mul3A_138 = arith.muli %add3A_136, %mul3A_137 : i32
      %add3A_139 = arith.addi %mul3A_6, %mul3A_138 : i32
      %dma_start3A_140 = arith.constant 0 : i32
      %dma_start3A_141 = tpu.memref_slice %arg2[%dma_start3A_140, %add3A_139] : memref<2x327680xi32, #tpu.memory_space<hbm>> -> memref<2x128xi32, #tpu.memory_space<hbm>>
      %dma_start3A_142 = arith.constant 0 : i32
      %dma_start3A_143 = tpu.memref_slice %arg2[%dma_start3A_142, %add3A_139] : memref<2x327680xi32, #tpu.memory_space<hbm>> -> memref<2x128xi32, #tpu.memory_space<hbm>>
      tpu.enqueue_dma source(%dma_start3A_143 : memref<2x128xi32, #tpu.memory_space<hbm>>) target(%arg9 : memref<2x128xi32, #tpu.memory_space<vmem>>) target_semaphore(%arg16 : memref<!tpu.dma_semaphore, #tpu.memory_space<semaphore_mem>>)
      %dma_wait3A_144 = arith.constant 0 : i32
      %dma_wait3A_145 = arith.constant 0 : i32
      %dma_wait3A_146 = tpu.memref_slice %arg6[%dma_wait3A_144, %dma_wait3A_145] : memref<2x128xi32, #tpu.memory_space<vmem>> -> memref<1x128xi32, #tpu.memory_space<vmem>>
      %dma_wait3A_147 = tpu.memref_squeeze %dma_wait3A_146 : memref<1x128xi32, #tpu.memory_space<vmem>> -> memref<128xi32, #tpu.memory_space<vmem>>
      %dma_wait3A_148 = arith.constant 0 : i32
      %dma_wait3A_149 = arith.constant 0 : i32
      %dma_wait3A_150 = tpu.memref_slice %arg3[%dma_wait3A_148, %dma_wait3A_149] : memref<10000x128xf32, #tpu.memory_space<hbm>> -> memref<10000x128xf32, #tpu.memory_space<hbm>>
      tpu.wait_indirect_dma semaphore(%arg17 : memref<!tpu.dma_semaphore, #tpu.memory_space<semaphore_mem>>) src(%dma_wait3A_150 : memref<10000x128xf32, #tpu.memory_space<hbm>>) dst(%arg10 : memref<128x128xf32, #tpu.memory_space<vmem>>)
      %dma_start3A_151 = arith.constant 1 : i32
      %dma_start3A_152 = arith.constant 0 : i32
      %dma_start3A_153 = tpu.memref_slice %arg8[%dma_start3A_151, %dma_start3A_152] : memref<2x128xi32, #tpu.memory_space<vmem>> -> memref<1x128xi32, #tpu.memory_space<vmem>>
      %dma_start3A_154 = tpu.memref_squeeze %dma_start3A_153 : memref<1x128xi32, #tpu.memory_space<vmem>> -> memref<128xi32, #tpu.memory_space<vmem>>
      %dma_start3A_155 = arith.constant 0 : i32
      %dma_start3A_156 = arith.constant 0 : i32
      %dma_start3A_157 = tpu.memref_slice %arg12[%dma_start3A_155, %dma_start3A_156] : memref<10112x128xf32, #tpu.memory_space<vmem_shared>> -> memref<10112x128xf32, #tpu.memory_space<vmem_shared>>
      tpu.enqueue_indirect_dma source(%arg10 : memref<128x128xf32, #tpu.memory_space<vmem>>) target(%dma_start3A_157 : memref<10112x128xf32, #tpu.memory_space<vmem_shared>>) offsets(%dma_start3A_154 : memref<128xi32, #tpu.memory_space<vmem>>) semaphore(%arg19 : memref<!tpu.dma_semaphore, #tpu.memory_space<semaphore_mem>>) {add = true}
      %dma_wait3A_158 = arith.constant 0 : i32
      %dma_wait3A_159 = arith.constant 0 : i32
      %dma_wait3A_160 = tpu.memref_slice %arg2[%dma_wait3A_158, %dma_wait3A_159] : memref<2x327680xi32, #tpu.memory_space<hbm>> -> memref<2x128xi32, #tpu.memory_space<hbm>>
      %dma_wait3A_161 = arith.constant 0 : i32
      %dma_wait3A_162 = arith.constant 0 : i32
      %dma_wait3A_163 = tpu.memref_slice %arg2[%dma_wait3A_161, %dma_wait3A_162] : memref<2x327680xi32, #tpu.memory_space<hbm>> -> memref<2x128xi32, #tpu.memory_space<hbm>>
      tpu.wait_dma2 semaphore(%arg16 : memref<!tpu.dma_semaphore, #tpu.memory_space<semaphore_mem>>) src(%dma_wait3A_163 : memref<2x128xi32, #tpu.memory_space<hbm>>) dst(%arg9 : memref<2x128xi32, #tpu.memory_space<vmem>>)
      %dma_wait3A_164 = arith.constant 1 : i32
      %dma_wait3A_165 = arith.constant 0 : i32
      %dma_wait3A_166 = tpu.memref_slice %arg6[%dma_wait3A_164, %dma_wait3A_165] : memref<2x128xi32, #tpu.memory_space<vmem>> -> memref<1x128xi32, #tpu.memory_space<vmem>>
      %dma_wait3A_167 = tpu.memref_squeeze %dma_wait3A_166 : memref<1x128xi32, #tpu.memory_space<vmem>> -> memref<128xi32, #tpu.memory_space<vmem>>
      %dma_wait3A_168 = arith.constant 0 : i32
      %dma_wait3A_169 = arith.constant 0 : i32
      %dma_wait3A_170 = tpu.memref_slice %arg12[%dma_wait3A_168, %dma_wait3A_169] : memref<10112x128xf32, #tpu.memory_space<vmem_shared>> -> memref<10112x128xf32, #tpu.memory_space<vmem_shared>>
      tpu.wait_indirect_dma semaphore(%arg20 : memref<!tpu.dma_semaphore, #tpu.memory_space<semaphore_mem>>) src(%arg11 : memref<128x128xf32, #tpu.memory_space<vmem>>) dst(%dma_wait3A_170 : memref<10112x128xf32, #tpu.memory_space<vmem_shared>>)
      %dma_start3A_171 = arith.constant 0 : i32
      %dma_start3A_172 = arith.constant 0 : i32
      %dma_start3A_173 = tpu.memref_slice %arg9[%dma_start3A_171, %dma_start3A_172] : memref<2x128xi32, #tpu.memory_space<vmem>> -> memref<1x128xi32, #tpu.memory_space<vmem>>
      %dma_start3A_174 = tpu.memref_squeeze %dma_start3A_173 : memref<1x128xi32, #tpu.memory_space<vmem>> -> memref<128xi32, #tpu.memory_space<vmem>>
      %dma_start3A_175 = arith.constant 0 : i32
      %dma_start3A_176 = arith.constant 0 : i32
      %dma_start3A_177 = tpu.memref_slice %arg3[%dma_start3A_175, %dma_start3A_176] : memref<10000x128xf32, #tpu.memory_space<hbm>> -> memref<10000x128xf32, #tpu.memory_space<hbm>>
      tpu.enqueue_indirect_dma source(%dma_start3A_177 : memref<10000x128xf32, #tpu.memory_space<hbm>>) target(%arg11 : memref<128x128xf32, #tpu.memory_space<vmem>>) offsets(%dma_start3A_174 : memref<128xi32, #tpu.memory_space<vmem>>) semaphore(%arg18 : memref<!tpu.dma_semaphore, #tpu.memory_space<semaphore_mem>>)
      %lt3A = arith.constant 19 : i32
      %lt3A_178 = arith.cmpi slt, %scan3A_54, %lt3A : i32
      %convert_element_type3A_179 = arith.extui %lt3A_178 : i1 to i32
      %cond3A_180 = arith.constant 0 : i32
      %cond3A_181 = arith.cmpi ne, %convert_element_type3A_179, %cond3A_180 : i32
      scf.if %cond3A_181 {
        %mul3A_206 = arith.constant 4 : i32
        %mul3A_207 = arith.muli %mul3A_206, %scan3A_54 : i32
        %add3A_208 = arith.constant 2 : i32
        %add3A_209 = arith.addi %mul3A_207, %add3A_208 : i32
        %add3A_210 = arith.constant 2 : i32
        %add3A_211 = arith.addi %add3A_209, %add3A_210 : i32
        %mul3A_212 = arith.constant 128 : i32
        %mul3A_213 = arith.muli %add3A_211, %mul3A_212 : i32
        %add3A_214 = arith.addi %mul3A_6, %mul3A_213 : i32
        %dma_start3A_215 = arith.constant 0 : i32
        %dma_start3A_216 = tpu.memref_slice %arg2[%dma_start3A_215, %add3A_214] : memref<2x327680xi32, #tpu.memory_space<hbm>> -> memref<2x128xi32, #tpu.memory_space<hbm>>
        %dma_start3A_217 = arith.constant 0 : i32
        %dma_start3A_218 = tpu.memref_slice %arg2[%dma_start3A_217, %add3A_214] : memref<2x327680xi32, #tpu.memory_space<hbm>> -> memref<2x128xi32, #tpu.memory_space<hbm>>
        tpu.enqueue_dma source(%dma_start3A_218 : memref<2x128xi32, #tpu.memory_space<hbm>>) target(%arg6 : memref<2x128xi32, #tpu.memory_space<vmem>>) target_semaphore(%arg13 : memref<!tpu.dma_semaphore, #tpu.memory_space<semaphore_mem>>)
      } else {
      }
      %dma_wait3A_182 = arith.constant 0 : i32
      %dma_wait3A_183 = arith.constant 0 : i32
      %dma_wait3A_184 = tpu.memref_slice %arg6[%dma_wait3A_182, %dma_wait3A_183] : memref<2x128xi32, #tpu.memory_space<vmem>> -> memref<1x128xi32, #tpu.memory_space<vmem>>
      %dma_wait3A_185 = tpu.memref_squeeze %dma_wait3A_184 : memref<1x128xi32, #tpu.memory_space<vmem>> -> memref<128xi32, #tpu.memory_space<vmem>>
      %dma_wait3A_186 = arith.constant 0 : i32
      %dma_wait3A_187 = arith.constant 0 : i32
      %dma_wait3A_188 = tpu.memref_slice %arg3[%dma_wait3A_186, %dma_wait3A_187] : memref<10000x128xf32, #tpu.memory_space<hbm>> -> memref<10000x128xf32, #tpu.memory_space<hbm>>
      tpu.wait_indirect_dma semaphore(%arg18 : memref<!tpu.dma_semaphore, #tpu.memory_space<semaphore_mem>>) src(%dma_wait3A_188 : memref<10000x128xf32, #tpu.memory_space<hbm>>) dst(%arg11 : memref<128x128xf32, #tpu.memory_space<vmem>>)
      %dma_start3A_189 = arith.constant 1 : i32
      %dma_start3A_190 = arith.constant 0 : i32
      %dma_start3A_191 = tpu.memref_slice %arg9[%dma_start3A_189, %dma_start3A_190] : memref<2x128xi32, #tpu.memory_space<vmem>> -> memref<1x128xi32, #tpu.memory_space<vmem>>
      %dma_start3A_192 = tpu.memref_squeeze %dma_start3A_191 : memref<1x128xi32, #tpu.memory_space<vmem>> -> memref<128xi32, #tpu.memory_space<vmem>>
      %dma_start3A_193 = arith.constant 0 : i32
      %dma_start3A_194 = arith.constant 0 : i32
      %dma_start3A_195 = tpu.memref_slice %arg12[%dma_start3A_193, %dma_start3A_194] : memref<10112x128xf32, #tpu.memory_space<vmem_shared>> -> memref<10112x128xf32, #tpu.memory_space<vmem_shared>>
      tpu.enqueue_indirect_dma source(%arg11 : memref<128x128xf32, #tpu.memory_space<vmem>>) target(%dma_start3A_195 : memref<10112x128xf32, #tpu.memory_space<vmem_shared>>) offsets(%dma_start3A_192 : memref<128xi32, #tpu.memory_space<vmem>>) semaphore(%arg20 : memref<!tpu.dma_semaphore, #tpu.memory_space<semaphore_mem>>) {add = true}
      %lt3A_196 = arith.constant 19 : i32
      %lt3A_197 = arith.cmpi slt, %scan3A_54, %lt3A_196 : i32
      %convert_element_type3A_198 = arith.extui %lt3A_197 : i1 to i32
      %cond3A_199 = arith.constant 0 : i32
      %cond3A_200 = arith.cmpi ne, %convert_element_type3A_198, %cond3A_199 : i32
      scf.if %cond3A_200 {
        %dma_wait3A_206 = arith.constant 0 : i32
        %dma_wait3A_207 = arith.constant 0 : i32
        %dma_wait3A_208 = tpu.memref_slice %arg2[%dma_wait3A_206, %dma_wait3A_207] : memref<2x327680xi32, #tpu.memory_space<hbm>> -> memref<2x128xi32, #tpu.memory_space<hbm>>
        %dma_wait3A_209 = arith.constant 0 : i32
        %dma_wait3A_210 = arith.constant 0 : i32
        %dma_wait3A_211 = tpu.memref_slice %arg2[%dma_wait3A_209, %dma_wait3A_210] : memref<2x327680xi32, #tpu.memory_space<hbm>> -> memref<2x128xi32, #tpu.memory_space<hbm>>
        tpu.wait_dma2 semaphore(%arg13 : memref<!tpu.dma_semaphore, #tpu.memory_space<semaphore_mem>>) src(%dma_wait3A_211 : memref<2x128xi32, #tpu.memory_space<hbm>>) dst(%arg6 : memref<2x128xi32, #tpu.memory_space<vmem>>)
        %dma_wait3A_212 = arith.constant 1 : i32
        %dma_wait3A_213 = arith.constant 0 : i32
        %dma_wait3A_214 = tpu.memref_slice %arg6[%dma_wait3A_212, %dma_wait3A_213] : memref<2x128xi32, #tpu.memory_space<vmem>> -> memref<1x128xi32, #tpu.memory_space<vmem>>
        %dma_wait3A_215 = tpu.memref_squeeze %dma_wait3A_214 : memref<1x128xi32, #tpu.memory_space<vmem>> -> memref<128xi32, #tpu.memory_space<vmem>>
        %dma_wait3A_216 = arith.constant 0 : i32
        %dma_wait3A_217 = arith.constant 0 : i32
        %dma_wait3A_218 = tpu.memref_slice %arg12[%dma_wait3A_216, %dma_wait3A_217] : memref<10112x128xf32, #tpu.memory_space<vmem_shared>> -> memref<10112x128xf32, #tpu.memory_space<vmem_shared>>
        tpu.wait_indirect_dma semaphore(%arg19 : memref<!tpu.dma_semaphore, #tpu.memory_space<semaphore_mem>>) src(%arg10 : memref<128x128xf32, #tpu.memory_space<vmem>>) dst(%dma_wait3A_218 : memref<10112x128xf32, #tpu.memory_space<vmem_shared>>)
        %dma_start3A_219 = arith.constant 0 : i32
        %dma_start3A_220 = arith.constant 0 : i32
        %dma_start3A_221 = tpu.memref_slice %arg6[%dma_start3A_219, %dma_start3A_220] : memref<2x128xi32, #tpu.memory_space<vmem>> -> memref<1x128xi32, #tpu.memory_space<vmem>>
        %dma_start3A_222 = tpu.memref_squeeze %dma_start3A_221 : memref<1x128xi32, #tpu.memory_space<vmem>> -> memref<128xi32, #tpu.memory_space<vmem>>
        %dma_start3A_223 = arith.constant 0 : i32
        %dma_start3A_224 = arith.constant 0 : i32
        %dma_start3A_225 = tpu.memref_slice %arg3[%dma_start3A_223, %dma_start3A_224] : memref<10000x128xf32, #tpu.memory_space<hbm>> -> memref<10000x128xf32, #tpu.memory_space<hbm>>
        tpu.enqueue_indirect_dma source(%dma_start3A_225 : memref<10000x128xf32, #tpu.memory_space<hbm>>) target(%arg10 : memref<128x128xf32, #tpu.memory_space<vmem>>) offsets(%dma_start3A_222 : memref<128xi32, #tpu.memory_space<vmem>>) semaphore(%arg17 : memref<!tpu.dma_semaphore, #tpu.memory_space<semaphore_mem>>)
      } else {
      }
      %lt3A_201 = arith.constant 19 : i32
      %lt3A_202 = arith.cmpi slt, %scan3A_54, %lt3A_201 : i32
      %convert_element_type3A_203 = arith.extui %lt3A_202 : i1 to i32
      %cond3A_204 = arith.constant 0 : i32
      %cond3A_205 = arith.cmpi ne, %convert_element_type3A_203, %cond3A_204 : i32
      scf.if %cond3A_205 {
        %mul3A_206 = arith.constant 4 : i32
        %mul3A_207 = arith.muli %mul3A_206, %scan3A_54 : i32
        %add3A_208 = arith.constant 3 : i32
        %add3A_209 = arith.addi %mul3A_207, %add3A_208 : i32
        %add3A_210 = arith.constant 2 : i32
        %add3A_211 = arith.addi %add3A_209, %add3A_210 : i32
        %mul3A_212 = arith.constant 128 : i32
        %mul3A_213 = arith.muli %add3A_211, %mul3A_212 : i32
        %add3A_214 = arith.addi %mul3A_6, %mul3A_213 : i32
        %dma_start3A_215 = arith.constant 0 : i32
        %dma_start3A_216 = tpu.memref_slice %arg2[%dma_start3A_215, %add3A_214] : memref<2x327680xi32, #tpu.memory_space<hbm>> -> memref<2x128xi32, #tpu.memory_space<hbm>>
        %dma_start3A_217 = arith.constant 0 : i32
        %dma_start3A_218 = tpu.memref_slice %arg2[%dma_start3A_217, %add3A_214] : memref<2x327680xi32, #tpu.memory_space<hbm>> -> memref<2x128xi32, #tpu.memory_space<hbm>>
        tpu.enqueue_dma source(%dma_start3A_218 : memref<2x128xi32, #tpu.memory_space<hbm>>) target(%arg7 : memref<2x128xi32, #tpu.memory_space<vmem>>) target_semaphore(%arg14 : memref<!tpu.dma_semaphore, #tpu.memory_space<semaphore_mem>>)
      } else {
      }
    }
    %scan3A_34 = arith.constant 20 : i32
    %dma_wait3A_35 = arith.constant 1 : i32
    %dma_wait3A_36 = arith.constant 0 : i32
    %dma_wait3A_37 = tpu.memref_slice %arg6[%dma_wait3A_35, %dma_wait3A_36] : memref<2x128xi32, #tpu.memory_space<vmem>> -> memref<1x128xi32, #tpu.memory_space<vmem>>
    %dma_wait3A_38 = tpu.memref_squeeze %dma_wait3A_37 : memref<1x128xi32, #tpu.memory_space<vmem>> -> memref<128xi32, #tpu.memory_space<vmem>>
    %dma_wait3A_39 = arith.constant 0 : i32
    %dma_wait3A_40 = arith.constant 0 : i32
    %dma_wait3A_41 = tpu.memref_slice %arg12[%dma_wait3A_39, %dma_wait3A_40] : memref<10112x128xf32, #tpu.memory_space<vmem_shared>> -> memref<10112x128xf32, #tpu.memory_space<vmem_shared>>
    tpu.wait_indirect_dma semaphore(%arg19 : memref<!tpu.dma_semaphore, #tpu.memory_space<semaphore_mem>>) src(%arg10 : memref<128x128xf32, #tpu.memory_space<vmem>>) dst(%dma_wait3A_41 : memref<10112x128xf32, #tpu.memory_space<vmem_shared>>)
    %dma_wait3A_42 = arith.constant 1 : i32
    %dma_wait3A_43 = arith.constant 0 : i32
    %dma_wait3A_44 = tpu.memref_slice %arg6[%dma_wait3A_42, %dma_wait3A_43] : memref<2x128xi32, #tpu.memory_space<vmem>> -> memref<1x128xi32, #tpu.memory_space<vmem>>
    %dma_wait3A_45 = tpu.memref_squeeze %dma_wait3A_44 : memref<1x128xi32, #tpu.memory_space<vmem>> -> memref<128xi32, #tpu.memory_space<vmem>>
    %dma_wait3A_46 = arith.constant 0 : i32
    %dma_wait3A_47 = arith.constant 0 : i32
    %dma_wait3A_48 = tpu.memref_slice %arg12[%dma_wait3A_46, %dma_wait3A_47] : memref<10112x128xf32, #tpu.memory_space<vmem_shared>> -> memref<10112x128xf32, #tpu.memory_space<vmem_shared>>
    tpu.wait_indirect_dma semaphore(%arg20 : memref<!tpu.dma_semaphore, #tpu.memory_space<semaphore_mem>>) src(%arg11 : memref<128x128xf32, #tpu.memory_space<vmem>>) dst(%dma_wait3A_48 : memref<10112x128xf32, #tpu.memory_space<vmem_shared>>)
    %barrier3A_49 = arith.constant 0 : index
    tpu.barrier barrier_id(%barrier3A_49)
    %mul3A_50 = arith.constant 632 : i32
    %mul3A_51 = arith.muli %arg1, %mul3A_50 : i32
    %mul3A_52 = arith.constant 632 : i32
    %mul3A_53 = arith.muli %arg1, %mul3A_52 : i32
    "tpu.region"() ({
      %run_scoped3A = tpu.sem_alloc : memref<!tpu.dma_semaphore, #tpu.memory_space<semaphore_mem>>
      %dma_start3A_54 = arith.constant 0 : i32
      %dma_start3A_55 = tpu.memref_slice %arg5[%arg0, %mul3A_53, %dma_start3A_54] : memref<2x10112x128xf32, #tpu.memory_space<hbm>> -> memref<1x632x128xf32, #tpu.memory_space<hbm>>
      %dma_start3A_56 = tpu.memref_squeeze %dma_start3A_55 : memref<1x632x128xf32, #tpu.memory_space<hbm>> -> memref<632x128xf32, #tpu.memory_space<hbm>>
      %dma_start3A_57 = arith.constant 0 : i32
      %dma_start3A_58 = tpu.memref_slice %arg12[%mul3A_51, %dma_start3A_57] : memref<10112x128xf32, #tpu.memory_space<vmem_shared>> -> memref<632x128xf32, #tpu.memory_space<vmem_shared>>
      tpu.enqueue_dma source(%dma_start3A_58 : memref<632x128xf32, #tpu.memory_space<vmem_shared>>) target(%dma_start3A_56 : memref<632x128xf32, #tpu.memory_space<hbm>>) target_semaphore(%run_scoped3A : memref<!tpu.dma_semaphore, #tpu.memory_space<semaphore_mem>>)
      %dma_wait3A_59 = arith.constant 0 : i32
      %dma_wait3A_60 = tpu.memref_slice %arg5[%arg0, %mul3A_53, %dma_wait3A_59] : memref<2x10112x128xf32, #tpu.memory_space<hbm>> -> memref<1x632x128xf32, #tpu.memory_space<hbm>>
      %dma_wait3A_61 = tpu.memref_squeeze %dma_wait3A_60 : memref<1x632x128xf32, #tpu.memory_space<hbm>> -> memref<632x128xf32, #tpu.memory_space<hbm>>
      %dma_wait3A_62 = arith.constant 0 : i32
      %dma_wait3A_63 = tpu.memref_slice %arg12[%mul3A_51, %dma_wait3A_62] : memref<10112x128xf32, #tpu.memory_space<vmem_shared>> -> memref<632x128xf32, #tpu.memory_space<vmem_shared>>
      tpu.wait_dma2 semaphore(%run_scoped3A : memref<!tpu.dma_semaphore, #tpu.memory_space<semaphore_mem>>) src(%dma_wait3A_63 : memref<632x128xf32, #tpu.memory_space<vmem_shared>>) dst(%dma_wait3A_61 : memref<632x128xf32, #tpu.memory_space<hbm>>)
      tpu.yield
    }) : () -> ()
    return
  }
}

#map = affine_map<(d0, d1) -> (0, 0)>
#map1 = affine_map<(d0, d1) -> (0, 0, 0)>
module attributes {stable_mosaic.version = 14 : i64} {
  func.func @_as_body(%arg0: i32, %arg1: i32, %arg2: memref<2x327680xi32, #tpu.memory_space<hbm>>, %arg3: memref<32x16xi32, #tpu.memory_space<hbm>>, %arg4: memref<20000x128xf32, #tpu.memory_space<hbm>>, %arg5: memref<10112x128xf32, #tpu.memory_space<hbm>>, %arg6: memref<2x10112x128xf32, #tpu.memory_space<hbm>>, %arg7: memref<2x128xi32, #tpu.memory_space<vmem>>, %arg8: memref<128xi32, #tpu.memory_space<vmem>>, %arg9: memref<128xi32, #tpu.memory_space<vmem>>, %arg10: memref<128x128xf32, #tpu.memory_space<vmem>>, %arg11: memref<16xi32, #tpu.memory_space<vmem>>, %arg12: memref<10112x128xf32, #tpu.memory_space<vmem_shared>>, %arg13: memref<!tpu.dma_semaphore, #tpu.memory_space<semaphore_mem>>) attributes {dimension_semantics = [#tpu.dimension_semantics<core_parallel>, #tpu.dimension_semantics<subcore_parallel>], iteration_bounds = array<i64: 2, 16>, scalar_prefetch = 0 : i64, scratch_operands = 7 : i64, tpu.core_type = #tpu.core_type<sc_vector_subcore>, window_params = [{transform_indices = #map}, {transform_indices = #map}, {transform_indices = #map}, {transform_indices = #map}, {transform_indices = #map1}]} {
    %mul3A = arith.constant 632 : i32
    %mul3A_0 = arith.muli %arg1, %mul3A : i32
    %mul3A_1 = arith.constant 632 : i32
    %mul3A_2 = arith.muli %arg1, %mul3A_1 : i32
    "tpu.region"() ({
      %run_scoped3A = tpu.sem_alloc : memref<!tpu.dma_semaphore, #tpu.memory_space<semaphore_mem>>
      %dma_start3A = arith.constant 0 : i32
      %dma_start3A_80 = tpu.memref_slice %arg12[%mul3A_2, %dma_start3A] : memref<10112x128xf32, #tpu.memory_space<vmem_shared>> -> memref<632x128xf32, #tpu.memory_space<vmem_shared>>
      %dma_start3A_81 = arith.constant 0 : i32
      %dma_start3A_82 = tpu.memref_slice %arg5[%mul3A_0, %dma_start3A_81] : memref<10112x128xf32, #tpu.memory_space<hbm>> -> memref<632x128xf32, #tpu.memory_space<hbm>>
      tpu.enqueue_dma source(%dma_start3A_82 : memref<632x128xf32, #tpu.memory_space<hbm>>) target(%dma_start3A_80 : memref<632x128xf32, #tpu.memory_space<vmem_shared>>) target_semaphore(%run_scoped3A : memref<!tpu.dma_semaphore, #tpu.memory_space<semaphore_mem>>)
      %dma_wait3A = arith.constant 0 : i32
      %dma_wait3A_83 = tpu.memref_slice %arg12[%mul3A_2, %dma_wait3A] : memref<10112x128xf32, #tpu.memory_space<vmem_shared>> -> memref<632x128xf32, #tpu.memory_space<vmem_shared>>
      %dma_wait3A_84 = arith.constant 0 : i32
      %dma_wait3A_85 = tpu.memref_slice %arg5[%mul3A_0, %dma_wait3A_84] : memref<10112x128xf32, #tpu.memory_space<hbm>> -> memref<632x128xf32, #tpu.memory_space<hbm>>
      tpu.wait_dma2 semaphore(%run_scoped3A : memref<!tpu.dma_semaphore, #tpu.memory_space<semaphore_mem>>) src(%dma_wait3A_85 : memref<632x128xf32, #tpu.memory_space<hbm>>) dst(%dma_wait3A_83 : memref<632x128xf32, #tpu.memory_space<vmem_shared>>)
      tpu.yield
    }) : () -> ()
    %barrier3A = arith.constant 0 : index
    tpu.barrier barrier_id(%barrier3A)
    %mul3A_3 = arith.constant 2 : i32
    %mul3A_4 = arith.muli %mul3A_3, %arg0 : i32
    %mul3A_5 = arith.constant 2500 : i32
    %mul3A_6 = arith.muli %mul3A_4, %mul3A_5 : i32
    %add3A = arith.constant 2500 : i32
    %add3A_7 = arith.addi %mul3A_6, %add3A : i32
    %add3A_8 = arith.constant 5000 : i32
    %add3A_9 = arith.addi %mul3A_6, %add3A_8 : i32
    %mul3A_10 = arith.constant 2 : i32
    %mul3A_11 = arith.muli %mul3A_10, %arg1 : i32
    %add3A_12 = arith.constant 0 : i32
    %add3A_13 = arith.addi %mul3A_11, %add3A_12 : i32
    "tpu.region"() ({
      %run_scoped3A = tpu.sem_alloc : memref<!tpu.dma_semaphore, #tpu.memory_space<semaphore_mem>>
      %dma_start3A = arith.constant 0 : i32
      %dma_start3A_80 = tpu.memref_slice %arg3[%add3A_13, %dma_start3A] : memref<32x16xi32, #tpu.memory_space<hbm>> -> memref<1x16xi32, #tpu.memory_space<hbm>>
      %dma_start3A_81 = tpu.memref_squeeze %dma_start3A_80 : memref<1x16xi32, #tpu.memory_space<hbm>> -> memref<16xi32, #tpu.memory_space<hbm>>
      %dma_start3A_82 = arith.constant 0 : i32
      %dma_start3A_83 = tpu.memref_slice %arg3[%add3A_13, %dma_start3A_82] : memref<32x16xi32, #tpu.memory_space<hbm>> -> memref<1x16xi32, #tpu.memory_space<hbm>>
      %dma_start3A_84 = tpu.memref_squeeze %dma_start3A_83 : memref<1x16xi32, #tpu.memory_space<hbm>> -> memref<16xi32, #tpu.memory_space<hbm>>
      tpu.enqueue_dma source(%dma_start3A_84 : memref<16xi32, #tpu.memory_space<hbm>>) target(%arg11 : memref<16xi32, #tpu.memory_space<vmem>>) target_semaphore(%run_scoped3A : memref<!tpu.dma_semaphore, #tpu.memory_space<semaphore_mem>>)
      %dma_wait3A = arith.constant 0 : i32
      %dma_wait3A_85 = tpu.memref_slice %arg3[%add3A_13, %dma_wait3A] : memref<32x16xi32, #tpu.memory_space<hbm>> -> memref<1x16xi32, #tpu.memory_space<hbm>>
      %dma_wait3A_86 = tpu.memref_squeeze %dma_wait3A_85 : memref<1x16xi32, #tpu.memory_space<hbm>> -> memref<16xi32, #tpu.memory_space<hbm>>
      %dma_wait3A_87 = arith.constant 0 : i32
      %dma_wait3A_88 = tpu.memref_slice %arg3[%add3A_13, %dma_wait3A_87] : memref<32x16xi32, #tpu.memory_space<hbm>> -> memref<1x16xi32, #tpu.memory_space<hbm>>
      %dma_wait3A_89 = tpu.memref_squeeze %dma_wait3A_88 : memref<1x16xi32, #tpu.memory_space<hbm>> -> memref<16xi32, #tpu.memory_space<hbm>>
      tpu.wait_dma2 semaphore(%run_scoped3A : memref<!tpu.dma_semaphore, #tpu.memory_space<semaphore_mem>>) src(%dma_wait3A_89 : memref<16xi32, #tpu.memory_space<hbm>>) dst(%arg11 : memref<16xi32, #tpu.memory_space<vmem>>)
      tpu.yield
    }) : () -> ()
    %get3A = arith.constant 0 : index
    %get3A_14 = tpu.vector_load %arg11[%get3A] {strides = array<i32>} : memref<16xi32, #tpu.memory_space<vmem>>, vector<16xi32>,
    %slice3A = vector.extract_strided_slice %get3A_14 {offsets = [0], sizes = [1], strides = [1]} : vector<16xi32> to vector<1xi32>
    %squeeze3A = vector.extract %slice3A[0] : i32 from vector<1xi32>
    %shift_right_arithmetic3A = arith.constant 7 : i32
    %shift_right_arithmetic3A_15 = arith.shrsi %squeeze3A, %shift_right_arithmetic3A : i32
    %eq3A = arith.constant 0 : i32
    %eq3A_16 = arith.cmpi eq, %arg0, %eq3A : i32
    %jit3A = arith.constant 0 : i32
    %select_n3A = arith.select %eq3A_16, %jit3A, %shift_right_arithmetic3A_15 : i32
    %eq3A_17 = arith.constant 0 : i32
    %eq3A_18 = arith.cmpi eq, %arg0, %eq3A_17 : i32
    %add3A_19 = arith.constant 128 : i32
    %add3A_20 = arith.addi %squeeze3A, %add3A_19 : i32
    %sub3A = arith.constant 1 : i32
    %sub3A_21 = arith.subi %add3A_20, %sub3A : i32
    %shift_right_arithmetic3A_22 = arith.constant 7 : i32
    %shift_right_arithmetic3A_23 = arith.shrsi %sub3A_21, %shift_right_arithmetic3A_22 : i32
    %sub3A_24 = arith.constant 80 : i32
    %sub3A_25 = arith.subi %sub3A_24, %shift_right_arithmetic3A_15 : i32
    %select_n3A_26 = arith.select %eq3A_18, %shift_right_arithmetic3A_23, %sub3A_25 : i32
    %mul3A_27 = arith.constant 10240 : i32
    %mul3A_28 = arith.muli %add3A_13, %mul3A_27 : i32
    %while3A = arith.constant 0 : i32
    %while3A_29 = arith.constant 0 : i32
    %while3A_30 = arith.subi %select_n3A_26, %while3A_29 : i32
    %while3A_31 = arith.addi %while3A_29, %while3A_30 : i32
    %while3A_32 = arith.constant 1 : i32
    %while3A_33 = arith.divsi %while3A_30, %while3A_32 : i32
    %while3A_34 = arith.muli %while3A_33, %while3A_32 : i32
    %while3A_35 = arith.addi %while3A_29, %while3A_34 : i32
    %while3A_36 = arith.constant 1 : i32
    scf.for %while3A_80 = %while3A_29 to %while3A_35 step %while3A_36  : i32 {
      %add3A_81 = arith.addi %select_n3A, %while3A_80 : i32
      %mul3A_82 = arith.constant 128 : i32
      %mul3A_83 = arith.muli %add3A_81, %mul3A_82 : i32
      %add3A_84 = arith.addi %mul3A_28, %mul3A_83 : i32
      "tpu.region"() ({
        %run_scoped3A = tpu.sem_alloc : memref<!tpu.dma_semaphore, #tpu.memory_space<semaphore_mem>>
        %dma_start3A_452 = arith.constant 0 : i32
        %dma_start3A_453 = tpu.memref_slice %arg2[%dma_start3A_452, %add3A_84] : memref<2x327680xi32, #tpu.memory_space<hbm>> -> memref<2x128xi32, #tpu.memory_space<hbm>>
        %dma_start3A_454 = arith.constant 0 : i32
        %dma_start3A_455 = tpu.memref_slice %arg2[%dma_start3A_454, %add3A_84] : memref<2x327680xi32, #tpu.memory_space<hbm>> -> memref<2x128xi32, #tpu.memory_space<hbm>>
        tpu.enqueue_dma source(%dma_start3A_455 : memref<2x128xi32, #tpu.memory_space<hbm>>) target(%arg7 : memref<2x128xi32, #tpu.memory_space<vmem>>) target_semaphore(%run_scoped3A : memref<!tpu.dma_semaphore, #tpu.memory_space<semaphore_mem>>)
        %dma_wait3A_456 = arith.constant 0 : i32
        %dma_wait3A_457 = tpu.memref_slice %arg2[%dma_wait3A_456, %add3A_84] : memref<2x327680xi32, #tpu.memory_space<hbm>> -> memref<2x128xi32, #tpu.memory_space<hbm>>
        %dma_wait3A_458 = arith.constant 0 : i32
        %dma_wait3A_459 = tpu.memref_slice %arg2[%dma_wait3A_458, %add3A_84] : memref<2x327680xi32, #tpu.memory_space<hbm>> -> memref<2x128xi32, #tpu.memory_space<hbm>>
        tpu.wait_dma2 semaphore(%run_scoped3A : memref<!tpu.dma_semaphore, #tpu.memory_space<semaphore_mem>>) src(%dma_wait3A_459 : memref<2x128xi32, #tpu.memory_space<hbm>>) dst(%arg7 : memref<2x128xi32, #tpu.memory_space<vmem>>)
        tpu.yield
      }) : () -> ()
      %get3A_85 = arith.constant 0 : i32
      %get3A_86 = arith.index_cast %get3A_85 : i32 to index
      %get3A_87 = arith.constant 0 : index
      %get3A_88 = tpu.vector_load %arg7[%get3A_86, %get3A_87] {strides = array<i32>} : memref<2x128xi32, #tpu.memory_space<vmem>>, vector<16xi32>,
      %get3A_89 = arith.constant 1 : i32
      %get3A_90 = arith.index_cast %get3A_89 : i32 to index
      %get3A_91 = arith.constant 0 : index
      %get3A_92 = tpu.vector_load %arg7[%get3A_90, %get3A_91] {strides = array<i32>} : memref<2x128xi32, #tpu.memory_space<vmem>>, vector<16xi32>,
      %mul3A_93 = arith.constant 2 : i32
      %mul3A_94 = vector.broadcast %mul3A_93 : i32 to vector<16xi32>
      %mul3A_95 = arith.muli %mul3A_94, %get3A_88 : vector<16xi32>
      %and3A = arith.constant 1 : i32
      %and3A_96 = vector.broadcast %and3A : i32 to vector<16xi32>
      %and3A_97 = arith.andi %get3A_92, %and3A_96 : vector<16xi32>
      %add3A_98 = arith.addi %mul3A_95, %and3A_97 : vector<16xi32>
      %swap3A = arith.constant 0 : index
      %swap3A_99 = tpu.vector_load %arg8[%swap3A] {strides = array<i32>} : memref<128xi32, #tpu.memory_space<vmem>>, vector<16xi32>,
      tpu.vector_store %arg8[%swap3A], %add3A_98 {strides = array<i32>} : memref<128xi32, #tpu.memory_space<vmem>>, vector<16xi32>,
      %ge3A = vector.broadcast %mul3A_6 : i32 to vector<16xi32>
      %ge3A_100 = arith.cmpi sge, %get3A_88, %ge3A : vector<16xi32>
      %lt3A = vector.broadcast %add3A_9 : i32 to vector<16xi32>
      %lt3A_101 = arith.cmpi slt, %get3A_88, %lt3A : vector<16xi32>
      %and3A_102 = arith.andi %ge3A_100, %lt3A_101 : vector<16xi1>
      %lt3A_103 = arith.constant 10000 : i32
      %lt3A_104 = vector.broadcast %lt3A_103 : i32 to vector<16xi32>
      %lt3A_105 = arith.cmpi slt, %get3A_92, %lt3A_104 : vector<16xi32>
      %and3A_106 = arith.andi %and3A_102, %lt3A_105 : vector<16xi1>
      %ge3A_107 = vector.broadcast %add3A_7 : i32 to vector<16xi32>
      %ge3A_108 = arith.cmpi sge, %get3A_88, %ge3A_107 : vector<16xi32>
      %jit3A_109 = arith.constant 5000 : i32
      %jit3A_110 = arith.constant 0 : i32
      %broadcast_in_dim3A = vector.broadcast %jit3A_109 : i32 to vector<16xi32>
      %broadcast_in_dim3A_111 = vector.broadcast %jit3A_110 : i32 to vector<16xi32>
      %select_n3A_112 = arith.select %ge3A_108, %broadcast_in_dim3A, %broadcast_in_dim3A_111 : vector<16xi1>, vector<16xi32>
      %shift_right_arithmetic3A_113 = arith.constant 1 : i32
      %shift_right_arithmetic3A_114 = vector.broadcast %shift_right_arithmetic3A_113 : i32 to vector<16xi32>
      %shift_right_arithmetic3A_115 = arith.shrsi %get3A_92, %shift_right_arithmetic3A_114 : vector<16xi32>
      %add3A_116 = arith.addi %select_n3A_112, %shift_right_arithmetic3A_115 : vector<16xi32>
      %and3A_117 = arith.constant 63 : i32
      %and3A_118 = vector.broadcast %and3A_117 : i32 to vector<16xi32>
      %and3A_119 = arith.andi %get3A_92, %and3A_118 : vector<16xi32>
      %add3A_120 = arith.constant 10000 : i32
      %add3A_121 = vector.broadcast %add3A_120 : i32 to vector<16xi32>
      %add3A_122 = arith.addi %add3A_121, %and3A_119 : vector<16xi32>
      %select_n3A_123 = arith.select %and3A_106, %add3A_116, %add3A_122 : vector<16xi1>, vector<16xi32>
      %swap3A_124 = arith.constant 0 : index
      %swap3A_125 = tpu.vector_load %arg9[%swap3A_124] {strides = array<i32>} : memref<128xi32, #tpu.memory_space<vmem>>, vector<16xi32>,
      tpu.vector_store %arg9[%swap3A_124], %select_n3A_123 {strides = array<i32>} : memref<128xi32, #tpu.memory_space<vmem>>, vector<16xi32>,
      %get3A_126 = arith.constant 0 : i32
      %get3A_127 = arith.index_cast %get3A_126 : i32 to index
      %get3A_128 = arith.constant 16 : index
      %get3A_129 = tpu.vector_load %arg7[%get3A_127, %get3A_128] {strides = array<i32>} : memref<2x128xi32, #tpu.memory_space<vmem>>, vector<16xi32>,
      %get3A_130 = arith.constant 1 : i32
      %get3A_131 = arith.index_cast %get3A_130 : i32 to index
      %get3A_132 = arith.constant 16 : index
      %get3A_133 = tpu.vector_load %arg7[%get3A_131, %get3A_132] {strides = array<i32>} : memref<2x128xi32, #tpu.memory_space<vmem>>, vector<16xi32>,
      %mul3A_134 = arith.constant 2 : i32
      %mul3A_135 = vector.broadcast %mul3A_134 : i32 to vector<16xi32>
      %mul3A_136 = arith.muli %mul3A_135, %get3A_129 : vector<16xi32>
      %and3A_137 = arith.constant 1 : i32
      %and3A_138 = vector.broadcast %and3A_137 : i32 to vector<16xi32>
      %and3A_139 = arith.andi %get3A_133, %and3A_138 : vector<16xi32>
      %add3A_140 = arith.addi %mul3A_136, %and3A_139 : vector<16xi32>
      %swap3A_141 = arith.constant 16 : index
      %swap3A_142 = tpu.vector_load %arg8[%swap3A_141] {strides = array<i32>} : memref<128xi32, #tpu.memory_space<vmem>>, vector<16xi32>,
      tpu.vector_store %arg8[%swap3A_141], %add3A_140 {strides = array<i32>} : memref<128xi32, #tpu.memory_space<vmem>>, vector<16xi32>,
      %ge3A_143 = vector.broadcast %mul3A_6 : i32 to vector<16xi32>
      %ge3A_144 = arith.cmpi sge, %get3A_129, %ge3A_143 : vector<16xi32>
      %lt3A_145 = vector.broadcast %add3A_9 : i32 to vector<16xi32>
      %lt3A_146 = arith.cmpi slt, %get3A_129, %lt3A_145 : vector<16xi32>
      %and3A_147 = arith.andi %ge3A_144, %lt3A_146 : vector<16xi1>
      %lt3A_148 = arith.constant 10000 : i32
      %lt3A_149 = vector.broadcast %lt3A_148 : i32 to vector<16xi32>
      %lt3A_150 = arith.cmpi slt, %get3A_133, %lt3A_149 : vector<16xi32>
      %and3A_151 = arith.andi %and3A_147, %lt3A_150 : vector<16xi1>
      %ge3A_152 = vector.broadcast %add3A_7 : i32 to vector<16xi32>
      %ge3A_153 = arith.cmpi sge, %get3A_129, %ge3A_152 : vector<16xi32>
      %jit3A_154 = arith.constant 5000 : i32
      %jit3A_155 = arith.constant 0 : i32
      %broadcast_in_dim3A_156 = vector.broadcast %jit3A_154 : i32 to vector<16xi32>
      %broadcast_in_dim3A_157 = vector.broadcast %jit3A_155 : i32 to vector<16xi32>
      %select_n3A_158 = arith.select %ge3A_153, %broadcast_in_dim3A_156, %broadcast_in_dim3A_157 : vector<16xi1>, vector<16xi32>
      %shift_right_arithmetic3A_159 = arith.constant 1 : i32
      %shift_right_arithmetic3A_160 = vector.broadcast %shift_right_arithmetic3A_159 : i32 to vector<16xi32>
      %shift_right_arithmetic3A_161 = arith.shrsi %get3A_133, %shift_right_arithmetic3A_160 : vector<16xi32>
      %add3A_162 = arith.addi %select_n3A_158, %shift_right_arithmetic3A_161 : vector<16xi32>
      %and3A_163 = arith.constant 63 : i32
      %and3A_164 = vector.broadcast %and3A_163 : i32 to vector<16xi32>
      %and3A_165 = arith.andi %get3A_133, %and3A_164 : vector<16xi32>
      %add3A_166 = arith.constant 10000 : i32
      %add3A_167 = vector.broadcast %add3A_166 : i32 to vector<16xi32>
      %add3A_168 = arith.addi %add3A_167, %and3A_165 : vector<16xi32>
      %select_n3A_169 = arith.select %and3A_151, %add3A_162, %add3A_168 : vector<16xi1>, vector<16xi32>
      %swap3A_170 = arith.constant 16 : index
      %swap3A_171 = tpu.vector_load %arg9[%swap3A_170] {strides = array<i32>} : memref<128xi32, #tpu.memory_space<vmem>>, vector<16xi32>,
      tpu.vector_store %arg9[%swap3A_170], %select_n3A_169 {strides = array<i32>} : memref<128xi32, #tpu.memory_space<vmem>>, vector<16xi32>,
      %get3A_172 = arith.constant 0 : i32
      %get3A_173 = arith.index_cast %get3A_172 : i32 to index
      %get3A_174 = arith.constant 32 : index
      %get3A_175 = tpu.vector_load %arg7[%get3A_173, %get3A_174] {strides = array<i32>} : memref<2x128xi32, #tpu.memory_space<vmem>>, vector<16xi32>,
      %get3A_176 = arith.constant 1 : i32
      %get3A_177 = arith.index_cast %get3A_176 : i32 to index
      %get3A_178 = arith.constant 32 : index
      %get3A_179 = tpu.vector_load %arg7[%get3A_177, %get3A_178] {strides = array<i32>} : memref<2x128xi32, #tpu.memory_space<vmem>>, vector<16xi32>,
      %mul3A_180 = arith.constant 2 : i32
      %mul3A_181 = vector.broadcast %mul3A_180 : i32 to vector<16xi32>
      %mul3A_182 = arith.muli %mul3A_181, %get3A_175 : vector<16xi32>
      %and3A_183 = arith.constant 1 : i32
      %and3A_184 = vector.broadcast %and3A_183 : i32 to vector<16xi32>
      %and3A_185 = arith.andi %get3A_179, %and3A_184 : vector<16xi32>
      %add3A_186 = arith.addi %mul3A_182, %and3A_185 : vector<16xi32>
      %swap3A_187 = arith.constant 32 : index
      %swap3A_188 = tpu.vector_load %arg8[%swap3A_187] {strides = array<i32>} : memref<128xi32, #tpu.memory_space<vmem>>, vector<16xi32>,
      tpu.vector_store %arg8[%swap3A_187], %add3A_186 {strides = array<i32>} : memref<128xi32, #tpu.memory_space<vmem>>, vector<16xi32>,
      %ge3A_189 = vector.broadcast %mul3A_6 : i32 to vector<16xi32>
      %ge3A_190 = arith.cmpi sge, %get3A_175, %ge3A_189 : vector<16xi32>
      %lt3A_191 = vector.broadcast %add3A_9 : i32 to vector<16xi32>
      %lt3A_192 = arith.cmpi slt, %get3A_175, %lt3A_191 : vector<16xi32>
      %and3A_193 = arith.andi %ge3A_190, %lt3A_192 : vector<16xi1>
      %lt3A_194 = arith.constant 10000 : i32
      %lt3A_195 = vector.broadcast %lt3A_194 : i32 to vector<16xi32>
      %lt3A_196 = arith.cmpi slt, %get3A_179, %lt3A_195 : vector<16xi32>
      %and3A_197 = arith.andi %and3A_193, %lt3A_196 : vector<16xi1>
      %ge3A_198 = vector.broadcast %add3A_7 : i32 to vector<16xi32>
      %ge3A_199 = arith.cmpi sge, %get3A_175, %ge3A_198 : vector<16xi32>
      %jit3A_200 = arith.constant 5000 : i32
      %jit3A_201 = arith.constant 0 : i32
      %broadcast_in_dim3A_202 = vector.broadcast %jit3A_200 : i32 to vector<16xi32>
      %broadcast_in_dim3A_203 = vector.broadcast %jit3A_201 : i32 to vector<16xi32>
      %select_n3A_204 = arith.select %ge3A_199, %broadcast_in_dim3A_202, %broadcast_in_dim3A_203 : vector<16xi1>, vector<16xi32>
      %shift_right_arithmetic3A_205 = arith.constant 1 : i32
      %shift_right_arithmetic3A_206 = vector.broadcast %shift_right_arithmetic3A_205 : i32 to vector<16xi32>
      %shift_right_arithmetic3A_207 = arith.shrsi %get3A_179, %shift_right_arithmetic3A_206 : vector<16xi32>
      %add3A_208 = arith.addi %select_n3A_204, %shift_right_arithmetic3A_207 : vector<16xi32>
      %and3A_209 = arith.constant 63 : i32
      %and3A_210 = vector.broadcast %and3A_209 : i32 to vector<16xi32>
      %and3A_211 = arith.andi %get3A_179, %and3A_210 : vector<16xi32>
      %add3A_212 = arith.constant 10000 : i32
      %add3A_213 = vector.broadcast %add3A_212 : i32 to vector<16xi32>
      %add3A_214 = arith.addi %add3A_213, %and3A_211 : vector<16xi32>
      %select_n3A_215 = arith.select %and3A_197, %add3A_208, %add3A_214 : vector<16xi1>, vector<16xi32>
      %swap3A_216 = arith.constant 32 : index
      %swap3A_217 = tpu.vector_load %arg9[%swap3A_216] {strides = array<i32>} : memref<128xi32, #tpu.memory_space<vmem>>, vector<16xi32>,
      tpu.vector_store %arg9[%swap3A_216], %select_n3A_215 {strides = array<i32>} : memref<128xi32, #tpu.memory_space<vmem>>, vector<16xi32>,
      %get3A_218 = arith.constant 0 : i32
      %get3A_219 = arith.index_cast %get3A_218 : i32 to index
      %get3A_220 = arith.constant 48 : index
      %get3A_221 = tpu.vector_load %arg7[%get3A_219, %get3A_220] {strides = array<i32>} : memref<2x128xi32, #tpu.memory_space<vmem>>, vector<16xi32>,
      %get3A_222 = arith.constant 1 : i32
      %get3A_223 = arith.index_cast %get3A_222 : i32 to index
      %get3A_224 = arith.constant 48 : index
      %get3A_225 = tpu.vector_load %arg7[%get3A_223, %get3A_224] {strides = array<i32>} : memref<2x128xi32, #tpu.memory_space<vmem>>, vector<16xi32>,
      %mul3A_226 = arith.constant 2 : i32
      %mul3A_227 = vector.broadcast %mul3A_226 : i32 to vector<16xi32>
      %mul3A_228 = arith.muli %mul3A_227, %get3A_221 : vector<16xi32>
      %and3A_229 = arith.constant 1 : i32
      %and3A_230 = vector.broadcast %and3A_229 : i32 to vector<16xi32>
      %and3A_231 = arith.andi %get3A_225, %and3A_230 : vector<16xi32>
      %add3A_232 = arith.addi %mul3A_228, %and3A_231 : vector<16xi32>
      %swap3A_233 = arith.constant 48 : index
      %swap3A_234 = tpu.vector_load %arg8[%swap3A_233] {strides = array<i32>} : memref<128xi32, #tpu.memory_space<vmem>>, vector<16xi32>,
      tpu.vector_store %arg8[%swap3A_233], %add3A_232 {strides = array<i32>} : memref<128xi32, #tpu.memory_space<vmem>>, vector<16xi32>,
      %ge3A_235 = vector.broadcast %mul3A_6 : i32 to vector<16xi32>
      %ge3A_236 = arith.cmpi sge, %get3A_221, %ge3A_235 : vector<16xi32>
      %lt3A_237 = vector.broadcast %add3A_9 : i32 to vector<16xi32>
      %lt3A_238 = arith.cmpi slt, %get3A_221, %lt3A_237 : vector<16xi32>
      %and3A_239 = arith.andi %ge3A_236, %lt3A_238 : vector<16xi1>
      %lt3A_240 = arith.constant 10000 : i32
      %lt3A_241 = vector.broadcast %lt3A_240 : i32 to vector<16xi32>
      %lt3A_242 = arith.cmpi slt, %get3A_225, %lt3A_241 : vector<16xi32>
      %and3A_243 = arith.andi %and3A_239, %lt3A_242 : vector<16xi1>
      %ge3A_244 = vector.broadcast %add3A_7 : i32 to vector<16xi32>
      %ge3A_245 = arith.cmpi sge, %get3A_221, %ge3A_244 : vector<16xi32>
      %jit3A_246 = arith.constant 5000 : i32
      %jit3A_247 = arith.constant 0 : i32
      %broadcast_in_dim3A_248 = vector.broadcast %jit3A_246 : i32 to vector<16xi32>
      %broadcast_in_dim3A_249 = vector.broadcast %jit3A_247 : i32 to vector<16xi32>
      %select_n3A_250 = arith.select %ge3A_245, %broadcast_in_dim3A_248, %broadcast_in_dim3A_249 : vector<16xi1>, vector<16xi32>
      %shift_right_arithmetic3A_251 = arith.constant 1 : i32
      %shift_right_arithmetic3A_252 = vector.broadcast %shift_right_arithmetic3A_251 : i32 to vector<16xi32>
      %shift_right_arithmetic3A_253 = arith.shrsi %get3A_225, %shift_right_arithmetic3A_252 : vector<16xi32>
      %add3A_254 = arith.addi %select_n3A_250, %shift_right_arithmetic3A_253 : vector<16xi32>
      %and3A_255 = arith.constant 63 : i32
      %and3A_256 = vector.broadcast %and3A_255 : i32 to vector<16xi32>
      %and3A_257 = arith.andi %get3A_225, %and3A_256 : vector<16xi32>
      %add3A_258 = arith.constant 10000 : i32
      %add3A_259 = vector.broadcast %add3A_258 : i32 to vector<16xi32>
      %add3A_260 = arith.addi %add3A_259, %and3A_257 : vector<16xi32>
      %select_n3A_261 = arith.select %and3A_243, %add3A_254, %add3A_260 : vector<16xi1>, vector<16xi32>
      %swap3A_262 = arith.constant 48 : index
      %swap3A_263 = tpu.vector_load %arg9[%swap3A_262] {strides = array<i32>} : memref<128xi32, #tpu.memory_space<vmem>>, vector<16xi32>,
      tpu.vector_store %arg9[%swap3A_262], %select_n3A_261 {strides = array<i32>} : memref<128xi32, #tpu.memory_space<vmem>>, vector<16xi32>,
      %get3A_264 = arith.constant 0 : i32
      %get3A_265 = arith.index_cast %get3A_264 : i32 to index
      %get3A_266 = arith.constant 64 : index
      %get3A_267 = tpu.vector_load %arg7[%get3A_265, %get3A_266] {strides = array<i32>} : memref<2x128xi32, #tpu.memory_space<vmem>>, vector<16xi32>,
      %get3A_268 = arith.constant 1 : i32
      %get3A_269 = arith.index_cast %get3A_268 : i32 to index
      %get3A_270 = arith.constant 64 : index
      %get3A_271 = tpu.vector_load %arg7[%get3A_269, %get3A_270] {strides = array<i32>} : memref<2x128xi32, #tpu.memory_space<vmem>>, vector<16xi32>,
      %mul3A_272 = arith.constant 2 : i32
      %mul3A_273 = vector.broadcast %mul3A_272 : i32 to vector<16xi32>
      %mul3A_274 = arith.muli %mul3A_273, %get3A_267 : vector<16xi32>
      %and3A_275 = arith.constant 1 : i32
      %and3A_276 = vector.broadcast %and3A_275 : i32 to vector<16xi32>
      %and3A_277 = arith.andi %get3A_271, %and3A_276 : vector<16xi32>
      %add3A_278 = arith.addi %mul3A_274, %and3A_277 : vector<16xi32>
      %swap3A_279 = arith.constant 64 : index
      %swap3A_280 = tpu.vector_load %arg8[%swap3A_279] {strides = array<i32>} : memref<128xi32, #tpu.memory_space<vmem>>, vector<16xi32>,
      tpu.vector_store %arg8[%swap3A_279], %add3A_278 {strides = array<i32>} : memref<128xi32, #tpu.memory_space<vmem>>, vector<16xi32>,
      %ge3A_281 = vector.broadcast %mul3A_6 : i32 to vector<16xi32>
      %ge3A_282 = arith.cmpi sge, %get3A_267, %ge3A_281 : vector<16xi32>
      %lt3A_283 = vector.broadcast %add3A_9 : i32 to vector<16xi32>
      %lt3A_284 = arith.cmpi slt, %get3A_267, %lt3A_283 : vector<16xi32>
      %and3A_285 = arith.andi %ge3A_282, %lt3A_284 : vector<16xi1>
      %lt3A_286 = arith.constant 10000 : i32
      %lt3A_287 = vector.broadcast %lt3A_286 : i32 to vector<16xi32>
      %lt3A_288 = arith.cmpi slt, %get3A_271, %lt3A_287 : vector<16xi32>
      %and3A_289 = arith.andi %and3A_285, %lt3A_288 : vector<16xi1>
      %ge3A_290 = vector.broadcast %add3A_7 : i32 to vector<16xi32>
      %ge3A_291 = arith.cmpi sge, %get3A_267, %ge3A_290 : vector<16xi32>
      %jit3A_292 = arith.constant 5000 : i32
      %jit3A_293 = arith.constant 0 : i32
      %broadcast_in_dim3A_294 = vector.broadcast %jit3A_292 : i32 to vector<16xi32>
      %broadcast_in_dim3A_295 = vector.broadcast %jit3A_293 : i32 to vector<16xi32>
      %select_n3A_296 = arith.select %ge3A_291, %broadcast_in_dim3A_294, %broadcast_in_dim3A_295 : vector<16xi1>, vector<16xi32>
      %shift_right_arithmetic3A_297 = arith.constant 1 : i32
      %shift_right_arithmetic3A_298 = vector.broadcast %shift_right_arithmetic3A_297 : i32 to vector<16xi32>
      %shift_right_arithmetic3A_299 = arith.shrsi %get3A_271, %shift_right_arithmetic3A_298 : vector<16xi32>
      %add3A_300 = arith.addi %select_n3A_296, %shift_right_arithmetic3A_299 : vector<16xi32>
      %and3A_301 = arith.constant 63 : i32
      %and3A_302 = vector.broadcast %and3A_301 : i32 to vector<16xi32>
      %and3A_303 = arith.andi %get3A_271, %and3A_302 : vector<16xi32>
      %add3A_304 = arith.constant 10000 : i32
      %add3A_305 = vector.broadcast %add3A_304 : i32 to vector<16xi32>
      %add3A_306 = arith.addi %add3A_305, %and3A_303 : vector<16xi32>
      %select_n3A_307 = arith.select %and3A_289, %add3A_300, %add3A_306 : vector<16xi1>, vector<16xi32>
      %swap3A_308 = arith.constant 64 : index
      %swap3A_309 = tpu.vector_load %arg9[%swap3A_308] {strides = array<i32>} : memref<128xi32, #tpu.memory_space<vmem>>, vector<16xi32>,
      tpu.vector_store %arg9[%swap3A_308], %select_n3A_307 {strides = array<i32>} : memref<128xi32, #tpu.memory_space<vmem>>, vector<16xi32>,
      %get3A_310 = arith.constant 0 : i32
      %get3A_311 = arith.index_cast %get3A_310 : i32 to index
      %get3A_312 = arith.constant 80 : index
      %get3A_313 = tpu.vector_load %arg7[%get3A_311, %get3A_312] {strides = array<i32>} : memref<2x128xi32, #tpu.memory_space<vmem>>, vector<16xi32>,
      %get3A_314 = arith.constant 1 : i32
      %get3A_315 = arith.index_cast %get3A_314 : i32 to index
      %get3A_316 = arith.constant 80 : index
      %get3A_317 = tpu.vector_load %arg7[%get3A_315, %get3A_316] {strides = array<i32>} : memref<2x128xi32, #tpu.memory_space<vmem>>, vector<16xi32>,
      %mul3A_318 = arith.constant 2 : i32
      %mul3A_319 = vector.broadcast %mul3A_318 : i32 to vector<16xi32>
      %mul3A_320 = arith.muli %mul3A_319, %get3A_313 : vector<16xi32>
      %and3A_321 = arith.constant 1 : i32
      %and3A_322 = vector.broadcast %and3A_321 : i32 to vector<16xi32>
      %and3A_323 = arith.andi %get3A_317, %and3A_322 : vector<16xi32>
      %add3A_324 = arith.addi %mul3A_320, %and3A_323 : vector<16xi32>
      %swap3A_325 = arith.constant 80 : index
      %swap3A_326 = tpu.vector_load %arg8[%swap3A_325] {strides = array<i32>} : memref<128xi32, #tpu.memory_space<vmem>>, vector<16xi32>,
      tpu.vector_store %arg8[%swap3A_325], %add3A_324 {strides = array<i32>} : memref<128xi32, #tpu.memory_space<vmem>>, vector<16xi32>,
      %ge3A_327 = vector.broadcast %mul3A_6 : i32 to vector<16xi32>
      %ge3A_328 = arith.cmpi sge, %get3A_313, %ge3A_327 : vector<16xi32>
      %lt3A_329 = vector.broadcast %add3A_9 : i32 to vector<16xi32>
      %lt3A_330 = arith.cmpi slt, %get3A_313, %lt3A_329 : vector<16xi32>
      %and3A_331 = arith.andi %ge3A_328, %lt3A_330 : vector<16xi1>
      %lt3A_332 = arith.constant 10000 : i32
      %lt3A_333 = vector.broadcast %lt3A_332 : i32 to vector<16xi32>
      %lt3A_334 = arith.cmpi slt, %get3A_317, %lt3A_333 : vector<16xi32>
      %and3A_335 = arith.andi %and3A_331, %lt3A_334 : vector<16xi1>
      %ge3A_336 = vector.broadcast %add3A_7 : i32 to vector<16xi32>
      %ge3A_337 = arith.cmpi sge, %get3A_313, %ge3A_336 : vector<16xi32>
      %jit3A_338 = arith.constant 5000 : i32
      %jit3A_339 = arith.constant 0 : i32
      %broadcast_in_dim3A_340 = vector.broadcast %jit3A_338 : i32 to vector<16xi32>
      %broadcast_in_dim3A_341 = vector.broadcast %jit3A_339 : i32 to vector<16xi32>
      %select_n3A_342 = arith.select %ge3A_337, %broadcast_in_dim3A_340, %broadcast_in_dim3A_341 : vector<16xi1>, vector<16xi32>
      %shift_right_arithmetic3A_343 = arith.constant 1 : i32
      %shift_right_arithmetic3A_344 = vector.broadcast %shift_right_arithmetic3A_343 : i32 to vector<16xi32>
      %shift_right_arithmetic3A_345 = arith.shrsi %get3A_317, %shift_right_arithmetic3A_344 : vector<16xi32>
      %add3A_346 = arith.addi %select_n3A_342, %shift_right_arithmetic3A_345 : vector<16xi32>
      %and3A_347 = arith.constant 63 : i32
      %and3A_348 = vector.broadcast %and3A_347 : i32 to vector<16xi32>
      %and3A_349 = arith.andi %get3A_317, %and3A_348 : vector<16xi32>
      %add3A_350 = arith.constant 10000 : i32
      %add3A_351 = vector.broadcast %add3A_350 : i32 to vector<16xi32>
      %add3A_352 = arith.addi %add3A_351, %and3A_349 : vector<16xi32>
      %select_n3A_353 = arith.select %and3A_335, %add3A_346, %add3A_352 : vector<16xi1>, vector<16xi32>
      %swap3A_354 = arith.constant 80 : index
      %swap3A_355 = tpu.vector_load %arg9[%swap3A_354] {strides = array<i32>} : memref<128xi32, #tpu.memory_space<vmem>>, vector<16xi32>,
      tpu.vector_store %arg9[%swap3A_354], %select_n3A_353 {strides = array<i32>} : memref<128xi32, #tpu.memory_space<vmem>>, vector<16xi32>,
      %get3A_356 = arith.constant 0 : i32
      %get3A_357 = arith.index_cast %get3A_356 : i32 to index
      %get3A_358 = arith.constant 96 : index
      %get3A_359 = tpu.vector_load %arg7[%get3A_357, %get3A_358] {strides = array<i32>} : memref<2x128xi32, #tpu.memory_space<vmem>>, vector<16xi32>,
      %get3A_360 = arith.constant 1 : i32
      %get3A_361 = arith.index_cast %get3A_360 : i32 to index
      %get3A_362 = arith.constant 96 : index
      %get3A_363 = tpu.vector_load %arg7[%get3A_361, %get3A_362] {strides = array<i32>} : memref<2x128xi32, #tpu.memory_space<vmem>>, vector<16xi32>,
      %mul3A_364 = arith.constant 2 : i32
      %mul3A_365 = vector.broadcast %mul3A_364 : i32 to vector<16xi32>
      %mul3A_366 = arith.muli %mul3A_365, %get3A_359 : vector<16xi32>
      %and3A_367 = arith.constant 1 : i32
      %and3A_368 = vector.broadcast %and3A_367 : i32 to vector<16xi32>
      %and3A_369 = arith.andi %get3A_363, %and3A_368 : vector<16xi32>
      %add3A_370 = arith.addi %mul3A_366, %and3A_369 : vector<16xi32>
      %swap3A_371 = arith.constant 96 : index
      %swap3A_372 = tpu.vector_load %arg8[%swap3A_371] {strides = array<i32>} : memref<128xi32, #tpu.memory_space<vmem>>, vector<16xi32>,
      tpu.vector_store %arg8[%swap3A_371], %add3A_370 {strides = array<i32>} : memref<128xi32, #tpu.memory_space<vmem>>, vector<16xi32>,
      %ge3A_373 = vector.broadcast %mul3A_6 : i32 to vector<16xi32>
      %ge3A_374 = arith.cmpi sge, %get3A_359, %ge3A_373 : vector<16xi32>
      %lt3A_375 = vector.broadcast %add3A_9 : i32 to vector<16xi32>
      %lt3A_376 = arith.cmpi slt, %get3A_359, %lt3A_375 : vector<16xi32>
      %and3A_377 = arith.andi %ge3A_374, %lt3A_376 : vector<16xi1>
      %lt3A_378 = arith.constant 10000 : i32
      %lt3A_379 = vector.broadcast %lt3A_378 : i32 to vector<16xi32>
      %lt3A_380 = arith.cmpi slt, %get3A_363, %lt3A_379 : vector<16xi32>
      %and3A_381 = arith.andi %and3A_377, %lt3A_380 : vector<16xi1>
      %ge3A_382 = vector.broadcast %add3A_7 : i32 to vector<16xi32>
      %ge3A_383 = arith.cmpi sge, %get3A_359, %ge3A_382 : vector<16xi32>
      %jit3A_384 = arith.constant 5000 : i32
      %jit3A_385 = arith.constant 0 : i32
      %broadcast_in_dim3A_386 = vector.broadcast %jit3A_384 : i32 to vector<16xi32>
      %broadcast_in_dim3A_387 = vector.broadcast %jit3A_385 : i32 to vector<16xi32>
      %select_n3A_388 = arith.select %ge3A_383, %broadcast_in_dim3A_386, %broadcast_in_dim3A_387 : vector<16xi1>, vector<16xi32>
      %shift_right_arithmetic3A_389 = arith.constant 1 : i32
      %shift_right_arithmetic3A_390 = vector.broadcast %shift_right_arithmetic3A_389 : i32 to vector<16xi32>
      %shift_right_arithmetic3A_391 = arith.shrsi %get3A_363, %shift_right_arithmetic3A_390 : vector<16xi32>
      %add3A_392 = arith.addi %select_n3A_388, %shift_right_arithmetic3A_391 : vector<16xi32>
      %and3A_393 = arith.constant 63 : i32
      %and3A_394 = vector.broadcast %and3A_393 : i32 to vector<16xi32>
      %and3A_395 = arith.andi %get3A_363, %and3A_394 : vector<16xi32>
      %add3A_396 = arith.constant 10000 : i32
      %add3A_397 = vector.broadcast %add3A_396 : i32 to vector<16xi32>
      %add3A_398 = arith.addi %add3A_397, %and3A_395 : vector<16xi32>
      %select_n3A_399 = arith.select %and3A_381, %add3A_392, %add3A_398 : vector<16xi1>, vector<16xi32>
      %swap3A_400 = arith.constant 96 : index
      %swap3A_401 = tpu.vector_load %arg9[%swap3A_400] {strides = array<i32>} : memref<128xi32, #tpu.memory_space<vmem>>, vector<16xi32>,
      tpu.vector_store %arg9[%swap3A_400], %select_n3A_399 {strides = array<i32>} : memref<128xi32, #tpu.memory_space<vmem>>, vector<16xi32>,
      %get3A_402 = arith.constant 0 : i32
      %get3A_403 = arith.index_cast %get3A_402 : i32 to index
      %get3A_404 = arith.constant 112 : index
      %get3A_405 = tpu.vector_load %arg7[%get3A_403, %get3A_404] {strides = array<i32>} : memref<2x128xi32, #tpu.memory_space<vmem>>, vector<16xi32>,
      %get3A_406 = arith.constant 1 : i32
      %get3A_407 = arith.index_cast %get3A_406 : i32 to index
      %get3A_408 = arith.constant 112 : index
      %get3A_409 = tpu.vector_load %arg7[%get3A_407, %get3A_408] {strides = array<i32>} : memref<2x128xi32, #tpu.memory_space<vmem>>, vector<16xi32>,
      %mul3A_410 = arith.constant 2 : i32
      %mul3A_411 = vector.broadcast %mul3A_410 : i32 to vector<16xi32>
      %mul3A_412 = arith.muli %mul3A_411, %get3A_405 : vector<16xi32>
      %and3A_413 = arith.constant 1 : i32
      %and3A_414 = vector.broadcast %and3A_413 : i32 to vector<16xi32>
      %and3A_415 = arith.andi %get3A_409, %and3A_414 : vector<16xi32>
      %add3A_416 = arith.addi %mul3A_412, %and3A_415 : vector<16xi32>
      %swap3A_417 = arith.constant 112 : index
      %swap3A_418 = tpu.vector_load %arg8[%swap3A_417] {strides = array<i32>} : memref<128xi32, #tpu.memory_space<vmem>>, vector<16xi32>,
      tpu.vector_store %arg8[%swap3A_417], %add3A_416 {strides = array<i32>} : memref<128xi32, #tpu.memory_space<vmem>>, vector<16xi32>,
      %ge3A_419 = vector.broadcast %mul3A_6 : i32 to vector<16xi32>
      %ge3A_420 = arith.cmpi sge, %get3A_405, %ge3A_419 : vector<16xi32>
      %lt3A_421 = vector.broadcast %add3A_9 : i32 to vector<16xi32>
      %lt3A_422 = arith.cmpi slt, %get3A_405, %lt3A_421 : vector<16xi32>
      %and3A_423 = arith.andi %ge3A_420, %lt3A_422 : vector<16xi1>
      %lt3A_424 = arith.constant 10000 : i32
      %lt3A_425 = vector.broadcast %lt3A_424 : i32 to vector<16xi32>
      %lt3A_426 = arith.cmpi slt, %get3A_409, %lt3A_425 : vector<16xi32>
      %and3A_427 = arith.andi %and3A_423, %lt3A_426 : vector<16xi1>
      %ge3A_428 = vector.broadcast %add3A_7 : i32 to vector<16xi32>
      %ge3A_429 = arith.cmpi sge, %get3A_405, %ge3A_428 : vector<16xi32>
      %jit3A_430 = arith.constant 5000 : i32
      %jit3A_431 = arith.constant 0 : i32
      %broadcast_in_dim3A_432 = vector.broadcast %jit3A_430 : i32 to vector<16xi32>
      %broadcast_in_dim3A_433 = vector.broadcast %jit3A_431 : i32 to vector<16xi32>
      %select_n3A_434 = arith.select %ge3A_429, %broadcast_in_dim3A_432, %broadcast_in_dim3A_433 : vector<16xi1>, vector<16xi32>
      %shift_right_arithmetic3A_435 = arith.constant 1 : i32
      %shift_right_arithmetic3A_436 = vector.broadcast %shift_right_arithmetic3A_435 : i32 to vector<16xi32>
      %shift_right_arithmetic3A_437 = arith.shrsi %get3A_409, %shift_right_arithmetic3A_436 : vector<16xi32>
      %add3A_438 = arith.addi %select_n3A_434, %shift_right_arithmetic3A_437 : vector<16xi32>
      %and3A_439 = arith.constant 63 : i32
      %and3A_440 = vector.broadcast %and3A_439 : i32 to vector<16xi32>
      %and3A_441 = arith.andi %get3A_409, %and3A_440 : vector<16xi32>
      %add3A_442 = arith.constant 10000 : i32
      %add3A_443 = vector.broadcast %add3A_442 : i32 to vector<16xi32>
      %add3A_444 = arith.addi %add3A_443, %and3A_441 : vector<16xi32>
      %select_n3A_445 = arith.select %and3A_427, %add3A_438, %add3A_444 : vector<16xi1>, vector<16xi32>
      %swap3A_446 = arith.constant 112 : index
      %swap3A_447 = tpu.vector_load %arg9[%swap3A_446] {strides = array<i32>} : memref<128xi32, #tpu.memory_space<vmem>>, vector<16xi32>,
      tpu.vector_store %arg9[%swap3A_446], %select_n3A_445 {strides = array<i32>} : memref<128xi32, #tpu.memory_space<vmem>>, vector<16xi32>,
      %dma_start3A = arith.constant 0 : i32
      %dma_start3A_448 = arith.constant 0 : i32
      %dma_start3A_449 = tpu.memref_slice %arg4[%dma_start3A, %dma_start3A_448] : memref<20000x128xf32, #tpu.memory_space<hbm>> -> memref<20000x128xf32, #tpu.memory_space<hbm>>
      tpu.enqueue_indirect_dma source(%dma_start3A_449 : memref<20000x128xf32, #tpu.memory_space<hbm>>) target(%arg10 : memref<128x128xf32, #tpu.memory_space<vmem>>) offsets(%arg8 : memref<128xi32, #tpu.memory_space<vmem>>) semaphore(%arg13 : memref<!tpu.dma_semaphore, #tpu.memory_space<semaphore_mem>>)
      %dma_wait3A = arith.constant 0 : i32
      %dma_wait3A_450 = arith.constant 0 : i32
      %dma_wait3A_451 = tpu.memref_slice %arg4[%dma_wait3A, %dma_wait3A_450] : memref<20000x128xf32, #tpu.memory_space<hbm>> -> memref<20000x128xf32, #tpu.memory_space<hbm>>
      tpu.wait_indirect_dma semaphore(%arg13 : memref<!tpu.dma_semaphore, #tpu.memory_space<semaphore_mem>>) src(%dma_wait3A_451 : memref<20000x128xf32, #tpu.memory_space<hbm>>) dst(%arg10 : memref<128x128xf32, #tpu.memory_space<vmem>>)
      "tpu.region"() ({
        %run_scoped3A = tpu.sem_alloc : memref<!tpu.dma_semaphore, #tpu.memory_space<semaphore_mem>>
        %dma_start3A_452 = arith.constant 0 : i32
        %dma_start3A_453 = arith.constant 0 : i32
        %dma_start3A_454 = tpu.memref_slice %arg12[%dma_start3A_452, %dma_start3A_453] : memref<10112x128xf32, #tpu.memory_space<vmem_shared>> -> memref<10112x128xf32, #tpu.memory_space<vmem_shared>>
        tpu.enqueue_indirect_dma source(%arg10 : memref<128x128xf32, #tpu.memory_space<vmem>>) target(%dma_start3A_454 : memref<10112x128xf32, #tpu.memory_space<vmem_shared>>) offsets(%arg9 : memref<128xi32, #tpu.memory_space<vmem>>) semaphore(%run_scoped3A : memref<!tpu.dma_semaphore, #tpu.memory_space<semaphore_mem>>) {add = true}
        %dma_wait3A_455 = arith.constant 0 : i32
        %dma_wait3A_456 = arith.constant 0 : i32
        %dma_wait3A_457 = tpu.memref_slice %arg12[%dma_wait3A_455, %dma_wait3A_456] : memref<10112x128xf32, #tpu.memory_space<vmem_shared>> -> memref<10112x128xf32, #tpu.memory_space<vmem_shared>>
        tpu.wait_indirect_dma semaphore(%run_scoped3A : memref<!tpu.dma_semaphore, #tpu.memory_space<semaphore_mem>>) src(%arg10 : memref<128x128xf32, #tpu.memory_space<vmem>>) dst(%dma_wait3A_457 : memref<10112x128xf32, #tpu.memory_space<vmem_shared>>)
        tpu.yield
      }) : () -> ()
    }
    %while3A_37 = arith.constant 1 : i32
    scf.for %while3A_80 = %while3A_35 to %while3A_31 step %while3A_37  : i32 {
      %add3A_81 = arith.addi %select_n3A, %while3A_80 : i32
      %mul3A_82 = arith.constant 128 : i32
      %mul3A_83 = arith.muli %add3A_81, %mul3A_82 : i32
      %add3A_84 = arith.addi %mul3A_28, %mul3A_83 : i32
      "tpu.region"() ({
        %run_scoped3A = tpu.sem_alloc : memref<!tpu.dma_semaphore, #tpu.memory_space<semaphore_mem>>
        %dma_start3A_452 = arith.constant 0 : i32
        %dma_start3A_453 = tpu.memref_slice %arg2[%dma_start3A_452, %add3A_84] : memref<2x327680xi32, #tpu.memory_space<hbm>> -> memref<2x128xi32, #tpu.memory_space<hbm>>
        %dma_start3A_454 = arith.constant 0 : i32
        %dma_start3A_455 = tpu.memref_slice %arg2[%dma_start3A_454, %add3A_84] : memref<2x327680xi32, #tpu.memory_space<hbm>> -> memref<2x128xi32, #tpu.memory_space<hbm>>
        tpu.enqueue_dma source(%dma_start3A_455 : memref<2x128xi32, #tpu.memory_space<hbm>>) target(%arg7 : memref<2x128xi32, #tpu.memory_space<vmem>>) target_semaphore(%run_scoped3A : memref<!tpu.dma_semaphore, #tpu.memory_space<semaphore_mem>>)
        %dma_wait3A_456 = arith.constant 0 : i32
        %dma_wait3A_457 = tpu.memref_slice %arg2[%dma_wait3A_456, %add3A_84] : memref<2x327680xi32, #tpu.memory_space<hbm>> -> memref<2x128xi32, #tpu.memory_space<hbm>>
        %dma_wait3A_458 = arith.constant 0 : i32
        %dma_wait3A_459 = tpu.memref_slice %arg2[%dma_wait3A_458, %add3A_84] : memref<2x327680xi32, #tpu.memory_space<hbm>> -> memref<2x128xi32, #tpu.memory_space<hbm>>
        tpu.wait_dma2 semaphore(%run_scoped3A : memref<!tpu.dma_semaphore, #tpu.memory_space<semaphore_mem>>) src(%dma_wait3A_459 : memref<2x128xi32, #tpu.memory_space<hbm>>) dst(%arg7 : memref<2x128xi32, #tpu.memory_space<vmem>>)
        tpu.yield
      }) : () -> ()
      %get3A_85 = arith.constant 0 : i32
      %get3A_86 = arith.index_cast %get3A_85 : i32 to index
      %get3A_87 = arith.constant 0 : index
      %get3A_88 = tpu.vector_load %arg7[%get3A_86, %get3A_87] {strides = array<i32>} : memref<2x128xi32, #tpu.memory_space<vmem>>, vector<16xi32>,
      %get3A_89 = arith.constant 1 : i32
      %get3A_90 = arith.index_cast %get3A_89 : i32 to index
      %get3A_91 = arith.constant 0 : index
      %get3A_92 = tpu.vector_load %arg7[%get3A_90, %get3A_91] {strides = array<i32>} : memref<2x128xi32, #tpu.memory_space<vmem>>, vector<16xi32>,
      %mul3A_93 = arith.constant 2 : i32
      %mul3A_94 = vector.broadcast %mul3A_93 : i32 to vector<16xi32>
      %mul3A_95 = arith.muli %mul3A_94, %get3A_88 : vector<16xi32>
      %and3A = arith.constant 1 : i32
      %and3A_96 = vector.broadcast %and3A : i32 to vector<16xi32>
      %and3A_97 = arith.andi %get3A_92, %and3A_96 : vector<16xi32>
      %add3A_98 = arith.addi %mul3A_95, %and3A_97 : vector<16xi32>
      %swap3A = arith.constant 0 : index
      %swap3A_99 = tpu.vector_load %arg8[%swap3A] {strides = array<i32>} : memref<128xi32, #tpu.memory_space<vmem>>, vector<16xi32>,
      tpu.vector_store %arg8[%swap3A], %add3A_98 {strides = array<i32>} : memref<128xi32, #tpu.memory_space<vmem>>, vector<16xi32>,
      %ge3A = vector.broadcast %mul3A_6 : i32 to vector<16xi32>
      %ge3A_100 = arith.cmpi sge, %get3A_88, %ge3A : vector<16xi32>
      %lt3A = vector.broadcast %add3A_9 : i32 to vector<16xi32>
      %lt3A_101 = arith.cmpi slt, %get3A_88, %lt3A : vector<16xi32>
      %and3A_102 = arith.andi %ge3A_100, %lt3A_101 : vector<16xi1>
      %lt3A_103 = arith.constant 10000 : i32
      %lt3A_104 = vector.broadcast %lt3A_103 : i32 to vector<16xi32>
      %lt3A_105 = arith.cmpi slt, %get3A_92, %lt3A_104 : vector<16xi32>
      %and3A_106 = arith.andi %and3A_102, %lt3A_105 : vector<16xi1>
      %ge3A_107 = vector.broadcast %add3A_7 : i32 to vector<16xi32>
      %ge3A_108 = arith.cmpi sge, %get3A_88, %ge3A_107 : vector<16xi32>
      %jit3A_109 = arith.constant 5000 : i32
      %jit3A_110 = arith.constant 0 : i32
      %broadcast_in_dim3A = vector.broadcast %jit3A_109 : i32 to vector<16xi32>
      %broadcast_in_dim3A_111 = vector.broadcast %jit3A_110 : i32 to vector<16xi32>
      %select_n3A_112 = arith.select %ge3A_108, %broadcast_in_dim3A, %broadcast_in_dim3A_111 : vector<16xi1>, vector<16xi32>
      %shift_right_arithmetic3A_113 = arith.constant 1 : i32
      %shift_right_arithmetic3A_114 = vector.broadcast %shift_right_arithmetic3A_113 : i32 to vector<16xi32>
      %shift_right_arithmetic3A_115 = arith.shrsi %get3A_92, %shift_right_arithmetic3A_114 : vector<16xi32>
      %add3A_116 = arith.addi %select_n3A_112, %shift_right_arithmetic3A_115 : vector<16xi32>
      %and3A_117 = arith.constant 63 : i32
      %and3A_118 = vector.broadcast %and3A_117 : i32 to vector<16xi32>
      %and3A_119 = arith.andi %get3A_92, %and3A_118 : vector<16xi32>
      %add3A_120 = arith.constant 10000 : i32
      %add3A_121 = vector.broadcast %add3A_120 : i32 to vector<16xi32>
      %add3A_122 = arith.addi %add3A_121, %and3A_119 : vector<16xi32>
      %select_n3A_123 = arith.select %and3A_106, %add3A_116, %add3A_122 : vector<16xi1>, vector<16xi32>
      %swap3A_124 = arith.constant 0 : index
      %swap3A_125 = tpu.vector_load %arg9[%swap3A_124] {strides = array<i32>} : memref<128xi32, #tpu.memory_space<vmem>>, vector<16xi32>,
      tpu.vector_store %arg9[%swap3A_124], %select_n3A_123 {strides = array<i32>} : memref<128xi32, #tpu.memory_space<vmem>>, vector<16xi32>,
      %get3A_126 = arith.constant 0 : i32
      %get3A_127 = arith.index_cast %get3A_126 : i32 to index
      %get3A_128 = arith.constant 16 : index
      %get3A_129 = tpu.vector_load %arg7[%get3A_127, %get3A_128] {strides = array<i32>} : memref<2x128xi32, #tpu.memory_space<vmem>>, vector<16xi32>,
      %get3A_130 = arith.constant 1 : i32
      %get3A_131 = arith.index_cast %get3A_130 : i32 to index
      %get3A_132 = arith.constant 16 : index
      %get3A_133 = tpu.vector_load %arg7[%get3A_131, %get3A_132] {strides = array<i32>} : memref<2x128xi32, #tpu.memory_space<vmem>>, vector<16xi32>,
      %mul3A_134 = arith.constant 2 : i32
      %mul3A_135 = vector.broadcast %mul3A_134 : i32 to vector<16xi32>
      %mul3A_136 = arith.muli %mul3A_135, %get3A_129 : vector<16xi32>
      %and3A_137 = arith.constant 1 : i32
      %and3A_138 = vector.broadcast %and3A_137 : i32 to vector<16xi32>
      %and3A_139 = arith.andi %get3A_133, %and3A_138 : vector<16xi32>
      %add3A_140 = arith.addi %mul3A_136, %and3A_139 : vector<16xi32>
      %swap3A_141 = arith.constant 16 : index
      %swap3A_142 = tpu.vector_load %arg8[%swap3A_141] {strides = array<i32>} : memref<128xi32, #tpu.memory_space<vmem>>, vector<16xi32>,
      tpu.vector_store %arg8[%swap3A_141], %add3A_140 {strides = array<i32>} : memref<128xi32, #tpu.memory_space<vmem>>, vector<16xi32>,
      %ge3A_143 = vector.broadcast %mul3A_6 : i32 to vector<16xi32>
      %ge3A_144 = arith.cmpi sge, %get3A_129, %ge3A_143 : vector<16xi32>
      %lt3A_145 = vector.broadcast %add3A_9 : i32 to vector<16xi32>
      %lt3A_146 = arith.cmpi slt, %get3A_129, %lt3A_145 : vector<16xi32>
      %and3A_147 = arith.andi %ge3A_144, %lt3A_146 : vector<16xi1>
      %lt3A_148 = arith.constant 10000 : i32
      %lt3A_149 = vector.broadcast %lt3A_148 : i32 to vector<16xi32>
      %lt3A_150 = arith.cmpi slt, %get3A_133, %lt3A_149 : vector<16xi32>
      %and3A_151 = arith.andi %and3A_147, %lt3A_150 : vector<16xi1>
      %ge3A_152 = vector.broadcast %add3A_7 : i32 to vector<16xi32>
      %ge3A_153 = arith.cmpi sge, %get3A_129, %ge3A_152 : vector<16xi32>
      %jit3A_154 = arith.constant 5000 : i32
      %jit3A_155 = arith.constant 0 : i32
      %broadcast_in_dim3A_156 = vector.broadcast %jit3A_154 : i32 to vector<16xi32>
      %broadcast_in_dim3A_157 = vector.broadcast %jit3A_155 : i32 to vector<16xi32>
      %select_n3A_158 = arith.select %ge3A_153, %broadcast_in_dim3A_156, %broadcast_in_dim3A_157 : vector<16xi1>, vector<16xi32>
      %shift_right_arithmetic3A_159 = arith.constant 1 : i32
      %shift_right_arithmetic3A_160 = vector.broadcast %shift_right_arithmetic3A_159 : i32 to vector<16xi32>
      %shift_right_arithmetic3A_161 = arith.shrsi %get3A_133, %shift_right_arithmetic3A_160 : vector<16xi32>
      %add3A_162 = arith.addi %select_n3A_158, %shift_right_arithmetic3A_161 : vector<16xi32>
      %and3A_163 = arith.constant 63 : i32
      %and3A_164 = vector.broadcast %and3A_163 : i32 to vector<16xi32>
      %and3A_165 = arith.andi %get3A_133, %and3A_164 : vector<16xi32>
      %add3A_166 = arith.constant 10000 : i32
      %add3A_167 = vector.broadcast %add3A_166 : i32 to vector<16xi32>
      %add3A_168 = arith.addi %add3A_167, %and3A_165 : vector<16xi32>
      %select_n3A_169 = arith.select %and3A_151, %add3A_162, %add3A_168 : vector<16xi1>, vector<16xi32>
      %swap3A_170 = arith.constant 16 : index
      %swap3A_171 = tpu.vector_load %arg9[%swap3A_170] {strides = array<i32>} : memref<128xi32, #tpu.memory_space<vmem>>, vector<16xi32>,
      tpu.vector_store %arg9[%swap3A_170], %select_n3A_169 {strides = array<i32>} : memref<128xi32, #tpu.memory_space<vmem>>, vector<16xi32>,
      %get3A_172 = arith.constant 0 : i32
      %get3A_173 = arith.index_cast %get3A_172 : i32 to index
      %get3A_174 = arith.constant 32 : index
      %get3A_175 = tpu.vector_load %arg7[%get3A_173, %get3A_174] {strides = array<i32>} : memref<2x128xi32, #tpu.memory_space<vmem>>, vector<16xi32>,
      %get3A_176 = arith.constant 1 : i32
      %get3A_177 = arith.index_cast %get3A_176 : i32 to index
      %get3A_178 = arith.constant 32 : index
      %get3A_179 = tpu.vector_load %arg7[%get3A_177, %get3A_178] {strides = array<i32>} : memref<2x128xi32, #tpu.memory_space<vmem>>, vector<16xi32>,
      %mul3A_180 = arith.constant 2 : i32
      %mul3A_181 = vector.broadcast %mul3A_180 : i32 to vector<16xi32>
      %mul3A_182 = arith.muli %mul3A_181, %get3A_175 : vector<16xi32>
      %and3A_183 = arith.constant 1 : i32
      %and3A_184 = vector.broadcast %and3A_183 : i32 to vector<16xi32>
      %and3A_185 = arith.andi %get3A_179, %and3A_184 : vector<16xi32>
      %add3A_186 = arith.addi %mul3A_182, %and3A_185 : vector<16xi32>
      %swap3A_187 = arith.constant 32 : index
      %swap3A_188 = tpu.vector_load %arg8[%swap3A_187] {strides = array<i32>} : memref<128xi32, #tpu.memory_space<vmem>>, vector<16xi32>,
      tpu.vector_store %arg8[%swap3A_187], %add3A_186 {strides = array<i32>} : memref<128xi32, #tpu.memory_space<vmem>>, vector<16xi32>,
      %ge3A_189 = vector.broadcast %mul3A_6 : i32 to vector<16xi32>
      %ge3A_190 = arith.cmpi sge, %get3A_175, %ge3A_189 : vector<16xi32>
      %lt3A_191 = vector.broadcast %add3A_9 : i32 to vector<16xi32>
      %lt3A_192 = arith.cmpi slt, %get3A_175, %lt3A_191 : vector<16xi32>
      %and3A_193 = arith.andi %ge3A_190, %lt3A_192 : vector<16xi1>
      %lt3A_194 = arith.constant 10000 : i32
      %lt3A_195 = vector.broadcast %lt3A_194 : i32 to vector<16xi32>
      %lt3A_196 = arith.cmpi slt, %get3A_179, %lt3A_195 : vector<16xi32>
      %and3A_197 = arith.andi %and3A_193, %lt3A_196 : vector<16xi1>
      %ge3A_198 = vector.broadcast %add3A_7 : i32 to vector<16xi32>
      %ge3A_199 = arith.cmpi sge, %get3A_175, %ge3A_198 : vector<16xi32>
      %jit3A_200 = arith.constant 5000 : i32
      %jit3A_201 = arith.constant 0 : i32
      %broadcast_in_dim3A_202 = vector.broadcast %jit3A_200 : i32 to vector<16xi32>
      %broadcast_in_dim3A_203 = vector.broadcast %jit3A_201 : i32 to vector<16xi32>
      %select_n3A_204 = arith.select %ge3A_199, %broadcast_in_dim3A_202, %broadcast_in_dim3A_203 : vector<16xi1>, vector<16xi32>
      %shift_right_arithmetic3A_205 = arith.constant 1 : i32
      %shift_right_arithmetic3A_206 = vector.broadcast %shift_right_arithmetic3A_205 : i32 to vector<16xi32>
      %shift_right_arithmetic3A_207 = arith.shrsi %get3A_179, %shift_right_arithmetic3A_206 : vector<16xi32>
      %add3A_208 = arith.addi %select_n3A_204, %shift_right_arithmetic3A_207 : vector<16xi32>
      %and3A_209 = arith.constant 63 : i32
      %and3A_210 = vector.broadcast %and3A_209 : i32 to vector<16xi32>
      %and3A_211 = arith.andi %get3A_179, %and3A_210 : vector<16xi32>
      %add3A_212 = arith.constant 10000 : i32
      %add3A_213 = vector.broadcast %add3A_212 : i32 to vector<16xi32>
      %add3A_214 = arith.addi %add3A_213, %and3A_211 : vector<16xi32>
      %select_n3A_215 = arith.select %and3A_197, %add3A_208, %add3A_214 : vector<16xi1>, vector<16xi32>
      %swap3A_216 = arith.constant 32 : index
      %swap3A_217 = tpu.vector_load %arg9[%swap3A_216] {strides = array<i32>} : memref<128xi32, #tpu.memory_space<vmem>>, vector<16xi32>,
      tpu.vector_store %arg9[%swap3A_216], %select_n3A_215 {strides = array<i32>} : memref<128xi32, #tpu.memory_space<vmem>>, vector<16xi32>,
      %get3A_218 = arith.constant 0 : i32
      %get3A_219 = arith.index_cast %get3A_218 : i32 to index
      %get3A_220 = arith.constant 48 : index
      %get3A_221 = tpu.vector_load %arg7[%get3A_219, %get3A_220] {strides = array<i32>} : memref<2x128xi32, #tpu.memory_space<vmem>>, vector<16xi32>,
      %get3A_222 = arith.constant 1 : i32
      %get3A_223 = arith.index_cast %get3A_222 : i32 to index
      %get3A_224 = arith.constant 48 : index
      %get3A_225 = tpu.vector_load %arg7[%get3A_223, %get3A_224] {strides = array<i32>} : memref<2x128xi32, #tpu.memory_space<vmem>>, vector<16xi32>,
      %mul3A_226 = arith.constant 2 : i32
      %mul3A_227 = vector.broadcast %mul3A_226 : i32 to vector<16xi32>
      %mul3A_228 = arith.muli %mul3A_227, %get3A_221 : vector<16xi32>
      %and3A_229 = arith.constant 1 : i32
      %and3A_230 = vector.broadcast %and3A_229 : i32 to vector<16xi32>
      %and3A_231 = arith.andi %get3A_225, %and3A_230 : vector<16xi32>
      %add3A_232 = arith.addi %mul3A_228, %and3A_231 : vector<16xi32>
      %swap3A_233 = arith.constant 48 : index
      %swap3A_234 = tpu.vector_load %arg8[%swap3A_233] {strides = array<i32>} : memref<128xi32, #tpu.memory_space<vmem>>, vector<16xi32>,
      tpu.vector_store %arg8[%swap3A_233], %add3A_232 {strides = array<i32>} : memref<128xi32, #tpu.memory_space<vmem>>, vector<16xi32>,
      %ge3A_235 = vector.broadcast %mul3A_6 : i32 to vector<16xi32>
      %ge3A_236 = arith.cmpi sge, %get3A_221, %ge3A_235 : vector<16xi32>
      %lt3A_237 = vector.broadcast %add3A_9 : i32 to vector<16xi32>
      %lt3A_238 = arith.cmpi slt, %get3A_221, %lt3A_237 : vector<16xi32>
      %and3A_239 = arith.andi %ge3A_236, %lt3A_238 : vector<16xi1>
      %lt3A_240 = arith.constant 10000 : i32
      %lt3A_241 = vector.broadcast %lt3A_240 : i32 to vector<16xi32>
      %lt3A_242 = arith.cmpi slt, %get3A_225, %lt3A_241 : vector<16xi32>
      %and3A_243 = arith.andi %and3A_239, %lt3A_242 : vector<16xi1>
      %ge3A_244 = vector.broadcast %add3A_7 : i32 to vector<16xi32>
      %ge3A_245 = arith.cmpi sge, %get3A_221, %ge3A_244 : vector<16xi32>
      %jit3A_246 = arith.constant 5000 : i32
      %jit3A_247 = arith.constant 0 : i32
      %broadcast_in_dim3A_248 = vector.broadcast %jit3A_246 : i32 to vector<16xi32>
      %broadcast_in_dim3A_249 = vector.broadcast %jit3A_247 : i32 to vector<16xi32>
      %select_n3A_250 = arith.select %ge3A_245, %broadcast_in_dim3A_248, %broadcast_in_dim3A_249 : vector<16xi1>, vector<16xi32>
      %shift_right_arithmetic3A_251 = arith.constant 1 : i32
      %shift_right_arithmetic3A_252 = vector.broadcast %shift_right_arithmetic3A_251 : i32 to vector<16xi32>
      %shift_right_arithmetic3A_253 = arith.shrsi %get3A_225, %shift_right_arithmetic3A_252 : vector<16xi32>
      %add3A_254 = arith.addi %select_n3A_250, %shift_right_arithmetic3A_253 : vector<16xi32>
      %and3A_255 = arith.constant 63 : i32
      %and3A_256 = vector.broadcast %and3A_255 : i32 to vector<16xi32>
      %and3A_257 = arith.andi %get3A_225, %and3A_256 : vector<16xi32>
      %add3A_258 = arith.constant 10000 : i32
      %add3A_259 = vector.broadcast %add3A_258 : i32 to vector<16xi32>
      %add3A_260 = arith.addi %add3A_259, %and3A_257 : vector<16xi32>
      %select_n3A_261 = arith.select %and3A_243, %add3A_254, %add3A_260 : vector<16xi1>, vector<16xi32>
      %swap3A_262 = arith.constant 48 : index
      %swap3A_263 = tpu.vector_load %arg9[%swap3A_262] {strides = array<i32>} : memref<128xi32, #tpu.memory_space<vmem>>, vector<16xi32>,
      tpu.vector_store %arg9[%swap3A_262], %select_n3A_261 {strides = array<i32>} : memref<128xi32, #tpu.memory_space<vmem>>, vector<16xi32>,
      %get3A_264 = arith.constant 0 : i32
      %get3A_265 = arith.index_cast %get3A_264 : i32 to index
      %get3A_266 = arith.constant 64 : index
      %get3A_267 = tpu.vector_load %arg7[%get3A_265, %get3A_266] {strides = array<i32>} : memref<2x128xi32, #tpu.memory_space<vmem>>, vector<16xi32>,
      %get3A_268 = arith.constant 1 : i32
      %get3A_269 = arith.index_cast %get3A_268 : i32 to index
      %get3A_270 = arith.constant 64 : index
      %get3A_271 = tpu.vector_load %arg7[%get3A_269, %get3A_270] {strides = array<i32>} : memref<2x128xi32, #tpu.memory_space<vmem>>, vector<16xi32>,
      %mul3A_272 = arith.constant 2 : i32
      %mul3A_273 = vector.broadcast %mul3A_272 : i32 to vector<16xi32>
      %mul3A_274 = arith.muli %mul3A_273, %get3A_267 : vector<16xi32>
      %and3A_275 = arith.constant 1 : i32
      %and3A_276 = vector.broadcast %and3A_275 : i32 to vector<16xi32>
      %and3A_277 = arith.andi %get3A_271, %and3A_276 : vector<16xi32>
      %add3A_278 = arith.addi %mul3A_274, %and3A_277 : vector<16xi32>
      %swap3A_279 = arith.constant 64 : index
      %swap3A_280 = tpu.vector_load %arg8[%swap3A_279] {strides = array<i32>} : memref<128xi32, #tpu.memory_space<vmem>>, vector<16xi32>,
      tpu.vector_store %arg8[%swap3A_279], %add3A_278 {strides = array<i32>} : memref<128xi32, #tpu.memory_space<vmem>>, vector<16xi32>,
      %ge3A_281 = vector.broadcast %mul3A_6 : i32 to vector<16xi32>
      %ge3A_282 = arith.cmpi sge, %get3A_267, %ge3A_281 : vector<16xi32>
      %lt3A_283 = vector.broadcast %add3A_9 : i32 to vector<16xi32>
      %lt3A_284 = arith.cmpi slt, %get3A_267, %lt3A_283 : vector<16xi32>
      %and3A_285 = arith.andi %ge3A_282, %lt3A_284 : vector<16xi1>
      %lt3A_286 = arith.constant 10000 : i32
      %lt3A_287 = vector.broadcast %lt3A_286 : i32 to vector<16xi32>
      %lt3A_288 = arith.cmpi slt, %get3A_271, %lt3A_287 : vector<16xi32>
      %and3A_289 = arith.andi %and3A_285, %lt3A_288 : vector<16xi1>
      %ge3A_290 = vector.broadcast %add3A_7 : i32 to vector<16xi32>
      %ge3A_291 = arith.cmpi sge, %get3A_267, %ge3A_290 : vector<16xi32>
      %jit3A_292 = arith.constant 5000 : i32
      %jit3A_293 = arith.constant 0 : i32
      %broadcast_in_dim3A_294 = vector.broadcast %jit3A_292 : i32 to vector<16xi32>
      %broadcast_in_dim3A_295 = vector.broadcast %jit3A_293 : i32 to vector<16xi32>
      %select_n3A_296 = arith.select %ge3A_291, %broadcast_in_dim3A_294, %broadcast_in_dim3A_295 : vector<16xi1>, vector<16xi32>
      %shift_right_arithmetic3A_297 = arith.constant 1 : i32
      %shift_right_arithmetic3A_298 = vector.broadcast %shift_right_arithmetic3A_297 : i32 to vector<16xi32>
      %shift_right_arithmetic3A_299 = arith.shrsi %get3A_271, %shift_right_arithmetic3A_298 : vector<16xi32>
      %add3A_300 = arith.addi %select_n3A_296, %shift_right_arithmetic3A_299 : vector<16xi32>
      %and3A_301 = arith.constant 63 : i32
      %and3A_302 = vector.broadcast %and3A_301 : i32 to vector<16xi32>
      %and3A_303 = arith.andi %get3A_271, %and3A_302 : vector<16xi32>
      %add3A_304 = arith.constant 10000 : i32
      %add3A_305 = vector.broadcast %add3A_304 : i32 to vector<16xi32>
      %add3A_306 = arith.addi %add3A_305, %and3A_303 : vector<16xi32>
      %select_n3A_307 = arith.select %and3A_289, %add3A_300, %add3A_306 : vector<16xi1>, vector<16xi32>
      %swap3A_308 = arith.constant 64 : index
      %swap3A_309 = tpu.vector_load %arg9[%swap3A_308] {strides = array<i32>} : memref<128xi32, #tpu.memory_space<vmem>>, vector<16xi32>,
      tpu.vector_store %arg9[%swap3A_308], %select_n3A_307 {strides = array<i32>} : memref<128xi32, #tpu.memory_space<vmem>>, vector<16xi32>,
      %get3A_310 = arith.constant 0 : i32
      %get3A_311 = arith.index_cast %get3A_310 : i32 to index
      %get3A_312 = arith.constant 80 : index
      %get3A_313 = tpu.vector_load %arg7[%get3A_311, %get3A_312] {strides = array<i32>} : memref<2x128xi32, #tpu.memory_space<vmem>>, vector<16xi32>,
      %get3A_314 = arith.constant 1 : i32
      %get3A_315 = arith.index_cast %get3A_314 : i32 to index
      %get3A_316 = arith.constant 80 : index
      %get3A_317 = tpu.vector_load %arg7[%get3A_315, %get3A_316] {strides = array<i32>} : memref<2x128xi32, #tpu.memory_space<vmem>>, vector<16xi32>,
      %mul3A_318 = arith.constant 2 : i32
      %mul3A_319 = vector.broadcast %mul3A_318 : i32 to vector<16xi32>
      %mul3A_320 = arith.muli %mul3A_319, %get3A_313 : vector<16xi32>
      %and3A_321 = arith.constant 1 : i32
      %and3A_322 = vector.broadcast %and3A_321 : i32 to vector<16xi32>
      %and3A_323 = arith.andi %get3A_317, %and3A_322 : vector<16xi32>
      %add3A_324 = arith.addi %mul3A_320, %and3A_323 : vector<16xi32>
      %swap3A_325 = arith.constant 80 : index
      %swap3A_326 = tpu.vector_load %arg8[%swap3A_325] {strides = array<i32>} : memref<128xi32, #tpu.memory_space<vmem>>, vector<16xi32>,
      tpu.vector_store %arg8[%swap3A_325], %add3A_324 {strides = array<i32>} : memref<128xi32, #tpu.memory_space<vmem>>, vector<16xi32>,
      %ge3A_327 = vector.broadcast %mul3A_6 : i32 to vector<16xi32>
      %ge3A_328 = arith.cmpi sge, %get3A_313, %ge3A_327 : vector<16xi32>
      %lt3A_329 = vector.broadcast %add3A_9 : i32 to vector<16xi32>
      %lt3A_330 = arith.cmpi slt, %get3A_313, %lt3A_329 : vector<16xi32>
      %and3A_331 = arith.andi %ge3A_328, %lt3A_330 : vector<16xi1>
      %lt3A_332 = arith.constant 10000 : i32
      %lt3A_333 = vector.broadcast %lt3A_332 : i32 to vector<16xi32>
      %lt3A_334 = arith.cmpi slt, %get3A_317, %lt3A_333 : vector<16xi32>
      %and3A_335 = arith.andi %and3A_331, %lt3A_334 : vector<16xi1>
      %ge3A_336 = vector.broadcast %add3A_7 : i32 to vector<16xi32>
      %ge3A_337 = arith.cmpi sge, %get3A_313, %ge3A_336 : vector<16xi32>
      %jit3A_338 = arith.constant 5000 : i32
      %jit3A_339 = arith.constant 0 : i32
      %broadcast_in_dim3A_340 = vector.broadcast %jit3A_338 : i32 to vector<16xi32>
      %broadcast_in_dim3A_341 = vector.broadcast %jit3A_339 : i32 to vector<16xi32>
      %select_n3A_342 = arith.select %ge3A_337, %broadcast_in_dim3A_340, %broadcast_in_dim3A_341 : vector<16xi1>, vector<16xi32>
      %shift_right_arithmetic3A_343 = arith.constant 1 : i32
      %shift_right_arithmetic3A_344 = vector.broadcast %shift_right_arithmetic3A_343 : i32 to vector<16xi32>
      %shift_right_arithmetic3A_345 = arith.shrsi %get3A_317, %shift_right_arithmetic3A_344 : vector<16xi32>
      %add3A_346 = arith.addi %select_n3A_342, %shift_right_arithmetic3A_345 : vector<16xi32>
      %and3A_347 = arith.constant 63 : i32
      %and3A_348 = vector.broadcast %and3A_347 : i32 to vector<16xi32>
      %and3A_349 = arith.andi %get3A_317, %and3A_348 : vector<16xi32>
      %add3A_350 = arith.constant 10000 : i32
      %add3A_351 = vector.broadcast %add3A_350 : i32 to vector<16xi32>
      %add3A_352 = arith.addi %add3A_351, %and3A_349 : vector<16xi32>
      %select_n3A_353 = arith.select %and3A_335, %add3A_346, %add3A_352 : vector<16xi1>, vector<16xi32>
      %swap3A_354 = arith.constant 80 : index
      %swap3A_355 = tpu.vector_load %arg9[%swap3A_354] {strides = array<i32>} : memref<128xi32, #tpu.memory_space<vmem>>, vector<16xi32>,
      tpu.vector_store %arg9[%swap3A_354], %select_n3A_353 {strides = array<i32>} : memref<128xi32, #tpu.memory_space<vmem>>, vector<16xi32>,
      %get3A_356 = arith.constant 0 : i32
      %get3A_357 = arith.index_cast %get3A_356 : i32 to index
      %get3A_358 = arith.constant 96 : index
      %get3A_359 = tpu.vector_load %arg7[%get3A_357, %get3A_358] {strides = array<i32>} : memref<2x128xi32, #tpu.memory_space<vmem>>, vector<16xi32>,
      %get3A_360 = arith.constant 1 : i32
      %get3A_361 = arith.index_cast %get3A_360 : i32 to index
      %get3A_362 = arith.constant 96 : index
      %get3A_363 = tpu.vector_load %arg7[%get3A_361, %get3A_362] {strides = array<i32>} : memref<2x128xi32, #tpu.memory_space<vmem>>, vector<16xi32>,
      %mul3A_364 = arith.constant 2 : i32
      %mul3A_365 = vector.broadcast %mul3A_364 : i32 to vector<16xi32>
      %mul3A_366 = arith.muli %mul3A_365, %get3A_359 : vector<16xi32>
      %and3A_367 = arith.constant 1 : i32
      %and3A_368 = vector.broadcast %and3A_367 : i32 to vector<16xi32>
      %and3A_369 = arith.andi %get3A_363, %and3A_368 : vector<16xi32>
      %add3A_370 = arith.addi %mul3A_366, %and3A_369 : vector<16xi32>
      %swap3A_371 = arith.constant 96 : index
      %swap3A_372 = tpu.vector_load %arg8[%swap3A_371] {strides = array<i32>} : memref<128xi32, #tpu.memory_space<vmem>>, vector<16xi32>,
      tpu.vector_store %arg8[%swap3A_371], %add3A_370 {strides = array<i32>} : memref<128xi32, #tpu.memory_space<vmem>>, vector<16xi32>,
      %ge3A_373 = vector.broadcast %mul3A_6 : i32 to vector<16xi32>
      %ge3A_374 = arith.cmpi sge, %get3A_359, %ge3A_373 : vector<16xi32>
      %lt3A_375 = vector.broadcast %add3A_9 : i32 to vector<16xi32>
      %lt3A_376 = arith.cmpi slt, %get3A_359, %lt3A_375 : vector<16xi32>
      %and3A_377 = arith.andi %ge3A_374, %lt3A_376 : vector<16xi1>
      %lt3A_378 = arith.constant 10000 : i32
      %lt3A_379 = vector.broadcast %lt3A_378 : i32 to vector<16xi32>
      %lt3A_380 = arith.cmpi slt, %get3A_363, %lt3A_379 : vector<16xi32>
      %and3A_381 = arith.andi %and3A_377, %lt3A_380 : vector<16xi1>
      %ge3A_382 = vector.broadcast %add3A_7 : i32 to vector<16xi32>
      %ge3A_383 = arith.cmpi sge, %get3A_359, %ge3A_382 : vector<16xi32>
      %jit3A_384 = arith.constant 5000 : i32
      %jit3A_385 = arith.constant 0 : i32
      %broadcast_in_dim3A_386 = vector.broadcast %jit3A_384 : i32 to vector<16xi32>
      %broadcast_in_dim3A_387 = vector.broadcast %jit3A_385 : i32 to vector<16xi32>
      %select_n3A_388 = arith.select %ge3A_383, %broadcast_in_dim3A_386, %broadcast_in_dim3A_387 : vector<16xi1>, vector<16xi32>
      %shift_right_arithmetic3A_389 = arith.constant 1 : i32
      %shift_right_arithmetic3A_390 = vector.broadcast %shift_right_arithmetic3A_389 : i32 to vector<16xi32>
      %shift_right_arithmetic3A_391 = arith.shrsi %get3A_363, %shift_right_arithmetic3A_390 : vector<16xi32>
      %add3A_392 = arith.addi %select_n3A_388, %shift_right_arithmetic3A_391 : vector<16xi32>
      %and3A_393 = arith.constant 63 : i32
      %and3A_394 = vector.broadcast %and3A_393 : i32 to vector<16xi32>
      %and3A_395 = arith.andi %get3A_363, %and3A_394 : vector<16xi32>
      %add3A_396 = arith.constant 10000 : i32
      %add3A_397 = vector.broadcast %add3A_396 : i32 to vector<16xi32>
      %add3A_398 = arith.addi %add3A_397, %and3A_395 : vector<16xi32>
      %select_n3A_399 = arith.select %and3A_381, %add3A_392, %add3A_398 : vector<16xi1>, vector<16xi32>
      %swap3A_400 = arith.constant 96 : index
      %swap3A_401 = tpu.vector_load %arg9[%swap3A_400] {strides = array<i32>} : memref<128xi32, #tpu.memory_space<vmem>>, vector<16xi32>,
      tpu.vector_store %arg9[%swap3A_400], %select_n3A_399 {strides = array<i32>} : memref<128xi32, #tpu.memory_space<vmem>>, vector<16xi32>,
      %get3A_402 = arith.constant 0 : i32
      %get3A_403 = arith.index_cast %get3A_402 : i32 to index
      %get3A_404 = arith.constant 112 : index
      %get3A_405 = tpu.vector_load %arg7[%get3A_403, %get3A_404] {strides = array<i32>} : memref<2x128xi32, #tpu.memory_space<vmem>>, vector<16xi32>,
      %get3A_406 = arith.constant 1 : i32
      %get3A_407 = arith.index_cast %get3A_406 : i32 to index
      %get3A_408 = arith.constant 112 : index
      %get3A_409 = tpu.vector_load %arg7[%get3A_407, %get3A_408] {strides = array<i32>} : memref<2x128xi32, #tpu.memory_space<vmem>>, vector<16xi32>,
      %mul3A_410 = arith.constant 2 : i32
      %mul3A_411 = vector.broadcast %mul3A_410 : i32 to vector<16xi32>
      %mul3A_412 = arith.muli %mul3A_411, %get3A_405 : vector<16xi32>
      %and3A_413 = arith.constant 1 : i32
      %and3A_414 = vector.broadcast %and3A_413 : i32 to vector<16xi32>
      %and3A_415 = arith.andi %get3A_409, %and3A_414 : vector<16xi32>
      %add3A_416 = arith.addi %mul3A_412, %and3A_415 : vector<16xi32>
      %swap3A_417 = arith.constant 112 : index
      %swap3A_418 = tpu.vector_load %arg8[%swap3A_417] {strides = array<i32>} : memref<128xi32, #tpu.memory_space<vmem>>, vector<16xi32>,
      tpu.vector_store %arg8[%swap3A_417], %add3A_416 {strides = array<i32>} : memref<128xi32, #tpu.memory_space<vmem>>, vector<16xi32>,
      %ge3A_419 = vector.broadcast %mul3A_6 : i32 to vector<16xi32>
      %ge3A_420 = arith.cmpi sge, %get3A_405, %ge3A_419 : vector<16xi32>
      %lt3A_421 = vector.broadcast %add3A_9 : i32 to vector<16xi32>
      %lt3A_422 = arith.cmpi slt, %get3A_405, %lt3A_421 : vector<16xi32>
      %and3A_423 = arith.andi %ge3A_420, %lt3A_422 : vector<16xi1>
      %lt3A_424 = arith.constant 10000 : i32
      %lt3A_425 = vector.broadcast %lt3A_424 : i32 to vector<16xi32>
      %lt3A_426 = arith.cmpi slt, %get3A_409, %lt3A_425 : vector<16xi32>
      %and3A_427 = arith.andi %and3A_423, %lt3A_426 : vector<16xi1>
      %ge3A_428 = vector.broadcast %add3A_7 : i32 to vector<16xi32>
      %ge3A_429 = arith.cmpi sge, %get3A_405, %ge3A_428 : vector<16xi32>
      %jit3A_430 = arith.constant 5000 : i32
      %jit3A_431 = arith.constant 0 : i32
      %broadcast_in_dim3A_432 = vector.broadcast %jit3A_430 : i32 to vector<16xi32>
      %broadcast_in_dim3A_433 = vector.broadcast %jit3A_431 : i32 to vector<16xi32>
      %select_n3A_434 = arith.select %ge3A_429, %broadcast_in_dim3A_432, %broadcast_in_dim3A_433 : vector<16xi1>, vector<16xi32>
      %shift_right_arithmetic3A_435 = arith.constant 1 : i32
      %shift_right_arithmetic3A_436 = vector.broadcast %shift_right_arithmetic3A_435 : i32 to vector<16xi32>
      %shift_right_arithmetic3A_437 = arith.shrsi %get3A_409, %shift_right_arithmetic3A_436 : vector<16xi32>
      %add3A_438 = arith.addi %select_n3A_434, %shift_right_arithmetic3A_437 : vector<16xi32>
      %and3A_439 = arith.constant 63 : i32
      %and3A_440 = vector.broadcast %and3A_439 : i32 to vector<16xi32>
      %and3A_441 = arith.andi %get3A_409, %and3A_440 : vector<16xi32>
      %add3A_442 = arith.constant 10000 : i32
      %add3A_443 = vector.broadcast %add3A_442 : i32 to vector<16xi32>
      %add3A_444 = arith.addi %add3A_443, %and3A_441 : vector<16xi32>
      %select_n3A_445 = arith.select %and3A_427, %add3A_438, %add3A_444 : vector<16xi1>, vector<16xi32>
      %swap3A_446 = arith.constant 112 : index
      %swap3A_447 = tpu.vector_load %arg9[%swap3A_446] {strides = array<i32>} : memref<128xi32, #tpu.memory_space<vmem>>, vector<16xi32>,
      tpu.vector_store %arg9[%swap3A_446], %select_n3A_445 {strides = array<i32>} : memref<128xi32, #tpu.memory_space<vmem>>, vector<16xi32>,
      %dma_start3A = arith.constant 0 : i32
      %dma_start3A_448 = arith.constant 0 : i32
      %dma_start3A_449 = tpu.memref_slice %arg4[%dma_start3A, %dma_start3A_448] : memref<20000x128xf32, #tpu.memory_space<hbm>> -> memref<20000x128xf32, #tpu.memory_space<hbm>>
      tpu.enqueue_indirect_dma source(%dma_start3A_449 : memref<20000x128xf32, #tpu.memory_space<hbm>>) target(%arg10 : memref<128x128xf32, #tpu.memory_space<vmem>>) offsets(%arg8 : memref<128xi32, #tpu.memory_space<vmem>>) semaphore(%arg13 : memref<!tpu.dma_semaphore, #tpu.memory_space<semaphore_mem>>)
      %dma_wait3A = arith.constant 0 : i32
      %dma_wait3A_450 = arith.constant 0 : i32
      %dma_wait3A_451 = tpu.memref_slice %arg4[%dma_wait3A, %dma_wait3A_450] : memref<20000x128xf32, #tpu.memory_space<hbm>> -> memref<20000x128xf32, #tpu.memory_space<hbm>>
      tpu.wait_indirect_dma semaphore(%arg13 : memref<!tpu.dma_semaphore, #tpu.memory_space<semaphore_mem>>) src(%dma_wait3A_451 : memref<20000x128xf32, #tpu.memory_space<hbm>>) dst(%arg10 : memref<128x128xf32, #tpu.memory_space<vmem>>)
      "tpu.region"() ({
        %run_scoped3A = tpu.sem_alloc : memref<!tpu.dma_semaphore, #tpu.memory_space<semaphore_mem>>
        %dma_start3A_452 = arith.constant 0 : i32
        %dma_start3A_453 = arith.constant 0 : i32
        %dma_start3A_454 = tpu.memref_slice %arg12[%dma_start3A_452, %dma_start3A_453] : memref<10112x128xf32, #tpu.memory_space<vmem_shared>> -> memref<10112x128xf32, #tpu.memory_space<vmem_shared>>
        tpu.enqueue_indirect_dma source(%arg10 : memref<128x128xf32, #tpu.memory_space<vmem>>) target(%dma_start3A_454 : memref<10112x128xf32, #tpu.memory_space<vmem_shared>>) offsets(%arg9 : memref<128xi32, #tpu.memory_space<vmem>>) semaphore(%run_scoped3A : memref<!tpu.dma_semaphore, #tpu.memory_space<semaphore_mem>>) {add = true}
        %dma_wait3A_455 = arith.constant 0 : i32
        %dma_wait3A_456 = arith.constant 0 : i32
        %dma_wait3A_457 = tpu.memref_slice %arg12[%dma_wait3A_455, %dma_wait3A_456] : memref<10112x128xf32, #tpu.memory_space<vmem_shared>> -> memref<10112x128xf32, #tpu.memory_space<vmem_shared>>
        tpu.wait_indirect_dma semaphore(%run_scoped3A : memref<!tpu.dma_semaphore, #tpu.memory_space<semaphore_mem>>) src(%arg10 : memref<128x128xf32, #tpu.memory_space<vmem>>) dst(%dma_wait3A_457 : memref<10112x128xf32, #tpu.memory_space<vmem_shared>>)
        tpu.yield
      }) : () -> ()
    }
    %mul3A_38 = arith.constant 2 : i32
    %mul3A_39 = arith.muli %mul3A_38, %arg1 : i32
    %add3A_40 = arith.constant 1 : i32
    %add3A_41 = arith.addi %mul3A_39, %add3A_40 : i32
    "tpu.region"() ({
      %run_scoped3A = tpu.sem_alloc : memref<!tpu.dma_semaphore, #tpu.memory_space<semaphore_mem>>
      %dma_start3A = arith.constant 0 : i32
      %dma_start3A_80 = tpu.memref_slice %arg3[%add3A_41, %dma_start3A] : memref<32x16xi32, #tpu.memory_space<hbm>> -> memref<1x16xi32, #tpu.memory_space<hbm>>
      %dma_start3A_81 = tpu.memref_squeeze %dma_start3A_80 : memref<1x16xi32, #tpu.memory_space<hbm>> -> memref<16xi32, #tpu.memory_space<hbm>>
      %dma_start3A_82 = arith.constant 0 : i32
      %dma_start3A_83 = tpu.memref_slice %arg3[%add3A_41, %dma_start3A_82] : memref<32x16xi32, #tpu.memory_space<hbm>> -> memref<1x16xi32, #tpu.memory_space<hbm>>
      %dma_start3A_84 = tpu.memref_squeeze %dma_start3A_83 : memref<1x16xi32, #tpu.memory_space<hbm>> -> memref<16xi32, #tpu.memory_space<hbm>>
      tpu.enqueue_dma source(%dma_start3A_84 : memref<16xi32, #tpu.memory_space<hbm>>) target(%arg11 : memref<16xi32, #tpu.memory_space<vmem>>) target_semaphore(%run_scoped3A : memref<!tpu.dma_semaphore, #tpu.memory_space<semaphore_mem>>)
      %dma_wait3A = arith.constant 0 : i32
      %dma_wait3A_85 = tpu.memref_slice %arg3[%add3A_41, %dma_wait3A] : memref<32x16xi32, #tpu.memory_space<hbm>> -> memref<1x16xi32, #tpu.memory_space<hbm>>
      %dma_wait3A_86 = tpu.memref_squeeze %dma_wait3A_85 : memref<1x16xi32, #tpu.memory_space<hbm>> -> memref<16xi32, #tpu.memory_space<hbm>>
      %dma_wait3A_87 = arith.constant 0 : i32
      %dma_wait3A_88 = tpu.memref_slice %arg3[%add3A_41, %dma_wait3A_87] : memref<32x16xi32, #tpu.memory_space<hbm>> -> memref<1x16xi32, #tpu.memory_space<hbm>>
      %dma_wait3A_89 = tpu.memref_squeeze %dma_wait3A_88 : memref<1x16xi32, #tpu.memory_space<hbm>> -> memref<16xi32, #tpu.memory_space<hbm>>
      tpu.wait_dma2 semaphore(%run_scoped3A : memref<!tpu.dma_semaphore, #tpu.memory_space<semaphore_mem>>) src(%dma_wait3A_89 : memref<16xi32, #tpu.memory_space<hbm>>) dst(%arg11 : memref<16xi32, #tpu.memory_space<vmem>>)
      tpu.yield
    }) : () -> ()
    %get3A_42 = arith.constant 0 : index
    %get3A_43 = tpu.vector_load %arg11[%get3A_42] {strides = array<i32>} : memref<16xi32, #tpu.memory_space<vmem>>, vector<16xi32>,
    %slice3A_44 = vector.extract_strided_slice %get3A_43 {offsets = [0], sizes = [1], strides = [1]} : vector<16xi32> to vector<1xi32>
    %squeeze3A_45 = vector.extract %slice3A_44[0] : i32 from vector<1xi32>
    %shift_right_arithmetic3A_46 = arith.constant 7 : i32
    %shift_right_arithmetic3A_47 = arith.shrsi %squeeze3A_45, %shift_right_arithmetic3A_46 : i32
    %eq3A_48 = arith.constant 0 : i32
    %eq3A_49 = arith.cmpi eq, %arg0, %eq3A_48 : i32
    %jit3A_50 = arith.constant 0 : i32
    %select_n3A_51 = arith.select %eq3A_49, %jit3A_50, %shift_right_arithmetic3A_47 : i32
    %eq3A_52 = arith.constant 0 : i32
    %eq3A_53 = arith.cmpi eq, %arg0, %eq3A_52 : i32
    %add3A_54 = arith.constant 128 : i32
    %add3A_55 = arith.addi %squeeze3A_45, %add3A_54 : i32
    %sub3A_56 = arith.constant 1 : i32
    %sub3A_57 = arith.subi %add3A_55, %sub3A_56 : i32
    %shift_right_arithmetic3A_58 = arith.constant 7 : i32
    %shift_right_arithmetic3A_59 = arith.shrsi %sub3A_57, %shift_right_arithmetic3A_58 : i32
    %sub3A_60 = arith.constant 80 : i32
    %sub3A_61 = arith.subi %sub3A_60, %shift_right_arithmetic3A_47 : i32
    %select_n3A_62 = arith.select %eq3A_53, %shift_right_arithmetic3A_59, %sub3A_61 : i32
    %mul3A_63 = arith.constant 10240 : i32
    %mul3A_64 = arith.muli %add3A_41, %mul3A_63 : i32
    %while3A_65 = arith.constant 0 : i32
    %while3A_66 = arith.constant 0 : i32
    %while3A_67 = arith.subi %select_n3A_62, %while3A_66 : i32
    %while3A_68 = arith.addi %while3A_66, %while3A_67 : i32
    %while3A_69 = arith.constant 1 : i32
    %while3A_70 = arith.divsi %while3A_67, %while3A_69 : i32
    %while3A_71 = arith.muli %while3A_70, %while3A_69 : i32
    %while3A_72 = arith.addi %while3A_66, %while3A_71 : i32
    %while3A_73 = arith.constant 1 : i32
    scf.for %while3A_80 = %while3A_66 to %while3A_72 step %while3A_73  : i32 {
      %add3A_81 = arith.addi %select_n3A_51, %while3A_80 : i32
      %mul3A_82 = arith.constant 128 : i32
      %mul3A_83 = arith.muli %add3A_81, %mul3A_82 : i32
      %add3A_84 = arith.addi %mul3A_64, %mul3A_83 : i32
      "tpu.region"() ({
        %run_scoped3A = tpu.sem_alloc : memref<!tpu.dma_semaphore, #tpu.memory_space<semaphore_mem>>
        %dma_start3A_452 = arith.constant 0 : i32
        %dma_start3A_453 = tpu.memref_slice %arg2[%dma_start3A_452, %add3A_84] : memref<2x327680xi32, #tpu.memory_space<hbm>> -> memref<2x128xi32, #tpu.memory_space<hbm>>
        %dma_start3A_454 = arith.constant 0 : i32
        %dma_start3A_455 = tpu.memref_slice %arg2[%dma_start3A_454, %add3A_84] : memref<2x327680xi32, #tpu.memory_space<hbm>> -> memref<2x128xi32, #tpu.memory_space<hbm>>
        tpu.enqueue_dma source(%dma_start3A_455 : memref<2x128xi32, #tpu.memory_space<hbm>>) target(%arg7 : memref<2x128xi32, #tpu.memory_space<vmem>>) target_semaphore(%run_scoped3A : memref<!tpu.dma_semaphore, #tpu.memory_space<semaphore_mem>>)
        %dma_wait3A_456 = arith.constant 0 : i32
        %dma_wait3A_457 = tpu.memref_slice %arg2[%dma_wait3A_456, %add3A_84] : memref<2x327680xi32, #tpu.memory_space<hbm>> -> memref<2x128xi32, #tpu.memory_space<hbm>>
        %dma_wait3A_458 = arith.constant 0 : i32
        %dma_wait3A_459 = tpu.memref_slice %arg2[%dma_wait3A_458, %add3A_84] : memref<2x327680xi32, #tpu.memory_space<hbm>> -> memref<2x128xi32, #tpu.memory_space<hbm>>
        tpu.wait_dma2 semaphore(%run_scoped3A : memref<!tpu.dma_semaphore, #tpu.memory_space<semaphore_mem>>) src(%dma_wait3A_459 : memref<2x128xi32, #tpu.memory_space<hbm>>) dst(%arg7 : memref<2x128xi32, #tpu.memory_space<vmem>>)
        tpu.yield
      }) : () -> ()
      %get3A_85 = arith.constant 0 : i32
      %get3A_86 = arith.index_cast %get3A_85 : i32 to index
      %get3A_87 = arith.constant 0 : index
      %get3A_88 = tpu.vector_load %arg7[%get3A_86, %get3A_87] {strides = array<i32>} : memref<2x128xi32, #tpu.memory_space<vmem>>, vector<16xi32>,
      %get3A_89 = arith.constant 1 : i32
      %get3A_90 = arith.index_cast %get3A_89 : i32 to index
      %get3A_91 = arith.constant 0 : index
      %get3A_92 = tpu.vector_load %arg7[%get3A_90, %get3A_91] {strides = array<i32>} : memref<2x128xi32, #tpu.memory_space<vmem>>, vector<16xi32>,
      %mul3A_93 = arith.constant 2 : i32
      %mul3A_94 = vector.broadcast %mul3A_93 : i32 to vector<16xi32>
      %mul3A_95 = arith.muli %mul3A_94, %get3A_88 : vector<16xi32>
      %and3A = arith.constant 1 : i32
      %and3A_96 = vector.broadcast %and3A : i32 to vector<16xi32>
      %and3A_97 = arith.andi %get3A_92, %and3A_96 : vector<16xi32>
      %add3A_98 = arith.addi %mul3A_95, %and3A_97 : vector<16xi32>
      %swap3A = arith.constant 0 : index
      %swap3A_99 = tpu.vector_load %arg8[%swap3A] {strides = array<i32>} : memref<128xi32, #tpu.memory_space<vmem>>, vector<16xi32>,
      tpu.vector_store %arg8[%swap3A], %add3A_98 {strides = array<i32>} : memref<128xi32, #tpu.memory_space<vmem>>, vector<16xi32>,
      %ge3A = vector.broadcast %mul3A_6 : i32 to vector<16xi32>
      %ge3A_100 = arith.cmpi sge, %get3A_88, %ge3A : vector<16xi32>
      %lt3A = vector.broadcast %add3A_9 : i32 to vector<16xi32>
      %lt3A_101 = arith.cmpi slt, %get3A_88, %lt3A : vector<16xi32>
      %and3A_102 = arith.andi %ge3A_100, %lt3A_101 : vector<16xi1>
      %lt3A_103 = arith.constant 10000 : i32
      %lt3A_104 = vector.broadcast %lt3A_103 : i32 to vector<16xi32>
      %lt3A_105 = arith.cmpi slt, %get3A_92, %lt3A_104 : vector<16xi32>
      %and3A_106 = arith.andi %and3A_102, %lt3A_105 : vector<16xi1>
      %ge3A_107 = vector.broadcast %add3A_7 : i32 to vector<16xi32>
      %ge3A_108 = arith.cmpi sge, %get3A_88, %ge3A_107 : vector<16xi32>
      %jit3A_109 = arith.constant 5000 : i32
      %jit3A_110 = arith.constant 0 : i32
      %broadcast_in_dim3A = vector.broadcast %jit3A_109 : i32 to vector<16xi32>
      %broadcast_in_dim3A_111 = vector.broadcast %jit3A_110 : i32 to vector<16xi32>
      %select_n3A_112 = arith.select %ge3A_108, %broadcast_in_dim3A, %broadcast_in_dim3A_111 : vector<16xi1>, vector<16xi32>
      %shift_right_arithmetic3A_113 = arith.constant 1 : i32
      %shift_right_arithmetic3A_114 = vector.broadcast %shift_right_arithmetic3A_113 : i32 to vector<16xi32>
      %shift_right_arithmetic3A_115 = arith.shrsi %get3A_92, %shift_right_arithmetic3A_114 : vector<16xi32>
      %add3A_116 = arith.addi %select_n3A_112, %shift_right_arithmetic3A_115 : vector<16xi32>
      %and3A_117 = arith.constant 63 : i32
      %and3A_118 = vector.broadcast %and3A_117 : i32 to vector<16xi32>
      %and3A_119 = arith.andi %get3A_92, %and3A_118 : vector<16xi32>
      %add3A_120 = arith.constant 10000 : i32
      %add3A_121 = vector.broadcast %add3A_120 : i32 to vector<16xi32>
      %add3A_122 = arith.addi %add3A_121, %and3A_119 : vector<16xi32>
      %select_n3A_123 = arith.select %and3A_106, %add3A_116, %add3A_122 : vector<16xi1>, vector<16xi32>
      %swap3A_124 = arith.constant 0 : index
      %swap3A_125 = tpu.vector_load %arg9[%swap3A_124] {strides = array<i32>} : memref<128xi32, #tpu.memory_space<vmem>>, vector<16xi32>,
      tpu.vector_store %arg9[%swap3A_124], %select_n3A_123 {strides = array<i32>} : memref<128xi32, #tpu.memory_space<vmem>>, vector<16xi32>,
      %get3A_126 = arith.constant 0 : i32
      %get3A_127 = arith.index_cast %get3A_126 : i32 to index
      %get3A_128 = arith.constant 16 : index
      %get3A_129 = tpu.vector_load %arg7[%get3A_127, %get3A_128] {strides = array<i32>} : memref<2x128xi32, #tpu.memory_space<vmem>>, vector<16xi32>,
      %get3A_130 = arith.constant 1 : i32
      %get3A_131 = arith.index_cast %get3A_130 : i32 to index
      %get3A_132 = arith.constant 16 : index
      %get3A_133 = tpu.vector_load %arg7[%get3A_131, %get3A_132] {strides = array<i32>} : memref<2x128xi32, #tpu.memory_space<vmem>>, vector<16xi32>,
      %mul3A_134 = arith.constant 2 : i32
      %mul3A_135 = vector.broadcast %mul3A_134 : i32 to vector<16xi32>
      %mul3A_136 = arith.muli %mul3A_135, %get3A_129 : vector<16xi32>
      %and3A_137 = arith.constant 1 : i32
      %and3A_138 = vector.broadcast %and3A_137 : i32 to vector<16xi32>
      %and3A_139 = arith.andi %get3A_133, %and3A_138 : vector<16xi32>
      %add3A_140 = arith.addi %mul3A_136, %and3A_139 : vector<16xi32>
      %swap3A_141 = arith.constant 16 : index
      %swap3A_142 = tpu.vector_load %arg8[%swap3A_141] {strides = array<i32>} : memref<128xi32, #tpu.memory_space<vmem>>, vector<16xi32>,
      tpu.vector_store %arg8[%swap3A_141], %add3A_140 {strides = array<i32>} : memref<128xi32, #tpu.memory_space<vmem>>, vector<16xi32>,
      %ge3A_143 = vector.broadcast %mul3A_6 : i32 to vector<16xi32>
      %ge3A_144 = arith.cmpi sge, %get3A_129, %ge3A_143 : vector<16xi32>
      %lt3A_145 = vector.broadcast %add3A_9 : i32 to vector<16xi32>
      %lt3A_146 = arith.cmpi slt, %get3A_129, %lt3A_145 : vector<16xi32>
      %and3A_147 = arith.andi %ge3A_144, %lt3A_146 : vector<16xi1>
      %lt3A_148 = arith.constant 10000 : i32
      %lt3A_149 = vector.broadcast %lt3A_148 : i32 to vector<16xi32>
      %lt3A_150 = arith.cmpi slt, %get3A_133, %lt3A_149 : vector<16xi32>
      %and3A_151 = arith.andi %and3A_147, %lt3A_150 : vector<16xi1>
      %ge3A_152 = vector.broadcast %add3A_7 : i32 to vector<16xi32>
      %ge3A_153 = arith.cmpi sge, %get3A_129, %ge3A_152 : vector<16xi32>
      %jit3A_154 = arith.constant 5000 : i32
      %jit3A_155 = arith.constant 0 : i32
      %broadcast_in_dim3A_156 = vector.broadcast %jit3A_154 : i32 to vector<16xi32>
      %broadcast_in_dim3A_157 = vector.broadcast %jit3A_155 : i32 to vector<16xi32>
      %select_n3A_158 = arith.select %ge3A_153, %broadcast_in_dim3A_156, %broadcast_in_dim3A_157 : vector<16xi1>, vector<16xi32>
      %shift_right_arithmetic3A_159 = arith.constant 1 : i32
      %shift_right_arithmetic3A_160 = vector.broadcast %shift_right_arithmetic3A_159 : i32 to vector<16xi32>
      %shift_right_arithmetic3A_161 = arith.shrsi %get3A_133, %shift_right_arithmetic3A_160 : vector<16xi32>
      %add3A_162 = arith.addi %select_n3A_158, %shift_right_arithmetic3A_161 : vector<16xi32>
      %and3A_163 = arith.constant 63 : i32
      %and3A_164 = vector.broadcast %and3A_163 : i32 to vector<16xi32>
      %and3A_165 = arith.andi %get3A_133, %and3A_164 : vector<16xi32>
      %add3A_166 = arith.constant 10000 : i32
      %add3A_167 = vector.broadcast %add3A_166 : i32 to vector<16xi32>
      %add3A_168 = arith.addi %add3A_167, %and3A_165 : vector<16xi32>
      %select_n3A_169 = arith.select %and3A_151, %add3A_162, %add3A_168 : vector<16xi1>, vector<16xi32>
      %swap3A_170 = arith.constant 16 : index
      %swap3A_171 = tpu.vector_load %arg9[%swap3A_170] {strides = array<i32>} : memref<128xi32, #tpu.memory_space<vmem>>, vector<16xi32>,
      tpu.vector_store %arg9[%swap3A_170], %select_n3A_169 {strides = array<i32>} : memref<128xi32, #tpu.memory_space<vmem>>, vector<16xi32>,
      %get3A_172 = arith.constant 0 : i32
      %get3A_173 = arith.index_cast %get3A_172 : i32 to index
      %get3A_174 = arith.constant 32 : index
      %get3A_175 = tpu.vector_load %arg7[%get3A_173, %get3A_174] {strides = array<i32>} : memref<2x128xi32, #tpu.memory_space<vmem>>, vector<16xi32>,
      %get3A_176 = arith.constant 1 : i32
      %get3A_177 = arith.index_cast %get3A_176 : i32 to index
      %get3A_178 = arith.constant 32 : index
      %get3A_179 = tpu.vector_load %arg7[%get3A_177, %get3A_178] {strides = array<i32>} : memref<2x128xi32, #tpu.memory_space<vmem>>, vector<16xi32>,
      %mul3A_180 = arith.constant 2 : i32
      %mul3A_181 = vector.broadcast %mul3A_180 : i32 to vector<16xi32>
      %mul3A_182 = arith.muli %mul3A_181, %get3A_175 : vector<16xi32>
      %and3A_183 = arith.constant 1 : i32
      %and3A_184 = vector.broadcast %and3A_183 : i32 to vector<16xi32>
      %and3A_185 = arith.andi %get3A_179, %and3A_184 : vector<16xi32>
      %add3A_186 = arith.addi %mul3A_182, %and3A_185 : vector<16xi32>
      %swap3A_187 = arith.constant 32 : index
      %swap3A_188 = tpu.vector_load %arg8[%swap3A_187] {strides = array<i32>} : memref<128xi32, #tpu.memory_space<vmem>>, vector<16xi32>,
      tpu.vector_store %arg8[%swap3A_187], %add3A_186 {strides = array<i32>} : memref<128xi32, #tpu.memory_space<vmem>>, vector<16xi32>,
      %ge3A_189 = vector.broadcast %mul3A_6 : i32 to vector<16xi32>
      %ge3A_190 = arith.cmpi sge, %get3A_175, %ge3A_189 : vector<16xi32>
      %lt3A_191 = vector.broadcast %add3A_9 : i32 to vector<16xi32>
      %lt3A_192 = arith.cmpi slt, %get3A_175, %lt3A_191 : vector<16xi32>
      %and3A_193 = arith.andi %ge3A_190, %lt3A_192 : vector<16xi1>
      %lt3A_194 = arith.constant 10000 : i32
      %lt3A_195 = vector.broadcast %lt3A_194 : i32 to vector<16xi32>
      %lt3A_196 = arith.cmpi slt, %get3A_179, %lt3A_195 : vector<16xi32>
      %and3A_197 = arith.andi %and3A_193, %lt3A_196 : vector<16xi1>
      %ge3A_198 = vector.broadcast %add3A_7 : i32 to vector<16xi32>
      %ge3A_199 = arith.cmpi sge, %get3A_175, %ge3A_198 : vector<16xi32>
      %jit3A_200 = arith.constant 5000 : i32
      %jit3A_201 = arith.constant 0 : i32
      %broadcast_in_dim3A_202 = vector.broadcast %jit3A_200 : i32 to vector<16xi32>
      %broadcast_in_dim3A_203 = vector.broadcast %jit3A_201 : i32 to vector<16xi32>
      %select_n3A_204 = arith.select %ge3A_199, %broadcast_in_dim3A_202, %broadcast_in_dim3A_203 : vector<16xi1>, vector<16xi32>
      %shift_right_arithmetic3A_205 = arith.constant 1 : i32
      %shift_right_arithmetic3A_206 = vector.broadcast %shift_right_arithmetic3A_205 : i32 to vector<16xi32>
      %shift_right_arithmetic3A_207 = arith.shrsi %get3A_179, %shift_right_arithmetic3A_206 : vector<16xi32>
      %add3A_208 = arith.addi %select_n3A_204, %shift_right_arithmetic3A_207 : vector<16xi32>
      %and3A_209 = arith.constant 63 : i32
      %and3A_210 = vector.broadcast %and3A_209 : i32 to vector<16xi32>
      %and3A_211 = arith.andi %get3A_179, %and3A_210 : vector<16xi32>
      %add3A_212 = arith.constant 10000 : i32
      %add3A_213 = vector.broadcast %add3A_212 : i32 to vector<16xi32>
      %add3A_214 = arith.addi %add3A_213, %and3A_211 : vector<16xi32>
      %select_n3A_215 = arith.select %and3A_197, %add3A_208, %add3A_214 : vector<16xi1>, vector<16xi32>
      %swap3A_216 = arith.constant 32 : index
      %swap3A_217 = tpu.vector_load %arg9[%swap3A_216] {strides = array<i32>} : memref<128xi32, #tpu.memory_space<vmem>>, vector<16xi32>,
      tpu.vector_store %arg9[%swap3A_216], %select_n3A_215 {strides = array<i32>} : memref<128xi32, #tpu.memory_space<vmem>>, vector<16xi32>,
      %get3A_218 = arith.constant 0 : i32
      %get3A_219 = arith.index_cast %get3A_218 : i32 to index
      %get3A_220 = arith.constant 48 : index
      %get3A_221 = tpu.vector_load %arg7[%get3A_219, %get3A_220] {strides = array<i32>} : memref<2x128xi32, #tpu.memory_space<vmem>>, vector<16xi32>,
      %get3A_222 = arith.constant 1 : i32
      %get3A_223 = arith.index_cast %get3A_222 : i32 to index
      %get3A_224 = arith.constant 48 : index
      %get3A_225 = tpu.vector_load %arg7[%get3A_223, %get3A_224] {strides = array<i32>} : memref<2x128xi32, #tpu.memory_space<vmem>>, vector<16xi32>,
      %mul3A_226 = arith.constant 2 : i32
      %mul3A_227 = vector.broadcast %mul3A_226 : i32 to vector<16xi32>
      %mul3A_228 = arith.muli %mul3A_227, %get3A_221 : vector<16xi32>
      %and3A_229 = arith.constant 1 : i32
      %and3A_230 = vector.broadcast %and3A_229 : i32 to vector<16xi32>
      %and3A_231 = arith.andi %get3A_225, %and3A_230 : vector<16xi32>
      %add3A_232 = arith.addi %mul3A_228, %and3A_231 : vector<16xi32>
      %swap3A_233 = arith.constant 48 : index
      %swap3A_234 = tpu.vector_load %arg8[%swap3A_233] {strides = array<i32>} : memref<128xi32, #tpu.memory_space<vmem>>, vector<16xi32>,
      tpu.vector_store %arg8[%swap3A_233], %add3A_232 {strides = array<i32>} : memref<128xi32, #tpu.memory_space<vmem>>, vector<16xi32>,
      %ge3A_235 = vector.broadcast %mul3A_6 : i32 to vector<16xi32>
      %ge3A_236 = arith.cmpi sge, %get3A_221, %ge3A_235 : vector<16xi32>
      %lt3A_237 = vector.broadcast %add3A_9 : i32 to vector<16xi32>
      %lt3A_238 = arith.cmpi slt, %get3A_221, %lt3A_237 : vector<16xi32>
      %and3A_239 = arith.andi %ge3A_236, %lt3A_238 : vector<16xi1>
      %lt3A_240 = arith.constant 10000 : i32
      %lt3A_241 = vector.broadcast %lt3A_240 : i32 to vector<16xi32>
      %lt3A_242 = arith.cmpi slt, %get3A_225, %lt3A_241 : vector<16xi32>
      %and3A_243 = arith.andi %and3A_239, %lt3A_242 : vector<16xi1>
      %ge3A_244 = vector.broadcast %add3A_7 : i32 to vector<16xi32>
      %ge3A_245 = arith.cmpi sge, %get3A_221, %ge3A_244 : vector<16xi32>
      %jit3A_246 = arith.constant 5000 : i32
      %jit3A_247 = arith.constant 0 : i32
      %broadcast_in_dim3A_248 = vector.broadcast %jit3A_246 : i32 to vector<16xi32>
      %broadcast_in_dim3A_249 = vector.broadcast %jit3A_247 : i32 to vector<16xi32>
      %select_n3A_250 = arith.select %ge3A_245, %broadcast_in_dim3A_248, %broadcast_in_dim3A_249 : vector<16xi1>, vector<16xi32>
      %shift_right_arithmetic3A_251 = arith.constant 1 : i32
      %shift_right_arithmetic3A_252 = vector.broadcast %shift_right_arithmetic3A_251 : i32 to vector<16xi32>
      %shift_right_arithmetic3A_253 = arith.shrsi %get3A_225, %shift_right_arithmetic3A_252 : vector<16xi32>
      %add3A_254 = arith.addi %select_n3A_250, %shift_right_arithmetic3A_253 : vector<16xi32>
      %and3A_255 = arith.constant 63 : i32
      %and3A_256 = vector.broadcast %and3A_255 : i32 to vector<16xi32>
      %and3A_257 = arith.andi %get3A_225, %and3A_256 : vector<16xi32>
      %add3A_258 = arith.constant 10000 : i32
      %add3A_259 = vector.broadcast %add3A_258 : i32 to vector<16xi32>
      %add3A_260 = arith.addi %add3A_259, %and3A_257 : vector<16xi32>
      %select_n3A_261 = arith.select %and3A_243, %add3A_254, %add3A_260 : vector<16xi1>, vector<16xi32>
      %swap3A_262 = arith.constant 48 : index
      %swap3A_263 = tpu.vector_load %arg9[%swap3A_262] {strides = array<i32>} : memref<128xi32, #tpu.memory_space<vmem>>, vector<16xi32>,
      tpu.vector_store %arg9[%swap3A_262], %select_n3A_261 {strides = array<i32>} : memref<128xi32, #tpu.memory_space<vmem>>, vector<16xi32>,
      %get3A_264 = arith.constant 0 : i32
      %get3A_265 = arith.index_cast %get3A_264 : i32 to index
      %get3A_266 = arith.constant 64 : index
      %get3A_267 = tpu.vector_load %arg7[%get3A_265, %get3A_266] {strides = array<i32>} : memref<2x128xi32, #tpu.memory_space<vmem>>, vector<16xi32>,
      %get3A_268 = arith.constant 1 : i32
      %get3A_269 = arith.index_cast %get3A_268 : i32 to index
      %get3A_270 = arith.constant 64 : index
      %get3A_271 = tpu.vector_load %arg7[%get3A_269, %get3A_270] {strides = array<i32>} : memref<2x128xi32, #tpu.memory_space<vmem>>, vector<16xi32>,
      %mul3A_272 = arith.constant 2 : i32
      %mul3A_273 = vector.broadcast %mul3A_272 : i32 to vector<16xi32>
      %mul3A_274 = arith.muli %mul3A_273, %get3A_267 : vector<16xi32>
      %and3A_275 = arith.constant 1 : i32
      %and3A_276 = vector.broadcast %and3A_275 : i32 to vector<16xi32>
      %and3A_277 = arith.andi %get3A_271, %and3A_276 : vector<16xi32>
      %add3A_278 = arith.addi %mul3A_274, %and3A_277 : vector<16xi32>
      %swap3A_279 = arith.constant 64 : index
      %swap3A_280 = tpu.vector_load %arg8[%swap3A_279] {strides = array<i32>} : memref<128xi32, #tpu.memory_space<vmem>>, vector<16xi32>,
      tpu.vector_store %arg8[%swap3A_279], %add3A_278 {strides = array<i32>} : memref<128xi32, #tpu.memory_space<vmem>>, vector<16xi32>,
      %ge3A_281 = vector.broadcast %mul3A_6 : i32 to vector<16xi32>
      %ge3A_282 = arith.cmpi sge, %get3A_267, %ge3A_281 : vector<16xi32>
      %lt3A_283 = vector.broadcast %add3A_9 : i32 to vector<16xi32>
      %lt3A_284 = arith.cmpi slt, %get3A_267, %lt3A_283 : vector<16xi32>
      %and3A_285 = arith.andi %ge3A_282, %lt3A_284 : vector<16xi1>
      %lt3A_286 = arith.constant 10000 : i32
      %lt3A_287 = vector.broadcast %lt3A_286 : i32 to vector<16xi32>
      %lt3A_288 = arith.cmpi slt, %get3A_271, %lt3A_287 : vector<16xi32>
      %and3A_289 = arith.andi %and3A_285, %lt3A_288 : vector<16xi1>
      %ge3A_290 = vector.broadcast %add3A_7 : i32 to vector<16xi32>
      %ge3A_291 = arith.cmpi sge, %get3A_267, %ge3A_290 : vector<16xi32>
      %jit3A_292 = arith.constant 5000 : i32
      %jit3A_293 = arith.constant 0 : i32
      %broadcast_in_dim3A_294 = vector.broadcast %jit3A_292 : i32 to vector<16xi32>
      %broadcast_in_dim3A_295 = vector.broadcast %jit3A_293 : i32 to vector<16xi32>
      %select_n3A_296 = arith.select %ge3A_291, %broadcast_in_dim3A_294, %broadcast_in_dim3A_295 : vector<16xi1>, vector<16xi32>
      %shift_right_arithmetic3A_297 = arith.constant 1 : i32
      %shift_right_arithmetic3A_298 = vector.broadcast %shift_right_arithmetic3A_297 : i32 to vector<16xi32>
      %shift_right_arithmetic3A_299 = arith.shrsi %get3A_271, %shift_right_arithmetic3A_298 : vector<16xi32>
      %add3A_300 = arith.addi %select_n3A_296, %shift_right_arithmetic3A_299 : vector<16xi32>
      %and3A_301 = arith.constant 63 : i32
      %and3A_302 = vector.broadcast %and3A_301 : i32 to vector<16xi32>
      %and3A_303 = arith.andi %get3A_271, %and3A_302 : vector<16xi32>
      %add3A_304 = arith.constant 10000 : i32
      %add3A_305 = vector.broadcast %add3A_304 : i32 to vector<16xi32>
      %add3A_306 = arith.addi %add3A_305, %and3A_303 : vector<16xi32>
      %select_n3A_307 = arith.select %and3A_289, %add3A_300, %add3A_306 : vector<16xi1>, vector<16xi32>
      %swap3A_308 = arith.constant 64 : index
      %swap3A_309 = tpu.vector_load %arg9[%swap3A_308] {strides = array<i32>} : memref<128xi32, #tpu.memory_space<vmem>>, vector<16xi32>,
      tpu.vector_store %arg9[%swap3A_308], %select_n3A_307 {strides = array<i32>} : memref<128xi32, #tpu.memory_space<vmem>>, vector<16xi32>,
      %get3A_310 = arith.constant 0 : i32
      %get3A_311 = arith.index_cast %get3A_310 : i32 to index
      %get3A_312 = arith.constant 80 : index
      %get3A_313 = tpu.vector_load %arg7[%get3A_311, %get3A_312] {strides = array<i32>} : memref<2x128xi32, #tpu.memory_space<vmem>>, vector<16xi32>,
      %get3A_314 = arith.constant 1 : i32
      %get3A_315 = arith.index_cast %get3A_314 : i32 to index
      %get3A_316 = arith.constant 80 : index
      %get3A_317 = tpu.vector_load %arg7[%get3A_315, %get3A_316] {strides = array<i32>} : memref<2x128xi32, #tpu.memory_space<vmem>>, vector<16xi32>,
      %mul3A_318 = arith.constant 2 : i32
      %mul3A_319 = vector.broadcast %mul3A_318 : i32 to vector<16xi32>
      %mul3A_320 = arith.muli %mul3A_319, %get3A_313 : vector<16xi32>
      %and3A_321 = arith.constant 1 : i32
      %and3A_322 = vector.broadcast %and3A_321 : i32 to vector<16xi32>
      %and3A_323 = arith.andi %get3A_317, %and3A_322 : vector<16xi32>
      %add3A_324 = arith.addi %mul3A_320, %and3A_323 : vector<16xi32>
      %swap3A_325 = arith.constant 80 : index
      %swap3A_326 = tpu.vector_load %arg8[%swap3A_325] {strides = array<i32>} : memref<128xi32, #tpu.memory_space<vmem>>, vector<16xi32>,
      tpu.vector_store %arg8[%swap3A_325], %add3A_324 {strides = array<i32>} : memref<128xi32, #tpu.memory_space<vmem>>, vector<16xi32>,
      %ge3A_327 = vector.broadcast %mul3A_6 : i32 to vector<16xi32>
      %ge3A_328 = arith.cmpi sge, %get3A_313, %ge3A_327 : vector<16xi32>
      %lt3A_329 = vector.broadcast %add3A_9 : i32 to vector<16xi32>
      %lt3A_330 = arith.cmpi slt, %get3A_313, %lt3A_329 : vector<16xi32>
      %and3A_331 = arith.andi %ge3A_328, %lt3A_330 : vector<16xi1>
      %lt3A_332 = arith.constant 10000 : i32
      %lt3A_333 = vector.broadcast %lt3A_332 : i32 to vector<16xi32>
      %lt3A_334 = arith.cmpi slt, %get3A_317, %lt3A_333 : vector<16xi32>
      %and3A_335 = arith.andi %and3A_331, %lt3A_334 : vector<16xi1>
      %ge3A_336 = vector.broadcast %add3A_7 : i32 to vector<16xi32>
      %ge3A_337 = arith.cmpi sge, %get3A_313, %ge3A_336 : vector<16xi32>
      %jit3A_338 = arith.constant 5000 : i32
      %jit3A_339 = arith.constant 0 : i32
      %broadcast_in_dim3A_340 = vector.broadcast %jit3A_338 : i32 to vector<16xi32>
      %broadcast_in_dim3A_341 = vector.broadcast %jit3A_339 : i32 to vector<16xi32>
      %select_n3A_342 = arith.select %ge3A_337, %broadcast_in_dim3A_340, %broadcast_in_dim3A_341 : vector<16xi1>, vector<16xi32>
      %shift_right_arithmetic3A_343 = arith.constant 1 : i32
      %shift_right_arithmetic3A_344 = vector.broadcast %shift_right_arithmetic3A_343 : i32 to vector<16xi32>
      %shift_right_arithmetic3A_345 = arith.shrsi %get3A_317, %shift_right_arithmetic3A_344 : vector<16xi32>
      %add3A_346 = arith.addi %select_n3A_342, %shift_right_arithmetic3A_345 : vector<16xi32>
      %and3A_347 = arith.constant 63 : i32
      %and3A_348 = vector.broadcast %and3A_347 : i32 to vector<16xi32>
      %and3A_349 = arith.andi %get3A_317, %and3A_348 : vector<16xi32>
      %add3A_350 = arith.constant 10000 : i32
      %add3A_351 = vector.broadcast %add3A_350 : i32 to vector<16xi32>
      %add3A_352 = arith.addi %add3A_351, %and3A_349 : vector<16xi32>
      %select_n3A_353 = arith.select %and3A_335, %add3A_346, %add3A_352 : vector<16xi1>, vector<16xi32>
      %swap3A_354 = arith.constant 80 : index
      %swap3A_355 = tpu.vector_load %arg9[%swap3A_354] {strides = array<i32>} : memref<128xi32, #tpu.memory_space<vmem>>, vector<16xi32>,
      tpu.vector_store %arg9[%swap3A_354], %select_n3A_353 {strides = array<i32>} : memref<128xi32, #tpu.memory_space<vmem>>, vector<16xi32>,
      %get3A_356 = arith.constant 0 : i32
      %get3A_357 = arith.index_cast %get3A_356 : i32 to index
      %get3A_358 = arith.constant 96 : index
      %get3A_359 = tpu.vector_load %arg7[%get3A_357, %get3A_358] {strides = array<i32>} : memref<2x128xi32, #tpu.memory_space<vmem>>, vector<16xi32>,
      %get3A_360 = arith.constant 1 : i32
      %get3A_361 = arith.index_cast %get3A_360 : i32 to index
      %get3A_362 = arith.constant 96 : index
      %get3A_363 = tpu.vector_load %arg7[%get3A_361, %get3A_362] {strides = array<i32>} : memref<2x128xi32, #tpu.memory_space<vmem>>, vector<16xi32>,
      %mul3A_364 = arith.constant 2 : i32
      %mul3A_365 = vector.broadcast %mul3A_364 : i32 to vector<16xi32>
      %mul3A_366 = arith.muli %mul3A_365, %get3A_359 : vector<16xi32>
      %and3A_367 = arith.constant 1 : i32
      %and3A_368 = vector.broadcast %and3A_367 : i32 to vector<16xi32>
      %and3A_369 = arith.andi %get3A_363, %and3A_368 : vector<16xi32>
      %add3A_370 = arith.addi %mul3A_366, %and3A_369 : vector<16xi32>
      %swap3A_371 = arith.constant 96 : index
      %swap3A_372 = tpu.vector_load %arg8[%swap3A_371] {strides = array<i32>} : memref<128xi32, #tpu.memory_space<vmem>>, vector<16xi32>,
      tpu.vector_store %arg8[%swap3A_371], %add3A_370 {strides = array<i32>} : memref<128xi32, #tpu.memory_space<vmem>>, vector<16xi32>,
      %ge3A_373 = vector.broadcast %mul3A_6 : i32 to vector<16xi32>
      %ge3A_374 = arith.cmpi sge, %get3A_359, %ge3A_373 : vector<16xi32>
      %lt3A_375 = vector.broadcast %add3A_9 : i32 to vector<16xi32>
      %lt3A_376 = arith.cmpi slt, %get3A_359, %lt3A_375 : vector<16xi32>
      %and3A_377 = arith.andi %ge3A_374, %lt3A_376 : vector<16xi1>
      %lt3A_378 = arith.constant 10000 : i32
      %lt3A_379 = vector.broadcast %lt3A_378 : i32 to vector<16xi32>
      %lt3A_380 = arith.cmpi slt, %get3A_363, %lt3A_379 : vector<16xi32>
      %and3A_381 = arith.andi %and3A_377, %lt3A_380 : vector<16xi1>
      %ge3A_382 = vector.broadcast %add3A_7 : i32 to vector<16xi32>
      %ge3A_383 = arith.cmpi sge, %get3A_359, %ge3A_382 : vector<16xi32>
      %jit3A_384 = arith.constant 5000 : i32
      %jit3A_385 = arith.constant 0 : i32
      %broadcast_in_dim3A_386 = vector.broadcast %jit3A_384 : i32 to vector<16xi32>
      %broadcast_in_dim3A_387 = vector.broadcast %jit3A_385 : i32 to vector<16xi32>
      %select_n3A_388 = arith.select %ge3A_383, %broadcast_in_dim3A_386, %broadcast_in_dim3A_387 : vector<16xi1>, vector<16xi32>
      %shift_right_arithmetic3A_389 = arith.constant 1 : i32
      %shift_right_arithmetic3A_390 = vector.broadcast %shift_right_arithmetic3A_389 : i32 to vector<16xi32>
      %shift_right_arithmetic3A_391 = arith.shrsi %get3A_363, %shift_right_arithmetic3A_390 : vector<16xi32>
      %add3A_392 = arith.addi %select_n3A_388, %shift_right_arithmetic3A_391 : vector<16xi32>
      %and3A_393 = arith.constant 63 : i32
      %and3A_394 = vector.broadcast %and3A_393 : i32 to vector<16xi32>
      %and3A_395 = arith.andi %get3A_363, %and3A_394 : vector<16xi32>
      %add3A_396 = arith.constant 10000 : i32
      %add3A_397 = vector.broadcast %add3A_396 : i32 to vector<16xi32>
      %add3A_398 = arith.addi %add3A_397, %and3A_395 : vector<16xi32>
      %select_n3A_399 = arith.select %and3A_381, %add3A_392, %add3A_398 : vector<16xi1>, vector<16xi32>
      %swap3A_400 = arith.constant 96 : index
      %swap3A_401 = tpu.vector_load %arg9[%swap3A_400] {strides = array<i32>} : memref<128xi32, #tpu.memory_space<vmem>>, vector<16xi32>,
      tpu.vector_store %arg9[%swap3A_400], %select_n3A_399 {strides = array<i32>} : memref<128xi32, #tpu.memory_space<vmem>>, vector<16xi32>,
      %get3A_402 = arith.constant 0 : i32
      %get3A_403 = arith.index_cast %get3A_402 : i32 to index
      %get3A_404 = arith.constant 112 : index
      %get3A_405 = tpu.vector_load %arg7[%get3A_403, %get3A_404] {strides = array<i32>} : memref<2x128xi32, #tpu.memory_space<vmem>>, vector<16xi32>,
      %get3A_406 = arith.constant 1 : i32
      %get3A_407 = arith.index_cast %get3A_406 : i32 to index
      %get3A_408 = arith.constant 112 : index
      %get3A_409 = tpu.vector_load %arg7[%get3A_407, %get3A_408] {strides = array<i32>} : memref<2x128xi32, #tpu.memory_space<vmem>>, vector<16xi32>,
      %mul3A_410 = arith.constant 2 : i32
      %mul3A_411 = vector.broadcast %mul3A_410 : i32 to vector<16xi32>
      %mul3A_412 = arith.muli %mul3A_411, %get3A_405 : vector<16xi32>
      %and3A_413 = arith.constant 1 : i32
      %and3A_414 = vector.broadcast %and3A_413 : i32 to vector<16xi32>
      %and3A_415 = arith.andi %get3A_409, %and3A_414 : vector<16xi32>
      %add3A_416 = arith.addi %mul3A_412, %and3A_415 : vector<16xi32>
      %swap3A_417 = arith.constant 112 : index
      %swap3A_418 = tpu.vector_load %arg8[%swap3A_417] {strides = array<i32>} : memref<128xi32, #tpu.memory_space<vmem>>, vector<16xi32>,
      tpu.vector_store %arg8[%swap3A_417], %add3A_416 {strides = array<i32>} : memref<128xi32, #tpu.memory_space<vmem>>, vector<16xi32>,
      %ge3A_419 = vector.broadcast %mul3A_6 : i32 to vector<16xi32>
      %ge3A_420 = arith.cmpi sge, %get3A_405, %ge3A_419 : vector<16xi32>
      %lt3A_421 = vector.broadcast %add3A_9 : i32 to vector<16xi32>
      %lt3A_422 = arith.cmpi slt, %get3A_405, %lt3A_421 : vector<16xi32>
      %and3A_423 = arith.andi %ge3A_420, %lt3A_422 : vector<16xi1>
      %lt3A_424 = arith.constant 10000 : i32
      %lt3A_425 = vector.broadcast %lt3A_424 : i32 to vector<16xi32>
      %lt3A_426 = arith.cmpi slt, %get3A_409, %lt3A_425 : vector<16xi32>
      %and3A_427 = arith.andi %and3A_423, %lt3A_426 : vector<16xi1>
      %ge3A_428 = vector.broadcast %add3A_7 : i32 to vector<16xi32>
      %ge3A_429 = arith.cmpi sge, %get3A_405, %ge3A_428 : vector<16xi32>
      %jit3A_430 = arith.constant 5000 : i32
      %jit3A_431 = arith.constant 0 : i32
      %broadcast_in_dim3A_432 = vector.broadcast %jit3A_430 : i32 to vector<16xi32>
      %broadcast_in_dim3A_433 = vector.broadcast %jit3A_431 : i32 to vector<16xi32>
      %select_n3A_434 = arith.select %ge3A_429, %broadcast_in_dim3A_432, %broadcast_in_dim3A_433 : vector<16xi1>, vector<16xi32>
      %shift_right_arithmetic3A_435 = arith.constant 1 : i32
      %shift_right_arithmetic3A_436 = vector.broadcast %shift_right_arithmetic3A_435 : i32 to vector<16xi32>
      %shift_right_arithmetic3A_437 = arith.shrsi %get3A_409, %shift_right_arithmetic3A_436 : vector<16xi32>
      %add3A_438 = arith.addi %select_n3A_434, %shift_right_arithmetic3A_437 : vector<16xi32>
      %and3A_439 = arith.constant 63 : i32
      %and3A_440 = vector.broadcast %and3A_439 : i32 to vector<16xi32>
      %and3A_441 = arith.andi %get3A_409, %and3A_440 : vector<16xi32>
      %add3A_442 = arith.constant 10000 : i32
      %add3A_443 = vector.broadcast %add3A_442 : i32 to vector<16xi32>
      %add3A_444 = arith.addi %add3A_443, %and3A_441 : vector<16xi32>
      %select_n3A_445 = arith.select %and3A_427, %add3A_438, %add3A_444 : vector<16xi1>, vector<16xi32>
      %swap3A_446 = arith.constant 112 : index
      %swap3A_447 = tpu.vector_load %arg9[%swap3A_446] {strides = array<i32>} : memref<128xi32, #tpu.memory_space<vmem>>, vector<16xi32>,
      tpu.vector_store %arg9[%swap3A_446], %select_n3A_445 {strides = array<i32>} : memref<128xi32, #tpu.memory_space<vmem>>, vector<16xi32>,
      %dma_start3A = arith.constant 0 : i32
      %dma_start3A_448 = arith.constant 0 : i32
      %dma_start3A_449 = tpu.memref_slice %arg4[%dma_start3A, %dma_start3A_448] : memref<20000x128xf32, #tpu.memory_space<hbm>> -> memref<20000x128xf32, #tpu.memory_space<hbm>>
      tpu.enqueue_indirect_dma source(%dma_start3A_449 : memref<20000x128xf32, #tpu.memory_space<hbm>>) target(%arg10 : memref<128x128xf32, #tpu.memory_space<vmem>>) offsets(%arg8 : memref<128xi32, #tpu.memory_space<vmem>>) semaphore(%arg13 : memref<!tpu.dma_semaphore, #tpu.memory_space<semaphore_mem>>)
      %dma_wait3A = arith.constant 0 : i32
      %dma_wait3A_450 = arith.constant 0 : i32
      %dma_wait3A_451 = tpu.memref_slice %arg4[%dma_wait3A, %dma_wait3A_450] : memref<20000x128xf32, #tpu.memory_space<hbm>> -> memref<20000x128xf32, #tpu.memory_space<hbm>>
      tpu.wait_indirect_dma semaphore(%arg13 : memref<!tpu.dma_semaphore, #tpu.memory_space<semaphore_mem>>) src(%dma_wait3A_451 : memref<20000x128xf32, #tpu.memory_space<hbm>>) dst(%arg10 : memref<128x128xf32, #tpu.memory_space<vmem>>)
      "tpu.region"() ({
        %run_scoped3A = tpu.sem_alloc : memref<!tpu.dma_semaphore, #tpu.memory_space<semaphore_mem>>
        %dma_start3A_452 = arith.constant 0 : i32
        %dma_start3A_453 = arith.constant 0 : i32
        %dma_start3A_454 = tpu.memref_slice %arg12[%dma_start3A_452, %dma_start3A_453] : memref<10112x128xf32, #tpu.memory_space<vmem_shared>> -> memref<10112x128xf32, #tpu.memory_space<vmem_shared>>
        tpu.enqueue_indirect_dma source(%arg10 : memref<128x128xf32, #tpu.memory_space<vmem>>) target(%dma_start3A_454 : memref<10112x128xf32, #tpu.memory_space<vmem_shared>>) offsets(%arg9 : memref<128xi32, #tpu.memory_space<vmem>>) semaphore(%run_scoped3A : memref<!tpu.dma_semaphore, #tpu.memory_space<semaphore_mem>>) {add = true}
        %dma_wait3A_455 = arith.constant 0 : i32
        %dma_wait3A_456 = arith.constant 0 : i32
        %dma_wait3A_457 = tpu.memref_slice %arg12[%dma_wait3A_455, %dma_wait3A_456] : memref<10112x128xf32, #tpu.memory_space<vmem_shared>> -> memref<10112x128xf32, #tpu.memory_space<vmem_shared>>
        tpu.wait_indirect_dma semaphore(%run_scoped3A : memref<!tpu.dma_semaphore, #tpu.memory_space<semaphore_mem>>) src(%arg10 : memref<128x128xf32, #tpu.memory_space<vmem>>) dst(%dma_wait3A_457 : memref<10112x128xf32, #tpu.memory_space<vmem_shared>>)
        tpu.yield
      }) : () -> ()
    }
    %while3A_74 = arith.constant 1 : i32
    scf.for %while3A_80 = %while3A_72 to %while3A_68 step %while3A_74  : i32 {
      %add3A_81 = arith.addi %select_n3A_51, %while3A_80 : i32
      %mul3A_82 = arith.constant 128 : i32
      %mul3A_83 = arith.muli %add3A_81, %mul3A_82 : i32
      %add3A_84 = arith.addi %mul3A_64, %mul3A_83 : i32
      "tpu.region"() ({
        %run_scoped3A = tpu.sem_alloc : memref<!tpu.dma_semaphore, #tpu.memory_space<semaphore_mem>>
        %dma_start3A_452 = arith.constant 0 : i32
        %dma_start3A_453 = tpu.memref_slice %arg2[%dma_start3A_452, %add3A_84] : memref<2x327680xi32, #tpu.memory_space<hbm>> -> memref<2x128xi32, #tpu.memory_space<hbm>>
        %dma_start3A_454 = arith.constant 0 : i32
        %dma_start3A_455 = tpu.memref_slice %arg2[%dma_start3A_454, %add3A_84] : memref<2x327680xi32, #tpu.memory_space<hbm>> -> memref<2x128xi32, #tpu.memory_space<hbm>>
        tpu.enqueue_dma source(%dma_start3A_455 : memref<2x128xi32, #tpu.memory_space<hbm>>) target(%arg7 : memref<2x128xi32, #tpu.memory_space<vmem>>) target_semaphore(%run_scoped3A : memref<!tpu.dma_semaphore, #tpu.memory_space<semaphore_mem>>)
        %dma_wait3A_456 = arith.constant 0 : i32
        %dma_wait3A_457 = tpu.memref_slice %arg2[%dma_wait3A_456, %add3A_84] : memref<2x327680xi32, #tpu.memory_space<hbm>> -> memref<2x128xi32, #tpu.memory_space<hbm>>
        %dma_wait3A_458 = arith.constant 0 : i32
        %dma_wait3A_459 = tpu.memref_slice %arg2[%dma_wait3A_458, %add3A_84] : memref<2x327680xi32, #tpu.memory_space<hbm>> -> memref<2x128xi32, #tpu.memory_space<hbm>>
        tpu.wait_dma2 semaphore(%run_scoped3A : memref<!tpu.dma_semaphore, #tpu.memory_space<semaphore_mem>>) src(%dma_wait3A_459 : memref<2x128xi32, #tpu.memory_space<hbm>>) dst(%arg7 : memref<2x128xi32, #tpu.memory_space<vmem>>)
        tpu.yield
      }) : () -> ()
      %get3A_85 = arith.constant 0 : i32
      %get3A_86 = arith.index_cast %get3A_85 : i32 to index
      %get3A_87 = arith.constant 0 : index
      %get3A_88 = tpu.vector_load %arg7[%get3A_86, %get3A_87] {strides = array<i32>} : memref<2x128xi32, #tpu.memory_space<vmem>>, vector<16xi32>,
      %get3A_89 = arith.constant 1 : i32
      %get3A_90 = arith.index_cast %get3A_89 : i32 to index
      %get3A_91 = arith.constant 0 : index
      %get3A_92 = tpu.vector_load %arg7[%get3A_90, %get3A_91] {strides = array<i32>} : memref<2x128xi32, #tpu.memory_space<vmem>>, vector<16xi32>,
      %mul3A_93 = arith.constant 2 : i32
      %mul3A_94 = vector.broadcast %mul3A_93 : i32 to vector<16xi32>
      %mul3A_95 = arith.muli %mul3A_94, %get3A_88 : vector<16xi32>
      %and3A = arith.constant 1 : i32
      %and3A_96 = vector.broadcast %and3A : i32 to vector<16xi32>
      %and3A_97 = arith.andi %get3A_92, %and3A_96 : vector<16xi32>
      %add3A_98 = arith.addi %mul3A_95, %and3A_97 : vector<16xi32>
      %swap3A = arith.constant 0 : index
      %swap3A_99 = tpu.vector_load %arg8[%swap3A] {strides = array<i32>} : memref<128xi32, #tpu.memory_space<vmem>>, vector<16xi32>,
      tpu.vector_store %arg8[%swap3A], %add3A_98 {strides = array<i32>} : memref<128xi32, #tpu.memory_space<vmem>>, vector<16xi32>,
      %ge3A = vector.broadcast %mul3A_6 : i32 to vector<16xi32>
      %ge3A_100 = arith.cmpi sge, %get3A_88, %ge3A : vector<16xi32>
      %lt3A = vector.broadcast %add3A_9 : i32 to vector<16xi32>
      %lt3A_101 = arith.cmpi slt, %get3A_88, %lt3A : vector<16xi32>
      %and3A_102 = arith.andi %ge3A_100, %lt3A_101 : vector<16xi1>
      %lt3A_103 = arith.constant 10000 : i32
      %lt3A_104 = vector.broadcast %lt3A_103 : i32 to vector<16xi32>
      %lt3A_105 = arith.cmpi slt, %get3A_92, %lt3A_104 : vector<16xi32>
      %and3A_106 = arith.andi %and3A_102, %lt3A_105 : vector<16xi1>
      %ge3A_107 = vector.broadcast %add3A_7 : i32 to vector<16xi32>
      %ge3A_108 = arith.cmpi sge, %get3A_88, %ge3A_107 : vector<16xi32>
      %jit3A_109 = arith.constant 5000 : i32
      %jit3A_110 = arith.constant 0 : i32
      %broadcast_in_dim3A = vector.broadcast %jit3A_109 : i32 to vector<16xi32>
      %broadcast_in_dim3A_111 = vector.broadcast %jit3A_110 : i32 to vector<16xi32>
      %select_n3A_112 = arith.select %ge3A_108, %broadcast_in_dim3A, %broadcast_in_dim3A_111 : vector<16xi1>, vector<16xi32>
      %shift_right_arithmetic3A_113 = arith.constant 1 : i32
      %shift_right_arithmetic3A_114 = vector.broadcast %shift_right_arithmetic3A_113 : i32 to vector<16xi32>
      %shift_right_arithmetic3A_115 = arith.shrsi %get3A_92, %shift_right_arithmetic3A_114 : vector<16xi32>
      %add3A_116 = arith.addi %select_n3A_112, %shift_right_arithmetic3A_115 : vector<16xi32>
      %and3A_117 = arith.constant 63 : i32
      %and3A_118 = vector.broadcast %and3A_117 : i32 to vector<16xi32>
      %and3A_119 = arith.andi %get3A_92, %and3A_118 : vector<16xi32>
      %add3A_120 = arith.constant 10000 : i32
      %add3A_121 = vector.broadcast %add3A_120 : i32 to vector<16xi32>
      %add3A_122 = arith.addi %add3A_121, %and3A_119 : vector<16xi32>
      %select_n3A_123 = arith.select %and3A_106, %add3A_116, %add3A_122 : vector<16xi1>, vector<16xi32>
      %swap3A_124 = arith.constant 0 : index
      %swap3A_125 = tpu.vector_load %arg9[%swap3A_124] {strides = array<i32>} : memref<128xi32, #tpu.memory_space<vmem>>, vector<16xi32>,
      tpu.vector_store %arg9[%swap3A_124], %select_n3A_123 {strides = array<i32>} : memref<128xi32, #tpu.memory_space<vmem>>, vector<16xi32>,
      %get3A_126 = arith.constant 0 : i32
      %get3A_127 = arith.index_cast %get3A_126 : i32 to index
      %get3A_128 = arith.constant 16 : index
      %get3A_129 = tpu.vector_load %arg7[%get3A_127, %get3A_128] {strides = array<i32>} : memref<2x128xi32, #tpu.memory_space<vmem>>, vector<16xi32>,
      %get3A_130 = arith.constant 1 : i32
      %get3A_131 = arith.index_cast %get3A_130 : i32 to index
      %get3A_132 = arith.constant 16 : index
      %get3A_133 = tpu.vector_load %arg7[%get3A_131, %get3A_132] {strides = array<i32>} : memref<2x128xi32, #tpu.memory_space<vmem>>, vector<16xi32>,
      %mul3A_134 = arith.constant 2 : i32
      %mul3A_135 = vector.broadcast %mul3A_134 : i32 to vector<16xi32>
      %mul3A_136 = arith.muli %mul3A_135, %get3A_129 : vector<16xi32>
      %and3A_137 = arith.constant 1 : i32
      %and3A_138 = vector.broadcast %and3A_137 : i32 to vector<16xi32>
      %and3A_139 = arith.andi %get3A_133, %and3A_138 : vector<16xi32>
      %add3A_140 = arith.addi %mul3A_136, %and3A_139 : vector<16xi32>
      %swap3A_141 = arith.constant 16 : index
      %swap3A_142 = tpu.vector_load %arg8[%swap3A_141] {strides = array<i32>} : memref<128xi32, #tpu.memory_space<vmem>>, vector<16xi32>,
      tpu.vector_store %arg8[%swap3A_141], %add3A_140 {strides = array<i32>} : memref<128xi32, #tpu.memory_space<vmem>>, vector<16xi32>,
      %ge3A_143 = vector.broadcast %mul3A_6 : i32 to vector<16xi32>
      %ge3A_144 = arith.cmpi sge, %get3A_129, %ge3A_143 : vector<16xi32>
      %lt3A_145 = vector.broadcast %add3A_9 : i32 to vector<16xi32>
      %lt3A_146 = arith.cmpi slt, %get3A_129, %lt3A_145 : vector<16xi32>
      %and3A_147 = arith.andi %ge3A_144, %lt3A_146 : vector<16xi1>
      %lt3A_148 = arith.constant 10000 : i32
      %lt3A_149 = vector.broadcast %lt3A_148 : i32 to vector<16xi32>
      %lt3A_150 = arith.cmpi slt, %get3A_133, %lt3A_149 : vector<16xi32>
      %and3A_151 = arith.andi %and3A_147, %lt3A_150 : vector<16xi1>
      %ge3A_152 = vector.broadcast %add3A_7 : i32 to vector<16xi32>
      %ge3A_153 = arith.cmpi sge, %get3A_129, %ge3A_152 : vector<16xi32>
      %jit3A_154 = arith.constant 5000 : i32
      %jit3A_155 = arith.constant 0 : i32
      %broadcast_in_dim3A_156 = vector.broadcast %jit3A_154 : i32 to vector<16xi32>
      %broadcast_in_dim3A_157 = vector.broadcast %jit3A_155 : i32 to vector<16xi32>
      %select_n3A_158 = arith.select %ge3A_153, %broadcast_in_dim3A_156, %broadcast_in_dim3A_157 : vector<16xi1>, vector<16xi32>
      %shift_right_arithmetic3A_159 = arith.constant 1 : i32
      %shift_right_arithmetic3A_160 = vector.broadcast %shift_right_arithmetic3A_159 : i32 to vector<16xi32>
      %shift_right_arithmetic3A_161 = arith.shrsi %get3A_133, %shift_right_arithmetic3A_160 : vector<16xi32>
      %add3A_162 = arith.addi %select_n3A_158, %shift_right_arithmetic3A_161 : vector<16xi32>
      %and3A_163 = arith.constant 63 : i32
      %and3A_164 = vector.broadcast %and3A_163 : i32 to vector<16xi32>
      %and3A_165 = arith.andi %get3A_133, %and3A_164 : vector<16xi32>
      %add3A_166 = arith.constant 10000 : i32
      %add3A_167 = vector.broadcast %add3A_166 : i32 to vector<16xi32>
      %add3A_168 = arith.addi %add3A_167, %and3A_165 : vector<16xi32>
      %select_n3A_169 = arith.select %and3A_151, %add3A_162, %add3A_168 : vector<16xi1>, vector<16xi32>
      %swap3A_170 = arith.constant 16 : index
      %swap3A_171 = tpu.vector_load %arg9[%swap3A_170] {strides = array<i32>} : memref<128xi32, #tpu.memory_space<vmem>>, vector<16xi32>,
      tpu.vector_store %arg9[%swap3A_170], %select_n3A_169 {strides = array<i32>} : memref<128xi32, #tpu.memory_space<vmem>>, vector<16xi32>,
      %get3A_172 = arith.constant 0 : i32
      %get3A_173 = arith.index_cast %get3A_172 : i32 to index
      %get3A_174 = arith.constant 32 : index
      %get3A_175 = tpu.vector_load %arg7[%get3A_173, %get3A_174] {strides = array<i32>} : memref<2x128xi32, #tpu.memory_space<vmem>>, vector<16xi32>,
      %get3A_176 = arith.constant 1 : i32
      %get3A_177 = arith.index_cast %get3A_176 : i32 to index
      %get3A_178 = arith.constant 32 : index
      %get3A_179 = tpu.vector_load %arg7[%get3A_177, %get3A_178] {strides = array<i32>} : memref<2x128xi32, #tpu.memory_space<vmem>>, vector<16xi32>,
      %mul3A_180 = arith.constant 2 : i32
      %mul3A_181 = vector.broadcast %mul3A_180 : i32 to vector<16xi32>
      %mul3A_182 = arith.muli %mul3A_181, %get3A_175 : vector<16xi32>
      %and3A_183 = arith.constant 1 : i32
      %and3A_184 = vector.broadcast %and3A_183 : i32 to vector<16xi32>
      %and3A_185 = arith.andi %get3A_179, %and3A_184 : vector<16xi32>
      %add3A_186 = arith.addi %mul3A_182, %and3A_185 : vector<16xi32>
      %swap3A_187 = arith.constant 32 : index
      %swap3A_188 = tpu.vector_load %arg8[%swap3A_187] {strides = array<i32>} : memref<128xi32, #tpu.memory_space<vmem>>, vector<16xi32>,
      tpu.vector_store %arg8[%swap3A_187], %add3A_186 {strides = array<i32>} : memref<128xi32, #tpu.memory_space<vmem>>, vector<16xi32>,
      %ge3A_189 = vector.broadcast %mul3A_6 : i32 to vector<16xi32>
      %ge3A_190 = arith.cmpi sge, %get3A_175, %ge3A_189 : vector<16xi32>
      %lt3A_191 = vector.broadcast %add3A_9 : i32 to vector<16xi32>
      %lt3A_192 = arith.cmpi slt, %get3A_175, %lt3A_191 : vector<16xi32>
      %and3A_193 = arith.andi %ge3A_190, %lt3A_192 : vector<16xi1>
      %lt3A_194 = arith.constant 10000 : i32
      %lt3A_195 = vector.broadcast %lt3A_194 : i32 to vector<16xi32>
      %lt3A_196 = arith.cmpi slt, %get3A_179, %lt3A_195 : vector<16xi32>
      %and3A_197 = arith.andi %and3A_193, %lt3A_196 : vector<16xi1>
      %ge3A_198 = vector.broadcast %add3A_7 : i32 to vector<16xi32>
      %ge3A_199 = arith.cmpi sge, %get3A_175, %ge3A_198 : vector<16xi32>
      %jit3A_200 = arith.constant 5000 : i32
      %jit3A_201 = arith.constant 0 : i32
      %broadcast_in_dim3A_202 = vector.broadcast %jit3A_200 : i32 to vector<16xi32>
      %broadcast_in_dim3A_203 = vector.broadcast %jit3A_201 : i32 to vector<16xi32>
      %select_n3A_204 = arith.select %ge3A_199, %broadcast_in_dim3A_202, %broadcast_in_dim3A_203 : vector<16xi1>, vector<16xi32>
      %shift_right_arithmetic3A_205 = arith.constant 1 : i32
      %shift_right_arithmetic3A_206 = vector.broadcast %shift_right_arithmetic3A_205 : i32 to vector<16xi32>
      %shift_right_arithmetic3A_207 = arith.shrsi %get3A_179, %shift_right_arithmetic3A_206 : vector<16xi32>
      %add3A_208 = arith.addi %select_n3A_204, %shift_right_arithmetic3A_207 : vector<16xi32>
      %and3A_209 = arith.constant 63 : i32
      %and3A_210 = vector.broadcast %and3A_209 : i32 to vector<16xi32>
      %and3A_211 = arith.andi %get3A_179, %and3A_210 : vector<16xi32>
      %add3A_212 = arith.constant 10000 : i32
      %add3A_213 = vector.broadcast %add3A_212 : i32 to vector<16xi32>
      %add3A_214 = arith.addi %add3A_213, %and3A_211 : vector<16xi32>
      %select_n3A_215 = arith.select %and3A_197, %add3A_208, %add3A_214 : vector<16xi1>, vector<16xi32>
      %swap3A_216 = arith.constant 32 : index
      %swap3A_217 = tpu.vector_load %arg9[%swap3A_216] {strides = array<i32>} : memref<128xi32, #tpu.memory_space<vmem>>, vector<16xi32>,
      tpu.vector_store %arg9[%swap3A_216], %select_n3A_215 {strides = array<i32>} : memref<128xi32, #tpu.memory_space<vmem>>, vector<16xi32>,
      %get3A_218 = arith.constant 0 : i32
      %get3A_219 = arith.index_cast %get3A_218 : i32 to index
      %get3A_220 = arith.constant 48 : index
      %get3A_221 = tpu.vector_load %arg7[%get3A_219, %get3A_220] {strides = array<i32>} : memref<2x128xi32, #tpu.memory_space<vmem>>, vector<16xi32>,
      %get3A_222 = arith.constant 1 : i32
      %get3A_223 = arith.index_cast %get3A_222 : i32 to index
      %get3A_224 = arith.constant 48 : index
      %get3A_225 = tpu.vector_load %arg7[%get3A_223, %get3A_224] {strides = array<i32>} : memref<2x128xi32, #tpu.memory_space<vmem>>, vector<16xi32>,
      %mul3A_226 = arith.constant 2 : i32
      %mul3A_227 = vector.broadcast %mul3A_226 : i32 to vector<16xi32>
      %mul3A_228 = arith.muli %mul3A_227, %get3A_221 : vector<16xi32>
      %and3A_229 = arith.constant 1 : i32
      %and3A_230 = vector.broadcast %and3A_229 : i32 to vector<16xi32>
      %and3A_231 = arith.andi %get3A_225, %and3A_230 : vector<16xi32>
      %add3A_232 = arith.addi %mul3A_228, %and3A_231 : vector<16xi32>
      %swap3A_233 = arith.constant 48 : index
      %swap3A_234 = tpu.vector_load %arg8[%swap3A_233] {strides = array<i32>} : memref<128xi32, #tpu.memory_space<vmem>>, vector<16xi32>,
      tpu.vector_store %arg8[%swap3A_233], %add3A_232 {strides = array<i32>} : memref<128xi32, #tpu.memory_space<vmem>>, vector<16xi32>,
      %ge3A_235 = vector.broadcast %mul3A_6 : i32 to vector<16xi32>
      %ge3A_236 = arith.cmpi sge, %get3A_221, %ge3A_235 : vector<16xi32>
      %lt3A_237 = vector.broadcast %add3A_9 : i32 to vector<16xi32>
      %lt3A_238 = arith.cmpi slt, %get3A_221, %lt3A_237 : vector<16xi32>
      %and3A_239 = arith.andi %ge3A_236, %lt3A_238 : vector<16xi1>
      %lt3A_240 = arith.constant 10000 : i32
      %lt3A_241 = vector.broadcast %lt3A_240 : i32 to vector<16xi32>
      %lt3A_242 = arith.cmpi slt, %get3A_225, %lt3A_241 : vector<16xi32>
      %and3A_243 = arith.andi %and3A_239, %lt3A_242 : vector<16xi1>
      %ge3A_244 = vector.broadcast %add3A_7 : i32 to vector<16xi32>
      %ge3A_245 = arith.cmpi sge, %get3A_221, %ge3A_244 : vector<16xi32>
      %jit3A_246 = arith.constant 5000 : i32
      %jit3A_247 = arith.constant 0 : i32
      %broadcast_in_dim3A_248 = vector.broadcast %jit3A_246 : i32 to vector<16xi32>
      %broadcast_in_dim3A_249 = vector.broadcast %jit3A_247 : i32 to vector<16xi32>
      %select_n3A_250 = arith.select %ge3A_245, %broadcast_in_dim3A_248, %broadcast_in_dim3A_249 : vector<16xi1>, vector<16xi32>
      %shift_right_arithmetic3A_251 = arith.constant 1 : i32
      %shift_right_arithmetic3A_252 = vector.broadcast %shift_right_arithmetic3A_251 : i32 to vector<16xi32>
      %shift_right_arithmetic3A_253 = arith.shrsi %get3A_225, %shift_right_arithmetic3A_252 : vector<16xi32>
      %add3A_254 = arith.addi %select_n3A_250, %shift_right_arithmetic3A_253 : vector<16xi32>
      %and3A_255 = arith.constant 63 : i32
      %and3A_256 = vector.broadcast %and3A_255 : i32 to vector<16xi32>
      %and3A_257 = arith.andi %get3A_225, %and3A_256 : vector<16xi32>
      %add3A_258 = arith.constant 10000 : i32
      %add3A_259 = vector.broadcast %add3A_258 : i32 to vector<16xi32>
      %add3A_260 = arith.addi %add3A_259, %and3A_257 : vector<16xi32>
      %select_n3A_261 = arith.select %and3A_243, %add3A_254, %add3A_260 : vector<16xi1>, vector<16xi32>
      %swap3A_262 = arith.constant 48 : index
      %swap3A_263 = tpu.vector_load %arg9[%swap3A_262] {strides = array<i32>} : memref<128xi32, #tpu.memory_space<vmem>>, vector<16xi32>,
      tpu.vector_store %arg9[%swap3A_262], %select_n3A_261 {strides = array<i32>} : memref<128xi32, #tpu.memory_space<vmem>>, vector<16xi32>,
      %get3A_264 = arith.constant 0 : i32
      %get3A_265 = arith.index_cast %get3A_264 : i32 to index
      %get3A_266 = arith.constant 64 : index
      %get3A_267 = tpu.vector_load %arg7[%get3A_265, %get3A_266] {strides = array<i32>} : memref<2x128xi32, #tpu.memory_space<vmem>>, vector<16xi32>,
      %get3A_268 = arith.constant 1 : i32
      %get3A_269 = arith.index_cast %get3A_268 : i32 to index
      %get3A_270 = arith.constant 64 : index
      %get3A_271 = tpu.vector_load %arg7[%get3A_269, %get3A_270] {strides = array<i32>} : memref<2x128xi32, #tpu.memory_space<vmem>>, vector<16xi32>,
      %mul3A_272 = arith.constant 2 : i32
      %mul3A_273 = vector.broadcast %mul3A_272 : i32 to vector<16xi32>
      %mul3A_274 = arith.muli %mul3A_273, %get3A_267 : vector<16xi32>
      %and3A_275 = arith.constant 1 : i32
      %and3A_276 = vector.broadcast %and3A_275 : i32 to vector<16xi32>
      %and3A_277 = arith.andi %get3A_271, %and3A_276 : vector<16xi32>
      %add3A_278 = arith.addi %mul3A_274, %and3A_277 : vector<16xi32>
      %swap3A_279 = arith.constant 64 : index
      %swap3A_280 = tpu.vector_load %arg8[%swap3A_279] {strides = array<i32>} : memref<128xi32, #tpu.memory_space<vmem>>, vector<16xi32>,
      tpu.vector_store %arg8[%swap3A_279], %add3A_278 {strides = array<i32>} : memref<128xi32, #tpu.memory_space<vmem>>, vector<16xi32>,
      %ge3A_281 = vector.broadcast %mul3A_6 : i32 to vector<16xi32>
      %ge3A_282 = arith.cmpi sge, %get3A_267, %ge3A_281 : vector<16xi32>
      %lt3A_283 = vector.broadcast %add3A_9 : i32 to vector<16xi32>
      %lt3A_284 = arith.cmpi slt, %get3A_267, %lt3A_283 : vector<16xi32>
      %and3A_285 = arith.andi %ge3A_282, %lt3A_284 : vector<16xi1>
      %lt3A_286 = arith.constant 10000 : i32
      %lt3A_287 = vector.broadcast %lt3A_286 : i32 to vector<16xi32>
      %lt3A_288 = arith.cmpi slt, %get3A_271, %lt3A_287 : vector<16xi32>
      %and3A_289 = arith.andi %and3A_285, %lt3A_288 : vector<16xi1>
      %ge3A_290 = vector.broadcast %add3A_7 : i32 to vector<16xi32>
      %ge3A_291 = arith.cmpi sge, %get3A_267, %ge3A_290 : vector<16xi32>
      %jit3A_292 = arith.constant 5000 : i32
      %jit3A_293 = arith.constant 0 : i32
      %broadcast_in_dim3A_294 = vector.broadcast %jit3A_292 : i32 to vector<16xi32>
      %broadcast_in_dim3A_295 = vector.broadcast %jit3A_293 : i32 to vector<16xi32>
      %select_n3A_296 = arith.select %ge3A_291, %broadcast_in_dim3A_294, %broadcast_in_dim3A_295 : vector<16xi1>, vector<16xi32>
      %shift_right_arithmetic3A_297 = arith.constant 1 : i32
      %shift_right_arithmetic3A_298 = vector.broadcast %shift_right_arithmetic3A_297 : i32 to vector<16xi32>
      %shift_right_arithmetic3A_299 = arith.shrsi %get3A_271, %shift_right_arithmetic3A_298 : vector<16xi32>
      %add3A_300 = arith.addi %select_n3A_296, %shift_right_arithmetic3A_299 : vector<16xi32>
      %and3A_301 = arith.constant 63 : i32
      %and3A_302 = vector.broadcast %and3A_301 : i32 to vector<16xi32>
      %and3A_303 = arith.andi %get3A_271, %and3A_302 : vector<16xi32>
      %add3A_304 = arith.constant 10000 : i32
      %add3A_305 = vector.broadcast %add3A_304 : i32 to vector<16xi32>
      %add3A_306 = arith.addi %add3A_305, %and3A_303 : vector<16xi32>
      %select_n3A_307 = arith.select %and3A_289, %add3A_300, %add3A_306 : vector<16xi1>, vector<16xi32>
      %swap3A_308 = arith.constant 64 : index
      %swap3A_309 = tpu.vector_load %arg9[%swap3A_308] {strides = array<i32>} : memref<128xi32, #tpu.memory_space<vmem>>, vector<16xi32>,
      tpu.vector_store %arg9[%swap3A_308], %select_n3A_307 {strides = array<i32>} : memref<128xi32, #tpu.memory_space<vmem>>, vector<16xi32>,
      %get3A_310 = arith.constant 0 : i32
      %get3A_311 = arith.index_cast %get3A_310 : i32 to index
      %get3A_312 = arith.constant 80 : index
      %get3A_313 = tpu.vector_load %arg7[%get3A_311, %get3A_312] {strides = array<i32>} : memref<2x128xi32, #tpu.memory_space<vmem>>, vector<16xi32>,
      %get3A_314 = arith.constant 1 : i32
      %get3A_315 = arith.index_cast %get3A_314 : i32 to index
      %get3A_316 = arith.constant 80 : index
      %get3A_317 = tpu.vector_load %arg7[%get3A_315, %get3A_316] {strides = array<i32>} : memref<2x128xi32, #tpu.memory_space<vmem>>, vector<16xi32>,
      %mul3A_318 = arith.constant 2 : i32
      %mul3A_319 = vector.broadcast %mul3A_318 : i32 to vector<16xi32>
      %mul3A_320 = arith.muli %mul3A_319, %get3A_313 : vector<16xi32>
      %and3A_321 = arith.constant 1 : i32
      %and3A_322 = vector.broadcast %and3A_321 : i32 to vector<16xi32>
      %and3A_323 = arith.andi %get3A_317, %and3A_322 : vector<16xi32>
      %add3A_324 = arith.addi %mul3A_320, %and3A_323 : vector<16xi32>
      %swap3A_325 = arith.constant 80 : index
      %swap3A_326 = tpu.vector_load %arg8[%swap3A_325] {strides = array<i32>} : memref<128xi32, #tpu.memory_space<vmem>>, vector<16xi32>,
      tpu.vector_store %arg8[%swap3A_325], %add3A_324 {strides = array<i32>} : memref<128xi32, #tpu.memory_space<vmem>>, vector<16xi32>,
      %ge3A_327 = vector.broadcast %mul3A_6 : i32 to vector<16xi32>
      %ge3A_328 = arith.cmpi sge, %get3A_313, %ge3A_327 : vector<16xi32>
      %lt3A_329 = vector.broadcast %add3A_9 : i32 to vector<16xi32>
      %lt3A_330 = arith.cmpi slt, %get3A_313, %lt3A_329 : vector<16xi32>
      %and3A_331 = arith.andi %ge3A_328, %lt3A_330 : vector<16xi1>
      %lt3A_332 = arith.constant 10000 : i32
      %lt3A_333 = vector.broadcast %lt3A_332 : i32 to vector<16xi32>
      %lt3A_334 = arith.cmpi slt, %get3A_317, %lt3A_333 : vector<16xi32>
      %and3A_335 = arith.andi %and3A_331, %lt3A_334 : vector<16xi1>
      %ge3A_336 = vector.broadcast %add3A_7 : i32 to vector<16xi32>
      %ge3A_337 = arith.cmpi sge, %get3A_313, %ge3A_336 : vector<16xi32>
      %jit3A_338 = arith.constant 5000 : i32
      %jit3A_339 = arith.constant 0 : i32
      %broadcast_in_dim3A_340 = vector.broadcast %jit3A_338 : i32 to vector<16xi32>
      %broadcast_in_dim3A_341 = vector.broadcast %jit3A_339 : i32 to vector<16xi32>
      %select_n3A_342 = arith.select %ge3A_337, %broadcast_in_dim3A_340, %broadcast_in_dim3A_341 : vector<16xi1>, vector<16xi32>
      %shift_right_arithmetic3A_343 = arith.constant 1 : i32
      %shift_right_arithmetic3A_344 = vector.broadcast %shift_right_arithmetic3A_343 : i32 to vector<16xi32>
      %shift_right_arithmetic3A_345 = arith.shrsi %get3A_317, %shift_right_arithmetic3A_344 : vector<16xi32>
      %add3A_346 = arith.addi %select_n3A_342, %shift_right_arithmetic3A_345 : vector<16xi32>
      %and3A_347 = arith.constant 63 : i32
      %and3A_348 = vector.broadcast %and3A_347 : i32 to vector<16xi32>
      %and3A_349 = arith.andi %get3A_317, %and3A_348 : vector<16xi32>
      %add3A_350 = arith.constant 10000 : i32
      %add3A_351 = vector.broadcast %add3A_350 : i32 to vector<16xi32>
      %add3A_352 = arith.addi %add3A_351, %and3A_349 : vector<16xi32>
      %select_n3A_353 = arith.select %and3A_335, %add3A_346, %add3A_352 : vector<16xi1>, vector<16xi32>
      %swap3A_354 = arith.constant 80 : index
      %swap3A_355 = tpu.vector_load %arg9[%swap3A_354] {strides = array<i32>} : memref<128xi32, #tpu.memory_space<vmem>>, vector<16xi32>,
      tpu.vector_store %arg9[%swap3A_354], %select_n3A_353 {strides = array<i32>} : memref<128xi32, #tpu.memory_space<vmem>>, vector<16xi32>,
      %get3A_356 = arith.constant 0 : i32
      %get3A_357 = arith.index_cast %get3A_356 : i32 to index
      %get3A_358 = arith.constant 96 : index
      %get3A_359 = tpu.vector_load %arg7[%get3A_357, %get3A_358] {strides = array<i32>} : memref<2x128xi32, #tpu.memory_space<vmem>>, vector<16xi32>,
      %get3A_360 = arith.constant 1 : i32
      %get3A_361 = arith.index_cast %get3A_360 : i32 to index
      %get3A_362 = arith.constant 96 : index
      %get3A_363 = tpu.vector_load %arg7[%get3A_361, %get3A_362] {strides = array<i32>} : memref<2x128xi32, #tpu.memory_space<vmem>>, vector<16xi32>,
      %mul3A_364 = arith.constant 2 : i32
      %mul3A_365 = vector.broadcast %mul3A_364 : i32 to vector<16xi32>
      %mul3A_366 = arith.muli %mul3A_365, %get3A_359 : vector<16xi32>
      %and3A_367 = arith.constant 1 : i32
      %and3A_368 = vector.broadcast %and3A_367 : i32 to vector<16xi32>
      %and3A_369 = arith.andi %get3A_363, %and3A_368 : vector<16xi32>
      %add3A_370 = arith.addi %mul3A_366, %and3A_369 : vector<16xi32>
      %swap3A_371 = arith.constant 96 : index
      %swap3A_372 = tpu.vector_load %arg8[%swap3A_371] {strides = array<i32>} : memref<128xi32, #tpu.memory_space<vmem>>, vector<16xi32>,
      tpu.vector_store %arg8[%swap3A_371], %add3A_370 {strides = array<i32>} : memref<128xi32, #tpu.memory_space<vmem>>, vector<16xi32>,
      %ge3A_373 = vector.broadcast %mul3A_6 : i32 to vector<16xi32>
      %ge3A_374 = arith.cmpi sge, %get3A_359, %ge3A_373 : vector<16xi32>
      %lt3A_375 = vector.broadcast %add3A_9 : i32 to vector<16xi32>
      %lt3A_376 = arith.cmpi slt, %get3A_359, %lt3A_375 : vector<16xi32>
      %and3A_377 = arith.andi %ge3A_374, %lt3A_376 : vector<16xi1>
      %lt3A_378 = arith.constant 10000 : i32
      %lt3A_379 = vector.broadcast %lt3A_378 : i32 to vector<16xi32>
      %lt3A_380 = arith.cmpi slt, %get3A_363, %lt3A_379 : vector<16xi32>
      %and3A_381 = arith.andi %and3A_377, %lt3A_380 : vector<16xi1>
      %ge3A_382 = vector.broadcast %add3A_7 : i32 to vector<16xi32>
      %ge3A_383 = arith.cmpi sge, %get3A_359, %ge3A_382 : vector<16xi32>
      %jit3A_384 = arith.constant 5000 : i32
      %jit3A_385 = arith.constant 0 : i32
      %broadcast_in_dim3A_386 = vector.broadcast %jit3A_384 : i32 to vector<16xi32>
      %broadcast_in_dim3A_387 = vector.broadcast %jit3A_385 : i32 to vector<16xi32>
      %select_n3A_388 = arith.select %ge3A_383, %broadcast_in_dim3A_386, %broadcast_in_dim3A_387 : vector<16xi1>, vector<16xi32>
      %shift_right_arithmetic3A_389 = arith.constant 1 : i32
      %shift_right_arithmetic3A_390 = vector.broadcast %shift_right_arithmetic3A_389 : i32 to vector<16xi32>
      %shift_right_arithmetic3A_391 = arith.shrsi %get3A_363, %shift_right_arithmetic3A_390 : vector<16xi32>
      %add3A_392 = arith.addi %select_n3A_388, %shift_right_arithmetic3A_391 : vector<16xi32>
      %and3A_393 = arith.constant 63 : i32
      %and3A_394 = vector.broadcast %and3A_393 : i32 to vector<16xi32>
      %and3A_395 = arith.andi %get3A_363, %and3A_394 : vector<16xi32>
      %add3A_396 = arith.constant 10000 : i32
      %add3A_397 = vector.broadcast %add3A_396 : i32 to vector<16xi32>
      %add3A_398 = arith.addi %add3A_397, %and3A_395 : vector<16xi32>
      %select_n3A_399 = arith.select %and3A_381, %add3A_392, %add3A_398 : vector<16xi1>, vector<16xi32>
      %swap3A_400 = arith.constant 96 : index
      %swap3A_401 = tpu.vector_load %arg9[%swap3A_400] {strides = array<i32>} : memref<128xi32, #tpu.memory_space<vmem>>, vector<16xi32>,
      tpu.vector_store %arg9[%swap3A_400], %select_n3A_399 {strides = array<i32>} : memref<128xi32, #tpu.memory_space<vmem>>, vector<16xi32>,
      %get3A_402 = arith.constant 0 : i32
      %get3A_403 = arith.index_cast %get3A_402 : i32 to index
      %get3A_404 = arith.constant 112 : index
      %get3A_405 = tpu.vector_load %arg7[%get3A_403, %get3A_404] {strides = array<i32>} : memref<2x128xi32, #tpu.memory_space<vmem>>, vector<16xi32>,
      %get3A_406 = arith.constant 1 : i32
      %get3A_407 = arith.index_cast %get3A_406 : i32 to index
      %get3A_408 = arith.constant 112 : index
      %get3A_409 = tpu.vector_load %arg7[%get3A_407, %get3A_408] {strides = array<i32>} : memref<2x128xi32, #tpu.memory_space<vmem>>, vector<16xi32>,
      %mul3A_410 = arith.constant 2 : i32
      %mul3A_411 = vector.broadcast %mul3A_410 : i32 to vector<16xi32>
      %mul3A_412 = arith.muli %mul3A_411, %get3A_405 : vector<16xi32>
      %and3A_413 = arith.constant 1 : i32
      %and3A_414 = vector.broadcast %and3A_413 : i32 to vector<16xi32>
      %and3A_415 = arith.andi %get3A_409, %and3A_414 : vector<16xi32>
      %add3A_416 = arith.addi %mul3A_412, %and3A_415 : vector<16xi32>
      %swap3A_417 = arith.constant 112 : index
      %swap3A_418 = tpu.vector_load %arg8[%swap3A_417] {strides = array<i32>} : memref<128xi32, #tpu.memory_space<vmem>>, vector<16xi32>,
      tpu.vector_store %arg8[%swap3A_417], %add3A_416 {strides = array<i32>} : memref<128xi32, #tpu.memory_space<vmem>>, vector<16xi32>,
      %ge3A_419 = vector.broadcast %mul3A_6 : i32 to vector<16xi32>
      %ge3A_420 = arith.cmpi sge, %get3A_405, %ge3A_419 : vector<16xi32>
      %lt3A_421 = vector.broadcast %add3A_9 : i32 to vector<16xi32>
      %lt3A_422 = arith.cmpi slt, %get3A_405, %lt3A_421 : vector<16xi32>
      %and3A_423 = arith.andi %ge3A_420, %lt3A_422 : vector<16xi1>
      %lt3A_424 = arith.constant 10000 : i32
      %lt3A_425 = vector.broadcast %lt3A_424 : i32 to vector<16xi32>
      %lt3A_426 = arith.cmpi slt, %get3A_409, %lt3A_425 : vector<16xi32>
      %and3A_427 = arith.andi %and3A_423, %lt3A_426 : vector<16xi1>
      %ge3A_428 = vector.broadcast %add3A_7 : i32 to vector<16xi32>
      %ge3A_429 = arith.cmpi sge, %get3A_405, %ge3A_428 : vector<16xi32>
      %jit3A_430 = arith.constant 5000 : i32
      %jit3A_431 = arith.constant 0 : i32
      %broadcast_in_dim3A_432 = vector.broadcast %jit3A_430 : i32 to vector<16xi32>
      %broadcast_in_dim3A_433 = vector.broadcast %jit3A_431 : i32 to vector<16xi32>
      %select_n3A_434 = arith.select %ge3A_429, %broadcast_in_dim3A_432, %broadcast_in_dim3A_433 : vector<16xi1>, vector<16xi32>
      %shift_right_arithmetic3A_435 = arith.constant 1 : i32
      %shift_right_arithmetic3A_436 = vector.broadcast %shift_right_arithmetic3A_435 : i32 to vector<16xi32>
      %shift_right_arithmetic3A_437 = arith.shrsi %get3A_409, %shift_right_arithmetic3A_436 : vector<16xi32>
      %add3A_438 = arith.addi %select_n3A_434, %shift_right_arithmetic3A_437 : vector<16xi32>
      %and3A_439 = arith.constant 63 : i32
      %and3A_440 = vector.broadcast %and3A_439 : i32 to vector<16xi32>
      %and3A_441 = arith.andi %get3A_409, %and3A_440 : vector<16xi32>
      %add3A_442 = arith.constant 10000 : i32
      %add3A_443 = vector.broadcast %add3A_442 : i32 to vector<16xi32>
      %add3A_444 = arith.addi %add3A_443, %and3A_441 : vector<16xi32>
      %select_n3A_445 = arith.select %and3A_427, %add3A_438, %add3A_444 : vector<16xi1>, vector<16xi32>
      %swap3A_446 = arith.constant 112 : index
      %swap3A_447 = tpu.vector_load %arg9[%swap3A_446] {strides = array<i32>} : memref<128xi32, #tpu.memory_space<vmem>>, vector<16xi32>,
      tpu.vector_store %arg9[%swap3A_446], %select_n3A_445 {strides = array<i32>} : memref<128xi32, #tpu.memory_space<vmem>>, vector<16xi32>,
      %dma_start3A = arith.constant 0 : i32
      %dma_start3A_448 = arith.constant 0 : i32
      %dma_start3A_449 = tpu.memref_slice %arg4[%dma_start3A, %dma_start3A_448] : memref<20000x128xf32, #tpu.memory_space<hbm>> -> memref<20000x128xf32, #tpu.memory_space<hbm>>
      tpu.enqueue_indirect_dma source(%dma_start3A_449 : memref<20000x128xf32, #tpu.memory_space<hbm>>) target(%arg10 : memref<128x128xf32, #tpu.memory_space<vmem>>) offsets(%arg8 : memref<128xi32, #tpu.memory_space<vmem>>) semaphore(%arg13 : memref<!tpu.dma_semaphore, #tpu.memory_space<semaphore_mem>>)
      %dma_wait3A = arith.constant 0 : i32
      %dma_wait3A_450 = arith.constant 0 : i32
      %dma_wait3A_451 = tpu.memref_slice %arg4[%dma_wait3A, %dma_wait3A_450] : memref<20000x128xf32, #tpu.memory_space<hbm>> -> memref<20000x128xf32, #tpu.memory_space<hbm>>
      tpu.wait_indirect_dma semaphore(%arg13 : memref<!tpu.dma_semaphore, #tpu.memory_space<semaphore_mem>>) src(%dma_wait3A_451 : memref<20000x128xf32, #tpu.memory_space<hbm>>) dst(%arg10 : memref<128x128xf32, #tpu.memory_space<vmem>>)
      "tpu.region"() ({
        %run_scoped3A = tpu.sem_alloc : memref<!tpu.dma_semaphore, #tpu.memory_space<semaphore_mem>>
        %dma_start3A_452 = arith.constant 0 : i32
        %dma_start3A_453 = arith.constant 0 : i32
        %dma_start3A_454 = tpu.memref_slice %arg12[%dma_start3A_452, %dma_start3A_453] : memref<10112x128xf32, #tpu.memory_space<vmem_shared>> -> memref<10112x128xf32, #tpu.memory_space<vmem_shared>>
        tpu.enqueue_indirect_dma source(%arg10 : memref<128x128xf32, #tpu.memory_space<vmem>>) target(%dma_start3A_454 : memref<10112x128xf32, #tpu.memory_space<vmem_shared>>) offsets(%arg9 : memref<128xi32, #tpu.memory_space<vmem>>) semaphore(%run_scoped3A : memref<!tpu.dma_semaphore, #tpu.memory_space<semaphore_mem>>) {add = true}
        %dma_wait3A_455 = arith.constant 0 : i32
        %dma_wait3A_456 = arith.constant 0 : i32
        %dma_wait3A_457 = tpu.memref_slice %arg12[%dma_wait3A_455, %dma_wait3A_456] : memref<10112x128xf32, #tpu.memory_space<vmem_shared>> -> memref<10112x128xf32, #tpu.memory_space<vmem_shared>>
        tpu.wait_indirect_dma semaphore(%run_scoped3A : memref<!tpu.dma_semaphore, #tpu.memory_space<semaphore_mem>>) src(%arg10 : memref<128x128xf32, #tpu.memory_space<vmem>>) dst(%dma_wait3A_457 : memref<10112x128xf32, #tpu.memory_space<vmem_shared>>)
        tpu.yield
      }) : () -> ()
    }
    %barrier3A_75 = arith.constant 0 : index
    tpu.barrier barrier_id(%barrier3A_75)
    %mul3A_76 = arith.constant 632 : i32
    %mul3A_77 = arith.muli %arg1, %mul3A_76 : i32
    %mul3A_78 = arith.constant 632 : i32
    %mul3A_79 = arith.muli %arg1, %mul3A_78 : i32
    "tpu.region"() ({
      %run_scoped3A = tpu.sem_alloc : memref<!tpu.dma_semaphore, #tpu.memory_space<semaphore_mem>>
      %dma_start3A = arith.constant 0 : i32
      %dma_start3A_80 = tpu.memref_slice %arg6[%arg0, %mul3A_79, %dma_start3A] : memref<2x10112x128xf32, #tpu.memory_space<hbm>> -> memref<1x632x128xf32, #tpu.memory_space<hbm>>
      %dma_start3A_81 = tpu.memref_squeeze %dma_start3A_80 : memref<1x632x128xf32, #tpu.memory_space<hbm>> -> memref<632x128xf32, #tpu.memory_space<hbm>>
      %dma_start3A_82 = arith.constant 0 : i32
      %dma_start3A_83 = tpu.memref_slice %arg12[%mul3A_77, %dma_start3A_82] : memref<10112x128xf32, #tpu.memory_space<vmem_shared>> -> memref<632x128xf32, #tpu.memory_space<vmem_shared>>
      tpu.enqueue_dma source(%dma_start3A_83 : memref<632x128xf32, #tpu.memory_space<vmem_shared>>) target(%dma_start3A_81 : memref<632x128xf32, #tpu.memory_space<hbm>>) target_semaphore(%run_scoped3A : memref<!tpu.dma_semaphore, #tpu.memory_space<semaphore_mem>>)
      %dma_wait3A = arith.constant 0 : i32
      %dma_wait3A_84 = tpu.memref_slice %arg6[%arg0, %mul3A_79, %dma_wait3A] : memref<2x10112x128xf32, #tpu.memory_space<hbm>> -> memref<1x632x128xf32, #tpu.memory_space<hbm>>
      %dma_wait3A_85 = tpu.memref_squeeze %dma_wait3A_84 : memref<1x632x128xf32, #tpu.memory_space<hbm>> -> memref<632x128xf32, #tpu.memory_space<hbm>>
      %dma_wait3A_86 = arith.constant 0 : i32
      %dma_wait3A_87 = tpu.memref_slice %arg12[%mul3A_77, %dma_wait3A_86] : memref<10112x128xf32, #tpu.memory_space<vmem_shared>> -> memref<632x128xf32, #tpu.memory_space<vmem_shared>>
      tpu.wait_dma2 semaphore(%run_scoped3A : memref<!tpu.dma_semaphore, #tpu.memory_space<semaphore_mem>>) src(%dma_wait3A_87 : memref<632x128xf32, #tpu.memory_space<vmem_shared>>) dst(%dma_wait3A_85 : memref<632x128xf32, #tpu.memory_space<hbm>>)
      tpu.yield
    }) : () -> ()
    return
  }
}

module attributes {stable_mosaic.version = 14 : i64} {
  func.func @_project_body(%arg0: i32, %arg1: memref<1000x128xf32, #tpu.memory_space<vmem>>, %arg2: memref<128x64xf32, #tpu.memory_space<vmem>>, %arg3: memref<1000x128xf32, #tpu.memory_space<vmem>>) attributes {dimension_semantics = [#tpu.dimension_semantics<arbitrary>], iteration_bounds = array<i64: 10>, scalar_prefetch = 0 : i64, scratch_operands = 0 : i64, tpu.core_type = #tpu.core_type<tc>, window_params = [{transform_indices = @transform_0, window_bounds = array<i64: 1000, 128>}, {pipeline_mode = #tpu.pipeline_mode<synchronous>, transform_indices = @transform_1, window_bounds = array<i64: 128, 64>}, {transform_indices = @transform_2, window_bounds = array<i64: 1000, 128>}]} {
    %get3A = arith.constant 0 : index
    %get3A_0 = arith.constant 0 : index
    %get3A_1 = vector.load %arg1[%get3A, %get3A_0] : memref<1000x128xf32, #tpu.memory_space<vmem>>, vector<1000x128xf32>
    %get3A_2 = arith.constant 0 : index
    %get3A_3 = arith.constant 0 : index
    %get3A_4 = vector.load %arg2[%get3A_2, %get3A_3] : memref<128x64xf32, #tpu.memory_space<vmem>>, vector<128x64xf32>
    %dot_general3A = arith.constant dense<0.000000e+00> : vector<1000x64xf32>
    %dot_general3A_5 = tpu.matmul %get3A_1, %get3A_4, %dot_general3A {dimension_numbers = #tpu.dot_dimension_numbers<[1], [0], [0], [1], [0, 0, 1, 1], [], []>, transpose_lhs_hint = false} : vector<1000x128xf32>, vector<128x64xf32>, vector<1000x64xf32> -> vector<1000x64xf32>
    %broadcast_in_dim3A = arith.constant 1.000000e+00 : f32
    %broadcast_in_dim3A_6 = vector.broadcast %broadcast_in_dim3A : f32 to vector<1000x1xf32>
    %broadcast_in_dim3A_7 = arith.constant 0.000000e+00 : f32
    %broadcast_in_dim3A_8 = vector.broadcast %broadcast_in_dim3A_7 : f32 to vector<1000x63xf32>
    %concatenate3A = tpu.concatenate %dot_general3A_5, %broadcast_in_dim3A_6, %broadcast_in_dim3A_8 in 1 : vector<1000x64xf32>, vector<1000x1xf32>, vector<1000x63xf32> -> vector<1000x128xf32>
    %swap3A = arith.constant 0 : index
    %swap3A_9 = arith.constant 0 : index
    %swap3A_10 = vector.load %arg3[%swap3A, %swap3A_9] : memref<1000x128xf32, #tpu.memory_space<vmem>>, vector<1000x128xf32>
    tpu.vector_store %arg3[%swap3A, %swap3A_9], %concatenate3A {strides = array<i32>} : memref<1000x128xf32, #tpu.memory_space<vmem>>, vector<1000x128xf32>,
    return
  }
  func.func @transform_0(%arg0: i32) -> (i32, i32) {
    %c0_i32 = arith.constant 0 : i32
    %c0_i32_0 = arith.constant 0 : i32
    return %arg0, %c0_i32 : i32, i32
  }
  func.func @transform_1(%arg0: i32) -> (i32, i32) {
    %c0_i32 = arith.constant 0 : i32
    %c0_i32_0 = arith.constant 0 : i32
    %c0_i32_1 = arith.constant 0 : i32
    return %c0_i32, %c0_i32_0 : i32, i32
  }
  func.func @transform_2(%arg0: i32) -> (i32, i32) {
    %c0_i32 = arith.constant 0 : i32
    %c0_i32_0 = arith.constant 0 : i32
    return %arg0, %c0_i32 : i32, i32
  }
}

module attributes {stable_mosaic.version = 14 : i64} {
  func.func @_softmax_body(%arg0: i32, %arg1: memref<1000x128xf32, #tpu.memory_space<vmem>>, %arg2: memref<128x64xf32, #tpu.memory_space<vmem>>, %arg3: memref<2x1000x128xf32, #tpu.memory_space<vmem>>, %arg4: memref<1000x64xf32, #tpu.memory_space<vmem>>, %arg5: memref<1000x256xf32, #tpu.memory_space<vmem>>, %arg6: memref<1x1xf32, #tpu.memory_space<vmem>>) attributes {dimension_semantics = [#tpu.dimension_semantics<arbitrary>], iteration_bounds = array<i64: 10>, scalar_prefetch = 0 : i64, scratch_operands = 0 : i64, tpu.core_type = #tpu.core_type<tc>, window_params = [{transform_indices = @transform_0, window_bounds = array<i64: 1000, 128>}, {pipeline_mode = #tpu.pipeline_mode<synchronous>, transform_indices = @transform_1, window_bounds = array<i64: 128, 64>}, {transform_indices = @transform_2, window_bounds = array<i64: 2, 1000, 128>}, {transform_indices = @transform_3, window_bounds = array<i64: 1000, 64>}, {transform_indices = @transform_4, window_bounds = array<i64: 1000, 256>}, {pipeline_mode = #tpu.pipeline_mode<synchronous>, transform_indices = @transform_5, window_bounds = array<i64: 1, 1>}]} {
    %get3A = arith.constant 0 : index
    %get3A_0 = arith.constant 0 : index
    %get3A_1 = vector.load %arg1[%get3A, %get3A_0] : memref<1000x128xf32, #tpu.memory_space<vmem>>, vector<1000x128xf32>
    %get3A_2 = arith.constant 0 : index
    %get3A_3 = arith.constant 0 : index
    %get3A_4 = vector.load %arg2[%get3A_2, %get3A_3] : memref<128x64xf32, #tpu.memory_space<vmem>>, vector<128x64xf32>
    %dot_general3A = arith.constant dense<0.000000e+00> : vector<1000x64xf32>
    %dot_general3A_5 = tpu.matmul %get3A_1, %get3A_4, %dot_general3A {dimension_numbers = #tpu.dot_dimension_numbers<[1], [0], [0], [1], [0, 0, 1, 1], [], []>, transpose_lhs_hint = false} : vector<1000x128xf32>, vector<128x64xf32>, vector<1000x64xf32> -> vector<1000x64xf32>
    %get3A_6 = arith.constant 0 : index
    %get3A_7 = arith.constant 0 : index
    %get3A_8 = arith.constant 0 : index
    %get3A_9 = vector.load %arg3[%get3A_6, %get3A_7, %get3A_8] : memref<2x1000x128xf32, #tpu.memory_space<vmem>>, vector<1x1000x64xf32>
    %get3A_10 = vector.shape_cast %get3A_9 : vector<1x1000x64xf32> to vector<1000x64xf32>
    %get3A_11 = arith.constant 1 : index
    %get3A_12 = arith.constant 0 : index
    %get3A_13 = arith.constant 0 : index
    %get3A_14 = vector.load %arg3[%get3A_11, %get3A_12, %get3A_13] : memref<2x1000x128xf32, #tpu.memory_space<vmem>>, vector<1x1000x64xf32>
    %get3A_15 = vector.shape_cast %get3A_14 : vector<1x1000x64xf32> to vector<1000x64xf32>
    %add3A = arith.addf %get3A_10, %get3A_15 : vector<1000x64xf32>
    %get3A_16 = arith.constant 0 : index
    %get3A_17 = arith.constant 0 : index
    %get3A_18 = arith.constant 64 : index
    %get3A_19 = vector.load %arg3[%get3A_16, %get3A_17, %get3A_18] : memref<2x1000x128xf32, #tpu.memory_space<vmem>>, vector<1x1000x1xf32>
    %get3A_20 = vector.shape_cast %get3A_19 : vector<1x1000x1xf32> to vector<1000x1xf32>
    %get3A_21 = arith.constant 1 : index
    %get3A_22 = arith.constant 0 : index
    %get3A_23 = arith.constant 64 : index
    %get3A_24 = vector.load %arg3[%get3A_21, %get3A_22, %get3A_23] : memref<2x1000x128xf32, #tpu.memory_space<vmem>>, vector<1x1000x1xf32>
    %get3A_25 = vector.shape_cast %get3A_24 : vector<1x1000x1xf32> to vector<1000x1xf32>
    %add3A_26 = arith.addf %get3A_20, %get3A_25 : vector<1000x1xf32>
    %max3A = arith.constant 1.000000e+00 : f32
    %max3A_27 = vector.broadcast %max3A : f32 to vector<1000x1xf32>
    %max3A_28 = arith.maximumf %add3A_26, %max3A_27 : vector<1000x1xf32>
    %div3A = vector.broadcast %max3A_28 : vector<1000x1xf32> to vector<1000x64xf32>
    %div3A_29 = arith.divf %add3A, %div3A : vector<1000x64xf32>
    %add3A_30 = arith.addf %dot_general3A_5, %div3A_29 : vector<1000x64xf32>
    %reduce_max3A = arith.constant dense<0xFF800000> : vector<1000xf32>
    %reduce_max3A_31 = vector.multi_reduction <maximumf>, %add3A_30, %reduce_max3A [1] : vector<1000x64xf32> to vector<1000xf32>
    %broadcast_in_dim3A = vector.shape_cast %reduce_max3A_31 : vector<1000xf32> to vector<1000x1xf32>
    %sub3A = vector.broadcast %broadcast_in_dim3A : vector<1000x1xf32> to vector<1000x64xf32>
    %sub3A_32 = arith.subf %add3A_30, %sub3A : vector<1000x64xf32>
    %exp3A = math.exp %sub3A_32 : vector<1000x64xf32>
    %reduce_sum3A = arith.constant dense<0.000000e+00> : vector<1000xf32>
    %reduce_sum3A_33 = vector.multi_reduction <add>, %exp3A, %reduce_sum3A [1] : vector<1000x64xf32> to vector<1000xf32>
    %broadcast_in_dim3A_34 = vector.shape_cast %reduce_sum3A_33 : vector<1000xf32> to vector<1000x1xf32>
    %div3A_35 = vector.broadcast %broadcast_in_dim3A_34 : vector<1000x1xf32> to vector<1000x64xf32>
    %div3A_36 = arith.divf %exp3A, %div3A_35 : vector<1000x64xf32>
    %swap3A = arith.constant 0 : index
    %swap3A_37 = arith.constant 0 : index
    %swap3A_38 = vector.load %arg4[%swap3A, %swap3A_37] : memref<1000x64xf32, #tpu.memory_space<vmem>>, vector<1000x64xf32>
    tpu.vector_store %arg4[%swap3A, %swap3A_37], %div3A_36 {strides = array<i32>} : memref<1000x64xf32, #tpu.memory_space<vmem>>, vector<1000x64xf32>,
    %broadcast_in_dim3A_39 = arith.constant 0.000000e+00 : f32
    %broadcast_in_dim3A_40 = vector.broadcast %broadcast_in_dim3A_39 : f32 to vector<1000x128xf32>
    %concatenate3A = tpu.concatenate %div3A_36, %broadcast_in_dim3A_40, %div3A_36 in 1 : vector<1000x64xf32>, vector<1000x128xf32>, vector<1000x64xf32> -> vector<1000x256xf32>
    %swap3A_41 = arith.constant 0 : index
    %swap3A_42 = arith.constant 0 : index
    %swap3A_43 = vector.load %arg5[%swap3A_41, %swap3A_42] : memref<1000x256xf32, #tpu.memory_space<vmem>>, vector<1000x256xf32>
    tpu.vector_store %arg5[%swap3A_41, %swap3A_42], %concatenate3A {strides = array<i32>} : memref<1000x256xf32, #tpu.memory_space<vmem>>, vector<1000x256xf32>,
    %mul3A = arith.mulf %div3A_36, %div3A_36 : vector<1000x64xf32>
    %add3A_44 = arith.constant 9.99999996E-13 : f32
    %add3A_45 = vector.broadcast %add3A_44 : f32 to vector<1000x64xf32>
    %add3A_46 = arith.addf %div3A_36, %add3A_45 : vector<1000x64xf32>
    %log3A = math.log %add3A_46 : vector<1000x64xf32>
    %mul3A_47 = arith.mulf %div3A_36, %log3A : vector<1000x64xf32>
    %sub3A_48 = arith.subf %mul3A, %mul3A_47 : vector<1000x64xf32>
    %reduce_sum3A_49 = vector.shape_cast %sub3A_48 : vector<1000x64xf32> to vector<1x1000x64xf32>
    %reduce_sum3A_50 = arith.constant dense<0.000000e+00> : vector<1xf32>
    %reduce_sum3A_51 = vector.multi_reduction <add>, %reduce_sum3A_49, %reduce_sum3A_50 [1, 2] : vector<1x1000x64xf32> to vector<1xf32>
    %reduce_sum3A_52 = vector.shape_cast %reduce_sum3A_51 : vector<1xf32> to vector<1x1x1xf32>
    %reduce_sum3A_53 = vector.extract %reduce_sum3A_52[0, 0, 0] : f32 from vector<1x1x1xf32>
    %reshape3A = vector.broadcast %reduce_sum3A_53 : f32 to vector<1x1xf32>
    %eq3A = arith.constant 0 : i32
    %eq3A_54 = arith.cmpi eq, %arg0, %eq3A : i32
    %broadcast_in_dim3A_55 = arith.constant 0.000000e+00 : f32
    %broadcast_in_dim3A_56 = vector.broadcast %broadcast_in_dim3A_55 : f32 to vector<1x1xf32>
    %get3A_57 = arith.constant 0 : index
    %get3A_58 = arith.constant 0 : index
    %get3A_59 = vector.load %arg6[%get3A_57, %get3A_58] : memref<1x1xf32, #tpu.memory_space<vmem>>, vector<1x1xf32>
    %select_n3A = arith.select %eq3A_54, %broadcast_in_dim3A_56, %get3A_59 : vector<1x1xf32>
    %add3A_60 = arith.addf %select_n3A, %reshape3A : vector<1x1xf32>
    %eq3A_61 = arith.constant 9 : i32
    %eq3A_62 = arith.cmpi eq, %arg0, %eq3A_61 : i32
    %div3A_63 = arith.constant 1.000000e+04 : f32
    %div3A_64 = vector.broadcast %div3A_63 : f32 to vector<1x1xf32>
    %div3A_65 = arith.divf %add3A_60, %div3A_64 : vector<1x1xf32>
    %select_n3A_66 = arith.select %eq3A_62, %div3A_65, %add3A_60 : vector<1x1xf32>
    %swap3A_67 = arith.constant 0 : index
    %swap3A_68 = arith.constant 0 : index
    %swap3A_69 = vector.load %arg6[%swap3A_67, %swap3A_68] : memref<1x1xf32, #tpu.memory_space<vmem>>, vector<1x1xf32>
    tpu.vector_store %arg6[%swap3A_67, %swap3A_68], %select_n3A_66 {strides = array<i32>} : memref<1x1xf32, #tpu.memory_space<vmem>>, vector<1x1xf32>,
    return
  }
  func.func @transform_0(%arg0: i32) -> (i32, i32) {
    %c0_i32 = arith.constant 0 : i32
    %c0_i32_0 = arith.constant 0 : i32
    return %arg0, %c0_i32 : i32, i32
  }
  func.func @transform_1(%arg0: i32) -> (i32, i32) {
    %c0_i32 = arith.constant 0 : i32
    %c0_i32_0 = arith.constant 0 : i32
    %c0_i32_1 = arith.constant 0 : i32
    return %c0_i32, %c0_i32_0 : i32, i32
  }
  func.func @transform_2(%arg0: i32) -> (i32, i32, i32) {
    %c0_i32 = arith.constant 0 : i32
    %c0_i32_0 = arith.constant 0 : i32
    %c0_i32_1 = arith.constant 0 : i32
    return %c0_i32, %arg0, %c0_i32_0 : i32, i32, i32
  }
  func.func @transform_3(%arg0: i32) -> (i32, i32) {
    %c0_i32 = arith.constant 0 : i32
    %c0_i32_0 = arith.constant 0 : i32
    return %arg0, %c0_i32 : i32, i32
  }
  func.func @transform_4(%arg0: i32) -> (i32, i32) {
    %c0_i32 = arith.constant 0 : i32
    %c0_i32_0 = arith.constant 0 : i32
    return %arg0, %c0_i32 : i32, i32
  }
  func.func @transform_5(%arg0: i32) -> (i32, i32) {
    %c0_i32 = arith.constant 0 : i32
    %c0_i32_0 = arith.constant 0 : i32
    %c0_i32_1 = arith.constant 0 : i32
    return %c0_i32, %c0_i32_0 : i32, i32
  }
}

module attributes {stable_mosaic.version = 14 : i64} {
  func.func @_adj_body(%arg0: i32, %arg1: memref<1x2500x64xf32, #tpu.memory_space<vmem>>, %arg2: memref<4x1x2500x64xf32, #tpu.memory_space<vmem>>, %arg3: memref<64x256xf32, #tpu.memory_space<vmem>>) attributes {dimension_semantics = [#tpu.dimension_semantics<arbitrary>], iteration_bounds = array<i64: 4>, scalar_prefetch = 0 : i64, scratch_operands = 0 : i64, tpu.core_type = #tpu.core_type<tc>, window_params = [{transform_indices = @transform_0, window_bounds = array<i64: 1, 2500, 64>}, {transform_indices = @transform_1, window_bounds = array<i64: 4, 1, 2500, 64>}, {transform_indices = @transform_2, window_bounds = array<i64: 64, 256>}]} {
    %get3A = arith.constant 0 : index
    %get3A_0 = arith.constant 0 : index
    %get3A_1 = arith.constant 0 : index
    %get3A_2 = vector.load %arg1[%get3A, %get3A_0, %get3A_1] : memref<1x2500x64xf32, #tpu.memory_space<vmem>>, vector<1x2500x64xf32>
    %get3A_3 = vector.shape_cast %get3A_2 : vector<1x2500x64xf32> to vector<2500x64xf32>
    %get3A_4 = arith.constant 0 : index
    %get3A_5 = arith.constant 0 : index
    %get3A_6 = arith.constant 0 : index
    %get3A_7 = arith.constant 0 : index
    %get3A_8 = vector.load %arg2[%get3A_4, %get3A_5, %get3A_6, %get3A_7] : memref<4x1x2500x64xf32, #tpu.memory_space<vmem>>, vector<1x1x2500x64xf32>
    %get3A_9 = vector.shape_cast %get3A_8 : vector<1x1x2500x64xf32> to vector<2500x64xf32>
    %dot_general3A = arith.constant dense<0.000000e+00> : vector<64x64xf32>
    %dot_general3A_10 = tpu.matmul %get3A_3, %get3A_9, %dot_general3A {dimension_numbers = #tpu.dot_dimension_numbers<[0], [0], [1], [1], [0, 1, 1, 1], [], []>, transpose_lhs_hint = false} : vector<2500x64xf32>, vector<2500x64xf32>, vector<64x64xf32> -> vector<64x64xf32>
    %get3A_11 = arith.constant 1 : index
    %get3A_12 = arith.constant 0 : index
    %get3A_13 = arith.constant 0 : index
    %get3A_14 = arith.constant 0 : index
    %get3A_15 = vector.load %arg2[%get3A_11, %get3A_12, %get3A_13, %get3A_14] : memref<4x1x2500x64xf32, #tpu.memory_space<vmem>>, vector<1x1x2500x64xf32>
    %get3A_16 = vector.shape_cast %get3A_15 : vector<1x1x2500x64xf32> to vector<2500x64xf32>
    %dot_general3A_17 = arith.constant dense<0.000000e+00> : vector<64x64xf32>
    %dot_general3A_18 = tpu.matmul %get3A_3, %get3A_16, %dot_general3A_17 {dimension_numbers = #tpu.dot_dimension_numbers<[0], [0], [1], [1], [0, 1, 1, 1], [], []>, transpose_lhs_hint = false} : vector<2500x64xf32>, vector<2500x64xf32>, vector<64x64xf32> -> vector<64x64xf32>
    %get3A_19 = arith.constant 2 : index
    %get3A_20 = arith.constant 0 : index
    %get3A_21 = arith.constant 0 : index
    %get3A_22 = arith.constant 0 : index
    %get3A_23 = vector.load %arg2[%get3A_19, %get3A_20, %get3A_21, %get3A_22] : memref<4x1x2500x64xf32, #tpu.memory_space<vmem>>, vector<1x1x2500x64xf32>
    %get3A_24 = vector.shape_cast %get3A_23 : vector<1x1x2500x64xf32> to vector<2500x64xf32>
    %dot_general3A_25 = arith.constant dense<0.000000e+00> : vector<64x64xf32>
    %dot_general3A_26 = tpu.matmul %get3A_3, %get3A_24, %dot_general3A_25 {dimension_numbers = #tpu.dot_dimension_numbers<[0], [0], [1], [1], [0, 1, 1, 1], [], []>, transpose_lhs_hint = false} : vector<2500x64xf32>, vector<2500x64xf32>, vector<64x64xf32> -> vector<64x64xf32>
    %get3A_27 = arith.constant 3 : index
    %get3A_28 = arith.constant 0 : index
    %get3A_29 = arith.constant 0 : index
    %get3A_30 = arith.constant 0 : index
    %get3A_31 = vector.load %arg2[%get3A_27, %get3A_28, %get3A_29, %get3A_30] : memref<4x1x2500x64xf32, #tpu.memory_space<vmem>>, vector<1x1x2500x64xf32>
    %get3A_32 = vector.shape_cast %get3A_31 : vector<1x1x2500x64xf32> to vector<2500x64xf32>
    %dot_general3A_33 = arith.constant dense<0.000000e+00> : vector<64x64xf32>
    %dot_general3A_34 = tpu.matmul %get3A_3, %get3A_32, %dot_general3A_33 {dimension_numbers = #tpu.dot_dimension_numbers<[0], [0], [1], [1], [0, 1, 1, 1], [], []>, transpose_lhs_hint = false} : vector<2500x64xf32>, vector<2500x64xf32>, vector<64x64xf32> -> vector<64x64xf32>
    %concatenate3A = tpu.concatenate %dot_general3A_10, %dot_general3A_18, %dot_general3A_26, %dot_general3A_34 in 1 : vector<64x64xf32>, vector<64x64xf32>, vector<64x64xf32>, vector<64x64xf32> -> vector<64x256xf32>
    %swap3A = arith.constant 0 : index
    %swap3A_35 = arith.constant 0 : index
    %swap3A_36 = vector.load %arg3[%swap3A, %swap3A_35] : memref<64x256xf32, #tpu.memory_space<vmem>>, vector<64x256xf32>
    tpu.vector_store %arg3[%swap3A, %swap3A_35], %concatenate3A {strides = array<i32>} : memref<64x256xf32, #tpu.memory_space<vmem>>, vector<64x256xf32>,
    return
  }
  func.func @transform_0(%arg0: i32) -> (i32, i32, i32) {
    %c0_i32 = arith.constant 0 : i32
    %c0_i32_0 = arith.constant 0 : i32
    %c0_i32_1 = arith.constant 0 : i32
    return %arg0, %c0_i32, %c0_i32_0 : i32, i32, i32
  }
  func.func @transform_1(%arg0: i32) -> (i32, i32, i32, i32) {
    %c0_i32 = arith.constant 0 : i32
    %c0_i32_0 = arith.constant 0 : i32
    %c0_i32_1 = arith.constant 0 : i32
    %c0_i32_2 = arith.constant 0 : i32
    return %c0_i32, %arg0, %c0_i32_0, %c0_i32_1 : i32, i32, i32, i32
  }
  func.func @transform_2(%arg0: i32) -> (i32, i32) {
    %c0_i32 = arith.constant 0 : i32
    %c0_i32_0 = arith.constant 0 : i32
    return %arg0, %c0_i32 : i32, i32
  }
}

</mosaic_0001>

<sc_bundles>
// kernel: kernel.11.cloned.1.call-start
scs
__scs_entry_jumppad:
0x0: {  	(pc) =	sbr.rel $0x88, $3  }
0x1: {  	(tag) =	ssettag $0x0;
	lr =	simm.s32 $0x1  }
0x2: {  	[smem:$0x3F9D] =	sst lr;
	_ =	strace $0xD0000000  }
0x3: {  	_ = 	snop  }
0x4: {  	_ = 	snop  }
0x5: {  	_ = 	snop  }
0x6: {  	_ = 	snop  }
0x7: {  	_ = 	snop  }
__scs_overlays_trampoline_lowered:
0x8: {  	[smem:$0x3FAC] =	sst s0  }
0x9: {  	[smem:$0x3FAD] =	sst s1  }
0xa: {  	[smem:$0x3FAE] =	sst s2  }
0xb: {  	[smem:$0x3FAF] =	sst s3  }
0xc: {  	[smem:$0x3FB0] =	sst s4  }
0xd: {  	[smem:$0x3FB1] =	sst s5  }
0xe: {  	[smem:$0x3FB2] =	sst s6  }
0xf: {  	[smem:$0x3FB3] =	sst s7  }
0x10: {  	[smem:$0x3FB4] =	sst s8  }
0x11: {  	[smem:$0x3FB5] =	sst s9;
	s0 =	simm.s32 @!p0 $0x0  }
0x12: {  	s1 =	sld [smem:$0x3F9B];
	s0 =	simm.s32 @p0 $0x1  }
0x13: {  	[smem:$0x3FB6] =	sst s0;
	s0 =	simm.s32 @!p1 $0x0  }
0x14: {  	s2 =	sld [smem:$0x3F9A];
	s0 =	simm.s32 @p1 $0x1  }
0x15: {  	[smem:$0x3FB7] =	sst s0;
	s0 =	simm.s32 @!p2 $0x0  }
0x16: {  	s3 =	sld [smem:$0x3FDB];
	s0 =	simm.s32 @p2 $0x1  }
0x17: {  	s4 =	simm.s32 $0x1BF5;
	[smem:$0x3FB9] =	sst s0  }
0x18: {  	s0 =	sld [smem:$0x3F9C];
	_ =	swait.ge [sflag:s4], $0x0  }
0x19: {  	s7 =	sld [smem:$0x3F9D]  }
0x1a: {  	s8 =	sadd.s32 $0xFFFFE003, lr  }
0x1b: {  	s9 =	sadd.s32 $0xFFFFFEF7, lr;
	s5 =	simm.s32 $0xFFFFFFFF;
	p2 =	slt.u32 s8, $0xFFFFF086  }
0x1c: {  	p1 =	slt.u32 s9, $0xF7A;
	s5 =	simm.s32 @!p2 $0x0  }
0x1d: {  	s5 =	simm.s32 @p1 $0x1;
	p0 =	seq.s32 s7, s2  }
0x1e: {  	s7 =	smul.u32 @!p0 $0xF7A, s2;
	p2 =	seq.s32 @!p0 s5, $0x0  }
0x1f: {  	s9 =	smul.u32 $0xF7A, s1;
	s8 =	simm.s32 @!p0 $0x1BF5;
	p2 =	por !p2, p0  }
0x20: {  	[sflag:s8] =	ssyncset.s32 @!p0 $0xFFFFF086;
	s6 =	sadd.s32 @!p0 s3, s7;
	s7 =	simm.s32 @!p0 $0x108  }
0x21: {  	s3 =	sadd.s32 s3, s9;
	s6 =	sadd.s32 @!p0 $0x88, s6;
	s7 =	simm.s32 @p2 $0x1082  }
0x22: {  	[simem:s7], [sflag:s8] =	dma.local @!p0 [hbm:s6], $0xF7A  }
0x23: {  	s9 =	sor.u32 $0xD0000000, s2;
	s6 =	simm.s32 $0x108;
	_ =	swait.ge @!p0 [sflag:s8], $0x0  }
0x24: {  	s3 =	sadd.s32 $0x88, s3;
	s6 =	simm.s32 @!p1 $0x1082;
	[sflag:s4] =	ssyncset.s32 $0xFFFFF086  }
0x25: {  	[simem:s6], [sflag:s4] =	dma.local [hbm:s3], $0xF7A  }
0x26: {  	[smem:$0x3F9D] =	sst s1;
	(tag) =	ssettag s2;
	_ =	strace s9  }
0x27: {  	s1 =	sld [smem:$0x3FAD]  }
0x28: {  	s2 =	sld [smem:$0x3FAE]  }
0x29: {  	s4 =	sld [smem:$0x3FB0]  }
0x2a: {  	p0 =	seq.s32 s5, $0x0;
	s5 =	sld [smem:$0x3FB1]  }
0x2b: {  	s6 =	sld [smem:$0x3FB2]  }
0x2c: {  	s7 =	sld [smem:$0x3FB3]  }
0x2d: {  	s3 =	simm.s32 $0x108;
	s8 =	sld [smem:$0x3FB4]  }
0x2e: {  	s3 =	simm.s32 @!p0 $0x1082;
	s9 =	sld [smem:$0x3FB5]  }
0x2f: {  	lr =	sadd.s32 s0, s3;
	s0 =	sld [smem:$0x3FAC]  }
0x30: {  	s3 =	sld [smem:$0x3FAF]  }
0x31: {  	[smem:$0x3FB8] =	sst s10  }
0x32: {  	s10 =	sld [smem:$0x3FB6];
	_ =	sdelay $0x3  }
0x33: {  	p0 =	seq.s32 s10, $0x1;
	s10 =	sld [smem:$0x3FB8];
	_ =	sdelay $0x3  }
0x34: {  	[smem:$0x3FB8] =	sst s10  }
0x35: {  	s10 =	sld [smem:$0x3FB7];
	_ =	sdelay $0x3  }
0x36: {  	p1 =	seq.s32 s10, $0x1;
	s10 =	sld [smem:$0x3FB8];
	_ =	sdelay $0x3  }
0x37: {  	[smem:$0x3FB8] =	sst s10  }
0x38: {  	s10 =	sld [smem:$0x3FB9]  }
0x39: {  	_ = 	snop;
	(pc) =	sbr.ind lr, $3  }
0x3a: {  	_ = 	snop  }
0x3b: {  	_ = 	snop  }
0x3c: {  	p2 =	seq.s32 s10, $0x1;
	s10 =	sld [smem:$0x3FB8]  }
0x3d: {  	_ =	shalt  }
0x3e: {  	_ =	shalt  }
0x3f: {  	_ =	shalt  }
0x40: {  	_ =	shalt  }
0x41: {  	_ =	shalt  }
0x42: {  	_ =	shalt  }
0x43: {  	_ =	shalt  }
0x44: {  	_ =	shalt  }
0x45: {  	_ =	shalt  }
0x46: {  	_ =	shalt  }
0x47: {  	_ =	shalt  }
0x48: {  	_ =	shalt  }
0x49: {  	_ =	shalt  }
0x4a: {  	_ =	shalt  }
0x4b: {  	_ =	shalt  }
0x4c: {  	_ =	shalt  }
0x4d: {  	_ =	shalt  }
0x4e: {  	_ =	shalt  }
0x4f: {  	_ =	shalt  }
0x50: {  	_ =	shalt  }
0x51: {  	_ =	shalt  }
0x52: {  	_ =	shalt  }
0x53: {  	_ =	shalt  }
0x54: {  	_ =	shalt  }
0x55: {  	_ =	shalt  }
0x56: {  	_ =	shalt  }
0x57: {  	_ =	shalt  }
0x58: {  	_ =	shalt  }
0x59: {  	_ =	shalt  }
0x5a: {  	_ =	shalt  }
0x5b: {  	_ =	shalt  }
0x5c: {  	_ =	shalt  }
0x5d: {  	_ =	shalt  }
0x5e: {  	_ =	shalt  }
0x5f: {  	_ =	shalt  }
0x60: {  	_ =	shalt  }
0x61: {  	_ =	shalt  }
0x62: {  	_ =	shalt  }
0x63: {  	_ =	shalt  }
0x64: {  	_ =	shalt  }
0x65: {  	_ =	shalt  }
0x66: {  	_ =	shalt  }
0x67: {  	_ =	shalt  }
0x68: {  	_ =	shalt  }
0x69: {  	_ =	shalt  }
0x6a: {  	_ =	shalt  }
0x6b: {  	_ =	shalt  }
0x6c: {  	_ =	shalt  }
0x6d: {  	_ =	shalt  }
0x6e: {  	_ =	shalt  }
0x6f: {  	_ =	shalt  }
0x70: {  	_ =	shalt  }
0x71: {  	_ =	shalt  }
0x72: {  	_ =	shalt  }
0x73: {  	_ =	shalt  }
0x74: {  	_ =	shalt  }
0x75: {  	_ =	shalt  }
0x76: {  	_ =	shalt  }
0x77: {  	_ =	shalt  }
0x78: {  	_ =	shalt  }
0x79: {  	_ =	shalt  }
0x7a: {  	_ =	shalt  }
0x7b: {  	_ =	shalt  }
0x7c: {  	_ =	shalt  }
0x7d: {  	_ =	shalt  }
0x7e: {  	_ =	shalt  }
0x7f: {  	_ =	shalt  }
0x80: {  	_ =	shalt  }
0x81: {  	_ =	shalt  }
0x82: {  	_ =	shalt  }
0x83: {  	_ =	shalt  }
0x84: {  	_ =	shalt  }
0x85: {  	_ =	shalt  }
0x86: {  	_ =	shalt  }
0x87: {  	_ =	shalt  }
.Lfunc_end0:
.L_simem_size_0:
called_computation.1_lowered:
.L_overlay_start_0:
0x88: {  	s2 =	sld [smem:$0x3FD9]  }
0x89: {  	s3 =	sld [smem:$0x3FFE];
	_ =	sdelay $0x1  }
0x8a: {  	s1 =	srdreg.scid  }
0x8b: {  	s0 =	sand.u32 $0x1, s1  }
0x8c: {  	s15 =	sshll.u32 s0, $0xA;
	s2 =	sadd.s32 s3, s2  }
0x8d: {  	s2 =	sadd.s32 s2, s15  }
0x8e: {  	[smem:$0x3FC4] =	sst s2  }
0x8f: {  	_ = 	snop  }
0x90: {  	s2 =	sld [smem:$0x3FD0];
	_ =	sdelay $0x2  }
0x91: {  	s16 =	simm.s32 $0xB;
	s4 =	simm.s32 $0x10  }
0x92: {  	[smem:s4], [sflag:s16] =	dma.local [hbm:s2], $0x1  }
0x93: {  	_ =	swait.eq [sflag:s16], $0x1  }
0x94: {  	[sflag:s16] =	ssyncset.done $0x0  }
0x95: {  	[sflag:s16] =	ssyncadd.s32 $0xFFFFFFFF  }
0x96: {  	s17 =	sld [smem:$0x10];
	(tm) =	ssettm $0x1  }
0x97: {  	s18 =	sld [smem:$0x3FFB];
	_ =	sdelay $0x3  }
0x98: {  	_ =	strace s18  }
0x99: {  	s2 =	sld [smem:$0x3FFC];
	_ =	sdelay $0x3  }
0x9a: {  	_ =	strace s2  }
0x9b: {  	s2 =	sld [smem:$0x3FFD];
	_ =	sdelay $0x3  }
0x9c: {  	_ =	strace s2  }
0x9d: {  	_ =	strace $0x8FFFFFFF  }
0x9e: {  	s19 =	sld [smem:$0x3FDB];
	_ =	sdelay $0x1  }
0x9f: {  	s20 =	simm.s32 $_scs_section_size  }
0xa0: {  	s5 =	simm.s32 $_size__tile_overlayer_lowered;
	s6 =	simm.s32 $_tile_overlayer_lowered  }
0xa1: {  	s7 =	simm.s32 $0x1BFF;
	s21 =	sshll.u32 s6, $0x1;
	s4 =	sadd.s32 s20, s19  }
0xa2: {  	s22 =	simm.s32 $0x0;
	s5 =	sshll.u32 s5, $0x1;
	s6 =	sadd.s32 s21, s4  }
0xa3: {  	[timem:s22], [sflag:s7] =	dma.local [hbm:s6], s5  }
0xa4: {  	_ =	swait.ge [sflag:s7], s5  }
0xa5: {  	s5 =	ssub.s32 $0x0, s5;
	[sflag:s7] =	ssyncset.done $0x0  }
0xa6: {  	[sflag:s7] =	ssyncadd.s32 s5;
	_ =	sdelay $0x1  }
0xa7: {  	s23 =	simm.s32 $0x1B8B  }
0xa8: {  	_ =	swait.ge [sflag:s23], $0x1  }
0xa9: {  	[sflag:s23] =	ssyncset.done $0x0  }
0xaa: {  	[sflag:s23] =	ssyncadd.s32 $0xFFFFFFFF  }
0xab: {  	s5 =	sld [smem:$0x0]  }
0xac: {  	s6 =	sand.u32 $0xFFFFFFFE, s1  }
0xad: {  	p0 =	sne.s32 s1, s6  }
0xae: {  	s6 =	sshll.u32 @p0 s6, $0xE  }
0xaf: {  	s6 =	sadd.s32 @p0 $0x11B8D, s6;
	s7 =	sshll.u32 @p0 s5, $0x11  }
0xb0: {  	s6 =	sor.u32 @p0 s7, s6  }
0xb1: {  	[sflag:s6] =	ssyncadd.remote.s32 @p0 $0x1;
	_ =	sdelay $0x1  }
0xb2: {  	s6 =	simm.s32 @p0 $0x1B8D  }
0xb3: {  	_ =	swait.eq @p0 [sflag:s6], $0x1  }
0xb4: {  	[sflag:s6] =	ssyncadd.s32 @p0 $0xFFFFFFFF  }
0xb5: {  	s7 =	sshll.u32 @!p0 s1, $0xE  }
0xb6: {  	s7 =	sor.u32 @!p0 $0x4000, s7;
	s6 =	simm.s32 @!p0 $0x1B8D  }
0xb7: {  	s5 =	sshll.u32 @!p0 s5, $0x11;
	s7 =	sadd.s32 @!p0 $0x11B8D, s7;
	_ =	swait.eq @!p0 [sflag:s6], $0x1  }
0xb8: {  	s5 =	sor.u32 @!p0 s5, s7;
	[sflag:s6] =	ssyncadd.s32 @!p0 $0xFFFFFFFF  }
0xb9: {  	s25 =	simm.s32 $0x1B8E;
	s24 =	sld [smem:$0x3FFE];
	[sflag:s5] =	ssyncadd.remote.s32 @!p0 $0x1  }
0xba: {  	s26 =	simm.s32 $execute0_lowered;
	[smem:$0x3FD2] =	sst s25  }
0xbb: {  	s6 =	sshll.u32 s26, $0x1;
	_ =	strace $0x80000049;
	[dreg:$0x1] =	wrdreg $0xFFFFFFFF  }
0xbc: {  	s28 =	simm.s32 $_size_execute0_lowered;
	s4 =	sadd.s32 s4, s6;
	[dreg:$0x0] =	wrdreg $0x0  }
0xbd: {  	s6 =	sshll.u32 s28, $0x1;
	[dreg:$0x2] =	wrdreg s4  }
0xbe: {  	[dreg:$0x3] =	wrdreg s6  }
0xbf: {  	[dreg:$0x4] =	wrdreg $0xC0  }
0xc0: {  	_ =	task [dreg:s22], $0x5FFFF  }
0xc1: {  	[dreg:$0x1] =	wrdreg $0xFFFFFFFF  }
0xc2: {  	[dreg:$0x0] =	wrdreg $0x60  }
0xc3: {  	[dreg:$0x2] =	wrdreg s24  }
0xc4: {  	[dreg:$0x3] =	wrdreg s17  }
0xc5: {  	[dreg:$0x4] =	wrdreg $0xA  }
0xc6: {  	_ =	task.clear_ibuf [dreg:s22], $0x5FFFF;
	_ =	strace $0x90000049  }
0xc7: {  	s29 =	simm.s32 $0xA;
	_ =	strace $0x8000004B  }
0xc8: {  	_ =	swait.ge [sflag:s29], $0x1  }
0xc9: {  	[sflag:s29] =	ssyncadd.s32 $0xFFFFFFFF  }
0xca: {  	_ =	strace $0x9000004B  }
0xcb: {  	_ =	sfence  }
0xcc: {  	s30 =	sld [smem:$0x0];
	_ =	sdelay $0x2  }
0xcd: {  	s31 =	sshll.u32 s1, $0xD;
	s1 =	sshrl.u32 s1, $0x2  }
0xce: {  	s4 =	sand.u32 $0x4000, s31;
	s1 =	sadd.s32 s1, s30  }
0xcf: {  	s0 =	sor.u32 s4, s0;
	s1 =	sshll.u32 s1, $0x11  }
0xd0: {  	s0 =	sor.u32 s1, s0  }
0xd1: {  	s0 =	sadd.s32 $0x8F2B, s0  }
0xd2: {  	[sflag:s0] =	ssyncadd.remote.s32 $0x1  }
0xd3: {  	_ =	sfence.sel $0xFFFF  }
0xd4: {  	[dreg:$0x0] =	wrdreg $0xFFFFFFFF;
	(pc) =	sbr.abs _section_cstart, $3  }
0xd5: {  	[dreg:$0x1] =	wrdreg $0xFFFFFFFF  }
0xd6: {  	_ =	task.clear_ibuf [dreg:s22], $0x2FFFF;
	_ =	strace $0x9FFFFFFF  }
0xd7: {  	(tm) =	ssettm $0x7FFFFFFF  }
tec
execute0_lowered:
.L_overlay_start_1:
0x0: {  	(tag) =	ssettag $0x1  }
0x1: {  	s3 =	rddreg [dreg:$0x0];
	s0 =	srdreg.scid  }
0x2: {  	s5 =	rddreg [dreg:$0x1];
	s1 =	stileid.u32  }
0x3: {  	s2 =	simm.s32 $0x0;
	s4 =	sand.u32 $0x1, s0;
	s0 =	rddreg [dreg:$0x2]  }
0x4: {  	s11 =	simm.s32 $0x5100;
	s12 =	simm.s32 $0x0;
	[smem:$0x7FF] =	sst s2  }
0x5: {  	s10 =	smul.u32 $0xA00, s1;
	s31 =	sshll.u32 s1, $0x4;
	s6 =	sshll.u32 s4, $0x4  }
0x6: {  	s7 =	smul.u32 $0xA000, s4;
	s4 =	ssub.s32 $0x2, s4;
	s6 =	sor.u32 s1, s6  }
0x7: {  	_ =	strace $0x8000004A;
	s9 =	sshrl.u32 s4, $0x1;
	s8 =	smul.u32 $0xA00, s6  }
0x8: {  	s7 =	sadd.s32 s7, s3;
	s9 =	ssub.s32 s4, s9;
	s6 =	sshll.u32 s6, $0x4  }
0x9: {  	s7 =	sadd.s32 s10, s7;
	s6 =	sand.u32 $0x180, s6;
	s8 =	sadd.s32 s8, s3  }
0xa: {  	s10 =	simm.s32 $0x80;
	s7 =	sadd.s32 $0x1800, s7;
	s3 =	sadd.s32 $0xB3200, s8  }
0xb: {  	s4 =	sadd.s32 $0xB3210, s8;
	s8 =	sand.u32 $0x70, s31;
	[dreg:$0x3] =	wrdreg s7  }
0xc: {  	s7 =	simm.s32 $0x1;
	s5 =	sadd.s32 s5, s8;
	s8 =	simm.s32 $0x100  }
0xd: {  	v0 =	vimm.s32 $0x0;
	s5 =	sadd.s32 s6, s5;
	s6 =	smax.u32 s9, $0x1;
	s9 =	simm.s32 $0x2900  }
.LBB2_1:
0xe: {  	s15 =	simm.s32 $0x2800;
	s13 =	simm.s32 $0x0;
	s14 =	simm.s32 $0x0  }
.LBB2_2:
0xf: {  	s16 =	rddreg [dreg:$0x3]  }
0x10: {  	s16 =	sadd.s32 s13, s16  }
0x11: {  	[tilespmem:s2], [sflag:$0x1] =	stream.linear.gather [hbm4b:s16+s2], $0x100, $0x38;
	[tilespmem:$0x5180] =	vst v63  }
0x12: {  	_ =	swait.ge [sflag:s7], $0x100  }
0x13: {  	[sflag:s7] =	ssyncset.done $0x0  }
0x14: {  	[sflag:s7] =	ssyncadd.s32 $0xFFFFFF00  }
0x15: {  	v1 =	vld [tilespmem:$0x0];
	_ =	sdelay $0x4  }
0x16: {  	vm0 =	vlt.s32 v1, $0x1388  }
0x17: {  	vm1 =	vge.s32 v1, $0x1388;
	v2 =	vsel vm0, $0x1, v0  }
0x18: {  	(xrf0) =	vadd.scan.msk.s32 $0xffff, v2;
	v2 =	vsel vm1, $0x1, v0  }
0x19: {  	(xrf0) =	vadd.scan.msk.s32 $0xffff, v2;
	_ =	sdelay $0x2  }
0x1a: {  	v2 =	vmov s14  }
0x1b: {  	v2 =	vadd.s32 $0xFFFFFFFF, v2  }
0x1c: {  	v2 =	vbroadcast v2, $0x0;
	v3, _, _ =	vpop (xrf0)  }
0x1d: {  	v4, _, _ =	vpop (xrf0)  }
0x1e: {  	v2 =	vadd.s32 v3, v2;
	v4 =	vsub.s32 s15, v4  }
0x1f: {  	v2 =	vsel vm0, v2, v4  }
0x20: {  	v50 =	vld [tilespmem:$0x80];
	(v2sf) =	vpush v3, $0xF;
	_ =	sdelay $0x3  }
0x21: {  	[tilespmem:v2+s8+$0x0] =	vst.idx.msk $0xffff, v1  }
0x22: {  	[tilespmem:v2+s9+$0x0] =	vst.idx.msk $0xffff, v50  }
0x23: {  	v1 =	vld [tilespmem:$0x10];
	_ =	sdelay $0x4  }
0x24: {  	vm14 =	vlt.s32 v1, $0x1388  }
0x25: {  	vm15 =	vge.s32 v1, $0x1388;
	v2 =	vsel vm14, $0x1, v0  }
0x26: {  	(xrf0) =	vadd.scan.msk.s32 $0xffff, v2;
	v2 =	vsel vm15, $0x1, v0  }
0x27: {  	(xrf0) =	vadd.scan.msk.s32 $0xffff, v2  }
0x28: {  	s21 =	spop (v2sf)  }
0x29: {  	s22 =	sadd.s32 s14, s21  }
0x2a: {  	v2 =	vmov s22  }
0x2b: {  	v2 =	vadd.s32 $0xFFFFFFFF, v2  }
0x2c: {  	s23 =	sadd.s32 s21, s15;
	v2 =	vbroadcast v2, $0x0;
	v3, _, _ =	vpop (xrf0)  }
0x2d: {  	s15 =	sadd.s32 $0xFFFFFFF0, s23;
	v51, _, _ =	vpop (xrf0)  }
0x2e: {  	v2 =	vadd.s32 v3, v2;
	v4 =	vsub.s32 s15, v51  }
0x2f: {  	v2 =	vsel vm14, v2, v4  }
0x30: {  	v52 =	vld [tilespmem:$0x90];
	(v2sf) =	vpush v3, $0xF;
	_ =	sdelay $0x3  }
0x31: {  	[tilespmem:v2+s8+$0x0] =	vst.idx.msk $0xffff, v1  }
0x32: {  	[tilespmem:v2+s9+$0x0] =	vst.idx.msk $0xffff, v52  }
0x33: {  	v1 =	vld [tilespmem:$0x20];
	_ =	sdelay $0x4  }
0x34: {  	vm4 =	vlt.s32 v1, $0x1388  }
0x35: {  	vm5 =	vge.s32 v1, $0x1388;
	v2 =	vsel vm4, $0x1, v0  }
0x36: {  	(xrf0) =	vadd.scan.msk.s32 $0xffff, v2;
	v2 =	vsel vm5, $0x1, v0  }
0x37: {  	(xrf0) =	vadd.scan.msk.s32 $0xffff, v2  }
0x38: {  	s24 =	spop (v2sf)  }
0x39: {  	s14 =	sadd.s32 s22, s24  }
0x3a: {  	v2 =	vmov s14  }
0x3b: {  	v2 =	vadd.s32 $0xFFFFFFFF, v2  }
0x3c: {  	s15 =	sadd.s32 s24, s15;
	v2 =	vbroadcast v2, $0x0;
	v3, _, _ =	vpop (xrf0)  }
0x3d: {  	s15 =	sadd.s32 $0xFFFFFFF0, s15;
	v53, _, _ =	vpop (xrf0)  }
0x3e: {  	v2 =	vadd.s32 v3, v2;
	v4 =	vsub.s32 s15, v53  }
0x3f: {  	v2 =	vsel vm4, v2, v4  }
0x40: {  	v54 =	vld [tilespmem:$0xA0];
	(v2sf) =	vpush v3, $0xF;
	_ =	sdelay $0x3  }
0x41: {  	[tilespmem:v2+s8+$0x0] =	vst.idx.msk $0xffff, v1  }
0x42: {  	[tilespmem:v2+s9+$0x0] =	vst.idx.msk $0xffff, v54  }
0x43: {  	v1 =	vld [tilespmem:$0x30];
	_ =	sdelay $0x4  }
0x44: {  	vm6 =	vlt.s32 v1, $0x1388  }
0x45: {  	vm7 =	vge.s32 v1, $0x1388;
	v2 =	vsel vm6, $0x1, v0  }
0x46: {  	(xrf0) =	vadd.scan.msk.s32 $0xffff, v2;
	v2 =	vsel vm7, $0x1, v0  }
0x47: {  	(xrf0) =	vadd.scan.msk.s32 $0xffff, v2  }
0x48: {  	s25 =	spop (v2sf)  }
0x49: {  	s14 =	sadd.s32 s14, s25  }
0x4a: {  	v2 =	vmov s14  }
0x4b: {  	v2 =	vadd.s32 $0xFFFFFFFF, v2  }
0x4c: {  	s15 =	sadd.s32 s25, s15;
	v2 =	vbroadcast v2, $0x0;
	v3, _, _ =	vpop (xrf0)  }
0x4d: {  	s15 =	sadd.s32 $0xFFFFFFF0, s15;
	v55, _, _ =	vpop (xrf0)  }
0x4e: {  	v2 =	vadd.s32 v3, v2;
	v4 =	vsub.s32 s15, v55  }
0x4f: {  	v2 =	vsel vm6, v2, v4  }
0x50: {  	v56 =	vld [tilespmem:$0xB0];
	(v2sf) =	vpush v3, $0xF;
	_ =	sdelay $0x3  }
0x51: {  	[tilespmem:v2+s8+$0x0] =	vst.idx.msk $0xffff, v1  }
0x52: {  	[tilespmem:v2+s9+$0x0] =	vst.idx.msk $0xffff, v56  }
0x53: {  	v1 =	vld [tilespmem:$0x40];
	_ =	sdelay $0x4  }
0x54: {  	vm8 =	vlt.s32 v1, $0x1388  }
0x55: {  	vm9 =	vge.s32 v1, $0x1388;
	v2 =	vsel vm8, $0x1, v0  }
0x56: {  	(xrf0) =	vadd.scan.msk.s32 $0xffff, v2;
	v2 =	vsel vm9, $0x1, v0  }
0x57: {  	(xrf0) =	vadd.scan.msk.s32 $0xffff, v2  }
0x58: {  	s26 =	spop (v2sf)  }
0x59: {  	s14 =	sadd.s32 s14, s26  }
0x5a: {  	v2 =	vmov s14  }
0x5b: {  	v2 =	vadd.s32 $0xFFFFFFFF, v2  }
0x5c: {  	s15 =	sadd.s32 s26, s15;
	v2 =	vbroadcast v2, $0x0;
	v3, _, _ =	vpop (xrf0)  }
0x5d: {  	s15 =	sadd.s32 $0xFFFFFFF0, s15;
	v57, _, _ =	vpop (xrf0)  }
0x5e: {  	v2 =	vadd.s32 v3, v2;
	v4 =	vsub.s32 s15, v57  }
0x5f: {  	v2 =	vsel vm8, v2, v4  }
0x60: {  	v58 =	vld [tilespmem:$0xC0];
	(v2sf) =	vpush v3, $0xF;
	_ =	sdelay $0x3  }
0x61: {  	[tilespmem:v2+s8+$0x0] =	vst.idx.msk $0xffff, v1  }
0x62: {  	[tilespmem:v2+s9+$0x0] =	vst.idx.msk $0xffff, v58  }
0x63: {  	v1 =	vld [tilespmem:$0x50];
	_ =	sdelay $0x4  }
0x64: {  	vm10 =	vlt.s32 v1, $0x1388  }
0x65: {  	vm11 =	vge.s32 v1, $0x1388;
	v2 =	vsel vm10, $0x1, v0  }
0x66: {  	(xrf0) =	vadd.scan.msk.s32 $0xffff, v2;
	v2 =	vsel vm11, $0x1, v0  }
0x67: {  	(xrf0) =	vadd.scan.msk.s32 $0xffff, v2  }
0x68: {  	s28 =	spop (v2sf)  }
0x69: {  	s14 =	sadd.s32 s14, s28  }
0x6a: {  	v2 =	vmov s14  }
0x6b: {  	v2 =	vadd.s32 $0xFFFFFFFF, v2  }
0x6c: {  	s15 =	sadd.s32 s28, s15;
	v2 =	vbroadcast v2, $0x0;
	v3, _, _ =	vpop (xrf0)  }
0x6d: {  	s15 =	sadd.s32 $0xFFFFFFF0, s15;
	v59, _, _ =	vpop (xrf0)  }
0x6e: {  	v2 =	vadd.s32 v3, v2;
	v4 =	vsub.s32 s15, v59  }
0x6f: {  	v2 =	vsel vm10, v2, v4  }
0x70: {  	v60 =	vld [tilespmem:$0xD0];
	(v2sf) =	vpush v3, $0xF;
	_ =	sdelay $0x3  }
0x71: {  	[tilespmem:v2+s8+$0x0] =	vst.idx.msk $0xffff, v1  }
0x72: {  	[tilespmem:v2+s9+$0x0] =	vst.idx.msk $0xffff, v60  }
0x73: {  	v1 =	vld [tilespmem:$0x60];
	_ =	sdelay $0x4  }
0x74: {  	vm12 =	vlt.s32 v1, $0x1388  }
0x75: {  	vm13 =	vge.s32 v1, $0x1388;
	v2 =	vsel vm12, $0x1, v0  }
0x76: {  	(xrf0) =	vadd.scan.msk.s32 $0xffff, v2;
	v2 =	vsel vm13, $0x1, v0  }
0x77: {  	(xrf0) =	vadd.scan.msk.s32 $0xffff, v2  }
0x78: {  	s29 =	spop (v2sf)  }
0x79: {  	s14 =	sadd.s32 s14, s29  }
0x7a: {  	v2 =	vmov s14  }
0x7b: {  	v2 =	vadd.s32 $0xFFFFFFFF, v2  }
0x7c: {  	s15 =	sadd.s32 s29, s15;
	v2 =	vbroadcast v2, $0x0;
	v3, _, _ =	vpop (xrf0)  }
0x7d: {  	s15 =	sadd.s32 $0xFFFFFFF0, s15;
	v61, _, _ =	vpop (xrf0)  }
0x7e: {  	v2 =	vadd.s32 v3, v2;
	v4 =	vsub.s32 s15, v61  }
0x7f: {  	v2 =	vsel vm12, v2, v4  }
0x80: {  	v62 =	vld [tilespmem:$0xE0];
	_ =	sdelay $0x3  }
0x81: {  	[tilespmem:v2+s8+$0x0] =	vst.idx.msk $0xffff, v1  }
0x82: {  	[tilespmem:v2+s9+$0x0] =	vst.idx.msk $0xffff, v62  }
0x83: {  	v1 =	vld [tilespmem:$0x70];
	_ =	sdelay $0x3  }
0x84: {  	(v2sf) =	vpush v3, $0xF  }
0x85: {  	vm14 =	vlt.s32 v1, $0x1388  }
0x86: {  	v2 =	vsel vm14, $0x1, v0  }
0x87: {  	(xrf0) =	vadd.scan.msk.s32 $0xffff, v2;
	_ =	sdelay $0x5  }
0x88: {  	v2, _, _ =	vpop (xrf0)  }
0x89: {  	(v2sf) =	vpush v2, $0xF;
	_ =	sdelay $0x1  }
0x8a: {  	vm15 =	vge.s32 v1, $0x1388  }
0x8b: {  	v3 =	vsel vm15, $0x1, v0  }
0x8c: {  	(xrf0) =	vadd.scan.msk.s32 $0xffff, v3  }
0x8d: {  	s30 =	spop (v2sf)  }
0x8e: {  	s14 =	sadd.s32 s14, s30  }
0x8f: {  	v3 =	vmov s14  }
0x90: {  	v3 =	vadd.s32 $0xFFFFFFFF, v3  }
0x91: {  	s15 =	sadd.s32 s30, s15;
	v3 =	vbroadcast v3, $0x0  }
0x92: {  	s15 =	sadd.s32 $0xFFFFFFF0, s15;
	v63, _, _ =	vpop (xrf0)  }
0x93: {  	v2 =	vadd.s32 v2, v3;
	v3 =	vsub.s32 s15, v63  }
0x94: {  	v2 =	vsel vm14, v2, v3  }
0x95: {  	p0 =	sne.s32 s13, $0x9E0;
	v3 =	vld [tilespmem:$0xF0]  }
.Ltmp0:
0x96: {  	_ = 	snop;
	(pc) =	sbr.rel @p0 .LBB2_2-.Ltmp0, $4  }
0x97: {  	s31 =	spop (v2sf)  }
0x98: {  	s14 =	sadd.s32 s14, s31;
	s15 =	sadd.s32 s31, s15  }
0x99: {  	[tilespmem:v2+s8+$0x0] =	vst.idx.msk $0xffff, v1;
	[smem:$0x0] =	sst s14;
	s15 =	sadd.s32 $0xFFFFFFF0, s15  }
0x9a: {  	s13 =	sadd.s32 $0x20, s13;
	[tilespmem:v2+s9+$0x0] =	vst.idx.msk $0xffff, v3;
	[smem:$0x1] =	sst s15  }
0x9b: {  	[hbm4b:s3+s10] =	stream.strided.scatter [tilespmem:s8], [sflag:$0x1], $0x2800, s8, s10, $0x38;
	[tilespmem:$0x5180] =	vst v63  }
0x9c: {  	_ =	swait.ge [sflag:s7], $0x2800  }
0x9d: {  	[sflag:s7] =	ssyncset.done $0x0  }
0x9e: {  	[sflag:s7] =	ssyncadd.s32 $0xFFFFD800  }
0x9f: {  	[hbm4b:s4+s10] =	stream.strided.scatter [tilespmem:s9], [sflag:$0x1], $0x2800, s8, s10, $0x38;
	[tilespmem:$0x5180] =	vst v63  }
0xa0: {  	_ =	swait.ge [sflag:s7], $0x2800  }
0xa1: {  	s12 =	sadd.s32 $0x1, s12;
	[sflag:s7] =	ssyncset.done $0x0  }
0xa2: {  	v1 =	vmov s14;
	p0 =	sne.s32 s12, s6;
	[sflag:s7] =	ssyncadd.s32 $0xFFFFD800  }
.Ltmp1:
0xa3: {  	[tilespmem:$0x5100] =	vst v1;
	(pc) =	sbr.rel @p0 .LBB2_1-.Ltmp1, $4  }
0xa4: {  	[hbm4b:s5+s2] =	stream.linear.scatter [tilespmem:s11], [sflag:$0x1], $0x80, $0x38;
	[tilespmem:$0x5180] =	vst v63  }
0xa5: {  	_ =	swait.ge [sflag:s7], $0x80  }
0xa6: {  	[sflag:s7] =	ssyncset.done $0x0  }
0xa7: {  	[sflag:s7] =	ssyncadd.s32 $0xFFFFFF80  }
0xa8: {  	_ =	sfence.sel $0x180000  }
0xa9: {  	[bflag:$0x0] =	sbarrier.arrive $0xFFFF  }
0xaa: {  	p0 =	sne.s32 s1, $0x0;
	_ =	strace $0x9000004A  }
0xab: {  	s0 =	sadd.s32 @!p0 $0x100000, s0;
	[bflag:$0x2] =	sbarrier.arrive $0xFFFF  }
0xac: {  	[sflag:s0] =	ssyncadd.tile.s32 @!p0 $0x1;
	_ =	shalt  }
.Lfunc_end2:
_tile_overlayer_lowered:
.L_overlay_start_2:
0xad: {  	(tag) =	ssettag $0x2  }
0xae: {  	s0 =	rddreg [dreg:$0x0];
	s2 =	stileid.u32  }
0xaf: {  	s1 =	rddreg [dreg:$0x1];
	p0 =	sne.s32 s2, $0x0  }
0xb0: {  	s3 =	rddreg [dreg:$0x2];
	[bflag:$0x3] =	sbarrier.arrive $0xFFFF;
	s2 =	simm.s32 @!p0 $0x1C01  }
0xb1: {  	[timem:s3], [sflag:s2] =	dma.local @!p0 [hbm:s0], s1  }
0xb2: {  	s0 =	simm.s32 @!p0 $0x1  }
0xb3: {  	_ =	swait.ge @!p0 [sflag:s0], s1  }
0xb4: {  	s1 =	ssub.s32 @!p0 $0x0, s1;
	[sflag:s0] =	ssyncset.done @!p0 $0x0  }
0xb5: {  	[sflag:s0] =	ssyncadd.s32 @!p0 s1  }
0xb6: {  	[bflag:$0x3] =	sbarrier.arrive $0xFFFF  }
0xb7: {  	_ =	shalt  }

// kernel: kernel.14.cloned.1.call-start
scs
__scs_entry_jumppad:
0x0: {  	(pc) =	sbr.rel $0x88, $3  }
0x1: {  	(tag) =	ssettag $0x0;
	lr =	simm.s32 $0x1  }
0x2: {  	[smem:$0x3F9D] =	sst lr;
	_ =	strace $0xD0000000  }
0x3: {  	_ = 	snop  }
0x4: {  	_ = 	snop  }
0x5: {  	_ = 	snop  }
0x6: {  	_ = 	snop  }
0x7: {  	_ = 	snop  }
__scs_overlays_trampoline_lowered:
0x8: {  	[smem:$0x3FAC] =	sst s0  }
0x9: {  	[smem:$0x3FAD] =	sst s1  }
0xa: {  	[smem:$0x3FAE] =	sst s2  }
0xb: {  	[smem:$0x3FAF] =	sst s3  }
0xc: {  	[smem:$0x3FB0] =	sst s4  }
0xd: {  	[smem:$0x3FB1] =	sst s5  }
0xe: {  	[smem:$0x3FB2] =	sst s6  }
0xf: {  	[smem:$0x3FB3] =	sst s7  }
0x10: {  	[smem:$0x3FB4] =	sst s8  }
0x11: {  	[smem:$0x3FB5] =	sst s9;
	s0 =	simm.s32 @!p0 $0x0  }
0x12: {  	s1 =	sld [smem:$0x3F9B];
	s0 =	simm.s32 @p0 $0x1  }
0x13: {  	[smem:$0x3FB6] =	sst s0;
	s0 =	simm.s32 @!p1 $0x0  }
0x14: {  	s2 =	sld [smem:$0x3F9A];
	s0 =	simm.s32 @p1 $0x1  }
0x15: {  	[smem:$0x3FB7] =	sst s0;
	s0 =	simm.s32 @!p2 $0x0  }
0x16: {  	s3 =	sld [smem:$0x3FDB];
	s0 =	simm.s32 @p2 $0x1  }
0x17: {  	s4 =	simm.s32 $0x1BF5;
	[smem:$0x3FB9] =	sst s0  }
0x18: {  	s0 =	sld [smem:$0x3F9C];
	_ =	swait.ge [sflag:s4], $0x0  }
0x19: {  	s7 =	sld [smem:$0x3F9D]  }
0x1a: {  	s8 =	sadd.s32 $0xFFFFE003, lr  }
0x1b: {  	s9 =	sadd.s32 $0xFFFFFEF7, lr;
	s5 =	simm.s32 $0xFFFFFFFF;
	p2 =	slt.u32 s8, $0xFFFFF086  }
0x1c: {  	p1 =	slt.u32 s9, $0xF7A;
	s5 =	simm.s32 @!p2 $0x0  }
0x1d: {  	s5 =	simm.s32 @p1 $0x1;
	p0 =	seq.s32 s7, s2  }
0x1e: {  	s7 =	smul.u32 @!p0 $0xF7A, s2;
	p2 =	seq.s32 @!p0 s5, $0x0  }
0x1f: {  	s9 =	smul.u32 $0xF7A, s1;
	s8 =	simm.s32 @!p0 $0x1BF5;
	p2 =	por !p2, p0  }
0x20: {  	[sflag:s8] =	ssyncset.s32 @!p0 $0xFFFFF086;
	s6 =	sadd.s32 @!p0 s3, s7;
	s7 =	simm.s32 @!p0 $0x108  }
0x21: {  	s3 =	sadd.s32 s3, s9;
	s6 =	sadd.s32 @!p0 $0x88, s6;
	s7 =	simm.s32 @p2 $0x1082  }
0x22: {  	[simem:s7], [sflag:s8] =	dma.local @!p0 [hbm:s6], $0xF7A  }
0x23: {  	s9 =	sor.u32 $0xD0000000, s2;
	s6 =	simm.s32 $0x108;
	_ =	swait.ge @!p0 [sflag:s8], $0x0  }
0x24: {  	s3 =	sadd.s32 $0x88, s3;
	s6 =	simm.s32 @!p1 $0x1082;
	[sflag:s4] =	ssyncset.s32 $0xFFFFF086  }
0x25: {  	[simem:s6], [sflag:s4] =	dma.local [hbm:s3], $0xF7A  }
0x26: {  	[smem:$0x3F9D] =	sst s1;
	(tag) =	ssettag s2;
	_ =	strace s9  }
0x27: {  	s1 =	sld [smem:$0x3FAD]  }
0x28: {  	s2 =	sld [smem:$0x3FAE]  }
0x29: {  	s4 =	sld [smem:$0x3FB0]  }
0x2a: {  	p0 =	seq.s32 s5, $0x0;
	s5 =	sld [smem:$0x3FB1]  }
0x2b: {  	s6 =	sld [smem:$0x3FB2]  }
0x2c: {  	s7 =	sld [smem:$0x3FB3]  }
0x2d: {  	s3 =	simm.s32 $0x108;
	s8 =	sld [smem:$0x3FB4]  }
0x2e: {  	s3 =	simm.s32 @!p0 $0x1082;
	s9 =	sld [smem:$0x3FB5]  }
0x2f: {  	lr =	sadd.s32 s0, s3;
	s0 =	sld [smem:$0x3FAC]  }
0x30: {  	s3 =	sld [smem:$0x3FAF]  }
0x31: {  	[smem:$0x3FB8] =	sst s10  }
0x32: {  	s10 =	sld [smem:$0x3FB6];
	_ =	sdelay $0x3  }
0x33: {  	p0 =	seq.s32 s10, $0x1;
	s10 =	sld [smem:$0x3FB8];
	_ =	sdelay $0x3  }
0x34: {  	[smem:$0x3FB8] =	sst s10  }
0x35: {  	s10 =	sld [smem:$0x3FB7];
	_ =	sdelay $0x3  }
0x36: {  	p1 =	seq.s32 s10, $0x1;
	s10 =	sld [smem:$0x3FB8];
	_ =	sdelay $0x3  }
0x37: {  	[smem:$0x3FB8] =	sst s10  }
0x38: {  	s10 =	sld [smem:$0x3FB9]  }
0x39: {  	_ = 	snop;
	(pc) =	sbr.ind lr, $3  }
0x3a: {  	_ = 	snop  }
0x3b: {  	_ = 	snop  }
0x3c: {  	p2 =	seq.s32 s10, $0x1;
	s10 =	sld [smem:$0x3FB8]  }
0x3d: {  	_ =	shalt  }
0x3e: {  	_ =	shalt  }
0x3f: {  	_ =	shalt  }
0x40: {  	_ =	shalt  }
0x41: {  	_ =	shalt  }
0x42: {  	_ =	shalt  }
0x43: {  	_ =	shalt  }
0x44: {  	_ =	shalt  }
0x45: {  	_ =	shalt  }
0x46: {  	_ =	shalt  }
0x47: {  	_ =	shalt  }
0x48: {  	_ =	shalt  }
0x49: {  	_ =	shalt  }
0x4a: {  	_ =	shalt  }
0x4b: {  	_ =	shalt  }
0x4c: {  	_ =	shalt  }
0x4d: {  	_ =	shalt  }
0x4e: {  	_ =	shalt  }
0x4f: {  	_ =	shalt  }
0x50: {  	_ =	shalt  }
0x51: {  	_ =	shalt  }
0x52: {  	_ =	shalt  }
0x53: {  	_ =	shalt  }
0x54: {  	_ =	shalt  }
0x55: {  	_ =	shalt  }
0x56: {  	_ =	shalt  }
0x57: {  	_ =	shalt  }
0x58: {  	_ =	shalt  }
0x59: {  	_ =	shalt  }
0x5a: {  	_ =	shalt  }
0x5b: {  	_ =	shalt  }
0x5c: {  	_ =	shalt  }
0x5d: {  	_ =	shalt  }
0x5e: {  	_ =	shalt  }
0x5f: {  	_ =	shalt  }
0x60: {  	_ =	shalt  }
0x61: {  	_ =	shalt  }
0x62: {  	_ =	shalt  }
0x63: {  	_ =	shalt  }
0x64: {  	_ =	shalt  }
0x65: {  	_ =	shalt  }
0x66: {  	_ =	shalt  }
0x67: {  	_ =	shalt  }
0x68: {  	_ =	shalt  }
0x69: {  	_ =	shalt  }
0x6a: {  	_ =	shalt  }
0x6b: {  	_ =	shalt  }
0x6c: {  	_ =	shalt  }
0x6d: {  	_ =	shalt  }
0x6e: {  	_ =	shalt  }
0x6f: {  	_ =	shalt  }
0x70: {  	_ =	shalt  }
0x71: {  	_ =	shalt  }
0x72: {  	_ =	shalt  }
0x73: {  	_ =	shalt  }
0x74: {  	_ =	shalt  }
0x75: {  	_ =	shalt  }
0x76: {  	_ =	shalt  }
0x77: {  	_ =	shalt  }
0x78: {  	_ =	shalt  }
0x79: {  	_ =	shalt  }
0x7a: {  	_ =	shalt  }
0x7b: {  	_ =	shalt  }
0x7c: {  	_ =	shalt  }
0x7d: {  	_ =	shalt  }
0x7e: {  	_ =	shalt  }
0x7f: {  	_ =	shalt  }
0x80: {  	_ =	shalt  }
0x81: {  	_ =	shalt  }
0x82: {  	_ =	shalt  }
0x83: {  	_ =	shalt  }
0x84: {  	_ =	shalt  }
0x85: {  	_ =	shalt  }
0x86: {  	_ =	shalt  }
0x87: {  	_ =	shalt  }
.Lfunc_end0:
.L_simem_size_0:
called_computation.2_lowered:
.L_overlay_start_0:
0x88: {  	s2 =	sld [smem:$0x3FD9]  }
0x89: {  	s3 =	sld [smem:$0x3FFE];
	_ =	sdelay $0x1  }
0x8a: {  	s1 =	srdreg.scid  }
0x8b: {  	s0 =	sand.u32 $0x1, s1  }
0x8c: {  	s14 =	sshll.u32 s0, $0xA;
	s2 =	sadd.s32 s3, s2  }
0x8d: {  	s2 =	sadd.s32 s2, s14  }
0x8e: {  	[smem:$0x3FC4] =	sst s2  }
0x8f: {  	_ = 	snop  }
0x90: {  	s2 =	sld [smem:$0x3FD0];
	_ =	sdelay $0x2  }
0x91: {  	s15 =	simm.s32 $0xB;
	s4 =	simm.s32 $0x10  }
0x92: {  	[smem:s4], [sflag:s15] =	dma.local [hbm:s2], $0x1  }
0x93: {  	_ =	swait.eq [sflag:s15], $0x1  }
0x94: {  	[sflag:s15] =	ssyncset.done $0x0  }
0x95: {  	[sflag:s15] =	ssyncadd.s32 $0xFFFFFFFF  }
0x96: {  	s16 =	sld [smem:$0x10];
	(tm) =	ssettm $0x1  }
0x97: {  	s17 =	sld [smem:$0x3FFB];
	_ =	sdelay $0x3  }
0x98: {  	_ =	strace s17  }
0x99: {  	s3 =	sld [smem:$0x3FFC];
	_ =	sdelay $0x3  }
0x9a: {  	_ =	strace s3  }
0x9b: {  	s3 =	sld [smem:$0x3FFD];
	_ =	sdelay $0x3  }
0x9c: {  	_ =	strace s3  }
0x9d: {  	_ =	strace $0x8FFFFFFF  }
0x9e: {  	s18 =	sld [smem:$0x3FDB];
	_ =	sdelay $0x1  }
0x9f: {  	s19 =	simm.s32 $_scs_section_size  }
0xa0: {  	s5 =	simm.s32 $_size__tile_overlayer_lowered;
	s6 =	simm.s32 $_tile_overlayer_lowered  }
0xa1: {  	s22 =	simm.s32 $0x1BFF;
	s21 =	sshll.u32 s6, $0x1;
	s3 =	sadd.s32 s19, s18  }
0xa2: {  	s7 =	simm.s32 $0x0;
	s20 =	sshll.u32 s5, $0x1;
	s5 =	sadd.s32 s21, s3  }
0xa3: {  	[timem:s7], [sflag:s22] =	dma.local [hbm:s5], s20  }
0xa4: {  	_ =	swait.ge [sflag:s22], s20  }
0xa5: {  	s4 =	ssub.s32 $0x0, s20;
	[sflag:s22] =	ssyncset.done $0x0  }
0xa6: {  	[sflag:s22] =	ssyncadd.s32 s4;
	_ =	sdelay $0x1  }
0xa7: {  	s23 =	simm.s32 $0x1B8B  }
0xa8: {  	_ =	swait.ge [sflag:s23], $0x1  }
0xa9: {  	[sflag:s23] =	ssyncset.done $0x0  }
0xaa: {  	s25 =	simm.s32 $0x1B8E;
	s24 =	sld [smem:$0x3FFE];
	[sflag:s23] =	ssyncadd.s32 $0xFFFFFFFF  }
0xab: {  	s26 =	simm.s32 $execute0_lowered;
	[smem:$0x3FD2] =	sst s25  }
0xac: {  	s5 =	sshll.u32 s26, $0x1;
	_ =	strace $0x8000004C;
	[dreg:$0x1] =	wrdreg $0xFFFFFFFF  }
0xad: {  	s28 =	simm.s32 $_size_execute0_lowered;
	s3 =	sadd.s32 s3, s5;
	[dreg:$0x0] =	wrdreg $0x0  }
0xae: {  	s5 =	sshll.u32 s28, $0x1;
	[dreg:$0x2] =	wrdreg s3  }
0xaf: {  	[dreg:$0x3] =	wrdreg s5  }
0xb0: {  	[dreg:$0x4] =	wrdreg $0xC0  }
0xb1: {  	_ =	task [dreg:s7], $0x5FFFF  }
0xb2: {  	[dreg:$0x1] =	wrdreg $0xFFFFFFFF  }
0xb3: {  	[dreg:$0x0] =	wrdreg $0x60  }
0xb4: {  	[dreg:$0x2] =	wrdreg s24  }
0xb5: {  	[dreg:$0x3] =	wrdreg s16  }
0xb6: {  	[dreg:$0x4] =	wrdreg $0x42800  }
0xb7: {  	[dreg:$0x5] =	wrdreg $0x9  }
0xb8: {  	_ =	task.clear_ibuf [dreg:s7], $0x6FFFF;
	_ =	strace $0x9000004C  }
0xb9: {  	s29 =	simm.s32 $0x9;
	_ =	strace $0x8000004E  }
0xba: {  	_ =	swait.ge [sflag:s29], $0x1  }
0xbb: {  	[sflag:s29] =	ssyncadd.s32 $0xFFFFFFFF  }
0xbc: {  	_ =	strace $0x9000004E  }
0xbd: {  	_ =	sfence  }
0xbe: {  	s30 =	sld [smem:$0x0];
	_ =	sdelay $0x2  }
0xbf: {  	s31 =	sshll.u32 s1, $0xD;
	s1 =	sshrl.u32 s1, $0x2  }
0xc0: {  	s3 =	sand.u32 $0x4000, s31;
	s1 =	sadd.s32 s1, s30  }
0xc1: {  	s0 =	sor.u32 s3, s0;
	s1 =	sshll.u32 s1, $0x11  }
0xc2: {  	s0 =	sor.u32 s1, s0  }
0xc3: {  	s0 =	sadd.s32 $0x8F2B, s0  }
0xc4: {  	[sflag:s0] =	ssyncadd.remote.s32 $0x1  }
0xc5: {  	_ =	sfence.sel $0xFFFF  }
0xc6: {  	[dreg:$0x0] =	wrdreg $0xFFFFFFFF;
	(pc) =	sbr.abs _section_cstart, $3  }
0xc7: {  	[dreg:$0x1] =	wrdreg $0xFFFFFFFF  }
0xc8: {  	_ =	task.clear_ibuf [dreg:s7], $0x2FFFF;
	_ =	strace $0x9FFFFFFF  }
0xc9: {  	(tm) =	ssettm $0x7FFFFFFF  }
tec
execute0_lowered:
.L_overlay_start_1:
0x0: {  	(tag) =	ssettag $0x1  }
0x1: {  	s6 =	rddreg [dreg:$0x0]  }
0x2: {  	s9 =	rddreg [dreg:$0x1]  }
0x3: {  	s2 =	rddreg [dreg:$0x2]  }
0x4: {  	s0 =	rddreg [dreg:$0x3]  }
0x5: {  	s1 =	stileid.u32;
	s4 =	srdreg.scid  }
0x6: {  	s3 =	simm.s32 $0x0;
	s18 =	simm.s32 $0x100;
	s19 =	simm.s32 $0x200  }
0x7: {  	s22 =	simm.s32 $0x0;
	s7 =	smul.u32 $0x13C00, s1;
	s14 =	sand.u32 $0x1, s4  }
0x8: {  	[smem:$0x7FF] =	sst s3;
	s4 =	sadd.s32 $0xB3200, s6;
	s12 =	smul.u32 $0x4F000, s1  }
0x9: {  	s5 =	sadd.s32 $0x64200, s6;
	s29 =	sshll.u32 s1, $0x6;
	s16 =	smul.u32 $0xA0, s1  }
0xa: {  	s30 =	sshll.u32 s1, $0x5;
	s8 =	smul.u32 $0x13C000, s14;
	_ =	strace $0x8000004D  }
0xb: {  	s26 =	ssub.s32 $0x2, s14;
	s17 =	smul.u32 $0x1388, s14;
	s31 =	sand.u32 $0x180, s30  }
0xc: {  	p0 =	seq.s32 s14, $0x0;
	s10 =	sshrl.u32 s7, $0x3;
	s11 =	sshrl.u32 s26, $0x1  }
0xd: {  	s28 =	sshrl.u32 s12, $0x2;
	s12 =	smul.u32 $0x1400, s1;
	s7 =	sadd.s32 s7, s8  }
0xe: {  	s10 =	sadd.s32 s10, s6;
	s11 =	ssub.s32 s26, s11;
	s15 =	sadd.s32 s28, s2  }
0xf: {  	s20 =	sadd.s32 $0x9C4, s17;
	s21 =	sadd.s32 $0x1388, s17;
	s8 =	sadd.s32 s9, s30  }
0x10: {  	s9 =	sadd.s32 s9, s31;
	v0 =	vmov s17;
	s17 =	simm.s32 $0x80;
	s7 =	sshrl.u32 s7, $0x3  }
.Ltmp0:
0x11: {  	s11 =	smax.u32 s11, $0x1;
	s14 =	sshrl.u32 s15, $0x3;
	(pc) =	sbr.rel .LBB2_1-.Ltmp0, $4  }
0x12: {  	s13 =	sadd.s32 s7, s6;
	s6 =	sadd.s32 $0x3CA00, s10;
	s10 =	sor.u32 $0x10, s30  }
0x13: {  	s15 =	simm.s32 $0x2;
	v2 =	vmov s20;
	s20 =	simm.s32 $0x1;
	s10 =	sand.u32 $0x70, s10  }
0x14: {  	v1 =	vmov s21;
	s21 =	simm.s32 $0x180;
	s7 =	sor.u32 $0x1C02, s29;
	s9 =	sadd.s32 s10, s9  }
0x15: {  	v3 =	vimm.s32 $0x1388;
	s10 =	sadd.s32 $0xC7200, s13;
	s13 =	sadd.s32 $0x50, s16;
	s16 =	simm.s32 $0x4200  }
.LBB2_8:
0x16: {  	vm0 =	vlt.s32 v27, $0x2710  }
0x17: {  	vm6 =	vmand vm7, vm9;
	vm13 =	vlt.s32 v26, $0x2710;
	vm14 =	vlt.s32 v24, v2  }
0x18: {  	vm15 =	vlt.s32 v24, v1;
	vm9 =	vlt.s32 v18, v1;
	vm12 =	vge.s32 v24, v0  }
0x19: {  	v33 =	vand.u32 $0x3F, v26;
	v34 =	vshra.s32 v26, $0x1;
	v31 =	vadd.s32 v32, v31  }
0x1a: {  	v42 =	vshra.s32 v14, $0x1;
	v30 =	vadd.s32 $0x2710, v30;
	v43 =	vand.u32 $0x3F, v14  }
0x1b: {  	vm11 =	vlt.s32 v16, v2;
	v46 =	vand.u32 $0x1, v20;
	v47 =	vand.u32 $0x1, v26  }
0x1c: {  	v28 =	vor.u32 v28, v29;
	v48 =	vand.u32 $0x1, v15;
	v49 =	vshll.u32 v24, $0x1  }
0x1d: {  	v50 =	vshra.s32 v17, $0x1;
	v25 =	vadd.s32 $0x2710, v25;
	v51 =	vand.u32 $0x1, v17  }
0x1e: {  	v55 =	vshll.u32 v18, $0x1;
	v57 =	vand.u32 $0x3F, v20;
	v58 =	vshra.s32 v20, $0x1  }
0x1f: {  	v59 =	vshll.u32 v16, $0x1;
	vm1 =	vmand vm1, vm10;
	v5 =	vshll.u32 v5, $0x1  }
0x20: {  	v4 =	vand.u32 $0x1, v4;
	v6 =	vadd.s32 v6, v7;
	v61 =	vshra.s32 v15, $0x1  }
0x21: {  	v62 =	vand.u32 $0x1, v14;
	vm8 =	vmand vm6, vm8;
	v40 =	vsel vm14, $0x0, v3  }
0x22: {  	vm6 =	vmand vm15, vm13;
	vm13 =	vlt.s32 v16, v1;
	v33 =	vadd.s32 $0x2710, v33  }
0x23: {  	vm14 =	vlt.s32 v20, $0x2710;
	vm15 =	vlt.s32 v11, v2;
	v21 =	vadd.s32 v42, v21  }
0x24: {  	v44 =	vadd.s32 $0x2710, v43;
	v23 =	vor.u32 v23, v48;
	v52 =	vor.u32 v49, v47  }
0x25: {  	[tilespmem:$0x110] =	vst v28;
	v53 =	vsel vm11, $0x0, v3;
	v54 =	vadd.s32 v50, v22;
	v10 =	vor.u32 v59, v10  }
0x26: {  	v6 =	vsel vm1, v6, v8;
	v4 =	vor.u32 v5, v4;
	v5 =	vand.u32 $0x3F, v15;
	[tilespmem:$0x120] =	vst v23  }
0x27: {  	v63 =	vor.u32 v9, v62;
	vm7 =	vmand vm6, vm12;
	v27 =	vadd.s32 v34, v40;
	[tilespmem:$0x130] =	vst v52  }
0x28: {  	vm6 =	vmand vm13, vm0;
	vm0 =	vmand vm9, vm14;
	vm12 =	vlt.s32 v14, $0x2710;
	[tilespmem:$0x150] =	vst v10  }
0x29: {  	v41 =	vsel vm15, $0x0, v3;
	vm13 =	vlt.s32 v17, $0x2710;
	vm14 =	vlt.s32 v18, v2;
	[tilespmem:$0x170] =	vst v4  }
0x2a: {  	v30 =	vsel vm8, v31, v30;
	vm15 =	vge.s32 v18, v0;
	vm8 =	vge.s32 v16, v0;
	[tilespmem:$0x1F0] =	vst v6  }
0x2b: {  	v17 =	vor.u32 v19, v51;
	v13 =	vadd.s32 v13, v53;
	v4 =	vadd.s32 $0x2710, v5;
	[tilespmem:$0x160] =	vst v63  }
0x2c: {  	v27 =	vsel vm7, v27, v33;
	vm5 =	vmand vm5, vm12;
	vm4 =	vmand vm4, vm13;
	[tilespmem:$0x100] =	vst v17  }
0x2d: {  	v45 =	vsel vm14, $0x0, v3;
	vm9 =	vmand vm0, vm15;
	vm12 =	vlt.s32 v15, $0x2710;
	[tilespmem:$0x190] =	vst v30  }
0x2e: {  	vm13 =	vmand vm6, vm8;
	vm14 =	vlt.s32 v11, v1;
	v17 =	vor.u32 v55, v46;
	[tilespmem:$0x1B0] =	vst v27  }
0x2f: {  	vm15 =	vge.s32 v11, v0;
	vm3 =	vmand vm5, vm3;
	v12 =	vsel vm13, v13, v12;
	[tilespmem:$0x140] =	vst v17  }
0x30: {  	v18 =	vadd.s32 v58, v45;
	v17 =	vadd.s32 $0x2710, v57;
	v21 =	vsel vm3, v21, v44;
	[tilespmem:$0x1D0] =	vst v12  }
0x31: {  	vm4 =	vmand vm4, vm2;
	vm0 =	vmand vm14, vm12;
	v60 =	vsel vm9, v18, v17;
	[tilespmem:$0x1E0] =	vst v21  }
0x32: {  	v5 =	vadd.s32 v61, v41;
	v56 =	vsel vm4, v54, v25;
	vm0 =	vmand vm0, vm15;
	[tilespmem:$0x1C0] =	vst v60  }
0x33: {  	[tilespmem:$0x180] =	vst v56;
	v4 =	vsel vm0, v5, v4  }
0x34: {  	[tilespmem:$0x1A0] =	vst v4  }
0x35: {  	[tilespmem:s19], [sflag:$0x1] =	stream.indirect.gather [hbm4b:s5+s17], $0x80, s18, s17, $0xb8;
	[tilespmem:$0x17E80] =	vst v63  }
0x36: {  	_ =	swait.ge [sflag:s20], $0x4000  }
0x37: {  	[sflag:s20] =	ssyncset.done $0x0  }
0x38: {  	[sflag:s20] =	ssyncadd.s32 $0xFFFFC000  }
0x39: {  	[spmem:s2] =	stream.indirect.scatter.add.f32 [tilespmem:s19], [sflag:$0x2], $0x80, s21, s17, $0xb8;
	[tilespmem:$0x17E80] =	vst v63  }
0x3a: {  	_ =	swait.ge [sflag:s15], $0x4000  }
0x3b: {  	[sflag:s15] =	ssyncset.done $0x0  }
0x3c: {  	[sflag:s15] =	ssyncadd.s32 $0xFFFFC000  }
.LBB2_9:
0x3d: {  	s22 =	sadd.s32 $0x1, s22  }
0x3e: {  	p1 =	sne.s32 s22, s11  }
.Ltmp1:
0x3f: {  	[bflag:$0x0] =	sbarrier.arrive $0xFFFF;
	(pc) =	sbr.rel @!p1 .LBB2_10-.Ltmp1, $4  }
0x40: {  	[hbm:s10], [sflag:s7] =	dma.local [spmem:s14], $0x2780  }
0x41: {  	_ =	swait.ge [sflag:s15], $0x2780  }
0x42: {  	[sflag:s15] =	ssyncset.done $0x0  }
0x43: {  	[sflag:s15] =	ssyncadd.s32 $0xFFFFD880  }
.LBB2_1:
0x44: {  	[spmem:s14], [sflag:s7] =	dma.local [hbm:s6], $0x2780  }
0x45: {  	_ =	swait.ge [sflag:s15], $0x2780  }
0x46: {  	[sflag:s15] =	ssyncset.done $0x0  }
0x47: {  	[sflag:s15] =	ssyncadd.s32 $0xFFFFD880  }
0x48: {  	[bflag:$0x0] =	sbarrier.arrive $0xFFFF  }
0x49: {  	[tilespmem:s16], [sflag:$0x2] =	stream.linear.gather [hbm4b:s8+s3], $0x80, $0x38;
	[tilespmem:$0x17E80] =	vst v63  }
0x4a: {  	_ =	swait.ge [sflag:s15], $0x80  }
0x4b: {  	[sflag:s15] =	ssyncset.done $0x0  }
0x4c: {  	[sflag:s15] =	ssyncadd.s32 $0xFFFFFF80  }
0x4d: {  	v4 =	vld [tilespmem:$0x4200];
	_ =	sdelay $0x4  }
0x4e: {  	(v2sf) =	vpush v4, $0x0;
	_ =	sdelay $0xe  }
0x4f: {  	s24 =	spop (v2sf)  }
0x50: {  	s23 =	sshra.s32 s24, $0x7;
	s24 =	sadd.s32 $0x7F, s24  }
0x51: {  	s25 =	sshra.s32 s24, $0x7;
	s24 =	ssub.s32 $0x50, s23  }
0x52: {  	s24 =	smov.u32 @p0 s25  }
0x53: {  	p1 =	slt.s32 s24, $0x1  }
.Ltmp2:
0x54: {  	_ = 	snop;
	(pc) =	sbr.rel @p1 .LBB2_5-.Ltmp2, $1  }
0x55: {  	_ =	sdelay $0x3  }
0x56: {  	s23 =	simm.s32 @p0 $0x0  }
0x57: {  	s23 =	sshll.u32 s23, $0x5  }
0x58: {  	s23 =	sadd.s32 s23, s12  }
0x59: {  	s25 =	sand.u32 $0x1FFFFFE0, s23  }
0x5a: {  	s25 =	sadd.s32 s4, s25  }
0x5b: {  	[tilespmem:s3], [sflag:$0x2] =	stream.linear.gather [hbm4b:s25+s3], $0x100, $0x38;
	[tilespmem:$0x17E80] =	vst v63  }
0x5c: {  	_ =	swait.ge [sflag:s15], $0x100  }
0x5d: {  	[sflag:s15] =	ssyncset.done $0x0  }
0x5e: {  	[sflag:s15] =	ssyncadd.s32 $0xFFFFFF00  }
0x5f: {  	v4 =	vld [tilespmem:$0xF0]  }
0x60: {  	v27 =	vld [tilespmem:$0xD0]  }
0x61: {  	v5 =	vld [tilespmem:$0x70]  }
0x62: {  	v20 =	vld [tilespmem:$0x10]  }
0x63: {  	v30 =	vld [tilespmem:$0x90]  }
0x64: {  	v33 =	vld [tilespmem:$0x0]  }
0x65: {  	v11 =	vld [tilespmem:$0x20];
	vm1 =	vlt.s32 v4, $0x2710  }
0x66: {  	v17 =	vld [tilespmem:$0x80];
	v6 =	vshra.s32 v4, $0x1;
	v8 =	vand.u32 $0x3F, v4;
	v9 =	vand.u32 $0x3F, v27  }
0x67: {  	vm10 =	vge.s32 v5, v0;
	vm2 =	vlt.s32 v5, v1;
	vm3 =	vlt.s32 v5, v2  }
0x68: {  	v29 =	vld [tilespmem:$0x60];
	v10 =	vand.u32 $0x1, v27;
	v13 =	vshra.s32 v27, $0x1;
	vm7 =	vlt.s32 v20, v1  }
0x69: {  	vm9 =	vlt.s32 v30, $0x2710;
	vm4 =	vlt.s32 v20, v2;
	v19 =	vshll.u32 v33, $0x1  }
0x6a: {  	v15 =	vld [tilespmem:$0xA0];
	vm8 =	vge.s32 v20, v0;
	vm5 =	vlt.s32 v33, v2;
	v23 =	vshll.u32 v11, $0x1  }
0x6b: {  	p1 =	sne.s32 s24, $0x1;
	v24 =	vld [tilespmem:$0x30];
	v32 =	vshra.s32 v30, $0x1;
	v25 =	vand.u32 $0x3F, v17;
	v28 =	vshll.u32 v20, $0x1  }
.Ltmp3:
0x6c: {  	v26 =	vld [tilespmem:$0xB0];
	vm1 =	vmand vm2, vm1;
	v7 =	vsel vm3, $0x0, v3;
	v12 =	vadd.s32 $0x2710, v9;
	(pc) =	sbr.rel @!p1 .LBB2_4-.Ltmp3, $4  }
0x6d: {  	v18 =	vld [tilespmem:$0x40];
	v8 =	vadd.s32 $0x2710, v8;
	v9 =	vshll.u32 v29, $0x1;
	vm2 =	vlt.s32 v29, v2  }
0x6e: {  	v14 =	vld [tilespmem:$0xE0];
	vm3 =	vge.s32 v29, v0;
	v31 =	vsel vm4, $0x0, v3;
	v22 =	vsel vm5, $0x0, v3  }
0x6f: {  	v16 =	vld [tilespmem:$0x50];
	vm5 =	vlt.s32 v29, v1;
	vm4 =	vlt.s32 v33, v1;
	v29 =	vand.u32 $0x1, v30  }
0x70: {  	s24 =	sadd.s32 $0xFFFFFFFF, s24;
	v20 =	vld [tilespmem:$0xC0];
	v30 =	vand.u32 $0x3F, v30;
	v21 =	vsel vm2, $0x0, v3;
	vm2 =	vge.s32 v33, v0  }
.LBB2_3:
0x71: {  	v33 =	vimm.s32 $0x0;
	v31 =	vadd.s32 v32, v31;
	vm9 =	vmand vm7, vm9  }
0x72: {  	vm13 =	vlt.s32 v11, v2;
	v61 =	vshra.s32 v17, $0x1;
	v28 =	vor.u32 v28, v29  }
0x73: {  	v25 =	vadd.s32 $0x2710, v25;
	v5 =	vshll.u32 v5, $0x1;
	v4 =	vand.u32 $0x1, v4  }
0x74: {  	v33 =	vsel vm1, $0xFFFFFFFF, v33;
	vm1 =	vmmov vm10;
	vm10 =	vlt.s32 v27, $0x2710  }
0x75: {  	vm11 =	vmand vm9, vm8;
	[tilespmem:$0x110] =	vst v28;
	v28 =	vadd.s32 $0x2710, v30;
	v30 =	vsel vm13, $0x0, v3  }
0x76: {  	v22 =	vadd.s32 v61, v22;
	v4 =	vor.u32 v5, v4;
	vm6 =	vge.s32 v18, v0  }
0x77: {  	vm12 =	vlt.s32 v18, v1;
	v27 =	vshra.s32 v14, $0x1;
	v58 =	vand.u32 $0x3F, v15  }
0x78: {  	vm14 =	vlt.s32 v26, $0x2710;
	vm7 =	vge.s32 v16, v0;
	vm15 =	vlt.s32 v24, v1  }
0x79: {  	v59 =	vand.u32 $0x3F, v26;
	vm0 =	vlt.s32 v16, v1;
	vm8 =	vlt.s32 v24, v2  }
0x7a: {  	vm9 =	vlt.s32 v16, v2;
	v35 =	vshra.s32 v26, $0x1;
	v36 =	vand.u32 $0x1, v20  }
0x7b: {  	v26 =	vand.u32 $0x1, v26;
	v60 =	vand.u32 $0x3F, v20;
	v29 =	vshra.s32 v15, $0x1  }
0x7c: {  	v62 =	vand.u32 $0x1, v15;
	vm13 =	vlt.s32 v15, $0x2710;
	v15 =	vand.u32 $0x1, v17  }
0x7d: {  	v16 =	vshll.u32 v16, $0x1;
	v34 =	vsel vm8, $0x0, v3;
	vm8 =	vmand vm0, vm10  }
0x7e: {  	[tilespmem:$0x1FFF0] =	vst v33;
	v33 =	vadd.s32 $0x2710, v59;
	vm10 =	vge.s32 v11, v0;
	vm0 =	vge.s32 v24, v0  }
0x7f: {  	vm14 =	vmand vm15, vm14;
	v24 =	vshll.u32 v24, $0x1;
	vm15 =	vlt.s32 v17, $0x2710  }
0x80: {  	v17 =	vor.u32 v23, v62;
	v15 =	vor.u32 v19, v15;
	v21 =	vadd.s32 v27, v21  }
0x81: {  	v10 =	vor.u32 v16, v10;
	v34 =	vadd.s32 v35, v34;
	vm0 =	vmand vm14, vm0  }
0x82: {  	vm14 =	vlt.s32 v20, $0x2710;
	v19 =	vor.u32 v24, v26;
	[tilespmem:$0x100] =	vst v15;
	v15 =	vsel vm11, v31, v28  }
0x83: {  	[tilespmem:$0x170] =	vst v4;
	v20 =	vshra.s32 v20, $0x1;
	v33 =	vsel vm0, v34, v33;
	vm12 =	vmand vm12, vm14  }
0x84: {  	vm0 =	vlt.s32 v14, $0x2710;
	vm14 =	vlt.s32 v18, v2;
	[tilespmem:$0x130] =	vst v19;
	v19 =	vand.u32 $0x3F, v14  }
0x85: {  	[tilespmem:$0x190] =	vst v15;
	v15 =	vshll.u32 v18, $0x1;
	v18 =	vsel vm9, $0x0, v3;
	vm0 =	vmand vm5, vm0  }
0x86: {  	[tilespmem:$0x120] =	vst v17;
	v19 =	vadd.s32 $0x2710, v19;
	v15 =	vor.u32 v15, v36;
	vm0 =	vmand vm0, vm3  }
0x87: {  	[tilespmem:$0x150] =	vst v10;
	v10 =	vld [tilespmem:$0x1FFF0];
	vm3 =	vmand vm4, vm15;
	vm4 =	vlt.s32 v11, v1;
	v11 =	vsel vm14, $0x0, v3  }
0x88: {  	[tilespmem:$0x1B0] =	vst v33;
	v13 =	vadd.s32 v13, v18;
	v11 =	vadd.s32 v20, v11;
	v19 =	vsel vm0, v21, v19  }
0x89: {  	[tilespmem:$0x140] =	vst v15;
	vm0 =	vmand vm3, vm2;
	vm3 =	vmand vm4, vm13;
	vm4 =	vmand vm8, vm7  }
0x8a: {  	v20 =	vadd.s32 $0x2710, v60;
	vm2 =	vmand vm12, vm6;
	v12 =	vsel vm4, v13, v12;
	[tilespmem:$0x1E0] =	vst v19  }
0x8b: {  	v32 =	vadd.s32 $0x2710, v58;
	v17 =	vadd.s32 v29, v30;
	v11 =	vsel vm2, v11, v20;
	[tilespmem:$0x1D0] =	vst v12  }
0x8c: {  	vm3 =	vmand vm3, vm10;
	v13 =	vsel vm0, v22, v25;
	vm0 =	vnez.u8 v10;
	[tilespmem:$0x1C0] =	vst v11  }
0x8d: {  	v6 =	vadd.s32 v6, v7;
	v15 =	vsel vm3, v17, v32;
	vm0 =	vmand vm0, vm1;
	[tilespmem:$0x180] =	vst v13  }
0x8e: {  	v12 =	vand.u32 $0x1, v14;
	v5 =	vsel vm0, v6, v8;
	[tilespmem:$0x1A0] =	vst v15  }
0x8f: {  	v9 =	vor.u32 v9, v12;
	[tilespmem:$0x1F0] =	vst v5  }
0x90: {  	[tilespmem:$0x160] =	vst v9  }
0x91: {  	[tilespmem:s19], [sflag:$0x1] =	stream.indirect.gather [hbm4b:s5+s17], $0x80, s18, s17, $0xb8;
	[tilespmem:$0x17E80] =	vst v63  }
0x92: {  	_ =	swait.ge [sflag:s20], $0x4000  }
0x93: {  	[sflag:s20] =	ssyncset.done $0x0  }
0x94: {  	[sflag:s20] =	ssyncadd.s32 $0xFFFFC000  }
0x95: {  	[spmem:s2] =	stream.indirect.scatter.add.f32 [tilespmem:s19], [sflag:$0x2], $0x80, s21, s17, $0xb8;
	[tilespmem:$0x17E80] =	vst v63  }
0x96: {  	s23 =	sadd.s32 $0x20, s23;
	_ =	swait.ge [sflag:s15], $0x4000  }
0x97: {  	s25 =	sand.u32 $0x1FFFFFE0, s23;
	[sflag:s15] =	ssyncset.done $0x0  }
0x98: {  	s25 =	sadd.s32 s4, s25;
	[sflag:s15] =	ssyncadd.s32 $0xFFFFC000  }
0x99: {  	[tilespmem:s3], [sflag:$0x2] =	stream.linear.gather [hbm4b:s25+s3], $0x100, $0x38;
	[tilespmem:$0x17E80] =	vst v63  }
0x9a: {  	_ =	swait.ge [sflag:s15], $0x100  }
0x9b: {  	[sflag:s15] =	ssyncset.done $0x0  }
0x9c: {  	[sflag:s15] =	ssyncadd.s32 $0xFFFFFF00  }
0x9d: {  	v4 =	vld [tilespmem:$0xF0]  }
0x9e: {  	v27 =	vld [tilespmem:$0xD0]  }
0x9f: {  	v5 =	vld [tilespmem:$0x70]  }
0xa0: {  	v30 =	vld [tilespmem:$0x90]  }
0xa1: {  	v20 =	vld [tilespmem:$0x10]  }
0xa2: {  	v29 =	vld [tilespmem:$0x60]  }
0xa3: {  	v63 =	vld [tilespmem:$0x0]  }
0xa4: {  	v11 =	vld [tilespmem:$0x20];
	vm0 =	vlt.s32 v4, $0x2710  }
0xa5: {  	v17 =	vld [tilespmem:$0x80];
	v6 =	vshra.s32 v4, $0x1;
	v8 =	vand.u32 $0x3F, v4;
	v9 =	vand.u32 $0x3F, v27  }
0xa6: {  	vm10 =	vge.s32 v5, v0;
	vm1 =	vlt.s32 v5, v1;
	vm2 =	vlt.s32 v5, v2  }
0xa7: {  	v10 =	vand.u32 $0x1, v27;
	v13 =	vshra.s32 v27, $0x1;
	vm7 =	vlt.s32 v20, v1  }
0xa8: {  	vm9 =	vlt.s32 v30, $0x2710;
	v19 =	vshll.u32 v63, $0x1;
	vm8 =	vge.s32 v20, v0  }
0xa9: {  	v15 =	vld [tilespmem:$0xA0];
	vm3 =	vge.s32 v29, v0;
	v23 =	vshll.u32 v11, $0x1;
	v32 =	vshra.s32 v30, $0x1  }
0xaa: {  	p1 =	sne.s32 s24, $0x1;
	v24 =	vld [tilespmem:$0x30];
	v25 =	vand.u32 $0x3F, v17;
	v28 =	vshll.u32 v20, $0x1;
	vm5 =	vlt.s32 v29, v1  }
.Ltmp4:
0xab: {  	v26 =	vld [tilespmem:$0xB0];
	vm4 =	vlt.s32 v63, v1;
	vm1 =	vmand vm1, vm0;
	v7 =	vsel vm2, $0x0, v3;
	(pc) =	sbr.rel @p1 .LBB2_3-.Ltmp4, $4  }
0xac: {  	v18 =	vld [tilespmem:$0x40];
	v12 =	vadd.s32 $0x2710, v9;
	v8 =	vadd.s32 $0x2710, v8;
	v9 =	vshll.u32 v29, $0x1  }
0xad: {  	v14 =	vld [tilespmem:$0xE0];
	vm0 =	vlt.s32 v29, v2;
	vm2 =	vlt.s32 v20, v2;
	v29 =	vand.u32 $0x1, v30  }
0xae: {  	v16 =	vld [tilespmem:$0x50];
	v30 =	vand.u32 $0x3F, v30;
	v21 =	vsel vm0, $0x0, v3;
	vm0 =	vlt.s32 v63, v2  }
0xaf: {  	s24 =	sadd.s32 $0xFFFFFFFF, s24;
	v20 =	vld [tilespmem:$0xC0];
	v31 =	vsel vm2, $0x0, v3;
	vm2 =	vge.s32 v63, v0;
	v22 =	vsel vm0, $0x0, v3  }
.LBB2_4:
0xb0: {  	vm0 =	vlt.s32 v27, $0x2710  }
0xb1: {  	vm6 =	vmand vm7, vm9;
	vm13 =	vlt.s32 v26, $0x2710;
	vm14 =	vlt.s32 v24, v2  }
0xb2: {  	vm15 =	vlt.s32 v24, v1;
	vm12 =	vge.s32 v24, v0;
	v33 =	vand.u32 $0x3F, v26  }
0xb3: {  	v34 =	vshra.s32 v26, $0x1;
	v31 =	vadd.s32 v32, v31;
	v30 =	vadd.s32 $0x2710, v30  }
0xb4: {  	v47 =	vand.u32 $0x1, v26;
	v28 =	vor.u32 v28, v29;
	v48 =	vand.u32 $0x1, v15  }
0xb5: {  	v49 =	vshll.u32 v24, $0x1;
	v50 =	vshra.s32 v17, $0x1;
	v25 =	vadd.s32 $0x2710, v25  }
0xb6: {  	v51 =	vand.u32 $0x1, v17;
	vm1 =	vmand vm1, vm10;
	v5 =	vshll.u32 v5, $0x1  }
0xb7: {  	v4 =	vand.u32 $0x1, v4;
	v6 =	vadd.s32 v6, v7;
	v61 =	vshra.s32 v15, $0x1  }
0xb8: {  	vm8 =	vmand vm6, vm8;
	v40 =	vsel vm14, $0x0, v3;
	vm9 =	vlt.s32 v18, v1  }
0xb9: {  	vm6 =	vmand vm15, vm13;
	v33 =	vadd.s32 $0x2710, v33;
	vm15 =	vlt.s32 v11, v2  }
0xba: {  	v23 =	vor.u32 v23, v48;
	v52 =	vor.u32 v49, v47;
	v54 =	vadd.s32 v50, v22  }
0xbb: {  	v55 =	vshll.u32 v18, $0x1;
	v6 =	vsel vm1, v6, v8;
	v4 =	vor.u32 v5, v4  }
0xbc: {  	v5 =	vand.u32 $0x3F, v15;
	vm7 =	vmand vm6, vm12;
	v27 =	vadd.s32 v34, v40  }
0xbd: {  	vm12 =	vlt.s32 v14, $0x2710;
	v41 =	vsel vm15, $0x0, v3;
	v42 =	vshra.s32 v14, $0x1  }
0xbe: {  	v43 =	vand.u32 $0x3F, v14;
	v30 =	vsel vm8, v31, v30;
	vm15 =	vge.s32 v18, v0  }
0xbf: {  	v62 =	vand.u32 $0x1, v14;
	[tilespmem:$0x170] =	vst v4;
	v4 =	vadd.s32 $0x2710, v5;
	vm13 =	vlt.s32 v16, v1  }
0xc0: {  	[tilespmem:$0x110] =	vst v28;
	v27 =	vsel vm7, v27, v33;
	vm5 =	vmand vm5, vm12;
	v21 =	vadd.s32 v42, v21  }
0xc1: {  	[tilespmem:$0x120] =	vst v23;
	v44 =	vadd.s32 $0x2710, v43;
	vm8 =	vge.s32 v16, v0;
	vm11 =	vlt.s32 v16, v2  }
0xc2: {  	[tilespmem:$0x130] =	vst v52;
	vm12 =	vlt.s32 v15, $0x2710;
	v59 =	vshll.u32 v16, $0x1;
	v63 =	vor.u32 v9, v62  }
0xc3: {  	[tilespmem:$0x1F0] =	vst v6;
	vm6 =	vmand vm13, vm0;
	vm14 =	vlt.s32 v20, $0x2710;
	vm3 =	vmand vm5, vm3  }
0xc4: {  	[tilespmem:$0x190] =	vst v30;
	vm13 =	vlt.s32 v17, $0x2710;
	v46 =	vand.u32 $0x1, v20;
	v53 =	vsel vm11, $0x0, v3  }
0xc5: {  	[tilespmem:$0x1B0] =	vst v27;
	v17 =	vor.u32 v19, v51;
	v57 =	vand.u32 $0x3F, v20;
	v58 =	vshra.s32 v20, $0x1  }
0xc6: {  	v10 =	vor.u32 v59, v10;
	[tilespmem:$0x160] =	vst v63;
	vm0 =	vmand vm9, vm14;
	vm4 =	vmand vm4, vm13  }
0xc7: {  	vm14 =	vlt.s32 v18, v2;
	v21 =	vsel vm3, v21, v44;
	[tilespmem:$0x100] =	vst v17;
	vm13 =	vmand vm6, vm8  }
0xc8: {  	v17 =	vor.u32 v55, v46;
	v13 =	vadd.s32 v13, v53;
	[tilespmem:$0x150] =	vst v10;
	v45 =	vsel vm14, $0x0, v3  }
0xc9: {  	vm4 =	vmand vm4, vm2;
	vm9 =	vmand vm0, vm15;
	vm14 =	vlt.s32 v11, v1;
	[tilespmem:$0x140] =	vst v17  }
0xca: {  	v12 =	vsel vm13, v13, v12;
	[tilespmem:$0x1E0] =	vst v21;
	v17 =	vadd.s32 $0x2710, v57;
	vm15 =	vge.s32 v11, v0  }
0xcb: {  	vm0 =	vmand vm14, vm12;
	v56 =	vsel vm4, v54, v25;
	v18 =	vadd.s32 v58, v45;
	[tilespmem:$0x1D0] =	vst v12  }
0xcc: {  	v5 =	vadd.s32 v61, v41;
	v60 =	vsel vm9, v18, v17;
	vm0 =	vmand vm0, vm15;
	[tilespmem:$0x180] =	vst v56  }
0xcd: {  	[tilespmem:$0x1C0] =	vst v60;
	v4 =	vsel vm0, v5, v4  }
0xce: {  	[tilespmem:$0x1A0] =	vst v4  }
0xcf: {  	[tilespmem:s19], [sflag:$0x1] =	stream.indirect.gather [hbm4b:s5+s17], $0x80, s18, s17, $0xb8;
	[tilespmem:$0x17E80] =	vst v63  }
0xd0: {  	_ =	swait.ge [sflag:s20], $0x4000  }
0xd1: {  	[sflag:s20] =	ssyncset.done $0x0  }
0xd2: {  	[sflag:s20] =	ssyncadd.s32 $0xFFFFC000  }
0xd3: {  	[spmem:s2] =	stream.indirect.scatter.add.f32 [tilespmem:s19], [sflag:$0x2], $0x80, s21, s17, $0xb8;
	[tilespmem:$0x17E80] =	vst v63  }
0xd4: {  	_ =	swait.ge [sflag:s15], $0x4000  }
0xd5: {  	[sflag:s15] =	ssyncset.done $0x0  }
0xd6: {  	[sflag:s15] =	ssyncadd.s32 $0xFFFFC000  }
.LBB2_5:
0xd7: {  	[tilespmem:s16], [sflag:$0x2] =	stream.linear.gather [hbm4b:s9+s3], $0x80, $0x38;
	[tilespmem:$0x17E80] =	vst v63  }
0xd8: {  	_ =	swait.ge [sflag:s15], $0x80  }
0xd9: {  	[sflag:s15] =	ssyncset.done $0x0  }
0xda: {  	[sflag:s15] =	ssyncadd.s32 $0xFFFFFF80  }
0xdb: {  	v4 =	vld [tilespmem:$0x4200];
	_ =	sdelay $0x4  }
0xdc: {  	(v2sf) =	vpush v4, $0x0;
	_ =	sdelay $0xe  }
0xdd: {  	s24 =	spop (v2sf)  }
0xde: {  	s23 =	sshra.s32 s24, $0x7;
	s24 =	sadd.s32 $0x7F, s24  }
0xdf: {  	s25 =	sshra.s32 s24, $0x7;
	s24 =	ssub.s32 $0x50, s23  }
0xe0: {  	s24 =	smov.u32 @p0 s25  }
0xe1: {  	p1 =	slt.s32 s24, $0x1  }
.Ltmp5:
0xe2: {  	_ = 	snop;
	(pc) =	sbr.rel @p1 .LBB2_9-.Ltmp5, $1  }
0xe3: {  	_ =	sdelay $0x3  }
0xe4: {  	s23 =	simm.s32 @p0 $0x0  }
0xe5: {  	s23 =	sadd.s32 s23, s13  }
0xe6: {  	s23 =	sshll.u32 s23, $0x5  }
0xe7: {  	s25 =	sand.u32 $0x1FFFFFE0, s23  }
0xe8: {  	s25 =	sadd.s32 s4, s25  }
0xe9: {  	[tilespmem:s3], [sflag:$0x2] =	stream.linear.gather [hbm4b:s25+s3], $0x100, $0x38;
	[tilespmem:$0x17E80] =	vst v63  }
0xea: {  	_ =	swait.ge [sflag:s15], $0x100  }
0xeb: {  	[sflag:s15] =	ssyncset.done $0x0  }
0xec: {  	[sflag:s15] =	ssyncadd.s32 $0xFFFFFF00  }
0xed: {  	v4 =	vld [tilespmem:$0xF0]  }
0xee: {  	v27 =	vld [tilespmem:$0xD0]  }
0xef: {  	v5 =	vld [tilespmem:$0x70]  }
0xf0: {  	v20 =	vld [tilespmem:$0x10]  }
0xf1: {  	v30 =	vld [tilespmem:$0x90]  }
0xf2: {  	v33 =	vld [tilespmem:$0x0]  }
0xf3: {  	v11 =	vld [tilespmem:$0x20];
	vm1 =	vlt.s32 v4, $0x2710  }
0xf4: {  	v17 =	vld [tilespmem:$0x80];
	v6 =	vshra.s32 v4, $0x1;
	v8 =	vand.u32 $0x3F, v4;
	v9 =	vand.u32 $0x3F, v27  }
0xf5: {  	vm10 =	vge.s32 v5, v0;
	vm2 =	vlt.s32 v5, v1;
	vm3 =	vlt.s32 v5, v2  }
0xf6: {  	v29 =	vld [tilespmem:$0x60];
	v10 =	vand.u32 $0x1, v27;
	v13 =	vshra.s32 v27, $0x1;
	vm7 =	vlt.s32 v20, v1  }
0xf7: {  	vm9 =	vlt.s32 v30, $0x2710;
	vm4 =	vlt.s32 v20, v2;
	v19 =	vshll.u32 v33, $0x1  }
0xf8: {  	v15 =	vld [tilespmem:$0xA0];
	vm8 =	vge.s32 v20, v0;
	vm5 =	vlt.s32 v33, v2;
	v23 =	vshll.u32 v11, $0x1  }
0xf9: {  	p1 =	sne.s32 s24, $0x1;
	v24 =	vld [tilespmem:$0x30];
	v32 =	vshra.s32 v30, $0x1;
	v25 =	vand.u32 $0x3F, v17;
	v28 =	vshll.u32 v20, $0x1  }
.Ltmp6:
0xfa: {  	v18 =	vld [tilespmem:$0x40];
	vm1 =	vmand vm2, vm1;
	v7 =	vsel vm3, $0x0, v3;
	v12 =	vadd.s32 $0x2710, v9;
	(pc) =	sbr.rel @!p1 .LBB2_8-.Ltmp6, $4  }
0xfb: {  	v26 =	vld [tilespmem:$0xB0];
	v8 =	vadd.s32 $0x2710, v8;
	v9 =	vshll.u32 v29, $0x1;
	vm2 =	vlt.s32 v29, v2  }
0xfc: {  	v16 =	vld [tilespmem:$0x50];
	vm3 =	vge.s32 v29, v0;
	v31 =	vsel vm4, $0x0, v3;
	v22 =	vsel vm5, $0x0, v3  }
0xfd: {  	v14 =	vld [tilespmem:$0xE0];
	vm5 =	vlt.s32 v29, v1;
	vm4 =	vlt.s32 v33, v1;
	v29 =	vand.u32 $0x1, v30  }
0xfe: {  	s24 =	sadd.s32 $0xFFFFFFFF, s24;
	v20 =	vld [tilespmem:$0xC0];
	v30 =	vand.u32 $0x3F, v30;
	v21 =	vsel vm2, $0x0, v3;
	vm2 =	vge.s32 v33, v0  }
.LBB2_7:
0xff: {  	v33 =	vimm.s32 $0x0;
	v31 =	vadd.s32 v32, v31;
	vm6 =	vge.s32 v18, v0  }
0x100: {  	vm9 =	vmand vm7, vm9;
	vm12 =	vlt.s32 v18, v1;
	v58 =	vand.u32 $0x3F, v15  }
0x101: {  	vm14 =	vlt.s32 v26, $0x2710;
	vm7 =	vge.s32 v16, v0;
	vm15 =	vlt.s32 v24, v1  }
0x102: {  	v59 =	vand.u32 $0x3F, v26;
	vm0 =	vlt.s32 v16, v1;
	vm13 =	vlt.s32 v11, v2  }
0x103: {  	v35 =	vshra.s32 v26, $0x1;
	v36 =	vand.u32 $0x1, v20;
	v26 =	vand.u32 $0x1, v26  }
0x104: {  	v60 =	vand.u32 $0x3F, v20;
	v61 =	vshra.s32 v17, $0x1;
	v28 =	vor.u32 v28, v29  }
0x105: {  	v29 =	vshra.s32 v15, $0x1;
	v25 =	vadd.s32 $0x2710, v25;
	v62 =	vand.u32 $0x1, v15  }
0x106: {  	v5 =	vshll.u32 v5, $0x1;
	v4 =	vand.u32 $0x1, v4;
	v33 =	vsel vm1, $0xFFFFFFFF, v33  }
0x107: {  	vm1 =	vmmov vm10;
	vm10 =	vlt.s32 v27, $0x2710;
	v27 =	vshra.s32 v14, $0x1  }
0x108: {  	vm11 =	vmand vm9, vm8;
	vm8 =	vlt.s32 v24, v2;
	vm9 =	vlt.s32 v16, v2  }
0x109: {  	vm14 =	vmand vm15, vm14;
	vm15 =	vlt.s32 v17, $0x2710;
	[tilespmem:$0x110] =	vst v28;
	v28 =	vadd.s32 $0x2710, v30  }
0x10a: {  	v30 =	vsel vm13, $0x0, v3;
	v32 =	vadd.s32 $0x2710, v58;
	vm13 =	vlt.s32 v15, $0x2710  }
0x10b: {  	v15 =	vand.u32 $0x1, v17;
	v17 =	vor.u32 v23, v62;
	v16 =	vshll.u32 v16, $0x1  }
0x10c: {  	v4 =	vor.u32 v5, v4;
	v34 =	vsel vm8, $0x0, v3;
	vm8 =	vmand vm0, vm10  }
0x10d: {  	[tilespmem:$0x1FFE0] =	vst v33;
	v33 =	vadd.s32 $0x2710, v59;
	vm10 =	vge.s32 v11, v0;
	vm0 =	vge.s32 v24, v0  }
0x10e: {  	v24 =	vshll.u32 v24, $0x1;
	v15 =	vor.u32 v19, v15;
	v21 =	vadd.s32 v27, v21  }
0x10f: {  	v10 =	vor.u32 v16, v10;
	v34 =	vadd.s32 v35, v34;
	vm0 =	vmand vm14, vm0  }
0x110: {  	vm14 =	vlt.s32 v20, $0x2710;
	v19 =	vor.u32 v24, v26;
	[tilespmem:$0x100] =	vst v15;
	v15 =	vsel vm11, v31, v28  }
0x111: {  	[tilespmem:$0x120] =	vst v17;
	v20 =	vshra.s32 v20, $0x1;
	v33 =	vsel vm0, v34, v33;
	vm12 =	vmand vm12, vm14  }
0x112: {  	vm0 =	vlt.s32 v14, $0x2710;
	vm14 =	vlt.s32 v18, v2;
	[tilespmem:$0x130] =	vst v19;
	v19 =	vand.u32 $0x3F, v14  }
0x113: {  	[tilespmem:$0x190] =	vst v15;
	v15 =	vshll.u32 v18, $0x1;
	v18 =	vsel vm9, $0x0, v3;
	vm0 =	vmand vm5, vm0  }
0x114: {  	[tilespmem:$0x170] =	vst v4;
	v19 =	vadd.s32 $0x2710, v19;
	v15 =	vor.u32 v15, v36;
	vm0 =	vmand vm0, vm3  }
0x115: {  	[tilespmem:$0x150] =	vst v10;
	v10 =	vld [tilespmem:$0x1FFE0];
	vm3 =	vmand vm4, vm15;
	vm4 =	vlt.s32 v11, v1;
	v11 =	vsel vm14, $0x0, v3  }
0x116: {  	[tilespmem:$0x1B0] =	vst v33;
	v13 =	vadd.s32 v13, v18;
	v11 =	vadd.s32 v20, v11;
	v19 =	vsel vm0, v21, v19  }
0x117: {  	[tilespmem:$0x140] =	vst v15;
	vm0 =	vmand vm3, vm2;
	vm3 =	vmand vm4, vm13;
	vm4 =	vmand vm8, vm7  }
0x118: {  	v20 =	vadd.s32 $0x2710, v60;
	vm2 =	vmand vm12, vm6;
	v12 =	vsel vm4, v13, v12;
	[tilespmem:$0x1E0] =	vst v19  }
0x119: {  	v22 =	vadd.s32 v61, v22;
	v17 =	vadd.s32 v29, v30;
	v11 =	vsel vm2, v11, v20;
	[tilespmem:$0x1D0] =	vst v12  }
0x11a: {  	vm3 =	vmand vm3, vm10;
	v13 =	vsel vm0, v22, v25;
	vm0 =	vnez.u8 v10;
	[tilespmem:$0x1C0] =	vst v11  }
0x11b: {  	v6 =	vadd.s32 v6, v7;
	v15 =	vsel vm3, v17, v32;
	vm0 =	vmand vm0, vm1;
	[tilespmem:$0x180] =	vst v13  }
0x11c: {  	v12 =	vand.u32 $0x1, v14;
	v5 =	vsel vm0, v6, v8;
	[tilespmem:$0x1A0] =	vst v15  }
0x11d: {  	v9 =	vor.u32 v9, v12;
	[tilespmem:$0x1F0] =	vst v5  }
0x11e: {  	[tilespmem:$0x160] =	vst v9  }
0x11f: {  	[tilespmem:s19], [sflag:$0x1] =	stream.indirect.gather [hbm4b:s5+s17], $0x80, s18, s17, $0xb8;
	[tilespmem:$0x17E80] =	vst v63  }
0x120: {  	_ =	swait.ge [sflag:s20], $0x4000  }
0x121: {  	[sflag:s20] =	ssyncset.done $0x0  }
0x122: {  	[sflag:s20] =	ssyncadd.s32 $0xFFFFC000  }
0x123: {  	[spmem:s2] =	stream.indirect.scatter.add.f32 [tilespmem:s19], [sflag:$0x2], $0x80, s21, s17, $0xb8;
	[tilespmem:$0x17E80] =	vst v63  }
0x124: {  	s23 =	sadd.s32 $0x20, s23;
	_ =	swait.ge [sflag:s15], $0x4000  }
0x125: {  	s25 =	sand.u32 $0x1FFFFFE0, s23;
	[sflag:s15] =	ssyncset.done $0x0  }
0x126: {  	s25 =	sadd.s32 s4, s25;
	[sflag:s15] =	ssyncadd.s32 $0xFFFFC000  }
0x127: {  	[tilespmem:s3], [sflag:$0x2] =	stream.linear.gather [hbm4b:s25+s3], $0x100, $0x38;
	[tilespmem:$0x17E80] =	vst v63  }
0x128: {  	_ =	swait.ge [sflag:s15], $0x100  }
0x129: {  	[sflag:s15] =	ssyncset.done $0x0  }
0x12a: {  	[sflag:s15] =	ssyncadd.s32 $0xFFFFFF00  }
0x12b: {  	v4 =	vld [tilespmem:$0xF0]  }
0x12c: {  	v27 =	vld [tilespmem:$0xD0]  }
0x12d: {  	v5 =	vld [tilespmem:$0x70]  }
0x12e: {  	v30 =	vld [tilespmem:$0x90]  }
0x12f: {  	v20 =	vld [tilespmem:$0x10]  }
0x130: {  	v29 =	vld [tilespmem:$0x60]  }
0x131: {  	v63 =	vld [tilespmem:$0x0]  }
0x132: {  	v11 =	vld [tilespmem:$0x20];
	vm0 =	vlt.s32 v4, $0x2710  }
0x133: {  	v17 =	vld [tilespmem:$0x80];
	v6 =	vshra.s32 v4, $0x1;
	v8 =	vand.u32 $0x3F, v4;
	v9 =	vand.u32 $0x3F, v27  }
0x134: {  	vm10 =	vge.s32 v5, v0;
	vm1 =	vlt.s32 v5, v1;
	vm2 =	vlt.s32 v5, v2  }
0x135: {  	v10 =	vand.u32 $0x1, v27;
	v13 =	vshra.s32 v27, $0x1;
	vm7 =	vlt.s32 v20, v1  }
0x136: {  	vm9 =	vlt.s32 v30, $0x2710;
	v19 =	vshll.u32 v63, $0x1;
	vm8 =	vge.s32 v20, v0  }
0x137: {  	v15 =	vld [tilespmem:$0xA0];
	vm3 =	vge.s32 v29, v0;
	v23 =	vshll.u32 v11, $0x1;
	v32 =	vshra.s32 v30, $0x1  }
0x138: {  	p1 =	sne.s32 s24, $0x1;
	v24 =	vld [tilespmem:$0x30];
	v25 =	vand.u32 $0x3F, v17;
	v28 =	vshll.u32 v20, $0x1;
	vm5 =	vlt.s32 v29, v1  }
.Ltmp7:
0x139: {  	v26 =	vld [tilespmem:$0xB0];
	vm4 =	vlt.s32 v63, v1;
	vm1 =	vmand vm1, vm0;
	v7 =	vsel vm2, $0x0, v3;
	(pc) =	sbr.rel @p1 .LBB2_7-.Ltmp7, $4  }
0x13a: {  	v18 =	vld [tilespmem:$0x40];
	v12 =	vadd.s32 $0x2710, v9;
	v8 =	vadd.s32 $0x2710, v8;
	v9 =	vshll.u32 v29, $0x1  }
0x13b: {  	v14 =	vld [tilespmem:$0xE0];
	vm0 =	vlt.s32 v29, v2;
	vm2 =	vlt.s32 v20, v2;
	v29 =	vand.u32 $0x1, v30  }
0x13c: {  	v16 =	vld [tilespmem:$0x50];
	v30 =	vand.u32 $0x3F, v30;
	v21 =	vsel vm0, $0x0, v3;
	vm0 =	vlt.s32 v63, v2  }
0x13d: {  	s24 =	sadd.s32 $0xFFFFFFFF, s24;
	v20 =	vld [tilespmem:$0xC0];
	v31 =	vsel vm2, $0x0, v3;
	vm2 =	vge.s32 v63, v0;
	v22 =	vsel vm0, $0x0, v3  }
.Ltmp8:
0x13e: {  	_ = 	snop;
	(pc) =	sbr.rel .LBB2_8-.Ltmp8, $1  }
0x13f: {  	_ =	sdelay $0x3  }
.LBB2_10:
0x140: {  	_ =	sfence.sel $0x180000  }
0x141: {  	[bflag:$0x0] =	sbarrier.arrive $0xFFFF  }
0x142: {  	p0 =	sne.s32 s1, $0x0;
	_ =	strace $0x9000004D  }
0x143: {  	s0 =	sadd.s32 @!p0 $0x100000, s0;
	[bflag:$0x2] =	sbarrier.arrive $0xFFFF  }
0x144: {  	[sflag:s0] =	ssyncadd.tile.s32 @!p0 $0x1;
	_ =	shalt  }
.Lfunc_end2:
_tile_overlayer_lowered:
.L_overlay_start_2:
0x145: {  	(tag) =	ssettag $0x2  }
0x146: {  	s0 =	rddreg [dreg:$0x0];
	s2 =	stileid.u32  }
0x147: {  	s1 =	rddreg [dreg:$0x1];
	p0 =	sne.s32 s2, $0x0  }
0x148: {  	s3 =	rddreg [dreg:$0x2];
	[bflag:$0x3] =	sbarrier.arrive $0xFFFF;
	s2 =	simm.s32 @!p0 $0x1C02  }
0x149: {  	[timem:s3], [sflag:s2] =	dma.local @!p0 [hbm:s0], s1  }
0x14a: {  	s0 =	simm.s32 @!p0 $0x2  }
0x14b: {  	_ =	swait.ge @!p0 [sflag:s0], s1  }
0x14c: {  	s1 =	ssub.s32 @!p0 $0x0, s1;
	[sflag:s0] =	ssyncset.done @!p0 $0x0  }
0x14d: {  	[sflag:s0] =	ssyncadd.s32 @!p0 s1  }
0x14e: {  	[bflag:$0x3] =	sbarrier.arrive $0xFFFF  }
0x14f: {  	_ =	shalt  }

// kernel: kernel.8.cloned.1.call-start
scs
__scs_entry_jumppad:
0x0: {  	(pc) =	sbr.rel $0x88, $3  }
0x1: {  	(tag) =	ssettag $0x0;
	lr =	simm.s32 $0x1  }
0x2: {  	[smem:$0x3F9D] =	sst lr;
	_ =	strace $0xD0000000  }
0x3: {  	_ = 	snop  }
0x4: {  	_ = 	snop  }
0x5: {  	_ = 	snop  }
0x6: {  	_ = 	snop  }
0x7: {  	_ = 	snop  }
__scs_overlays_trampoline_lowered:
0x8: {  	[smem:$0x3FAC] =	sst s0  }
0x9: {  	[smem:$0x3FAD] =	sst s1  }
0xa: {  	[smem:$0x3FAE] =	sst s2  }
0xb: {  	[smem:$0x3FAF] =	sst s3  }
0xc: {  	[smem:$0x3FB0] =	sst s4  }
0xd: {  	[smem:$0x3FB1] =	sst s5  }
0xe: {  	[smem:$0x3FB2] =	sst s6  }
0xf: {  	[smem:$0x3FB3] =	sst s7  }
0x10: {  	[smem:$0x3FB4] =	sst s8  }
0x11: {  	[smem:$0x3FB5] =	sst s9;
	s0 =	simm.s32 @!p0 $0x0  }
0x12: {  	s1 =	sld [smem:$0x3F9B];
	s0 =	simm.s32 @p0 $0x1  }
0x13: {  	[smem:$0x3FB6] =	sst s0;
	s0 =	simm.s32 @!p1 $0x0  }
0x14: {  	s2 =	sld [smem:$0x3F9A];
	s0 =	simm.s32 @p1 $0x1  }
0x15: {  	[smem:$0x3FB7] =	sst s0;
	s0 =	simm.s32 @!p2 $0x0  }
0x16: {  	s3 =	sld [smem:$0x3FDB];
	s0 =	simm.s32 @p2 $0x1  }
0x17: {  	s4 =	simm.s32 $0x1BF5;
	[smem:$0x3FB9] =	sst s0  }
0x18: {  	s0 =	sld [smem:$0x3F9C];
	_ =	swait.ge [sflag:s4], $0x0  }
0x19: {  	s7 =	sld [smem:$0x3F9D]  }
0x1a: {  	s8 =	sadd.s32 $0xFFFFE003, lr  }
0x1b: {  	s9 =	sadd.s32 $0xFFFFFEF7, lr;
	s5 =	simm.s32 $0xFFFFFFFF;
	p2 =	slt.u32 s8, $0xFFFFF086  }
0x1c: {  	p1 =	slt.u32 s9, $0xF7A;
	s5 =	simm.s32 @!p2 $0x0  }
0x1d: {  	s5 =	simm.s32 @p1 $0x1;
	p0 =	seq.s32 s7, s2  }
0x1e: {  	s7 =	smul.u32 @!p0 $0xF7A, s2;
	p2 =	seq.s32 @!p0 s5, $0x0  }
0x1f: {  	s9 =	smul.u32 $0xF7A, s1;
	s8 =	simm.s32 @!p0 $0x1BF5;
	p2 =	por !p2, p0  }
0x20: {  	[sflag:s8] =	ssyncset.s32 @!p0 $0xFFFFF086;
	s6 =	sadd.s32 @!p0 s3, s7;
	s7 =	simm.s32 @!p0 $0x108  }
0x21: {  	s3 =	sadd.s32 s3, s9;
	s6 =	sadd.s32 @!p0 $0x88, s6;
	s7 =	simm.s32 @p2 $0x1082  }
0x22: {  	[simem:s7], [sflag:s8] =	dma.local @!p0 [hbm:s6], $0xF7A  }
0x23: {  	s9 =	sor.u32 $0xD0000000, s2;
	s6 =	simm.s32 $0x108;
	_ =	swait.ge @!p0 [sflag:s8], $0x0  }
0x24: {  	s3 =	sadd.s32 $0x88, s3;
	s6 =	simm.s32 @!p1 $0x1082;
	[sflag:s4] =	ssyncset.s32 $0xFFFFF086  }
0x25: {  	[simem:s6], [sflag:s4] =	dma.local [hbm:s3], $0xF7A  }
0x26: {  	[smem:$0x3F9D] =	sst s1;
	(tag) =	ssettag s2;
	_ =	strace s9  }
0x27: {  	s1 =	sld [smem:$0x3FAD]  }
0x28: {  	s2 =	sld [smem:$0x3FAE]  }
0x29: {  	s4 =	sld [smem:$0x3FB0]  }
0x2a: {  	p0 =	seq.s32 s5, $0x0;
	s5 =	sld [smem:$0x3FB1]  }
0x2b: {  	s6 =	sld [smem:$0x3FB2]  }
0x2c: {  	s7 =	sld [smem:$0x3FB3]  }
0x2d: {  	s3 =	simm.s32 $0x108;
	s8 =	sld [smem:$0x3FB4]  }
0x2e: {  	s3 =	simm.s32 @!p0 $0x1082;
	s9 =	sld [smem:$0x3FB5]  }
0x2f: {  	lr =	sadd.s32 s0, s3;
	s0 =	sld [smem:$0x3FAC]  }
0x30: {  	s3 =	sld [smem:$0x3FAF]  }
0x31: {  	[smem:$0x3FB8] =	sst s10  }
0x32: {  	s10 =	sld [smem:$0x3FB6];
	_ =	sdelay $0x3  }
0x33: {  	p0 =	seq.s32 s10, $0x1;
	s10 =	sld [smem:$0x3FB8];
	_ =	sdelay $0x3  }
0x34: {  	[smem:$0x3FB8] =	sst s10  }
0x35: {  	s10 =	sld [smem:$0x3FB7];
	_ =	sdelay $0x3  }
0x36: {  	p1 =	seq.s32 s10, $0x1;
	s10 =	sld [smem:$0x3FB8];
	_ =	sdelay $0x3  }
0x37: {  	[smem:$0x3FB8] =	sst s10  }
0x38: {  	s10 =	sld [smem:$0x3FB9]  }
0x39: {  	_ = 	snop;
	(pc) =	sbr.ind lr, $3  }
0x3a: {  	_ = 	snop  }
0x3b: {  	_ = 	snop  }
0x3c: {  	p2 =	seq.s32 s10, $0x1;
	s10 =	sld [smem:$0x3FB8]  }
0x3d: {  	_ =	shalt  }
0x3e: {  	_ =	shalt  }
0x3f: {  	_ =	shalt  }
0x40: {  	_ =	shalt  }
0x41: {  	_ =	shalt  }
0x42: {  	_ =	shalt  }
0x43: {  	_ =	shalt  }
0x44: {  	_ =	shalt  }
0x45: {  	_ =	shalt  }
0x46: {  	_ =	shalt  }
0x47: {  	_ =	shalt  }
0x48: {  	_ =	shalt  }
0x49: {  	_ =	shalt  }
0x4a: {  	_ =	shalt  }
0x4b: {  	_ =	shalt  }
0x4c: {  	_ =	shalt  }
0x4d: {  	_ =	shalt  }
0x4e: {  	_ =	shalt  }
0x4f: {  	_ =	shalt  }
0x50: {  	_ =	shalt  }
0x51: {  	_ =	shalt  }
0x52: {  	_ =	shalt  }
0x53: {  	_ =	shalt  }
0x54: {  	_ =	shalt  }
0x55: {  	_ =	shalt  }
0x56: {  	_ =	shalt  }
0x57: {  	_ =	shalt  }
0x58: {  	_ =	shalt  }
0x59: {  	_ =	shalt  }
0x5a: {  	_ =	shalt  }
0x5b: {  	_ =	shalt  }
0x5c: {  	_ =	shalt  }
0x5d: {  	_ =	shalt  }
0x5e: {  	_ =	shalt  }
0x5f: {  	_ =	shalt  }
0x60: {  	_ =	shalt  }
0x61: {  	_ =	shalt  }
0x62: {  	_ =	shalt  }
0x63: {  	_ =	shalt  }
0x64: {  	_ =	shalt  }
0x65: {  	_ =	shalt  }
0x66: {  	_ =	shalt  }
0x67: {  	_ =	shalt  }
0x68: {  	_ =	shalt  }
0x69: {  	_ =	shalt  }
0x6a: {  	_ =	shalt  }
0x6b: {  	_ =	shalt  }
0x6c: {  	_ =	shalt  }
0x6d: {  	_ =	shalt  }
0x6e: {  	_ =	shalt  }
0x6f: {  	_ =	shalt  }
0x70: {  	_ =	shalt  }
0x71: {  	_ =	shalt  }
0x72: {  	_ =	shalt  }
0x73: {  	_ =	shalt  }
0x74: {  	_ =	shalt  }
0x75: {  	_ =	shalt  }
0x76: {  	_ =	shalt  }
0x77: {  	_ =	shalt  }
0x78: {  	_ =	shalt  }
0x79: {  	_ =	shalt  }
0x7a: {  	_ =	shalt  }
0x7b: {  	_ =	shalt  }
0x7c: {  	_ =	shalt  }
0x7d: {  	_ =	shalt  }
0x7e: {  	_ =	shalt  }
0x7f: {  	_ =	shalt  }
0x80: {  	_ =	shalt  }
0x81: {  	_ =	shalt  }
0x82: {  	_ =	shalt  }
0x83: {  	_ =	shalt  }
0x84: {  	_ =	shalt  }
0x85: {  	_ =	shalt  }
0x86: {  	_ =	shalt  }
0x87: {  	_ =	shalt  }
.Lfunc_end0:
.L_simem_size_0:
called_computation_lowered:
.L_overlay_start_0:
0x88: {  	s2 =	sld [smem:$0x3FD9]  }
0x89: {  	s3 =	sld [smem:$0x3FFE];
	_ =	sdelay $0x1  }
0x8a: {  	s1 =	srdreg.scid  }
0x8b: {  	s0 =	sand.u32 $0x1, s1  }
0x8c: {  	s16 =	sshll.u32 s0, $0xA;
	s2 =	sadd.s32 s3, s2  }
0x8d: {  	s2 =	sadd.s32 s2, s16  }
0x8e: {  	[smem:$0x3FC4] =	sst s2  }
0x8f: {  	_ = 	snop  }
0x90: {  	(tm) =	ssettm $0x1  }
0x91: {  	s17 =	sld [smem:$0x3FFB];
	_ =	sdelay $0x3  }
0x92: {  	_ =	strace s17  }
0x93: {  	s2 =	sld [smem:$0x3FFC];
	_ =	sdelay $0x3  }
0x94: {  	_ =	strace s2  }
0x95: {  	s2 =	sld [smem:$0x3FFD];
	_ =	sdelay $0x3  }
0x96: {  	_ =	strace s2  }
0x97: {  	_ =	strace $0x8FFFFFFF  }
0x98: {  	s18 =	sld [smem:$0x3FDB];
	_ =	sdelay $0x1  }
0x99: {  	s19 =	simm.s32 $_scs_section_size  }
0x9a: {  	s4 =	simm.s32 $_size__tile_overlayer_lowered;
	s5 =	simm.s32 $_tile_overlayer_lowered  }
0x9b: {  	s22 =	simm.s32 $0x1BFF;
	s21 =	sshll.u32 s5, $0x1;
	s2 =	sadd.s32 s19, s18  }
0x9c: {  	s6 =	simm.s32 $0x0;
	s20 =	sshll.u32 s4, $0x1;
	s4 =	sadd.s32 s21, s2  }
0x9d: {  	[timem:s6], [sflag:s22] =	dma.local [hbm:s4], s20  }
0x9e: {  	_ =	swait.ge [sflag:s22], s20  }
0x9f: {  	s3 =	ssub.s32 $0x0, s20;
	[sflag:s22] =	ssyncset.done $0x0  }
0xa0: {  	[sflag:s22] =	ssyncadd.s32 s3;
	_ =	sdelay $0x1  }
0xa1: {  	s23 =	simm.s32 $0x1B8B  }
0xa2: {  	_ =	swait.ge [sflag:s23], $0x1  }
0xa3: {  	[sflag:s23] =	ssyncset.done $0x0  }
0xa4: {  	s25 =	simm.s32 $0x1B8E;
	s24 =	sld [smem:$0x3FFE];
	[sflag:s23] =	ssyncadd.s32 $0xFFFFFFFF  }
0xa5: {  	s26 =	simm.s32 $execute0_lowered;
	[smem:$0x3FD2] =	sst s25  }
0xa6: {  	s4 =	sshll.u32 s26, $0x1;
	_ =	strace $0x80000046;
	[dreg:$0x1] =	wrdreg $0xFFFFFFFF  }
0xa7: {  	s28 =	simm.s32 $_size_execute0_lowered;
	s2 =	sadd.s32 s2, s4;
	[dreg:$0x0] =	wrdreg $0x0  }
0xa8: {  	s4 =	sshll.u32 s28, $0x1;
	[dreg:$0x2] =	wrdreg s2  }
0xa9: {  	[dreg:$0x3] =	wrdreg s4  }
0xaa: {  	[dreg:$0x4] =	wrdreg $0xC0  }
0xab: {  	_ =	task [dreg:s6], $0x5FFFF  }
0xac: {  	[dreg:$0x1] =	wrdreg $0xFFFFFFFF  }
0xad: {  	[dreg:$0x0] =	wrdreg $0x60  }
0xae: {  	[dreg:$0x2] =	wrdreg s24  }
0xaf: {  	[dreg:$0x3] =	wrdreg $0x84000  }
0xb0: {  	[dreg:$0x4] =	wrdreg $0x9  }
0xb1: {  	_ =	task.clear_ibuf [dreg:s6], $0x5FFFF;
	_ =	strace $0x90000046  }
0xb2: {  	s29 =	simm.s32 $0x9;
	_ =	strace $0x80000048  }
0xb3: {  	_ =	swait.ge [sflag:s29], $0x1  }
0xb4: {  	[sflag:s29] =	ssyncadd.s32 $0xFFFFFFFF  }
0xb5: {  	_ =	strace $0x90000048  }
0xb6: {  	_ =	sfence  }
0xb7: {  	s30 =	sld [smem:$0x0];
	_ =	sdelay $0x2  }
0xb8: {  	s31 =	sshll.u32 s1, $0xD;
	s1 =	sshrl.u32 s1, $0x2  }
0xb9: {  	s3 =	sand.u32 $0x4000, s31;
	s1 =	sadd.s32 s1, s30  }
0xba: {  	s0 =	sor.u32 s3, s0;
	s1 =	sshll.u32 s1, $0x11  }
0xbb: {  	s0 =	sor.u32 s1, s0  }
0xbc: {  	s0 =	sadd.s32 $0x8F2B, s0  }
0xbd: {  	[sflag:s0] =	ssyncadd.remote.s32 $0x1  }
0xbe: {  	_ =	sfence.sel $0xFFFF  }
0xbf: {  	[dreg:$0x0] =	wrdreg $0xFFFFFFFF;
	(pc) =	sbr.abs _section_cstart, $3  }
0xc0: {  	[dreg:$0x1] =	wrdreg $0xFFFFFFFF  }
0xc1: {  	_ =	task.clear_ibuf [dreg:s6], $0x2FFFF;
	_ =	strace $0x9FFFFFFF  }
0xc2: {  	(tm) =	ssettm $0x7FFFFFFF  }
0xc3: {  	_ =	shalt  }
tec
execute0_lowered:
.L_overlay_start_1:
0x0: {  	(tag) =	ssettag $0x1  }
0x1: {  	s0 =	rddreg [dreg:$0x0]  }
0x2: {  	s2 =	rddreg [dreg:$0x1];
	s3 =	simm.s32 $0x0;
	s12 =	stileid.u32  }
0x3: {  	s1 =	srdreg.scid;
	s16 =	simm.s32 $0x9;
	s28 =	simm.s32 $0x3  }
0x4: {  	s29 =	simm.s32 $0x7;
	s30 =	simm.s32 $0x300;
	s31 =	simm.s32 $0x280  }
0x5: {  	[smem:$0x7FF] =	sst s3;
	s5 =	smul.u32 $0x13C00, s12;
	s1 =	sand.u32 $0x1, s1  }
0x6: {  	s6 =	sadd.s32 $0x1800, s0;
	s4 =	sadd.s32 $0x15800, s0;
	s17 =	smul.u32 $0x4F000, s12  }
0x7: {  	s11 =	smul.u32 $0x2800, s12;
	s20 =	sshll.u32 s12, $0x6;
	_ =	strace $0x80000047  }
0x8: {  	s7 =	smul.u32 $0x13C000, s1;
	s9 =	sshll.u32 s1, $0x4;
	s18 =	ssub.s32 $0x2, s1  }
0x9: {  	s1 =	smul.u32 $0x28000, s1;
	s8 =	sshrl.u32 s5, $0x3;
	s9 =	sor.u32 s12, s9  }
0xa: {  	s10 =	sshrl.u32 s18, $0x1;
	s5 =	sadd.s32 s5, s7;
	s8 =	sadd.s32 s8, s0  }
0xb: {  	s9 =	smul.u32 $0xA00, s9;
	s7 =	sshrl.u32 s17, $0x2;
	s1 =	sadd.s32 s11, s1  }
0xc: {  	s17 =	simm.s32 $0x100;
	s5 =	sshrl.u32 s5, $0x3;
	s15 =	sadd.s32 s7, s2  }
0xd: {  	s19 =	sadd.s32 $0x3CA00, s8;
	s7 =	sor.u32 $0x1C09, s20;
	s22 =	sor.u32 $0x280, s1  }
0xe: {  	s24 =	sor.u32 $0x200, s1;
	s25 =	sor.u32 $0x180, s1;
	s1 =	sor.u32 $0x100, s1  }
0xf: {  	s20 =	simm.s32 $0x400;
	s0 =	sadd.s32 s5, s0;
	s5 =	ssub.s32 s18, s10  }
0x10: {  	[dreg:$0x3] =	wrdreg s19;
	s21 =	sadd.s32 s6, s9;
	s23 =	sshrl.u32 s22, $0x2  }
0x11: {  	s26 =	sshrl.u32 s1, $0x2;
	s15 =	sshrl.u32 s15, $0x3;
	s18 =	simm.s32 $0x1  }
0x12: {  	s19 =	simm.s32 $0x80;
	s22 =	simm.s32 $0x2;
	s1 =	simm.s32 $0x8  }
0x13: {  	[dreg:$0x4] =	wrdreg s21;
	s8 =	sadd.s32 $0x20, s21;
	s0 =	sadd.s32 $0x64200, s0  }
0x14: {  	s10 =	smax.u32 s5, $0x1;
	s11 =	sadd.s32 s23, s6;
	s5 =	sshrl.u32 s25, $0x2  }
.Ltmp0:
0x15: {  	s14 =	sadd.s32 s26, s6;
	s21 =	simm.s32 $0x5;
	(pc) =	sbr.rel .LBB2_1-.Ltmp0, $4  }
0x16: {  	s23 =	simm.s32 $0x4400;
	s25 =	simm.s32 $0x6;
	[dreg:$0x5] =	wrdreg s8  }
0x17: {  	s26 =	simm.s32 $0x180;
	[dreg:$0x6] =	wrdreg s0;
	s0 =	sshrl.u32 s24, $0x2  }
0x18: {  	s13 =	sadd.s32 s5, s6;
	s24 =	simm.s32 $0x200;
	s5 =	simm.s32 $0x380  }
0x19: {  	s8 =	simm.s32 $0x0;
	s12 =	sadd.s32 s0, s6;
	s0 =	simm.s32 $0x4  }
.LBB2_4:
0x1a: {  	_ =	swait.ge [sflag:s25], $0x4000  }
0x1b: {  	[sflag:s25] =	ssyncset.done $0x0  }
0x1c: {  	[sflag:s25] =	ssyncadd.s32 $0xFFFFC000  }
0x1d: {  	[spmem:s2] =	stream.indirect.scatter.add.f32 [tilespmem:s23], [sflag:$0x8], $0x80, s5, s19, $0xb8;
	[tilespmem:$0x1C000] =	vst v63  }
0x1e: {  	_ =	swait.ge [sflag:s29], $0x4000  }
0x1f: {  	[sflag:s29] =	ssyncset.done $0x0  }
0x20: {  	[sflag:s29] =	ssyncadd.s32 $0xFFFFC000  }
0x21: {  	_ =	swait.ge [sflag:s1], $0x4000  }
0x22: {  	[sflag:s1] =	ssyncset.done $0x0  }
0x23: {  	s8 =	sadd.s32 $0x1, s8;
	[sflag:s1] =	ssyncadd.s32 $0xFFFFC000  }
0x24: {  	p0 =	sne.s32 s8, s10;
	[bflag:$0x0] =	sbarrier.arrive $0xFFFF  }
.Ltmp1:
0x25: {  	s6 =	rddreg [dreg:$0x6];
	(pc) =	sbr.rel @!p0 .LBB2_5-.Ltmp1, $4  }
0x26: {  	[hbm:s6], [sflag:s7] =	dma.local [spmem:s15], $0x2780  }
0x27: {  	_ =	swait.ge [sflag:s16], $0x2780  }
0x28: {  	[sflag:s16] =	ssyncset.done $0x0  }
0x29: {  	[sflag:s16] =	ssyncadd.s32 $0xFFFFD880  }
.LBB2_1:
0x2a: {  	s6 =	rddreg [dreg:$0x3]  }
0x2b: {  	[spmem:s15], [sflag:s7] =	dma.local [hbm:s6], $0x2780  }
0x2c: {  	_ =	swait.ge [sflag:s16], $0x2780  }
0x2d: {  	[sflag:s16] =	ssyncset.done $0x0  }
0x2e: {  	[sflag:s16] =	ssyncadd.s32 $0xFFFFD880  }
0x2f: {  	[bflag:$0x0] =	sbarrier.arrive $0xFFFF  }
0x30: {  	s9 =	rddreg [dreg:$0x4]  }
0x31: {  	[tilespmem:s3], [sflag:$0x1] =	stream.linear.gather [hbm4b:s9+s3], $0x100, $0x38;
	[tilespmem:$0x1C000] =	vst v63  }
0x32: {  	s9 =	rddreg [dreg:$0x5]  }
0x33: {  	[tilespmem:s17], [sflag:$0x2] =	stream.linear.gather [hbm4b:s9+s3], $0x100, $0x38;
	[tilespmem:$0x1C000] =	vst v63  }
0x34: {  	_ =	swait.ge [sflag:s18], $0x100  }
0x35: {  	[sflag:s18] =	ssyncset.done $0x0  }
0x36: {  	s6 =	simm.s32 $0x0;
	[sflag:s18] =	ssyncadd.s32 $0xFFFFFF00  }
0x37: {  	[tilespmem:s20], [sflag:$0x5] =	stream.indirect.gather [hbm4b:s4+s19], $0x80, s3, s19, $0xb8;
	[tilespmem:$0x1C000] =	vst v63  }
.LBB2_2:
0x38: {  	_ =	swait.ge [sflag:s21], $0x4000  }
0x39: {  	[sflag:s21] =	ssyncset.done $0x0  }
0x3a: {  	[sflag:s21] =	ssyncadd.s32 $0xFFFFC000  }
0x3b: {  	[spmem:s2] =	stream.indirect.scatter.add.f32 [tilespmem:s20], [sflag:$0x7], $0x80, s19, s19, $0xb8;
	[tilespmem:$0x1C000] =	vst v63  }
0x3c: {  	_ =	swait.ge [sflag:s22], $0x100  }
0x3d: {  	p0 =	seq.s32 s6, $0x0;
	[sflag:s22] =	ssyncset.done $0x0  }
0x3e: {  	s9 =	simm.s32 @!p0 $0x8;
	[sflag:s22] =	ssyncadd.s32 $0xFFFFFF00  }
0x3f: {  	_ =	swait.ge @!p0 [sflag:s9], $0x4000  }
0x40: {  	[sflag:s9] =	ssyncset.done @!p0 $0x0  }
0x41: {  	[sflag:s9] =	ssyncadd.s32 @!p0 $0xFFFFC000  }
0x42: {  	[tilespmem:s23], [sflag:$0x6] =	stream.indirect.gather [hbm4b:s4+s19], $0x80, s17, s19, $0xb8;
	[tilespmem:$0x1C000] =	vst v63  }
0x43: {  	s9 =	sadd.s32 s6, s14  }
0x44: {  	[tilespmem:s24], [sflag:$0x3] =	stream.linear.gather [hbm4b:s9+s3], $0x100, $0x38;
	[tilespmem:$0x1C000] =	vst v63  }
0x45: {  	_ =	swait.ge [sflag:s25], $0x4000  }
0x46: {  	[sflag:s25] =	ssyncset.done $0x0  }
0x47: {  	[sflag:s25] =	ssyncadd.s32 $0xFFFFC000  }
0x48: {  	[spmem:s2] =	stream.indirect.scatter.add.f32 [tilespmem:s23], [sflag:$0x8], $0x80, s26, s19, $0xb8;
	[tilespmem:$0x1C000] =	vst v63  }
0x49: {  	_ =	swait.ge [sflag:s28], $0x100  }
0x4a: {  	[sflag:s28] =	ssyncset.done $0x0  }
0x4b: {  	[sflag:s28] =	ssyncadd.s32 $0xFFFFFF00  }
0x4c: {  	_ =	swait.ge [sflag:s29], $0x4000  }
0x4d: {  	[sflag:s29] =	ssyncset.done $0x0  }
0x4e: {  	[sflag:s29] =	ssyncadd.s32 $0xFFFFC000  }
0x4f: {  	[tilespmem:s20], [sflag:$0x5] =	stream.indirect.gather [hbm4b:s4+s19], $0x80, s24, s19, $0xb8;
	[tilespmem:$0x1C000] =	vst v63  }
0x50: {  	s9 =	sadd.s32 s6, s13  }
0x51: {  	[tilespmem:s30], [sflag:$0x4] =	stream.linear.gather [hbm4b:s9+s3], $0x100, $0x38;
	[tilespmem:$0x1C000] =	vst v63  }
0x52: {  	_ =	swait.ge [sflag:s21], $0x4000  }
0x53: {  	[sflag:s21] =	ssyncset.done $0x0  }
0x54: {  	[sflag:s21] =	ssyncadd.s32 $0xFFFFC000  }
0x55: {  	[spmem:s2] =	stream.indirect.scatter.add.f32 [tilespmem:s20], [sflag:$0x7], $0x80, s31, s19, $0xb8;
	[tilespmem:$0x1C000] =	vst v63  }
0x56: {  	_ =	swait.ge [sflag:s0], $0x100  }
0x57: {  	p0 =	seq.s32 s6, $0x980;
	[sflag:s0] =	ssyncset.done $0x0  }
.Ltmp2:
0x58: {  	[sflag:s0] =	ssyncadd.s32 $0xFFFFFF00;
	(pc) =	sbr.rel @p0 .LBB2_4-.Ltmp2, $4  }
0x59: {  	_ =	swait.ge [sflag:s1], $0x4000  }
0x5a: {  	[sflag:s1] =	ssyncset.done $0x0  }
0x5b: {  	[sflag:s1] =	ssyncadd.s32 $0xFFFFC000  }
0x5c: {  	[tilespmem:s23], [sflag:$0x6] =	stream.indirect.gather [hbm4b:s4+s19], $0x80, s30, s19, $0xb8;
	[tilespmem:$0x1C000] =	vst v63  }
0x5d: {  	s9 =	sadd.s32 s6, s12  }
0x5e: {  	[tilespmem:s3], [sflag:$0x1] =	stream.linear.gather [hbm4b:s9+s3], $0x100, $0x38;
	[tilespmem:$0x1C000] =	vst v63  }
0x5f: {  	_ =	swait.ge [sflag:s25], $0x4000  }
0x60: {  	[sflag:s25] =	ssyncset.done $0x0  }
0x61: {  	[sflag:s25] =	ssyncadd.s32 $0xFFFFC000  }
0x62: {  	[spmem:s2] =	stream.indirect.scatter.add.f32 [tilespmem:s23], [sflag:$0x8], $0x80, s5, s19, $0xb8;
	[tilespmem:$0x1C000] =	vst v63  }
0x63: {  	_ =	swait.ge [sflag:s18], $0x100  }
0x64: {  	[sflag:s18] =	ssyncset.done $0x0  }
0x65: {  	[sflag:s18] =	ssyncadd.s32 $0xFFFFFF00  }
0x66: {  	_ =	swait.ge [sflag:s29], $0x4000  }
.Ltmp3:
0x67: {  	[sflag:s29] =	ssyncset.done $0x0;
	(pc) =	sbr.rel .LBB2_2-.Ltmp3, $4  }
0x68: {  	[sflag:s29] =	ssyncadd.s32 $0xFFFFC000  }
0x69: {  	[tilespmem:s20], [sflag:$0x5] =	stream.indirect.gather [hbm4b:s4+s19], $0x80, s3, s19, $0xb8;
	[tilespmem:$0x1C000] =	vst v63  }
0x6a: {  	s9 =	sadd.s32 s6, s11;
	s6 =	sadd.s32 $0x80, s6  }
0x6b: {  	[tilespmem:s17], [sflag:$0x2] =	stream.linear.gather [hbm4b:s9+s3], $0x100, $0x38;
	[tilespmem:$0x1C000] =	vst v63  }
.LBB2_5:
0x6c: {  	_ =	sfence.sel $0x180000  }
0x6d: {  	[bflag:$0x0] =	sbarrier.arrive $0xFFFF  }
0x6e: {  	_ =	strace $0x90000047  }
0x6f: {  	s0 =	stileid.u32;
	[bflag:$0x2] =	sbarrier.arrive $0xFFFF  }
0x70: {  	p0 =	sne.s32 s0, $0x0;
	s0 =	rddreg [dreg:$0x2]  }
0x71: {  	s0 =	sadd.s32 @!p0 $0x100000, s0  }
0x72: {  	[sflag:s0] =	ssyncadd.tile.s32 @!p0 $0x1;
	_ =	shalt  }
.Lfunc_end2:
_tile_overlayer_lowered:
.L_overlay_start_2:
0x73: {  	(tag) =	ssettag $0x2  }
0x74: {  	s0 =	rddreg [dreg:$0x0];
	s2 =	stileid.u32  }
0x75: {  	s1 =	rddreg [dreg:$0x1];
	p0 =	sne.s32 s2, $0x0  }
0x76: {  	s3 =	rddreg [dreg:$0x2];
	[bflag:$0x3] =	sbarrier.arrive $0xFFFF;
	s2 =	simm.s32 @!p0 $0x1C09  }
0x77: {  	[timem:s3], [sflag:s2] =	dma.local @!p0 [hbm:s0], s1  }
0x78: {  	s0 =	simm.s32 @!p0 $0x9  }
0x79: {  	_ =	swait.ge @!p0 [sflag:s0], s1  }
0x7a: {  	s1 =	ssub.s32 @!p0 $0x0, s1;
	[sflag:s0] =	ssyncset.done @!p0 $0x0  }
0x7b: {  	[sflag:s0] =	ssyncadd.s32 @!p0 s1  }
0x7c: {  	[bflag:$0x3] =	sbarrier.arrive $0xFFFF  }
0x7d: {  	_ =	shalt  }

</sc_bundles>
